<compile_context>
chip_gen: v7x
topology: tpu7x:2x2x1
jax: 0.10.2.dev20260603
libtpu: 0.0.44.dev20260713+nightly
codegen_flags: <defaults>
</compile_context>

<pallas_src>
import functools
import jax
import jax.numpy as jnp
from jax import lax
from jax.experimental import pallas as pl
from jax.experimental.pallas import tpu as pltpu
from jax.experimental.pallas import tpu_sc as plsc

_BLK = 256
_NWIN = 122
_RING = 32
_SEG = 2048


def _build(B, V, D):
    info = plsc.get_sparse_core_info()
    NC, NS, L = info.num_cores, info.num_subcores, info.num_lanes
    NW = NC * NS
    stripe_v = _NWIN * _BLK
    tail0 = (V // 128) * 128
    cap = B + _RING

    mesh = plsc.VectorSubcoreMesh(core_axis_name="c", subcore_axis_name="s")

    @functools.partial(
        pl.kernel,
        mesh=mesh,
        out_type=jax.ShapeDtypeStruct((B * 128,), jnp.float32),
        scratch_types=[
            pltpu.VMEM((B,), jnp.int32),
            pltpu.VMEM((cap,), jnp.int32),
            pltpu.VMEM((cap,), jnp.int32),
            pltpu.VMEM((_SEG + L,), jnp.int32),
            pltpu.VMEM((_SEG + L,), jnp.int32),
            pltpu.VMEM((4, 64, _BLK), jnp.float32),
            pltpu.VMEM((V - tail0, 64), jnp.float32),
            pltpu.VMEM((_RING * 64,), jnp.float32),
            pltpu.SemaphoreType.DMA,
            pltpu.SemaphoreType.DMA,
            pltpu.SemaphoreType.DMA,
            pltpu.SemaphoreType.DMA,
            pltpu.SemaphoreType.DMA,
        ],
        compiler_params=pltpu.CompilerParams(needs_layout_passes=False),
    )
    def k(idx_hbm, wt_hbm, tail_hbm, out_hbm,
          idx_v, pv, pb, wv, wb, chunk, tailb, stag,
          lsem0, lsem1, lsem2, lsem3, wsem):
        wid = lax.axis_index("s") * NC + lax.axis_index("c")
        iota = lax.iota(jnp.int32, L)

        n_win = _NWIN + jnp.where(wid == NW - 1, 2, 0)
        stripe0 = wid * stripe_v
        sems = [lsem0, lsem1, lsem2, lsem3]

        def start(g, k):
            pltpu.async_copy(
                wt_hbm.at[:, pl.ds(stripe0 + g * _BLK, _BLK)],
                chunk.at[k],
                sems[k],
            )

        def wait_win(k):
            pltpu.make_async_copy(
                wt_hbm.at[:, pl.ds(0, _BLK)], chunk.at[0], sems[k],
            ).wait()

        for k in range(4):
            start(k, k)
        pltpu.sync_copy(idx_hbm, idx_v)
        pltpu.sync_copy(tail_hbm, tailb)

        def prescan(j, cnt):
            v = idx_v[pl.ds(pl.multiple_of(j * L, L), L)]
            q = jnp.minimum(((v >> 9) * 68760) >> 22, NW - 1)
            m = q == wid
            plsc.store_compressed(pv.at[pl.ds(cnt, L)], v, mask=m)
            plsc.store_compressed(pb.at[pl.ds(cnt, L)], j * L + iota, mask=m)
            return cnt + plsc.all_reduce_population_count(m)[0]

        n_w = lax.fori_loop(0, B // L, prescan, 0)

        def pair_loop(m_b, v0, fired, from_tail, buf):
            def one(i, fired):
                al = pl.multiple_of((i >> 4) * L, L)
                lane = jnp.full((L,), i & (L - 1), jnp.int32)
                v_spl = jnp.take(wv[pl.ds(al, L)], lane)
                b_s = jnp.take(wb[pl.ds(al, L)], lane)[0]
                slot = lax.rem(fired, _RING)

                @pl.when(fired >= _RING)
                def _():
                    pltpu.make_async_copy(
                        out_hbm.at[pl.ds(0, 64)],
                        stag.at[pl.ds(0, 64)],
                        wsem,
                    ).wait()

                for j in range(4):
                    if from_tail:
                        row = plsc.load_gather(
                            tailb, [v_spl - v0, iota + j * L])
                    else:
                        row = plsc.load_gather(
                            buf, [iota + j * L, v_spl - v0])
                    stag[pl.ds(pl.multiple_of(slot * 64 + j * L, L), L)] = row
                pltpu.async_copy(
                    stag.at[pl.ds(slot * 64, 64)],
                    out_hbm.at[pl.ds(b_s * 128, 64)],
                    wsem,
                )
                return fired + 1

            return lax.fori_loop(0, m_b, one, fired)

        def window_pairs(v0, width, fired, from_tail, buf):
            def seg(sg, fired):
                p0 = sg * _SEG
                n_in = jnp.minimum(n_w - p0, _SEG)

                def refilter(t, cnt2):
                    off = pl.multiple_of(p0 + t * L, L)
                    pos = off + iota
                    v = pv[pl.ds(off, L)]
                    b = pb[pl.ds(off, L)]
                    m = (v >= v0) & (v < v0 + width) & (pos < n_w)
                    plsc.store_compressed(wv.at[pl.ds(cnt2, L)], v, mask=m)
                    plsc.store_compressed(wb.at[pl.ds(cnt2, L)], b, mask=m)
                    return cnt2 + plsc.all_reduce_population_count(m)[0]

                m_b = lax.fori_loop(0, (n_in + L - 1) // L, refilter, 0)
                return pair_loop(m_b, v0, fired, from_tail, buf)

            return lax.fori_loop(0, (n_w + _SEG - 1) // _SEG, seg, fired)

        def quad(q, fired):
            g0 = q * 4
            for k in range(4):
                g = g0 + k

                def do(f, g=g, k=k):
                    wait_win(k)
                    f = window_pairs(stripe0 + g * _BLK, _BLK, f, False,
                                     chunk.at[k])

                    @pl.when(g + 4 < n_win)
                    def _():
                        start(g + 4, k)

                    return f

                fired = lax.cond(g < n_win, do, lambda f: f, fired)
            return fired

        fired = lax.fori_loop(0, (_NWIN + 2 + 3) // 4, quad, 0)

        fired = lax.cond(
            wid == NW - 1,
            lambda f: window_pairs(tail0, V - tail0, f, True, chunk.at[0]),
            lambda f: f,
            fired,
        )

        def drain(i, _):
            pltpu.make_async_copy(
                out_hbm.at[pl.ds(0, 64)],
                stag.at[pl.ds(0, 64)],
                wsem,
            ).wait()
            return _

        lax.fori_loop(0, jnp.minimum(fired, _RING), drain, None)

    return k


def kernel(global_state, embed_weight):
    B, = global_state.shape
    V, D = embed_weight.shape
    wt = embed_weight.T
    tail0 = (V // 128) * 128
    tail = embed_weight[tail0:, :]
    out1 = _build(B, V, D)(global_state.astype(jnp.int32), wt, tail)
    return out1.reshape(B, 128)[:, :D]

# --- scband reference (transcript-rebuilt; emitter-appended) ---
"""Pipeline reference for scband-global-encoder-59803124630041 (READ-ONLY COPY).

The authoritative reference and input builder live on the scoring server;
editing this copy changes nothing except your own understanding.
"""

import jax, jax.numpy as jnp
import numpy as np

NUM_EMB = 1000000
GLOBAL_DIM = 64
BATCH = 16384

def setup_inputs(seed: int = 0) -> dict:
    key = jax.random.key(seed)
    k_idx, k_tab = jax.random.split(key)
    global_state = jax.random.randint(k_idx, (BATCH,), 0, NUM_EMB, dtype=jnp.int64 if jax.config.jax_enable_x64 else jnp.int32)
    embed_weight = jax.random.normal(k_tab, (NUM_EMB, GLOBAL_DIM), dtype=jnp.float32) * 0.02
    return {"global_state": global_state, "embed_weight": embed_weight}

def reference(global_state, embed_weight):
    # nn.Embedding forward: table gather by integer indices
    return jnp.take(embed_weight, global_state, axis=0)

if __name__ == "__main__":
    import jax
    _d = setup_inputs()
    print(jax.jit(kernel)(*tuple(_d.values())))

</pallas_src>

<mosaic_0001>
#map = affine_map<(d0, d1) -> (0)>
#map1 = affine_map<(d0, d1) -> (0, 0)>
module attributes {stable_mosaic.version = 14 : i64} {
  func.func @k(%arg0: i32, %arg1: i32, %arg2: memref<16384xi32, #tpu.memory_space<hbm>>, %arg3: memref<64x1000000xf32, #tpu.memory_space<hbm>>, %arg4: memref<64x64xf32, #tpu.memory_space<hbm>>, %arg5: memref<2097152xf32, #tpu.memory_space<hbm>>, %arg6: memref<16384xi32, #tpu.memory_space<vmem>>, %arg7: memref<16416xi32, #tpu.memory_space<vmem>>, %arg8: memref<16416xi32, #tpu.memory_space<vmem>>, %arg9: memref<2064xi32, #tpu.memory_space<vmem>>, %arg10: memref<2064xi32, #tpu.memory_space<vmem>>, %arg11: memref<4x64x256xf32, #tpu.memory_space<vmem>>, %arg12: memref<64x64xf32, #tpu.memory_space<vmem>>, %arg13: memref<2048xf32, #tpu.memory_space<vmem>>, %arg14: memref<!tpu.dma_semaphore, #tpu.memory_space<semaphore_mem>>, %arg15: memref<!tpu.dma_semaphore, #tpu.memory_space<semaphore_mem>>, %arg16: memref<!tpu.dma_semaphore, #tpu.memory_space<semaphore_mem>>, %arg17: memref<!tpu.dma_semaphore, #tpu.memory_space<semaphore_mem>>, %arg18: memref<!tpu.dma_semaphore, #tpu.memory_space<semaphore_mem>>) attributes {dimension_semantics = [#tpu.dimension_semantics<core_parallel>, #tpu.dimension_semantics<subcore_parallel>], iteration_bounds = array<i64: 2, 16>, scalar_prefetch = 0 : i64, scratch_operands = 13 : i64, tpu.core_type = #tpu.core_type<sc_vector_subcore>, window_params = [{transform_indices = #map}, {transform_indices = #map1}, {transform_indices = #map1}, {transform_indices = #map}]} {
    %mul3A = arith.constant 2 : i32
    %mul3A_0 = arith.muli %arg1, %mul3A : i32
    %add3A = arith.addi %mul3A_0, %arg0 : i32
    %iota3A = tpu.iota {dimensions = array<i32: 0>} : vector<16xi32>
    %eq3A = arith.constant 31 : i32
    %eq3A_1 = arith.cmpi eq, %add3A, %eq3A : i32
    %jit3A = arith.constant 2 : i32
    %jit3A_2 = arith.constant 0 : i32
    %select_n3A = arith.select %eq3A_1, %jit3A, %jit3A_2 : i32
    %add3A_3 = arith.constant 122 : i32
    %add3A_4 = arith.addi %add3A_3, %select_n3A : i32
    %mul3A_5 = arith.constant 31232 : i32
    %mul3A_6 = arith.muli %add3A, %mul3A_5 : i32
    %add3A_7 = arith.constant 0 : i32
    %add3A_8 = arith.addi %mul3A_6, %add3A_7 : i32
    %dma_start3A = arith.constant 0 : i32
    %dma_start3A_9 = arith.constant 0 : i32
    %dma_start3A_10 = arith.constant 0 : i32
    %dma_start3A_11 = tpu.memref_slice %arg11[%dma_start3A, %dma_start3A_9, %dma_start3A_10] : memref<4x64x256xf32, #tpu.memory_space<vmem>> -> memref<1x64x256xf32, #tpu.memory_space<vmem>>
    %dma_start3A_12 = tpu.memref_squeeze %dma_start3A_11 : memref<1x64x256xf32, #tpu.memory_space<vmem>> -> memref<64x256xf32, #tpu.memory_space<vmem>>
    %dma_start3A_13 = arith.constant 0 : i32
    %dma_start3A_14 = tpu.memref_slice %arg3[%dma_start3A_13, %add3A_8] : memref<64x1000000xf32, #tpu.memory_space<hbm>> -> memref<64x256xf32, #tpu.memory_space<hbm>>
    %dma_start3A_15 = arith.constant 0 : i32
    %dma_start3A_16 = arith.constant 0 : i32
    %dma_start3A_17 = tpu.memref_slice %arg11[%dma_start3A, %dma_start3A_15, %dma_start3A_16] : memref<4x64x256xf32, #tpu.memory_space<vmem>> -> memref<1x64x256xf32, #tpu.memory_space<vmem>>
    %dma_start3A_18 = tpu.memref_squeeze %dma_start3A_17 : memref<1x64x256xf32, #tpu.memory_space<vmem>> -> memref<64x256xf32, #tpu.memory_space<vmem>>
    %dma_start3A_19 = arith.constant 0 : i32
    %dma_start3A_20 = tpu.memref_slice %arg3[%dma_start3A_19, %add3A_8] : memref<64x1000000xf32, #tpu.memory_space<hbm>> -> memref<64x256xf32, #tpu.memory_space<hbm>>
    tpu.enqueue_dma source(%dma_start3A_20 : memref<64x256xf32, #tpu.memory_space<hbm>>) target(%dma_start3A_18 : memref<64x256xf32, #tpu.memory_space<vmem>>) target_semaphore(%arg14 : memref<!tpu.dma_semaphore, #tpu.memory_space<semaphore_mem>>)
    %add3A_21 = arith.constant 256 : i32
    %add3A_22 = arith.addi %mul3A_6, %add3A_21 : i32
    %dma_start3A_23 = arith.constant 1 : i32
    %dma_start3A_24 = arith.constant 0 : i32
    %dma_start3A_25 = arith.constant 0 : i32
    %dma_start3A_26 = tpu.memref_slice %arg11[%dma_start3A_23, %dma_start3A_24, %dma_start3A_25] : memref<4x64x256xf32, #tpu.memory_space<vmem>> -> memref<1x64x256xf32, #tpu.memory_space<vmem>>
    %dma_start3A_27 = tpu.memref_squeeze %dma_start3A_26 : memref<1x64x256xf32, #tpu.memory_space<vmem>> -> memref<64x256xf32, #tpu.memory_space<vmem>>
    %dma_start3A_28 = arith.constant 0 : i32
    %dma_start3A_29 = tpu.memref_slice %arg3[%dma_start3A_28, %add3A_22] : memref<64x1000000xf32, #tpu.memory_space<hbm>> -> memref<64x256xf32, #tpu.memory_space<hbm>>
    %dma_start3A_30 = arith.constant 0 : i32
    %dma_start3A_31 = arith.constant 0 : i32
    %dma_start3A_32 = tpu.memref_slice %arg11[%dma_start3A_23, %dma_start3A_30, %dma_start3A_31] : memref<4x64x256xf32, #tpu.memory_space<vmem>> -> memref<1x64x256xf32, #tpu.memory_space<vmem>>
    %dma_start3A_33 = tpu.memref_squeeze %dma_start3A_32 : memref<1x64x256xf32, #tpu.memory_space<vmem>> -> memref<64x256xf32, #tpu.memory_space<vmem>>
    %dma_start3A_34 = arith.constant 0 : i32
    %dma_start3A_35 = tpu.memref_slice %arg3[%dma_start3A_34, %add3A_22] : memref<64x1000000xf32, #tpu.memory_space<hbm>> -> memref<64x256xf32, #tpu.memory_space<hbm>>
    tpu.enqueue_dma source(%dma_start3A_35 : memref<64x256xf32, #tpu.memory_space<hbm>>) target(%dma_start3A_33 : memref<64x256xf32, #tpu.memory_space<vmem>>) target_semaphore(%arg15 : memref<!tpu.dma_semaphore, #tpu.memory_space<semaphore_mem>>)
    %add3A_36 = arith.constant 512 : i32
    %add3A_37 = arith.addi %mul3A_6, %add3A_36 : i32
    %dma_start3A_38 = arith.constant 2 : i32
    %dma_start3A_39 = arith.constant 0 : i32
    %dma_start3A_40 = arith.constant 0 : i32
    %dma_start3A_41 = tpu.memref_slice %arg11[%dma_start3A_38, %dma_start3A_39, %dma_start3A_40] : memref<4x64x256xf32, #tpu.memory_space<vmem>> -> memref<1x64x256xf32, #tpu.memory_space<vmem>>
    %dma_start3A_42 = tpu.memref_squeeze %dma_start3A_41 : memref<1x64x256xf32, #tpu.memory_space<vmem>> -> memref<64x256xf32, #tpu.memory_space<vmem>>
    %dma_start3A_43 = arith.constant 0 : i32
    %dma_start3A_44 = tpu.memref_slice %arg3[%dma_start3A_43, %add3A_37] : memref<64x1000000xf32, #tpu.memory_space<hbm>> -> memref<64x256xf32, #tpu.memory_space<hbm>>
    %dma_start3A_45 = arith.constant 0 : i32
    %dma_start3A_46 = arith.constant 0 : i32
    %dma_start3A_47 = tpu.memref_slice %arg11[%dma_start3A_38, %dma_start3A_45, %dma_start3A_46] : memref<4x64x256xf32, #tpu.memory_space<vmem>> -> memref<1x64x256xf32, #tpu.memory_space<vmem>>
    %dma_start3A_48 = tpu.memref_squeeze %dma_start3A_47 : memref<1x64x256xf32, #tpu.memory_space<vmem>> -> memref<64x256xf32, #tpu.memory_space<vmem>>
    %dma_start3A_49 = arith.constant 0 : i32
    %dma_start3A_50 = tpu.memref_slice %arg3[%dma_start3A_49, %add3A_37] : memref<64x1000000xf32, #tpu.memory_space<hbm>> -> memref<64x256xf32, #tpu.memory_space<hbm>>
    tpu.enqueue_dma source(%dma_start3A_50 : memref<64x256xf32, #tpu.memory_space<hbm>>) target(%dma_start3A_48 : memref<64x256xf32, #tpu.memory_space<vmem>>) target_semaphore(%arg16 : memref<!tpu.dma_semaphore, #tpu.memory_space<semaphore_mem>>)
    %add3A_51 = arith.constant 768 : i32
    %add3A_52 = arith.addi %mul3A_6, %add3A_51 : i32
    %dma_start3A_53 = arith.constant 3 : i32
    %dma_start3A_54 = arith.constant 0 : i32
    %dma_start3A_55 = arith.constant 0 : i32
    %dma_start3A_56 = tpu.memref_slice %arg11[%dma_start3A_53, %dma_start3A_54, %dma_start3A_55] : memref<4x64x256xf32, #tpu.memory_space<vmem>> -> memref<1x64x256xf32, #tpu.memory_space<vmem>>
    %dma_start3A_57 = tpu.memref_squeeze %dma_start3A_56 : memref<1x64x256xf32, #tpu.memory_space<vmem>> -> memref<64x256xf32, #tpu.memory_space<vmem>>
    %dma_start3A_58 = arith.constant 0 : i32
    %dma_start3A_59 = tpu.memref_slice %arg3[%dma_start3A_58, %add3A_52] : memref<64x1000000xf32, #tpu.memory_space<hbm>> -> memref<64x256xf32, #tpu.memory_space<hbm>>
    %dma_start3A_60 = arith.constant 0 : i32
    %dma_start3A_61 = arith.constant 0 : i32
    %dma_start3A_62 = tpu.memref_slice %arg11[%dma_start3A_53, %dma_start3A_60, %dma_start3A_61] : memref<4x64x256xf32, #tpu.memory_space<vmem>> -> memref<1x64x256xf32, #tpu.memory_space<vmem>>
    %dma_start3A_63 = tpu.memref_squeeze %dma_start3A_62 : memref<1x64x256xf32, #tpu.memory_space<vmem>> -> memref<64x256xf32, #tpu.memory_space<vmem>>
    %dma_start3A_64 = arith.constant 0 : i32
    %dma_start3A_65 = tpu.memref_slice %arg3[%dma_start3A_64, %add3A_52] : memref<64x1000000xf32, #tpu.memory_space<hbm>> -> memref<64x256xf32, #tpu.memory_space<hbm>>
    tpu.enqueue_dma source(%dma_start3A_65 : memref<64x256xf32, #tpu.memory_space<hbm>>) target(%dma_start3A_63 : memref<64x256xf32, #tpu.memory_space<vmem>>) target_semaphore(%arg17 : memref<!tpu.dma_semaphore, #tpu.memory_space<semaphore_mem>>)
    "tpu.region"() ({
      %run_scoped3A = tpu.sem_alloc : memref<!tpu.dma_semaphore, #tpu.memory_space<semaphore_mem>>
      tpu.enqueue_dma source(%arg2 : memref<16384xi32, #tpu.memory_space<hbm>>) target(%arg6 : memref<16384xi32, #tpu.memory_space<vmem>>) target_semaphore(%run_scoped3A : memref<!tpu.dma_semaphore, #tpu.memory_space<semaphore_mem>>)
      tpu.wait_dma2 semaphore(%run_scoped3A : memref<!tpu.dma_semaphore, #tpu.memory_space<semaphore_mem>>) src(%arg2 : memref<16384xi32, #tpu.memory_space<hbm>>) dst(%arg6 : memref<16384xi32, #tpu.memory_space<vmem>>)
      tpu.yield
    }) : () -> ()
    "tpu.region"() ({
      %run_scoped3A = tpu.sem_alloc : memref<!tpu.dma_semaphore, #tpu.memory_space<semaphore_mem>>
      tpu.enqueue_dma source(%arg4 : memref<64x64xf32, #tpu.memory_space<hbm>>) target(%arg12 : memref<64x64xf32, #tpu.memory_space<vmem>>) target_semaphore(%run_scoped3A : memref<!tpu.dma_semaphore, #tpu.memory_space<semaphore_mem>>)
      tpu.wait_dma2 semaphore(%run_scoped3A : memref<!tpu.dma_semaphore, #tpu.memory_space<semaphore_mem>>) src(%arg4 : memref<64x64xf32, #tpu.memory_space<hbm>>) dst(%arg12 : memref<64x64xf32, #tpu.memory_space<vmem>>)
      tpu.yield
    }) : () -> ()
    %scan3A = arith.constant 0 : i32
    %scan3A_66 = arith.constant 0 : i32
    %scan3A_67 = arith.constant 1024 : i32
    %scan3A_68 = arith.addi %scan3A_66, %scan3A_67 : i32
    %scan3A_69 = arith.constant 1 : i32
    %scan3A_70 = scf.for %scan3A_92 = %scan3A_66 to %scan3A_68 step %scan3A_69 iter_args(%scan3A_93 = %scan3A) -> (i32)  : i32 {
      %mul3A_94 = arith.constant 16 : i32
      %mul3A_95 = arith.muli %scan3A_92, %mul3A_94 : i32
      %multiple_of3A = tpu.assume_multiple %mul3A_95, 16 : i32
      %get3A = arith.index_cast %multiple_of3A : i32 to index
      %get3A_96 = tpu.vector_load %arg6[%get3A] {strides = array<i32>} : memref<16384xi32, #tpu.memory_space<vmem>>, vector<16xi32>,
      %shift_right_arithmetic3A = arith.constant 9 : i32
      %shift_right_arithmetic3A_97 = vector.broadcast %shift_right_arithmetic3A : i32 to vector<16xi32>
      %shift_right_arithmetic3A_98 = arith.shrsi %get3A_96, %shift_right_arithmetic3A_97 : vector<16xi32>
      %mul3A_99 = arith.constant 68760 : i32
      %mul3A_100 = vector.broadcast %mul3A_99 : i32 to vector<16xi32>
      %mul3A_101 = arith.muli %shift_right_arithmetic3A_98, %mul3A_100 : vector<16xi32>
      %shift_right_arithmetic3A_102 = arith.constant 22 : i32
      %shift_right_arithmetic3A_103 = vector.broadcast %shift_right_arithmetic3A_102 : i32 to vector<16xi32>
      %shift_right_arithmetic3A_104 = arith.shrsi %mul3A_101, %shift_right_arithmetic3A_103 : vector<16xi32>
      %min3A_105 = arith.constant 31 : i32
      %min3A_106 = vector.broadcast %min3A_105 : i32 to vector<16xi32>
      %min3A_107 = arith.minsi %shift_right_arithmetic3A_104, %min3A_106 : vector<16xi32>
      %eq3A_108 = vector.broadcast %add3A : i32 to vector<16xi32>
      %eq3A_109 = arith.cmpi eq, %min3A_107, %eq3A_108 : vector<16xi32>
      %swap3A = arith.index_cast %scan3A_93 : i32 to index
      %swap3A_110 = tpu.vector_load %arg7[%swap3A] masked %eq3A_109 {strides = array<i32>} : memref<16416xi32, #tpu.memory_space<vmem>>, vector<16xi32>, vector<16xi1>
      tpu.vector_store %arg7[%swap3A], %get3A_96 masked %eq3A_109 {strides = array<i32>} : memref<16416xi32, #tpu.memory_space<vmem>>, vector<16xi32>, vector<16xi1>
      %mul3A_111 = arith.constant 16 : i32
      %mul3A_112 = arith.muli %scan3A_92, %mul3A_111 : i32
      %add3A_113 = vector.broadcast %mul3A_112 : i32 to vector<16xi32>
      %add3A_114 = arith.addi %add3A_113, %iota3A : vector<16xi32>
      %swap3A_115 = arith.index_cast %scan3A_93 : i32 to index
      %swap3A_116 = tpu.vector_load %arg8[%swap3A_115] masked %eq3A_109 {strides = array<i32>} : memref<16416xi32, #tpu.memory_space<vmem>>, vector<16xi32>, vector<16xi1>
      tpu.vector_store %arg8[%swap3A_115], %add3A_114 masked %eq3A_109 {strides = array<i32>} : memref<16416xi32, #tpu.memory_space<vmem>>, vector<16xi32>, vector<16xi1>
      %all_reduce_population_count3A = tpu.all_reduce %eq3A_109 {dim = 0 : i64, kind = #tpu.reduction_kind<sum>} : vector<16xi1> -> vector<16xi32>
      %slice3A = vector.extract_strided_slice %all_reduce_population_count3A {offsets = [0], sizes = [1], strides = [1]} : vector<16xi32> to vector<1xi32>
      %squeeze3A = vector.extract %slice3A[0] : i32 from vector<1xi32>
      %add3A_117 = arith.addi %scan3A_93, %squeeze3A : i32
      scf.yield %add3A_117 : i32
    }
    %scan3A_71 = arith.constant 1024 : i32
    %scan3A_72 = arith.constant 0 : i32
    %scan3A_73 = arith.constant 0 : i32
    %scan3A_74 = arith.constant 31 : i32
    %scan3A_75 = arith.addi %scan3A_73, %scan3A_74 : i32
    %scan3A_76 = arith.constant 1 : i32
    %scan3A_77 = scf.for %scan3A_92 = %scan3A_73 to %scan3A_75 step %scan3A_76 iter_args(%scan3A_93 = %scan3A_72) -> (i32)  : i32 {
      %mul3A_94 = arith.constant 4 : i32
      %mul3A_95 = arith.muli %scan3A_92, %mul3A_94 : i32
      %add3A_96 = arith.constant 0 : i32
      %add3A_97 = arith.addi %mul3A_95, %add3A_96 : i32
      %lt3A = arith.cmpi slt, %add3A_97, %add3A_4 : i32
      %convert_element_type3A_98 = arith.extui %lt3A : i1 to i32
      %cond3A_99 = arith.constant 0 : i32
      %cond3A_100 = arith.cmpi ne, %convert_element_type3A_98, %cond3A_99 : i32
      %cond3A_101 = scf.if %cond3A_100 -> (i32) {
        %dma_wait3A = arith.constant 0 : i32
        %dma_wait3A_123 = arith.constant 0 : i32
        %dma_wait3A_124 = arith.constant 0 : i32
        %dma_wait3A_125 = tpu.memref_slice %arg11[%dma_wait3A, %dma_wait3A_123, %dma_wait3A_124] : memref<4x64x256xf32, #tpu.memory_space<vmem>> -> memref<1x64x256xf32, #tpu.memory_space<vmem>>
        %dma_wait3A_126 = tpu.memref_squeeze %dma_wait3A_125 : memref<1x64x256xf32, #tpu.memory_space<vmem>> -> memref<64x256xf32, #tpu.memory_space<vmem>>
        %dma_wait3A_127 = arith.constant 0 : i32
        %dma_wait3A_128 = arith.constant 0 : i32
        %dma_wait3A_129 = tpu.memref_slice %arg3[%dma_wait3A_127, %dma_wait3A_128] : memref<64x1000000xf32, #tpu.memory_space<hbm>> -> memref<64x256xf32, #tpu.memory_space<hbm>>
        %dma_wait3A_130 = arith.constant 0 : i32
        %dma_wait3A_131 = arith.constant 0 : i32
        %dma_wait3A_132 = tpu.memref_slice %arg11[%dma_wait3A, %dma_wait3A_130, %dma_wait3A_131] : memref<4x64x256xf32, #tpu.memory_space<vmem>> -> memref<1x64x256xf32, #tpu.memory_space<vmem>>
        %dma_wait3A_133 = tpu.memref_squeeze %dma_wait3A_132 : memref<1x64x256xf32, #tpu.memory_space<vmem>> -> memref<64x256xf32, #tpu.memory_space<vmem>>
        %dma_wait3A_134 = arith.constant 0 : i32
        %dma_wait3A_135 = arith.constant 0 : i32
        %dma_wait3A_136 = tpu.memref_slice %arg3[%dma_wait3A_134, %dma_wait3A_135] : memref<64x1000000xf32, #tpu.memory_space<hbm>> -> memref<64x256xf32, #tpu.memory_space<hbm>>
        tpu.wait_dma2 semaphore(%arg14 : memref<!tpu.dma_semaphore, #tpu.memory_space<semaphore_mem>>) src(%dma_wait3A_136 : memref<64x256xf32, #tpu.memory_space<hbm>>) dst(%dma_wait3A_133 : memref<64x256xf32, #tpu.memory_space<vmem>>)
        %mul3A_137 = arith.constant 256 : i32
        %mul3A_138 = arith.muli %add3A_97, %mul3A_137 : i32
        %add3A_139 = arith.addi %mul3A_6, %mul3A_138 : i32
        %add3A_140 = arith.constant 2048 : i32
        %add3A_141 = arith.addi %scan3A_70, %add3A_140 : i32
        %sub3A = arith.constant 1 : i32
        %sub3A_142 = arith.subi %add3A_141, %sub3A : i32
        %jit3A_143 = arith.constant 2048 : i32
        %div3A = arith.divsi %sub3A_142, %jit3A_143 : i32
        %sign3A = arith.constant 0 : i32
        %sign3A_144 = arith.cmpi sgt, %sub3A_142, %sign3A : i32
        %sign3A_145 = arith.extui %sign3A_144 : i1 to i32
        %sign3A_146 = arith.constant 0 : i32
        %sign3A_147 = arith.cmpi slt, %sub3A_142, %sign3A_146 : i32
        %sign3A_148 = arith.extui %sign3A_147 : i1 to i32
        %sign3A_149 = arith.subi %sign3A_145, %sign3A_148 : i32
        %sign3A_150 = arith.constant 0 : i32
        %sign3A_151 = arith.cmpi sgt, %jit3A_143, %sign3A_150 : i32
        %sign3A_152 = arith.extui %sign3A_151 : i1 to i32
        %sign3A_153 = arith.constant 0 : i32
        %sign3A_154 = arith.cmpi slt, %jit3A_143, %sign3A_153 : i32
        %sign3A_155 = arith.extui %sign3A_154 : i1 to i32
        %sign3A_156 = arith.subi %sign3A_152, %sign3A_155 : i32
        %ne3A = arith.cmpi ne, %sign3A_149, %sign3A_156 : i32
        %rem3A = arith.remsi %sub3A_142, %jit3A_143 : i32
        %ne3A_157 = arith.constant 0 : i32
        %ne3A_158 = arith.cmpi ne, %rem3A, %ne3A_157 : i32
        %and3A = arith.andi %ne3A, %ne3A_158 : i1
        %sub3A_159 = arith.constant 1 : i32
        %sub3A_160 = arith.subi %div3A, %sub3A_159 : i32
        %select_n3A_161 = arith.select %and3A, %sub3A_160, %div3A : i32
        %while3A_162 = arith.constant 0 : i32
        %while3A_163 = arith.constant 0 : i32
        %while3A_164 = arith.subi %select_n3A_161, %while3A_163 : i32
        %while3A_165 = arith.addi %while3A_163, %while3A_164 : i32
        %while3A_166 = arith.constant 1 : i32
        %while3A_167 = arith.divsi %while3A_164, %while3A_166 : i32
        %while3A_168 = arith.muli %while3A_167, %while3A_166 : i32
        %while3A_169 = arith.addi %while3A_163, %while3A_168 : i32
        %while3A_170 = arith.constant 1 : i32
        %while3A_171 = scf.for %while3A_180 = %while3A_163 to %while3A_169 step %while3A_170 iter_args(%while3A_181 = %scan3A_93) -> (i32)  : i32 {
          %mul3A_182 = arith.constant 2048 : i32
          %mul3A_183 = arith.muli %while3A_180, %mul3A_182 : i32
          %sub3A_184 = arith.subi %scan3A_70, %mul3A_183 : i32
          %min3A_185 = arith.constant 2048 : i32
          %min3A_186 = arith.minsi %sub3A_184, %min3A_185 : i32
          %add3A_187 = arith.constant 16 : i32
          %add3A_188 = arith.addi %min3A_186, %add3A_187 : i32
          %sub3A_189 = arith.constant 1 : i32
          %sub3A_190 = arith.subi %add3A_188, %sub3A_189 : i32
          %jit3A_191 = arith.constant 16 : i32
          %div3A_192 = arith.divsi %sub3A_190, %jit3A_191 : i32
          %sign3A_193 = arith.constant 0 : i32
          %sign3A_194 = arith.cmpi sgt, %sub3A_190, %sign3A_193 : i32
          %sign3A_195 = arith.extui %sign3A_194 : i1 to i32
          %sign3A_196 = arith.constant 0 : i32
          %sign3A_197 = arith.cmpi slt, %sub3A_190, %sign3A_196 : i32
          %sign3A_198 = arith.extui %sign3A_197 : i1 to i32
          %sign3A_199 = arith.subi %sign3A_195, %sign3A_198 : i32
          %sign3A_200 = arith.constant 0 : i32
          %sign3A_201 = arith.cmpi sgt, %jit3A_191, %sign3A_200 : i32
          %sign3A_202 = arith.extui %sign3A_201 : i1 to i32
          %sign3A_203 = arith.constant 0 : i32
          %sign3A_204 = arith.cmpi slt, %jit3A_191, %sign3A_203 : i32
          %sign3A_205 = arith.extui %sign3A_204 : i1 to i32
          %sign3A_206 = arith.subi %sign3A_202, %sign3A_205 : i32
          %ne3A_207 = arith.cmpi ne, %sign3A_199, %sign3A_206 : i32
          %rem3A_208 = arith.remsi %sub3A_190, %jit3A_191 : i32
          %ne3A_209 = arith.constant 0 : i32
          %ne3A_210 = arith.cmpi ne, %rem3A_208, %ne3A_209 : i32
          %and3A_211 = arith.andi %ne3A_207, %ne3A_210 : i1
          %sub3A_212 = arith.constant 1 : i32
          %sub3A_213 = arith.subi %div3A_192, %sub3A_212 : i32
          %select_n3A_214 = arith.select %and3A_211, %sub3A_213, %div3A_192 : i32
          %while3A_215 = arith.constant 0 : i32
          %while3A_216 = arith.constant 0 : i32
          %while3A_217 = arith.subi %select_n3A_214, %while3A_215 : i32
          %while3A_218 = arith.addi %while3A_215, %while3A_217 : i32
          %while3A_219 = arith.constant 1 : i32
          %while3A_220 = arith.divsi %while3A_217, %while3A_219 : i32
          %while3A_221 = arith.muli %while3A_220, %while3A_219 : i32
          %while3A_222 = arith.addi %while3A_215, %while3A_221 : i32
          %while3A_223 = arith.constant 1 : i32
          %while3A_224 = scf.for %while3A_238 = %while3A_215 to %while3A_222 step %while3A_223 iter_args(%while3A_239 = %while3A_216) -> (i32)  : i32 {
            %mul3A_240 = arith.constant 16 : i32
            %mul3A_241 = arith.muli %while3A_238, %mul3A_240 : i32
            %add3A_242 = arith.addi %mul3A_183, %mul3A_241 : i32
            %multiple_of3A = tpu.assume_multiple %add3A_242, 16 : i32
            %add3A_243 = vector.broadcast %multiple_of3A : i32 to vector<16xi32>
            %add3A_244 = arith.addi %add3A_243, %iota3A : vector<16xi32>
            %get3A = arith.index_cast %multiple_of3A : i32 to index
            %get3A_245 = tpu.vector_load %arg7[%get3A] {strides = array<i32>} : memref<16416xi32, #tpu.memory_space<vmem>>, vector<16xi32>,
            %get3A_246 = arith.index_cast %multiple_of3A : i32 to index
            %get3A_247 = tpu.vector_load %arg8[%get3A_246] {strides = array<i32>} : memref<16416xi32, #tpu.memory_space<vmem>>, vector<16xi32>,
            %ge3A = vector.broadcast %add3A_139 : i32 to vector<16xi32>
            %ge3A_248 = arith.cmpi sge, %get3A_245, %ge3A : vector<16xi32>
            %add3A_249 = arith.constant 256 : i32
            %add3A_250 = arith.addi %add3A_139, %add3A_249 : i32
            %lt3A_251 = vector.broadcast %add3A_250 : i32 to vector<16xi32>
            %lt3A_252 = arith.cmpi slt, %get3A_245, %lt3A_251 : vector<16xi32>
            %and3A_253 = arith.andi %ge3A_248, %lt3A_252 : vector<16xi1>
            %lt3A_254 = vector.broadcast %scan3A_70 : i32 to vector<16xi32>
            %lt3A_255 = arith.cmpi slt, %add3A_244, %lt3A_254 : vector<16xi32>
            %and3A_256 = arith.andi %and3A_253, %lt3A_255 : vector<16xi1>
            %swap3A = arith.index_cast %while3A_239 : i32 to index
            %swap3A_257 = tpu.vector_load %arg9[%swap3A] masked %and3A_256 {strides = array<i32>} : memref<2064xi32, #tpu.memory_space<vmem>>, vector<16xi32>, vector<16xi1>
            tpu.vector_store %arg9[%swap3A], %get3A_245 masked %and3A_256 {strides = array<i32>} : memref<2064xi32, #tpu.memory_space<vmem>>, vector<16xi32>, vector<16xi1>
            %swap3A_258 = arith.index_cast %while3A_239 : i32 to index
            %swap3A_259 = tpu.vector_load %arg10[%swap3A_258] masked %and3A_256 {strides = array<i32>} : memref<2064xi32, #tpu.memory_space<vmem>>, vector<16xi32>, vector<16xi1>
            tpu.vector_store %arg10[%swap3A_258], %get3A_247 masked %and3A_256 {strides = array<i32>} : memref<2064xi32, #tpu.memory_space<vmem>>, vector<16xi32>, vector<16xi1>
            %all_reduce_population_count3A = tpu.all_reduce %and3A_256 {dim = 0 : i64, kind = #tpu.reduction_kind<sum>} : vector<16xi1> -> vector<16xi32>
            %slice3A = vector.extract_strided_slice %all_reduce_population_count3A {offsets = [0], sizes = [1], strides = [1]} : vector<16xi32> to vector<1xi32>
            %squeeze3A = vector.extract %slice3A[0] : i32 from vector<1xi32>
            %add3A_260 = arith.addi %while3A_239, %squeeze3A : i32
            scf.yield %add3A_260 : i32
          }
          %while3A_225 = arith.constant 1 : i32
          %while3A_226 = scf.for %while3A_238 = %while3A_222 to %while3A_218 step %while3A_225 iter_args(%while3A_239 = %while3A_224) -> (i32)  : i32 {
            %mul3A_240 = arith.constant 16 : i32
            %mul3A_241 = arith.muli %while3A_238, %mul3A_240 : i32
            %add3A_242 = arith.addi %mul3A_183, %mul3A_241 : i32
            %multiple_of3A = tpu.assume_multiple %add3A_242, 16 : i32
            %add3A_243 = vector.broadcast %multiple_of3A : i32 to vector<16xi32>
            %add3A_244 = arith.addi %add3A_243, %iota3A : vector<16xi32>
            %get3A = arith.index_cast %multiple_of3A : i32 to index
            %get3A_245 = tpu.vector_load %arg7[%get3A] {strides = array<i32>} : memref<16416xi32, #tpu.memory_space<vmem>>, vector<16xi32>,
            %get3A_246 = arith.index_cast %multiple_of3A : i32 to index
            %get3A_247 = tpu.vector_load %arg8[%get3A_246] {strides = array<i32>} : memref<16416xi32, #tpu.memory_space<vmem>>, vector<16xi32>,
            %ge3A = vector.broadcast %add3A_139 : i32 to vector<16xi32>
            %ge3A_248 = arith.cmpi sge, %get3A_245, %ge3A : vector<16xi32>
            %add3A_249 = arith.constant 256 : i32
            %add3A_250 = arith.addi %add3A_139, %add3A_249 : i32
            %lt3A_251 = vector.broadcast %add3A_250 : i32 to vector<16xi32>
            %lt3A_252 = arith.cmpi slt, %get3A_245, %lt3A_251 : vector<16xi32>
            %and3A_253 = arith.andi %ge3A_248, %lt3A_252 : vector<16xi1>
            %lt3A_254 = vector.broadcast %scan3A_70 : i32 to vector<16xi32>
            %lt3A_255 = arith.cmpi slt, %add3A_244, %lt3A_254 : vector<16xi32>
            %and3A_256 = arith.andi %and3A_253, %lt3A_255 : vector<16xi1>
            %swap3A = arith.index_cast %while3A_239 : i32 to index
            %swap3A_257 = tpu.vector_load %arg9[%swap3A] masked %and3A_256 {strides = array<i32>} : memref<2064xi32, #tpu.memory_space<vmem>>, vector<16xi32>, vector<16xi1>
            tpu.vector_store %arg9[%swap3A], %get3A_245 masked %and3A_256 {strides = array<i32>} : memref<2064xi32, #tpu.memory_space<vmem>>, vector<16xi32>, vector<16xi1>
            %swap3A_258 = arith.index_cast %while3A_239 : i32 to index
            %swap3A_259 = tpu.vector_load %arg10[%swap3A_258] masked %and3A_256 {strides = array<i32>} : memref<2064xi32, #tpu.memory_space<vmem>>, vector<16xi32>, vector<16xi1>
            tpu.vector_store %arg10[%swap3A_258], %get3A_247 masked %and3A_256 {strides = array<i32>} : memref<2064xi32, #tpu.memory_space<vmem>>, vector<16xi32>, vector<16xi1>
            %all_reduce_population_count3A = tpu.all_reduce %and3A_256 {dim = 0 : i64, kind = #tpu.reduction_kind<sum>} : vector<16xi1> -> vector<16xi32>
            %slice3A = vector.extract_strided_slice %all_reduce_population_count3A {offsets = [0], sizes = [1], strides = [1]} : vector<16xi32> to vector<1xi32>
            %squeeze3A = vector.extract %slice3A[0] : i32 from vector<1xi32>
            %add3A_260 = arith.addi %while3A_239, %squeeze3A : i32
            scf.yield %add3A_260 : i32
          }
          %while3A_227 = arith.constant 0 : i32
          %while3A_228 = arith.subi %while3A_226, %while3A_227 : i32
          %while3A_229 = arith.addi %while3A_227, %while3A_228 : i32
          %while3A_230 = arith.constant 1 : i32
          %while3A_231 = arith.divsi %while3A_228, %while3A_230 : i32
          %while3A_232 = arith.muli %while3A_231, %while3A_230 : i32
          %while3A_233 = arith.addi %while3A_227, %while3A_232 : i32
          %while3A_234 = arith.constant 1 : i32
          %while3A_235 = scf.for %while3A_238 = %while3A_227 to %while3A_233 step %while3A_234 iter_args(%while3A_239 = %while3A_181) -> (i32)  : i32 {
            %shift_right_arithmetic3A = arith.constant 4 : i32
            %shift_right_arithmetic3A_240 = arith.shrsi %while3A_238, %shift_right_arithmetic3A : i32
            %mul3A_241 = arith.constant 16 : i32
            %mul3A_242 = arith.muli %shift_right_arithmetic3A_240, %mul3A_241 : i32
            %multiple_of3A = tpu.assume_multiple %mul3A_242, 16 : i32
            %and3A_243 = arith.constant 15 : i32
            %and3A_244 = arith.andi %while3A_238, %and3A_243 : i32
            %broadcast_in_dim3A = vector.broadcast %and3A_244 : i32 to vector<16xi32>
            %get3A = arith.index_cast %multiple_of3A : i32 to index
            %get3A_245 = tpu.vector_load %arg9[%get3A] {strides = array<i32>} : memref<2064xi32, #tpu.memory_space<vmem>>, vector<16xi32>,
            %lt3A_246 = arith.constant 0 : i32
            %lt3A_247 = vector.broadcast %lt3A_246 : i32 to vector<16xi32>
            %lt3A_248 = arith.cmpi slt, %broadcast_in_dim3A, %lt3A_247 : vector<16xi32>
            %add3A_249 = arith.constant 16 : i32
            %add3A_250 = vector.broadcast %add3A_249 : i32 to vector<16xi32>
            %add3A_251 = arith.addi %broadcast_in_dim3A, %add3A_250 : vector<16xi32>
            %select_n3A_252 = arith.select %lt3A_248, %add3A_251, %broadcast_in_dim3A : vector<16xi1>, vector<16xi32>
            %broadcast_in_dim3A_253 = vector.shape_cast %select_n3A_252 : vector<16xi32> to vector<16x1xi32>
            %gather3A = vector.shape_cast %broadcast_in_dim3A_253 : vector<16x1xi32> to vector<16xi32>
            %gather3A_254 = tpu.dynamic_gather %get3A_245[%gather3A] in [0] : vector<16xi32>, vector<16xi32> -> vector<16xi32>
            %get3A_255 = arith.index_cast %multiple_of3A : i32 to index
            %get3A_256 = tpu.vector_load %arg10[%get3A_255] {strides = array<i32>} : memref<2064xi32, #tpu.memory_space<vmem>>, vector<16xi32>,
            %lt3A_257 = arith.constant 0 : i32
            %lt3A_258 = vector.broadcast %lt3A_257 : i32 to vector<16xi32>
            %lt3A_259 = arith.cmpi slt, %broadcast_in_dim3A, %lt3A_258 : vector<16xi32>
            %add3A_260 = arith.constant 16 : i32
            %add3A_261 = vector.broadcast %add3A_260 : i32 to vector<16xi32>
            %add3A_262 = arith.addi %broadcast_in_dim3A, %add3A_261 : vector<16xi32>
            %select_n3A_263 = arith.select %lt3A_259, %add3A_262, %broadcast_in_dim3A : vector<16xi1>, vector<16xi32>
            %broadcast_in_dim3A_264 = vector.shape_cast %select_n3A_263 : vector<16xi32> to vector<16x1xi32>
            %gather3A_265 = vector.shape_cast %broadcast_in_dim3A_264 : vector<16x1xi32> to vector<16xi32>
            %gather3A_266 = tpu.dynamic_gather %get3A_256[%gather3A_265] in [0] : vector<16xi32>, vector<16xi32> -> vector<16xi32>
            %slice3A = vector.extract_strided_slice %gather3A_266 {offsets = [0], sizes = [1], strides = [1]} : vector<16xi32> to vector<1xi32>
            %squeeze3A = vector.extract %slice3A[0] : i32 from vector<1xi32>
            %rem3A_267 = arith.constant 32 : i32
            %rem3A_268 = arith.remsi %while3A_239, %rem3A_267 : i32
            %ge3A = arith.constant 32 : i32
            %ge3A_269 = arith.cmpi sge, %while3A_239, %ge3A : i32
            %convert_element_type3A_270 = arith.extui %ge3A_269 : i1 to i32
            %cond3A_271 = arith.constant 0 : i32
            %cond3A_272 = arith.cmpi ne, %convert_element_type3A_270, %cond3A_271 : i32
            scf.if %cond3A_272 {
              %dma_wait3A_350 = arith.constant 0 : i32
              %dma_wait3A_351 = tpu.memref_slice %arg13[%dma_wait3A_350] : memref<2048xf32, #tpu.memory_space<vmem>> -> memref<64xf32, #tpu.memory_space<vmem>>
              %dma_wait3A_352 = arith.constant 0 : i32
              %dma_wait3A_353 = tpu.memref_slice %arg5[%dma_wait3A_352] : memref<2097152xf32, #tpu.memory_space<hbm>> -> memref<64xf32, #tpu.memory_space<hbm>>
              %dma_wait3A_354 = arith.constant 0 : i32
              %dma_wait3A_355 = tpu.memref_slice %arg13[%dma_wait3A_354] : memref<2048xf32, #tpu.memory_space<vmem>> -> memref<64xf32, #tpu.memory_space<vmem>>
              %dma_wait3A_356 = arith.constant 0 : i32
              %dma_wait3A_357 = tpu.memref_slice %arg5[%dma_wait3A_356] : memref<2097152xf32, #tpu.memory_space<hbm>> -> memref<64xf32, #tpu.memory_space<hbm>>
              tpu.wait_dma2 semaphore(%arg18 : memref<!tpu.dma_semaphore, #tpu.memory_space<semaphore_mem>>) src(%dma_wait3A_357 : memref<64xf32, #tpu.memory_space<hbm>>) dst(%dma_wait3A_355 : memref<64xf32, #tpu.memory_space<vmem>>)
            } else {
            }
            %add3A_273 = arith.constant 0 : i32
            %add3A_274 = vector.broadcast %add3A_273 : i32 to vector<16xi32>
            %add3A_275 = arith.addi %iota3A, %add3A_274 : vector<16xi32>
            %sub3A_276 = vector.broadcast %add3A_139 : i32 to vector<16xi32>
            %sub3A_277 = arith.subi %gather3A_254, %sub3A_276 : vector<16xi32>
            %gather3A_278 = arith.constant 0 : i32
            %gather3A_279 = arith.constant 0 : i32
            %gather3A_280 = tpu.memref_slice %arg11[%while3A_162, %gather3A_278, %gather3A_279] : memref<4x64x256xf32, #tpu.memory_space<vmem>> -> memref<1x64x256xf32, #tpu.memory_space<vmem>>
            %gather3A_281 = tpu.memref_squeeze %gather3A_280 : memref<1x64x256xf32, #tpu.memory_space<vmem>> -> memref<64x256xf32, #tpu.memory_space<vmem>>
            %gather3A_282 = tpu.vector_load_idx %gather3A_281[%add3A_275, %sub3A_277] : memref<64x256xf32, #tpu.memory_space<vmem>>[vector<16xi32>, vector<16xi32>], vector<16xf32>,
            %mul3A_283 = arith.constant 64 : i32
            %mul3A_284 = arith.muli %rem3A_268, %mul3A_283 : i32
            %add3A_285 = arith.constant 0 : i32
            %add3A_286 = arith.addi %mul3A_284, %add3A_285 : i32
            %multiple_of3A_287 = tpu.assume_multiple %add3A_286, 16 : i32
            %swap3A = arith.index_cast %multiple_of3A_287 : i32 to index
            %swap3A_288 = tpu.vector_load %arg13[%swap3A] {strides = array<i32>} : memref<2048xf32, #tpu.memory_space<vmem>>, vector<16xf32>,
            tpu.vector_store %arg13[%swap3A], %gather3A_282 {strides = array<i32>} : memref<2048xf32, #tpu.memory_space<vmem>>, vector<16xf32>,
            %add3A_289 = arith.constant 16 : i32
            %add3A_290 = vector.broadcast %add3A_289 : i32 to vector<16xi32>
            %add3A_291 = arith.addi %iota3A, %add3A_290 : vector<16xi32>
            %sub3A_292 = vector.broadcast %add3A_139 : i32 to vector<16xi32>
            %sub3A_293 = arith.subi %gather3A_254, %sub3A_292 : vector<16xi32>
            %gather3A_294 = arith.constant 0 : i32
            %gather3A_295 = arith.constant 0 : i32
            %gather3A_296 = tpu.memref_slice %arg11[%while3A_162, %gather3A_294, %gather3A_295] : memref<4x64x256xf32, #tpu.memory_space<vmem>> -> memref<1x64x256xf32, #tpu.memory_space<vmem>>
            %gather3A_297 = tpu.memref_squeeze %gather3A_296 : memref<1x64x256xf32, #tpu.memory_space<vmem>> -> memref<64x256xf32, #tpu.memory_space<vmem>>
            %gather3A_298 = tpu.vector_load_idx %gather3A_297[%add3A_291, %sub3A_293] : memref<64x256xf32, #tpu.memory_space<vmem>>[vector<16xi32>, vector<16xi32>], vector<16xf32>,
            %mul3A_299 = arith.constant 64 : i32
            %mul3A_300 = arith.muli %rem3A_268, %mul3A_299 : i32
            %add3A_301 = arith.constant 16 : i32
            %add3A_302 = arith.addi %mul3A_300, %add3A_301 : i32
            %multiple_of3A_303 = tpu.assume_multiple %add3A_302, 16 : i32
            %swap3A_304 = arith.index_cast %multiple_of3A_303 : i32 to index
            %swap3A_305 = tpu.vector_load %arg13[%swap3A_304] {strides = array<i32>} : memref<2048xf32, #tpu.memory_space<vmem>>, vector<16xf32>,
            tpu.vector_store %arg13[%swap3A_304], %gather3A_298 {strides = array<i32>} : memref<2048xf32, #tpu.memory_space<vmem>>, vector<16xf32>,
            %add3A_306 = arith.constant 32 : i32
            %add3A_307 = vector.broadcast %add3A_306 : i32 to vector<16xi32>
            %add3A_308 = arith.addi %iota3A, %add3A_307 : vector<16xi32>
            %sub3A_309 = vector.broadcast %add3A_139 : i32 to vector<16xi32>
            %sub3A_310 = arith.subi %gather3A_254, %sub3A_309 : vector<16xi32>
            %gather3A_311 = arith.constant 0 : i32
            %gather3A_312 = arith.constant 0 : i32
            %gather3A_313 = tpu.memref_slice %arg11[%while3A_162, %gather3A_311, %gather3A_312] : memref<4x64x256xf32, #tpu.memory_space<vmem>> -> memref<1x64x256xf32, #tpu.memory_space<vmem>>
            %gather3A_314 = tpu.memref_squeeze %gather3A_313 : memref<1x64x256xf32, #tpu.memory_space<vmem>> -> memref<64x256xf32, #tpu.memory_space<vmem>>
            %gather3A_315 = tpu.vector_load_idx %gather3A_314[%add3A_308, %sub3A_310] : memref<64x256xf32, #tpu.memory_space<vmem>>[vector<16xi32>, vector<16xi32>], vector<16xf32>,
            %mul3A_316 = arith.constant 64 : i32
            %mul3A_317 = arith.muli %rem3A_268, %mul3A_316 : i32
            %add3A_318 = arith.constant 32 : i32
            %add3A_319 = arith.addi %mul3A_317, %add3A_318 : i32
            %multiple_of3A_320 = tpu.assume_multiple %add3A_319, 16 : i32
            %swap3A_321 = arith.index_cast %multiple_of3A_320 : i32 to index
            %swap3A_322 = tpu.vector_load %arg13[%swap3A_321] {strides = array<i32>} : memref<2048xf32, #tpu.memory_space<vmem>>, vector<16xf32>,
            tpu.vector_store %arg13[%swap3A_321], %gather3A_315 {strides = array<i32>} : memref<2048xf32, #tpu.memory_space<vmem>>, vector<16xf32>,
            %add3A_323 = arith.constant 48 : i32
            %add3A_324 = vector.broadcast %add3A_323 : i32 to vector<16xi32>
            %add3A_325 = arith.addi %iota3A, %add3A_324 : vector<16xi32>
            %sub3A_326 = vector.broadcast %add3A_139 : i32 to vector<16xi32>
            %sub3A_327 = arith.subi %gather3A_254, %sub3A_326 : vector<16xi32>
            %gather3A_328 = arith.constant 0 : i32
            %gather3A_329 = arith.constant 0 : i32
            %gather3A_330 = tpu.memref_slice %arg11[%while3A_162, %gather3A_328, %gather3A_329] : memref<4x64x256xf32, #tpu.memory_space<vmem>> -> memref<1x64x256xf32, #tpu.memory_space<vmem>>
            %gather3A_331 = tpu.memref_squeeze %gather3A_330 : memref<1x64x256xf32, #tpu.memory_space<vmem>> -> memref<64x256xf32, #tpu.memory_space<vmem>>
            %gather3A_332 = tpu.vector_load_idx %gather3A_331[%add3A_325, %sub3A_327] : memref<64x256xf32, #tpu.memory_space<vmem>>[vector<16xi32>, vector<16xi32>], vector<16xf32>,
            %mul3A_333 = arith.constant 64 : i32
            %mul3A_334 = arith.muli %rem3A_268, %mul3A_333 : i32
            %add3A_335 = arith.constant 48 : i32
            %add3A_336 = arith.addi %mul3A_334, %add3A_335 : i32
            %multiple_of3A_337 = tpu.assume_multiple %add3A_336, 16 : i32
            %swap3A_338 = arith.index_cast %multiple_of3A_337 : i32 to index
            %swap3A_339 = tpu.vector_load %arg13[%swap3A_338] {strides = array<i32>} : memref<2048xf32, #tpu.memory_space<vmem>>, vector<16xf32>,
            tpu.vector_store %arg13[%swap3A_338], %gather3A_332 {strides = array<i32>} : memref<2048xf32, #tpu.memory_space<vmem>>, vector<16xf32>,
            %mul3A_340 = arith.constant 64 : i32
            %mul3A_341 = arith.muli %rem3A_268, %mul3A_340 : i32
            %mul3A_342 = arith.constant 128 : i32
            %mul3A_343 = arith.muli %squeeze3A, %mul3A_342 : i32
            %dma_start3A_344 = tpu.memref_slice %arg13[%mul3A_341] : memref<2048xf32, #tpu.memory_space<vmem>> -> memref<64xf32, #tpu.memory_space<vmem>>
            %dma_start3A_345 = tpu.memref_slice %arg5[%mul3A_343] : memref<2097152xf32, #tpu.memory_space<hbm>> -> memref<64xf32, #tpu.memory_space<hbm>>
            %dma_start3A_346 = tpu.memref_slice %arg5[%mul3A_343] : memref<2097152xf32, #tpu.memory_space<hbm>> -> memref<64xf32, #tpu.memory_space<hbm>>
            %dma_start3A_347 = tpu.memref_slice %arg13[%mul3A_341] : memref<2048xf32, #tpu.memory_space<vmem>> -> memref<64xf32, #tpu.memory_space<vmem>>
            tpu.enqueue_dma source(%dma_start3A_347 : memref<64xf32, #tpu.memory_space<vmem>>) target(%dma_start3A_346 : memref<64xf32, #tpu.memory_space<hbm>>) target_semaphore(%arg18 : memref<!tpu.dma_semaphore, #tpu.memory_space<semaphore_mem>>)
            %add3A_348 = arith.constant 1 : i32
            %add3A_349 = arith.addi %while3A_239, %add3A_348 : i32
            scf.yield %add3A_349 : i32
          }
          %while3A_236 = arith.constant 1 : i32
          %while3A_237 = scf.for %while3A_238 = %while3A_233 to %while3A_229 step %while3A_236 iter_args(%while3A_239 = %while3A_235) -> (i32)  : i32 {
            %shift_right_arithmetic3A = arith.constant 4 : i32
            %shift_right_arithmetic3A_240 = arith.shrsi %while3A_238, %shift_right_arithmetic3A : i32
            %mul3A_241 = arith.constant 16 : i32
            %mul3A_242 = arith.muli %shift_right_arithmetic3A_240, %mul3A_241 : i32
            %multiple_of3A = tpu.assume_multiple %mul3A_242, 16 : i32
            %and3A_243 = arith.constant 15 : i32
            %and3A_244 = arith.andi %while3A_238, %and3A_243 : i32
            %broadcast_in_dim3A = vector.broadcast %and3A_244 : i32 to vector<16xi32>
            %get3A = arith.index_cast %multiple_of3A : i32 to index
            %get3A_245 = tpu.vector_load %arg9[%get3A] {strides = array<i32>} : memref<2064xi32, #tpu.memory_space<vmem>>, vector<16xi32>,
            %lt3A_246 = arith.constant 0 : i32
            %lt3A_247 = vector.broadcast %lt3A_246 : i32 to vector<16xi32>
            %lt3A_248 = arith.cmpi slt, %broadcast_in_dim3A, %lt3A_247 : vector<16xi32>
            %add3A_249 = arith.constant 16 : i32
            %add3A_250 = vector.broadcast %add3A_249 : i32 to vector<16xi32>
            %add3A_251 = arith.addi %broadcast_in_dim3A, %add3A_250 : vector<16xi32>
            %select_n3A_252 = arith.select %lt3A_248, %add3A_251, %broadcast_in_dim3A : vector<16xi1>, vector<16xi32>
            %broadcast_in_dim3A_253 = vector.shape_cast %select_n3A_252 : vector<16xi32> to vector<16x1xi32>
            %gather3A = vector.shape_cast %broadcast_in_dim3A_253 : vector<16x1xi32> to vector<16xi32>
            %gather3A_254 = tpu.dynamic_gather %get3A_245[%gather3A] in [0] : vector<16xi32>, vector<16xi32> -> vector<16xi32>
            %get3A_255 = arith.index_cast %multiple_of3A : i32 to index
            %get3A_256 = tpu.vector_load %arg10[%get3A_255] {strides = array<i32>} : memref<2064xi32, #tpu.memory_space<vmem>>, vector<16xi32>,
            %lt3A_257 = arith.constant 0 : i32
            %lt3A_258 = vector.broadcast %lt3A_257 : i32 to vector<16xi32>
            %lt3A_259 = arith.cmpi slt, %broadcast_in_dim3A, %lt3A_258 : vector<16xi32>
            %add3A_260 = arith.constant 16 : i32
            %add3A_261 = vector.broadcast %add3A_260 : i32 to vector<16xi32>
            %add3A_262 = arith.addi %broadcast_in_dim3A, %add3A_261 : vector<16xi32>
            %select_n3A_263 = arith.select %lt3A_259, %add3A_262, %broadcast_in_dim3A : vector<16xi1>, vector<16xi32>
            %broadcast_in_dim3A_264 = vector.shape_cast %select_n3A_263 : vector<16xi32> to vector<16x1xi32>
            %gather3A_265 = vector.shape_cast %broadcast_in_dim3A_264 : vector<16x1xi32> to vector<16xi32>
            %gather3A_266 = tpu.dynamic_gather %get3A_256[%gather3A_265] in [0] : vector<16xi32>, vector<16xi32> -> vector<16xi32>
            %slice3A = vector.extract_strided_slice %gather3A_266 {offsets = [0], sizes = [1], strides = [1]} : vector<16xi32> to vector<1xi32>
            %squeeze3A = vector.extract %slice3A[0] : i32 from vector<1xi32>
            %rem3A_267 = arith.constant 32 : i32
            %rem3A_268 = arith.remsi %while3A_239, %rem3A_267 : i32
            %ge3A = arith.constant 32 : i32
            %ge3A_269 = arith.cmpi sge, %while3A_239, %ge3A : i32
            %convert_element_type3A_270 = arith.extui %ge3A_269 : i1 to i32
            %cond3A_271 = arith.constant 0 : i32
            %cond3A_272 = arith.cmpi ne, %convert_element_type3A_270, %cond3A_271 : i32
            scf.if %cond3A_272 {
              %dma_wait3A_350 = arith.constant 0 : i32
              %dma_wait3A_351 = tpu.memref_slice %arg13[%dma_wait3A_350] : memref<2048xf32, #tpu.memory_space<vmem>> -> memref<64xf32, #tpu.memory_space<vmem>>
              %dma_wait3A_352 = arith.constant 0 : i32
              %dma_wait3A_353 = tpu.memref_slice %arg5[%dma_wait3A_352] : memref<2097152xf32, #tpu.memory_space<hbm>> -> memref<64xf32, #tpu.memory_space<hbm>>
              %dma_wait3A_354 = arith.constant 0 : i32
              %dma_wait3A_355 = tpu.memref_slice %arg13[%dma_wait3A_354] : memref<2048xf32, #tpu.memory_space<vmem>> -> memref<64xf32, #tpu.memory_space<vmem>>
              %dma_wait3A_356 = arith.constant 0 : i32
              %dma_wait3A_357 = tpu.memref_slice %arg5[%dma_wait3A_356] : memref<2097152xf32, #tpu.memory_space<hbm>> -> memref<64xf32, #tpu.memory_space<hbm>>
              tpu.wait_dma2 semaphore(%arg18 : memref<!tpu.dma_semaphore, #tpu.memory_space<semaphore_mem>>) src(%dma_wait3A_357 : memref<64xf32, #tpu.memory_space<hbm>>) dst(%dma_wait3A_355 : memref<64xf32, #tpu.memory_space<vmem>>)
            } else {
            }
            %add3A_273 = arith.constant 0 : i32
            %add3A_274 = vector.broadcast %add3A_273 : i32 to vector<16xi32>
            %add3A_275 = arith.addi %iota3A, %add3A_274 : vector<16xi32>
            %sub3A_276 = vector.broadcast %add3A_139 : i32 to vector<16xi32>
            %sub3A_277 = arith.subi %gather3A_254, %sub3A_276 : vector<16xi32>
            %gather3A_278 = arith.constant 0 : i32
            %gather3A_279 = arith.constant 0 : i32
            %gather3A_280 = tpu.memref_slice %arg11[%while3A_162, %gather3A_278, %gather3A_279] : memref<4x64x256xf32, #tpu.memory_space<vmem>> -> memref<1x64x256xf32, #tpu.memory_space<vmem>>
            %gather3A_281 = tpu.memref_squeeze %gather3A_280 : memref<1x64x256xf32, #tpu.memory_space<vmem>> -> memref<64x256xf32, #tpu.memory_space<vmem>>
            %gather3A_282 = tpu.vector_load_idx %gather3A_281[%add3A_275, %sub3A_277] : memref<64x256xf32, #tpu.memory_space<vmem>>[vector<16xi32>, vector<16xi32>], vector<16xf32>,
            %mul3A_283 = arith.constant 64 : i32
            %mul3A_284 = arith.muli %rem3A_268, %mul3A_283 : i32
            %add3A_285 = arith.constant 0 : i32
            %add3A_286 = arith.addi %mul3A_284, %add3A_285 : i32
            %multiple_of3A_287 = tpu.assume_multiple %add3A_286, 16 : i32
            %swap3A = arith.index_cast %multiple_of3A_287 : i32 to index
            %swap3A_288 = tpu.vector_load %arg13[%swap3A] {strides = array<i32>} : memref<2048xf32, #tpu.memory_space<vmem>>, vector<16xf32>,
            tpu.vector_store %arg13[%swap3A], %gather3A_282 {strides = array<i32>} : memref<2048xf32, #tpu.memory_space<vmem>>, vector<16xf32>,
            %add3A_289 = arith.constant 16 : i32
            %add3A_290 = vector.broadcast %add3A_289 : i32 to vector<16xi32>
            %add3A_291 = arith.addi %iota3A, %add3A_290 : vector<16xi32>
            %sub3A_292 = vector.broadcast %add3A_139 : i32 to vector<16xi32>
            %sub3A_293 = arith.subi %gather3A_254, %sub3A_292 : vector<16xi32>
            %gather3A_294 = arith.constant 0 : i32
            %gather3A_295 = arith.constant 0 : i32
            %gather3A_296 = tpu.memref_slice %arg11[%while3A_162, %gather3A_294, %gather3A_295] : memref<4x64x256xf32, #tpu.memory_space<vmem>> -> memref<1x64x256xf32, #tpu.memory_space<vmem>>
            %gather3A_297 = tpu.memref_squeeze %gather3A_296 : memref<1x64x256xf32, #tpu.memory_space<vmem>> -> memref<64x256xf32, #tpu.memory_space<vmem>>
            %gather3A_298 = tpu.vector_load_idx %gather3A_297[%add3A_291, %sub3A_293] : memref<64x256xf32, #tpu.memory_space<vmem>>[vector<16xi32>, vector<16xi32>], vector<16xf32>,
            %mul3A_299 = arith.constant 64 : i32
            %mul3A_300 = arith.muli %rem3A_268, %mul3A_299 : i32
            %add3A_301 = arith.constant 16 : i32
            %add3A_302 = arith.addi %mul3A_300, %add3A_301 : i32
            %multiple_of3A_303 = tpu.assume_multiple %add3A_302, 16 : i32
            %swap3A_304 = arith.index_cast %multiple_of3A_303 : i32 to index
            %swap3A_305 = tpu.vector_load %arg13[%swap3A_304] {strides = array<i32>} : memref<2048xf32, #tpu.memory_space<vmem>>, vector<16xf32>,
            tpu.vector_store %arg13[%swap3A_304], %gather3A_298 {strides = array<i32>} : memref<2048xf32, #tpu.memory_space<vmem>>, vector<16xf32>,
            %add3A_306 = arith.constant 32 : i32
            %add3A_307 = vector.broadcast %add3A_306 : i32 to vector<16xi32>
            %add3A_308 = arith.addi %iota3A, %add3A_307 : vector<16xi32>
            %sub3A_309 = vector.broadcast %add3A_139 : i32 to vector<16xi32>
            %sub3A_310 = arith.subi %gather3A_254, %sub3A_309 : vector<16xi32>
            %gather3A_311 = arith.constant 0 : i32
            %gather3A_312 = arith.constant 0 : i32
            %gather3A_313 = tpu.memref_slice %arg11[%while3A_162, %gather3A_311, %gather3A_312] : memref<4x64x256xf32, #tpu.memory_space<vmem>> -> memref<1x64x256xf32, #tpu.memory_space<vmem>>
            %gather3A_314 = tpu.memref_squeeze %gather3A_313 : memref<1x64x256xf32, #tpu.memory_space<vmem>> -> memref<64x256xf32, #tpu.memory_space<vmem>>
            %gather3A_315 = tpu.vector_load_idx %gather3A_314[%add3A_308, %sub3A_310] : memref<64x256xf32, #tpu.memory_space<vmem>>[vector<16xi32>, vector<16xi32>], vector<16xf32>,
            %mul3A_316 = arith.constant 64 : i32
            %mul3A_317 = arith.muli %rem3A_268, %mul3A_316 : i32
            %add3A_318 = arith.constant 32 : i32
            %add3A_319 = arith.addi %mul3A_317, %add3A_318 : i32
            %multiple_of3A_320 = tpu.assume_multiple %add3A_319, 16 : i32
            %swap3A_321 = arith.index_cast %multiple_of3A_320 : i32 to index
            %swap3A_322 = tpu.vector_load %arg13[%swap3A_321] {strides = array<i32>} : memref<2048xf32, #tpu.memory_space<vmem>>, vector<16xf32>,
            tpu.vector_store %arg13[%swap3A_321], %gather3A_315 {strides = array<i32>} : memref<2048xf32, #tpu.memory_space<vmem>>, vector<16xf32>,
            %add3A_323 = arith.constant 48 : i32
            %add3A_324 = vector.broadcast %add3A_323 : i32 to vector<16xi32>
            %add3A_325 = arith.addi %iota3A, %add3A_324 : vector<16xi32>
            %sub3A_326 = vector.broadcast %add3A_139 : i32 to vector<16xi32>
            %sub3A_327 = arith.subi %gather3A_254, %sub3A_326 : vector<16xi32>
            %gather3A_328 = arith.constant 0 : i32
            %gather3A_329 = arith.constant 0 : i32
            %gather3A_330 = tpu.memref_slice %arg11[%while3A_162, %gather3A_328, %gather3A_329] : memref<4x64x256xf32, #tpu.memory_space<vmem>> -> memref<1x64x256xf32, #tpu.memory_space<vmem>>
            %gather3A_331 = tpu.memref_squeeze %gather3A_330 : memref<1x64x256xf32, #tpu.memory_space<vmem>> -> memref<64x256xf32, #tpu.memory_space<vmem>>
            %gather3A_332 = tpu.vector_load_idx %gather3A_331[%add3A_325, %sub3A_327] : memref<64x256xf32, #tpu.memory_space<vmem>>[vector<16xi32>, vector<16xi32>], vector<16xf32>,
            %mul3A_333 = arith.constant 64 : i32
            %mul3A_334 = arith.muli %rem3A_268, %mul3A_333 : i32
            %add3A_335 = arith.constant 48 : i32
            %add3A_336 = arith.addi %mul3A_334, %add3A_335 : i32
            %multiple_of3A_337 = tpu.assume_multiple %add3A_336, 16 : i32
            %swap3A_338 = arith.index_cast %multiple_of3A_337 : i32 to index
            %swap3A_339 = tpu.vector_load %arg13[%swap3A_338] {strides = array<i32>} : memref<2048xf32, #tpu.memory_space<vmem>>, vector<16xf32>,
            tpu.vector_store %arg13[%swap3A_338], %gather3A_332 {strides = array<i32>} : memref<2048xf32, #tpu.memory_space<vmem>>, vector<16xf32>,
            %mul3A_340 = arith.constant 64 : i32
            %mul3A_341 = arith.muli %rem3A_268, %mul3A_340 : i32
            %mul3A_342 = arith.constant 128 : i32
            %mul3A_343 = arith.muli %squeeze3A, %mul3A_342 : i32
            %dma_start3A_344 = tpu.memref_slice %arg13[%mul3A_341] : memref<2048xf32, #tpu.memory_space<vmem>> -> memref<64xf32, #tpu.memory_space<vmem>>
            %dma_start3A_345 = tpu.memref_slice %arg5[%mul3A_343] : memref<2097152xf32, #tpu.memory_space<hbm>> -> memref<64xf32, #tpu.memory_space<hbm>>
            %dma_start3A_346 = tpu.memref_slice %arg5[%mul3A_343] : memref<2097152xf32, #tpu.memory_space<hbm>> -> memref<64xf32, #tpu.memory_space<hbm>>
            %dma_start3A_347 = tpu.memref_slice %arg13[%mul3A_341] : memref<2048xf32, #tpu.memory_space<vmem>> -> memref<64xf32, #tpu.memory_space<vmem>>
            tpu.enqueue_dma source(%dma_start3A_347 : memref<64xf32, #tpu.memory_space<vmem>>) target(%dma_start3A_346 : memref<64xf32, #tpu.memory_space<hbm>>) target_semaphore(%arg18 : memref<!tpu.dma_semaphore, #tpu.memory_space<semaphore_mem>>)
            %add3A_348 = arith.constant 1 : i32
            %add3A_349 = arith.addi %while3A_239, %add3A_348 : i32
            scf.yield %add3A_349 : i32
          }
          scf.yield %while3A_237 : i32
        }
        %while3A_172 = arith.constant 1 : i32
        %while3A_173 = scf.for %while3A_180 = %while3A_169 to %while3A_165 step %while3A_172 iter_args(%while3A_181 = %while3A_171) -> (i32)  : i32 {
          %mul3A_182 = arith.constant 2048 : i32
          %mul3A_183 = arith.muli %while3A_180, %mul3A_182 : i32
          %sub3A_184 = arith.subi %scan3A_70, %mul3A_183 : i32
          %min3A_185 = arith.constant 2048 : i32
          %min3A_186 = arith.minsi %sub3A_184, %min3A_185 : i32
          %add3A_187 = arith.constant 16 : i32
          %add3A_188 = arith.addi %min3A_186, %add3A_187 : i32
          %sub3A_189 = arith.constant 1 : i32
          %sub3A_190 = arith.subi %add3A_188, %sub3A_189 : i32
          %jit3A_191 = arith.constant 16 : i32
          %div3A_192 = arith.divsi %sub3A_190, %jit3A_191 : i32
          %sign3A_193 = arith.constant 0 : i32
          %sign3A_194 = arith.cmpi sgt, %sub3A_190, %sign3A_193 : i32
          %sign3A_195 = arith.extui %sign3A_194 : i1 to i32
          %sign3A_196 = arith.constant 0 : i32
          %sign3A_197 = arith.cmpi slt, %sub3A_190, %sign3A_196 : i32
          %sign3A_198 = arith.extui %sign3A_197 : i1 to i32
          %sign3A_199 = arith.subi %sign3A_195, %sign3A_198 : i32
          %sign3A_200 = arith.constant 0 : i32
          %sign3A_201 = arith.cmpi sgt, %jit3A_191, %sign3A_200 : i32
          %sign3A_202 = arith.extui %sign3A_201 : i1 to i32
          %sign3A_203 = arith.constant 0 : i32
          %sign3A_204 = arith.cmpi slt, %jit3A_191, %sign3A_203 : i32
          %sign3A_205 = arith.extui %sign3A_204 : i1 to i32
          %sign3A_206 = arith.subi %sign3A_202, %sign3A_205 : i32
          %ne3A_207 = arith.cmpi ne, %sign3A_199, %sign3A_206 : i32
          %rem3A_208 = arith.remsi %sub3A_190, %jit3A_191 : i32
          %ne3A_209 = arith.constant 0 : i32
          %ne3A_210 = arith.cmpi ne, %rem3A_208, %ne3A_209 : i32
          %and3A_211 = arith.andi %ne3A_207, %ne3A_210 : i1
          %sub3A_212 = arith.constant 1 : i32
          %sub3A_213 = arith.subi %div3A_192, %sub3A_212 : i32
          %select_n3A_214 = arith.select %and3A_211, %sub3A_213, %div3A_192 : i32
          %while3A_215 = arith.constant 0 : i32
          %while3A_216 = arith.constant 0 : i32
          %while3A_217 = arith.subi %select_n3A_214, %while3A_215 : i32
          %while3A_218 = arith.addi %while3A_215, %while3A_217 : i32
          %while3A_219 = arith.constant 1 : i32
          %while3A_220 = arith.divsi %while3A_217, %while3A_219 : i32
          %while3A_221 = arith.muli %while3A_220, %while3A_219 : i32
          %while3A_222 = arith.addi %while3A_215, %while3A_221 : i32
          %while3A_223 = arith.constant 1 : i32
          %while3A_224 = scf.for %while3A_238 = %while3A_215 to %while3A_222 step %while3A_223 iter_args(%while3A_239 = %while3A_216) -> (i32)  : i32 {
            %mul3A_240 = arith.constant 16 : i32
            %mul3A_241 = arith.muli %while3A_238, %mul3A_240 : i32
            %add3A_242 = arith.addi %mul3A_183, %mul3A_241 : i32
            %multiple_of3A = tpu.assume_multiple %add3A_242, 16 : i32
            %add3A_243 = vector.broadcast %multiple_of3A : i32 to vector<16xi32>
            %add3A_244 = arith.addi %add3A_243, %iota3A : vector<16xi32>
            %get3A = arith.index_cast %multiple_of3A : i32 to index
            %get3A_245 = tpu.vector_load %arg7[%get3A] {strides = array<i32>} : memref<16416xi32, #tpu.memory_space<vmem>>, vector<16xi32>,
            %get3A_246 = arith.index_cast %multiple_of3A : i32 to index
            %get3A_247 = tpu.vector_load %arg8[%get3A_246] {strides = array<i32>} : memref<16416xi32, #tpu.memory_space<vmem>>, vector<16xi32>,
            %ge3A = vector.broadcast %add3A_139 : i32 to vector<16xi32>
            %ge3A_248 = arith.cmpi sge, %get3A_245, %ge3A : vector<16xi32>
            %add3A_249 = arith.constant 256 : i32
            %add3A_250 = arith.addi %add3A_139, %add3A_249 : i32
            %lt3A_251 = vector.broadcast %add3A_250 : i32 to vector<16xi32>
            %lt3A_252 = arith.cmpi slt, %get3A_245, %lt3A_251 : vector<16xi32>
            %and3A_253 = arith.andi %ge3A_248, %lt3A_252 : vector<16xi1>
            %lt3A_254 = vector.broadcast %scan3A_70 : i32 to vector<16xi32>
            %lt3A_255 = arith.cmpi slt, %add3A_244, %lt3A_254 : vector<16xi32>
            %and3A_256 = arith.andi %and3A_253, %lt3A_255 : vector<16xi1>
            %swap3A = arith.index_cast %while3A_239 : i32 to index
            %swap3A_257 = tpu.vector_load %arg9[%swap3A] masked %and3A_256 {strides = array<i32>} : memref<2064xi32, #tpu.memory_space<vmem>>, vector<16xi32>, vector<16xi1>
            tpu.vector_store %arg9[%swap3A], %get3A_245 masked %and3A_256 {strides = array<i32>} : memref<2064xi32, #tpu.memory_space<vmem>>, vector<16xi32>, vector<16xi1>
            %swap3A_258 = arith.index_cast %while3A_239 : i32 to index
            %swap3A_259 = tpu.vector_load %arg10[%swap3A_258] masked %and3A_256 {strides = array<i32>} : memref<2064xi32, #tpu.memory_space<vmem>>, vector<16xi32>, vector<16xi1>
            tpu.vector_store %arg10[%swap3A_258], %get3A_247 masked %and3A_256 {strides = array<i32>} : memref<2064xi32, #tpu.memory_space<vmem>>, vector<16xi32>, vector<16xi1>
            %all_reduce_population_count3A = tpu.all_reduce %and3A_256 {dim = 0 : i64, kind = #tpu.reduction_kind<sum>} : vector<16xi1> -> vector<16xi32>
            %slice3A = vector.extract_strided_slice %all_reduce_population_count3A {offsets = [0], sizes = [1], strides = [1]} : vector<16xi32> to vector<1xi32>
            %squeeze3A = vector.extract %slice3A[0] : i32 from vector<1xi32>
            %add3A_260 = arith.addi %while3A_239, %squeeze3A : i32
            scf.yield %add3A_260 : i32
          }
          %while3A_225 = arith.constant 1 : i32
          %while3A_226 = scf.for %while3A_238 = %while3A_222 to %while3A_218 step %while3A_225 iter_args(%while3A_239 = %while3A_224) -> (i32)  : i32 {
            %mul3A_240 = arith.constant 16 : i32
            %mul3A_241 = arith.muli %while3A_238, %mul3A_240 : i32
            %add3A_242 = arith.addi %mul3A_183, %mul3A_241 : i32
            %multiple_of3A = tpu.assume_multiple %add3A_242, 16 : i32
            %add3A_243 = vector.broadcast %multiple_of3A : i32 to vector<16xi32>
            %add3A_244 = arith.addi %add3A_243, %iota3A : vector<16xi32>
            %get3A = arith.index_cast %multiple_of3A : i32 to index
            %get3A_245 = tpu.vector_load %arg7[%get3A] {strides = array<i32>} : memref<16416xi32, #tpu.memory_space<vmem>>, vector<16xi32>,
            %get3A_246 = arith.index_cast %multiple_of3A : i32 to index
            %get3A_247 = tpu.vector_load %arg8[%get3A_246] {strides = array<i32>} : memref<16416xi32, #tpu.memory_space<vmem>>, vector<16xi32>,
            %ge3A = vector.broadcast %add3A_139 : i32 to vector<16xi32>
            %ge3A_248 = arith.cmpi sge, %get3A_245, %ge3A : vector<16xi32>
            %add3A_249 = arith.constant 256 : i32
            %add3A_250 = arith.addi %add3A_139, %add3A_249 : i32
            %lt3A_251 = vector.broadcast %add3A_250 : i32 to vector<16xi32>
            %lt3A_252 = arith.cmpi slt, %get3A_245, %lt3A_251 : vector<16xi32>
            %and3A_253 = arith.andi %ge3A_248, %lt3A_252 : vector<16xi1>
            %lt3A_254 = vector.broadcast %scan3A_70 : i32 to vector<16xi32>
            %lt3A_255 = arith.cmpi slt, %add3A_244, %lt3A_254 : vector<16xi32>
            %and3A_256 = arith.andi %and3A_253, %lt3A_255 : vector<16xi1>
            %swap3A = arith.index_cast %while3A_239 : i32 to index
            %swap3A_257 = tpu.vector_load %arg9[%swap3A] masked %and3A_256 {strides = array<i32>} : memref<2064xi32, #tpu.memory_space<vmem>>, vector<16xi32>, vector<16xi1>
            tpu.vector_store %arg9[%swap3A], %get3A_245 masked %and3A_256 {strides = array<i32>} : memref<2064xi32, #tpu.memory_space<vmem>>, vector<16xi32>, vector<16xi1>
            %swap3A_258 = arith.index_cast %while3A_239 : i32 to index
            %swap3A_259 = tpu.vector_load %arg10[%swap3A_258] masked %and3A_256 {strides = array<i32>} : memref<2064xi32, #tpu.memory_space<vmem>>, vector<16xi32>, vector<16xi1>
            tpu.vector_store %arg10[%swap3A_258], %get3A_247 masked %and3A_256 {strides = array<i32>} : memref<2064xi32, #tpu.memory_space<vmem>>, vector<16xi32>, vector<16xi1>
            %all_reduce_population_count3A = tpu.all_reduce %and3A_256 {dim = 0 : i64, kind = #tpu.reduction_kind<sum>} : vector<16xi1> -> vector<16xi32>
            %slice3A = vector.extract_strided_slice %all_reduce_population_count3A {offsets = [0], sizes = [1], strides = [1]} : vector<16xi32> to vector<1xi32>
            %squeeze3A = vector.extract %slice3A[0] : i32 from vector<1xi32>
            %add3A_260 = arith.addi %while3A_239, %squeeze3A : i32
            scf.yield %add3A_260 : i32
          }
          %while3A_227 = arith.constant 0 : i32
          %while3A_228 = arith.subi %while3A_226, %while3A_227 : i32
          %while3A_229 = arith.addi %while3A_227, %while3A_228 : i32
          %while3A_230 = arith.constant 1 : i32
          %while3A_231 = arith.divsi %while3A_228, %while3A_230 : i32
          %while3A_232 = arith.muli %while3A_231, %while3A_230 : i32
          %while3A_233 = arith.addi %while3A_227, %while3A_232 : i32
          %while3A_234 = arith.constant 1 : i32
          %while3A_235 = scf.for %while3A_238 = %while3A_227 to %while3A_233 step %while3A_234 iter_args(%while3A_239 = %while3A_181) -> (i32)  : i32 {
            %shift_right_arithmetic3A = arith.constant 4 : i32
            %shift_right_arithmetic3A_240 = arith.shrsi %while3A_238, %shift_right_arithmetic3A : i32
            %mul3A_241 = arith.constant 16 : i32
            %mul3A_242 = arith.muli %shift_right_arithmetic3A_240, %mul3A_241 : i32
            %multiple_of3A = tpu.assume_multiple %mul3A_242, 16 : i32
            %and3A_243 = arith.constant 15 : i32
            %and3A_244 = arith.andi %while3A_238, %and3A_243 : i32
            %broadcast_in_dim3A = vector.broadcast %and3A_244 : i32 to vector<16xi32>
            %get3A = arith.index_cast %multiple_of3A : i32 to index
            %get3A_245 = tpu.vector_load %arg9[%get3A] {strides = array<i32>} : memref<2064xi32, #tpu.memory_space<vmem>>, vector<16xi32>,
            %lt3A_246 = arith.constant 0 : i32
            %lt3A_247 = vector.broadcast %lt3A_246 : i32 to vector<16xi32>
            %lt3A_248 = arith.cmpi slt, %broadcast_in_dim3A, %lt3A_247 : vector<16xi32>
            %add3A_249 = arith.constant 16 : i32
            %add3A_250 = vector.broadcast %add3A_249 : i32 to vector<16xi32>
            %add3A_251 = arith.addi %broadcast_in_dim3A, %add3A_250 : vector<16xi32>
            %select_n3A_252 = arith.select %lt3A_248, %add3A_251, %broadcast_in_dim3A : vector<16xi1>, vector<16xi32>
            %broadcast_in_dim3A_253 = vector.shape_cast %select_n3A_252 : vector<16xi32> to vector<16x1xi32>
            %gather3A = vector.shape_cast %broadcast_in_dim3A_253 : vector<16x1xi32> to vector<16xi32>
            %gather3A_254 = tpu.dynamic_gather %get3A_245[%gather3A] in [0] : vector<16xi32>, vector<16xi32> -> vector<16xi32>
            %get3A_255 = arith.index_cast %multiple_of3A : i32 to index
            %get3A_256 = tpu.vector_load %arg10[%get3A_255] {strides = array<i32>} : memref<2064xi32, #tpu.memory_space<vmem>>, vector<16xi32>,
            %lt3A_257 = arith.constant 0 : i32
            %lt3A_258 = vector.broadcast %lt3A_257 : i32 to vector<16xi32>
            %lt3A_259 = arith.cmpi slt, %broadcast_in_dim3A, %lt3A_258 : vector<16xi32>
            %add3A_260 = arith.constant 16 : i32
            %add3A_261 = vector.broadcast %add3A_260 : i32 to vector<16xi32>
            %add3A_262 = arith.addi %broadcast_in_dim3A, %add3A_261 : vector<16xi32>
            %select_n3A_263 = arith.select %lt3A_259, %add3A_262, %broadcast_in_dim3A : vector<16xi1>, vector<16xi32>
            %broadcast_in_dim3A_264 = vector.shape_cast %select_n3A_263 : vector<16xi32> to vector<16x1xi32>
            %gather3A_265 = vector.shape_cast %broadcast_in_dim3A_264 : vector<16x1xi32> to vector<16xi32>
            %gather3A_266 = tpu.dynamic_gather %get3A_256[%gather3A_265] in [0] : vector<16xi32>, vector<16xi32> -> vector<16xi32>
            %slice3A = vector.extract_strided_slice %gather3A_266 {offsets = [0], sizes = [1], strides = [1]} : vector<16xi32> to vector<1xi32>
            %squeeze3A = vector.extract %slice3A[0] : i32 from vector<1xi32>
            %rem3A_267 = arith.constant 32 : i32
            %rem3A_268 = arith.remsi %while3A_239, %rem3A_267 : i32
            %ge3A = arith.constant 32 : i32
            %ge3A_269 = arith.cmpi sge, %while3A_239, %ge3A : i32
            %convert_element_type3A_270 = arith.extui %ge3A_269 : i1 to i32
            %cond3A_271 = arith.constant 0 : i32
            %cond3A_272 = arith.cmpi ne, %convert_element_type3A_270, %cond3A_271 : i32
            scf.if %cond3A_272 {
              %dma_wait3A_350 = arith.constant 0 : i32
              %dma_wait3A_351 = tpu.memref_slice %arg13[%dma_wait3A_350] : memref<2048xf32, #tpu.memory_space<vmem>> -> memref<64xf32, #tpu.memory_space<vmem>>
              %dma_wait3A_352 = arith.constant 0 : i32
              %dma_wait3A_353 = tpu.memref_slice %arg5[%dma_wait3A_352] : memref<2097152xf32, #tpu.memory_space<hbm>> -> memref<64xf32, #tpu.memory_space<hbm>>
              %dma_wait3A_354 = arith.constant 0 : i32
              %dma_wait3A_355 = tpu.memref_slice %arg13[%dma_wait3A_354] : memref<2048xf32, #tpu.memory_space<vmem>> -> memref<64xf32, #tpu.memory_space<vmem>>
              %dma_wait3A_356 = arith.constant 0 : i32
              %dma_wait3A_357 = tpu.memref_slice %arg5[%dma_wait3A_356] : memref<2097152xf32, #tpu.memory_space<hbm>> -> memref<64xf32, #tpu.memory_space<hbm>>
              tpu.wait_dma2 semaphore(%arg18 : memref<!tpu.dma_semaphore, #tpu.memory_space<semaphore_mem>>) src(%dma_wait3A_357 : memref<64xf32, #tpu.memory_space<hbm>>) dst(%dma_wait3A_355 : memref<64xf32, #tpu.memory_space<vmem>>)
            } else {
            }
            %add3A_273 = arith.constant 0 : i32
            %add3A_274 = vector.broadcast %add3A_273 : i32 to vector<16xi32>
            %add3A_275 = arith.addi %iota3A, %add3A_274 : vector<16xi32>
            %sub3A_276 = vector.broadcast %add3A_139 : i32 to vector<16xi32>
            %sub3A_277 = arith.subi %gather3A_254, %sub3A_276 : vector<16xi32>
            %gather3A_278 = arith.constant 0 : i32
            %gather3A_279 = arith.constant 0 : i32
            %gather3A_280 = tpu.memref_slice %arg11[%while3A_162, %gather3A_278, %gather3A_279] : memref<4x64x256xf32, #tpu.memory_space<vmem>> -> memref<1x64x256xf32, #tpu.memory_space<vmem>>
            %gather3A_281 = tpu.memref_squeeze %gather3A_280 : memref<1x64x256xf32, #tpu.memory_space<vmem>> -> memref<64x256xf32, #tpu.memory_space<vmem>>
            %gather3A_282 = tpu.vector_load_idx %gather3A_281[%add3A_275, %sub3A_277] : memref<64x256xf32, #tpu.memory_space<vmem>>[vector<16xi32>, vector<16xi32>], vector<16xf32>,
            %mul3A_283 = arith.constant 64 : i32
            %mul3A_284 = arith.muli %rem3A_268, %mul3A_283 : i32
            %add3A_285 = arith.constant 0 : i32
            %add3A_286 = arith.addi %mul3A_284, %add3A_285 : i32
            %multiple_of3A_287 = tpu.assume_multiple %add3A_286, 16 : i32
            %swap3A = arith.index_cast %multiple_of3A_287 : i32 to index
            %swap3A_288 = tpu.vector_load %arg13[%swap3A] {strides = array<i32>} : memref<2048xf32, #tpu.memory_space<vmem>>, vector<16xf32>,
            tpu.vector_store %arg13[%swap3A], %gather3A_282 {strides = array<i32>} : memref<2048xf32, #tpu.memory_space<vmem>>, vector<16xf32>,
            %add3A_289 = arith.constant 16 : i32
            %add3A_290 = vector.broadcast %add3A_289 : i32 to vector<16xi32>
            %add3A_291 = arith.addi %iota3A, %add3A_290 : vector<16xi32>
            %sub3A_292 = vector.broadcast %add3A_139 : i32 to vector<16xi32>
            %sub3A_293 = arith.subi %gather3A_254, %sub3A_292 : vector<16xi32>
            %gather3A_294 = arith.constant 0 : i32
            %gather3A_295 = arith.constant 0 : i32
            %gather3A_296 = tpu.memref_slice %arg11[%while3A_162, %gather3A_294, %gather3A_295] : memref<4x64x256xf32, #tpu.memory_space<vmem>> -> memref<1x64x256xf32, #tpu.memory_space<vmem>>
            %gather3A_297 = tpu.memref_squeeze %gather3A_296 : memref<1x64x256xf32, #tpu.memory_space<vmem>> -> memref<64x256xf32, #tpu.memory_space<vmem>>
            %gather3A_298 = tpu.vector_load_idx %gather3A_297[%add3A_291, %sub3A_293] : memref<64x256xf32, #tpu.memory_space<vmem>>[vector<16xi32>, vector<16xi32>], vector<16xf32>,
            %mul3A_299 = arith.constant 64 : i32
            %mul3A_300 = arith.muli %rem3A_268, %mul3A_299 : i32
            %add3A_301 = arith.constant 16 : i32
            %add3A_302 = arith.addi %mul3A_300, %add3A_301 : i32
            %multiple_of3A_303 = tpu.assume_multiple %add3A_302, 16 : i32
            %swap3A_304 = arith.index_cast %multiple_of3A_303 : i32 to index
            %swap3A_305 = tpu.vector_load %arg13[%swap3A_304] {strides = array<i32>} : memref<2048xf32, #tpu.memory_space<vmem>>, vector<16xf32>,
            tpu.vector_store %arg13[%swap3A_304], %gather3A_298 {strides = array<i32>} : memref<2048xf32, #tpu.memory_space<vmem>>, vector<16xf32>,
            %add3A_306 = arith.constant 32 : i32
            %add3A_307 = vector.broadcast %add3A_306 : i32 to vector<16xi32>
            %add3A_308 = arith.addi %iota3A, %add3A_307 : vector<16xi32>
            %sub3A_309 = vector.broadcast %add3A_139 : i32 to vector<16xi32>
            %sub3A_310 = arith.subi %gather3A_254, %sub3A_309 : vector<16xi32>
            %gather3A_311 = arith.constant 0 : i32
            %gather3A_312 = arith.constant 0 : i32
            %gather3A_313 = tpu.memref_slice %arg11[%while3A_162, %gather3A_311, %gather3A_312] : memref<4x64x256xf32, #tpu.memory_space<vmem>> -> memref<1x64x256xf32, #tpu.memory_space<vmem>>
            %gather3A_314 = tpu.memref_squeeze %gather3A_313 : memref<1x64x256xf32, #tpu.memory_space<vmem>> -> memref<64x256xf32, #tpu.memory_space<vmem>>
            %gather3A_315 = tpu.vector_load_idx %gather3A_314[%add3A_308, %sub3A_310] : memref<64x256xf32, #tpu.memory_space<vmem>>[vector<16xi32>, vector<16xi32>], vector<16xf32>,
            %mul3A_316 = arith.constant 64 : i32
            %mul3A_317 = arith.muli %rem3A_268, %mul3A_316 : i32
            %add3A_318 = arith.constant 32 : i32
            %add3A_319 = arith.addi %mul3A_317, %add3A_318 : i32
            %multiple_of3A_320 = tpu.assume_multiple %add3A_319, 16 : i32
            %swap3A_321 = arith.index_cast %multiple_of3A_320 : i32 to index
            %swap3A_322 = tpu.vector_load %arg13[%swap3A_321] {strides = array<i32>} : memref<2048xf32, #tpu.memory_space<vmem>>, vector<16xf32>,
            tpu.vector_store %arg13[%swap3A_321], %gather3A_315 {strides = array<i32>} : memref<2048xf32, #tpu.memory_space<vmem>>, vector<16xf32>,
            %add3A_323 = arith.constant 48 : i32
            %add3A_324 = vector.broadcast %add3A_323 : i32 to vector<16xi32>
            %add3A_325 = arith.addi %iota3A, %add3A_324 : vector<16xi32>
            %sub3A_326 = vector.broadcast %add3A_139 : i32 to vector<16xi32>
            %sub3A_327 = arith.subi %gather3A_254, %sub3A_326 : vector<16xi32>
            %gather3A_328 = arith.constant 0 : i32
            %gather3A_329 = arith.constant 0 : i32
            %gather3A_330 = tpu.memref_slice %arg11[%while3A_162, %gather3A_328, %gather3A_329] : memref<4x64x256xf32, #tpu.memory_space<vmem>> -> memref<1x64x256xf32, #tpu.memory_space<vmem>>
            %gather3A_331 = tpu.memref_squeeze %gather3A_330 : memref<1x64x256xf32, #tpu.memory_space<vmem>> -> memref<64x256xf32, #tpu.memory_space<vmem>>
            %gather3A_332 = tpu.vector_load_idx %gather3A_331[%add3A_325, %sub3A_327] : memref<64x256xf32, #tpu.memory_space<vmem>>[vector<16xi32>, vector<16xi32>], vector<16xf32>,
            %mul3A_333 = arith.constant 64 : i32
            %mul3A_334 = arith.muli %rem3A_268, %mul3A_333 : i32
            %add3A_335 = arith.constant 48 : i32
            %add3A_336 = arith.addi %mul3A_334, %add3A_335 : i32
            %multiple_of3A_337 = tpu.assume_multiple %add3A_336, 16 : i32
            %swap3A_338 = arith.index_cast %multiple_of3A_337 : i32 to index
            %swap3A_339 = tpu.vector_load %arg13[%swap3A_338] {strides = array<i32>} : memref<2048xf32, #tpu.memory_space<vmem>>, vector<16xf32>,
            tpu.vector_store %arg13[%swap3A_338], %gather3A_332 {strides = array<i32>} : memref<2048xf32, #tpu.memory_space<vmem>>, vector<16xf32>,
            %mul3A_340 = arith.constant 64 : i32
            %mul3A_341 = arith.muli %rem3A_268, %mul3A_340 : i32
            %mul3A_342 = arith.constant 128 : i32
            %mul3A_343 = arith.muli %squeeze3A, %mul3A_342 : i32
            %dma_start3A_344 = tpu.memref_slice %arg13[%mul3A_341] : memref<2048xf32, #tpu.memory_space<vmem>> -> memref<64xf32, #tpu.memory_space<vmem>>
            %dma_start3A_345 = tpu.memref_slice %arg5[%mul3A_343] : memref<2097152xf32, #tpu.memory_space<hbm>> -> memref<64xf32, #tpu.memory_space<hbm>>
            %dma_start3A_346 = tpu.memref_slice %arg5[%mul3A_343] : memref<2097152xf32, #tpu.memory_space<hbm>> -> memref<64xf32, #tpu.memory_space<hbm>>
            %dma_start3A_347 = tpu.memref_slice %arg13[%mul3A_341] : memref<2048xf32, #tpu.memory_space<vmem>> -> memref<64xf32, #tpu.memory_space<vmem>>
            tpu.enqueue_dma source(%dma_start3A_347 : memref<64xf32, #tpu.memory_space<vmem>>) target(%dma_start3A_346 : memref<64xf32, #tpu.memory_space<hbm>>) target_semaphore(%arg18 : memref<!tpu.dma_semaphore, #tpu.memory_space<semaphore_mem>>)
            %add3A_348 = arith.constant 1 : i32
            %add3A_349 = arith.addi %while3A_239, %add3A_348 : i32
            scf.yield %add3A_349 : i32
          }
          %while3A_236 = arith.constant 1 : i32
          %while3A_237 = scf.for %while3A_238 = %while3A_233 to %while3A_229 step %while3A_236 iter_args(%while3A_239 = %while3A_235) -> (i32)  : i32 {
            %shift_right_arithmetic3A = arith.constant 4 : i32
            %shift_right_arithmetic3A_240 = arith.shrsi %while3A_238, %shift_right_arithmetic3A : i32
            %mul3A_241 = arith.constant 16 : i32
            %mul3A_242 = arith.muli %shift_right_arithmetic3A_240, %mul3A_241 : i32
            %multiple_of3A = tpu.assume_multiple %mul3A_242, 16 : i32
            %and3A_243 = arith.constant 15 : i32
            %and3A_244 = arith.andi %while3A_238, %and3A_243 : i32
            %broadcast_in_dim3A = vector.broadcast %and3A_244 : i32 to vector<16xi32>
            %get3A = arith.index_cast %multiple_of3A : i32 to index
            %get3A_245 = tpu.vector_load %arg9[%get3A] {strides = array<i32>} : memref<2064xi32, #tpu.memory_space<vmem>>, vector<16xi32>,
            %lt3A_246 = arith.constant 0 : i32
            %lt3A_247 = vector.broadcast %lt3A_246 : i32 to vector<16xi32>
            %lt3A_248 = arith.cmpi slt, %broadcast_in_dim3A, %lt3A_247 : vector<16xi32>
            %add3A_249 = arith.constant 16 : i32
            %add3A_250 = vector.broadcast %add3A_249 : i32 to vector<16xi32>
            %add3A_251 = arith.addi %broadcast_in_dim3A, %add3A_250 : vector<16xi32>
            %select_n3A_252 = arith.select %lt3A_248, %add3A_251, %broadcast_in_dim3A : vector<16xi1>, vector<16xi32>
            %broadcast_in_dim3A_253 = vector.shape_cast %select_n3A_252 : vector<16xi32> to vector<16x1xi32>
            %gather3A = vector.shape_cast %broadcast_in_dim3A_253 : vector<16x1xi32> to vector<16xi32>
            %gather3A_254 = tpu.dynamic_gather %get3A_245[%gather3A] in [0] : vector<16xi32>, vector<16xi32> -> vector<16xi32>
            %get3A_255 = arith.index_cast %multiple_of3A : i32 to index
            %get3A_256 = tpu.vector_load %arg10[%get3A_255] {strides = array<i32>} : memref<2064xi32, #tpu.memory_space<vmem>>, vector<16xi32>,
            %lt3A_257 = arith.constant 0 : i32
            %lt3A_258 = vector.broadcast %lt3A_257 : i32 to vector<16xi32>
            %lt3A_259 = arith.cmpi slt, %broadcast_in_dim3A, %lt3A_258 : vector<16xi32>
            %add3A_260 = arith.constant 16 : i32
            %add3A_261 = vector.broadcast %add3A_260 : i32 to vector<16xi32>
            %add3A_262 = arith.addi %broadcast_in_dim3A, %add3A_261 : vector<16xi32>
            %select_n3A_263 = arith.select %lt3A_259, %add3A_262, %broadcast_in_dim3A : vector<16xi1>, vector<16xi32>
            %broadcast_in_dim3A_264 = vector.shape_cast %select_n3A_263 : vector<16xi32> to vector<16x1xi32>
            %gather3A_265 = vector.shape_cast %broadcast_in_dim3A_264 : vector<16x1xi32> to vector<16xi32>
            %gather3A_266 = tpu.dynamic_gather %get3A_256[%gather3A_265] in [0] : vector<16xi32>, vector<16xi32> -> vector<16xi32>
            %slice3A = vector.extract_strided_slice %gather3A_266 {offsets = [0], sizes = [1], strides = [1]} : vector<16xi32> to vector<1xi32>
            %squeeze3A = vector.extract %slice3A[0] : i32 from vector<1xi32>
            %rem3A_267 = arith.constant 32 : i32
            %rem3A_268 = arith.remsi %while3A_239, %rem3A_267 : i32
            %ge3A = arith.constant 32 : i32
            %ge3A_269 = arith.cmpi sge, %while3A_239, %ge3A : i32
            %convert_element_type3A_270 = arith.extui %ge3A_269 : i1 to i32
            %cond3A_271 = arith.constant 0 : i32
            %cond3A_272 = arith.cmpi ne, %convert_element_type3A_270, %cond3A_271 : i32
            scf.if %cond3A_272 {
              %dma_wait3A_350 = arith.constant 0 : i32
              %dma_wait3A_351 = tpu.memref_slice %arg13[%dma_wait3A_350] : memref<2048xf32, #tpu.memory_space<vmem>> -> memref<64xf32, #tpu.memory_space<vmem>>
              %dma_wait3A_352 = arith.constant 0 : i32
              %dma_wait3A_353 = tpu.memref_slice %arg5[%dma_wait3A_352] : memref<2097152xf32, #tpu.memory_space<hbm>> -> memref<64xf32, #tpu.memory_space<hbm>>
              %dma_wait3A_354 = arith.constant 0 : i32
              %dma_wait3A_355 = tpu.memref_slice %arg13[%dma_wait3A_354] : memref<2048xf32, #tpu.memory_space<vmem>> -> memref<64xf32, #tpu.memory_space<vmem>>
              %dma_wait3A_356 = arith.constant 0 : i32
              %dma_wait3A_357 = tpu.memref_slice %arg5[%dma_wait3A_356] : memref<2097152xf32, #tpu.memory_space<hbm>> -> memref<64xf32, #tpu.memory_space<hbm>>
              tpu.wait_dma2 semaphore(%arg18 : memref<!tpu.dma_semaphore, #tpu.memory_space<semaphore_mem>>) src(%dma_wait3A_357 : memref<64xf32, #tpu.memory_space<hbm>>) dst(%dma_wait3A_355 : memref<64xf32, #tpu.memory_space<vmem>>)
            } else {
            }
            %add3A_273 = arith.constant 0 : i32
            %add3A_274 = vector.broadcast %add3A_273 : i32 to vector<16xi32>
            %add3A_275 = arith.addi %iota3A, %add3A_274 : vector<16xi32>
            %sub3A_276 = vector.broadcast %add3A_139 : i32 to vector<16xi32>
            %sub3A_277 = arith.subi %gather3A_254, %sub3A_276 : vector<16xi32>
            %gather3A_278 = arith.constant 0 : i32
            %gather3A_279 = arith.constant 0 : i32
            %gather3A_280 = tpu.memref_slice %arg11[%while3A_162, %gather3A_278, %gather3A_279] : memref<4x64x256xf32, #tpu.memory_space<vmem>> -> memref<1x64x256xf32, #tpu.memory_space<vmem>>
            %gather3A_281 = tpu.memref_squeeze %gather3A_280 : memref<1x64x256xf32, #tpu.memory_space<vmem>> -> memref<64x256xf32, #tpu.memory_space<vmem>>
            %gather3A_282 = tpu.vector_load_idx %gather3A_281[%add3A_275, %sub3A_277] : memref<64x256xf32, #tpu.memory_space<vmem>>[vector<16xi32>, vector<16xi32>], vector<16xf32>,
            %mul3A_283 = arith.constant 64 : i32
            %mul3A_284 = arith.muli %rem3A_268, %mul3A_283 : i32
            %add3A_285 = arith.constant 0 : i32
            %add3A_286 = arith.addi %mul3A_284, %add3A_285 : i32
            %multiple_of3A_287 = tpu.assume_multiple %add3A_286, 16 : i32
            %swap3A = arith.index_cast %multiple_of3A_287 : i32 to index
            %swap3A_288 = tpu.vector_load %arg13[%swap3A] {strides = array<i32>} : memref<2048xf32, #tpu.memory_space<vmem>>, vector<16xf32>,
            tpu.vector_store %arg13[%swap3A], %gather3A_282 {strides = array<i32>} : memref<2048xf32, #tpu.memory_space<vmem>>, vector<16xf32>,
            %add3A_289 = arith.constant 16 : i32
            %add3A_290 = vector.broadcast %add3A_289 : i32 to vector<16xi32>
            %add3A_291 = arith.addi %iota3A, %add3A_290 : vector<16xi32>
            %sub3A_292 = vector.broadcast %add3A_139 : i32 to vector<16xi32>
            %sub3A_293 = arith.subi %gather3A_254, %sub3A_292 : vector<16xi32>
            %gather3A_294 = arith.constant 0 : i32
            %gather3A_295 = arith.constant 0 : i32
            %gather3A_296 = tpu.memref_slice %arg11[%while3A_162, %gather3A_294, %gather3A_295] : memref<4x64x256xf32, #tpu.memory_space<vmem>> -> memref<1x64x256xf32, #tpu.memory_space<vmem>>
            %gather3A_297 = tpu.memref_squeeze %gather3A_296 : memref<1x64x256xf32, #tpu.memory_space<vmem>> -> memref<64x256xf32, #tpu.memory_space<vmem>>
            %gather3A_298 = tpu.vector_load_idx %gather3A_297[%add3A_291, %sub3A_293] : memref<64x256xf32, #tpu.memory_space<vmem>>[vector<16xi32>, vector<16xi32>], vector<16xf32>,
            %mul3A_299 = arith.constant 64 : i32
            %mul3A_300 = arith.muli %rem3A_268, %mul3A_299 : i32
            %add3A_301 = arith.constant 16 : i32
            %add3A_302 = arith.addi %mul3A_300, %add3A_301 : i32
            %multiple_of3A_303 = tpu.assume_multiple %add3A_302, 16 : i32
            %swap3A_304 = arith.index_cast %multiple_of3A_303 : i32 to index
            %swap3A_305 = tpu.vector_load %arg13[%swap3A_304] {strides = array<i32>} : memref<2048xf32, #tpu.memory_space<vmem>>, vector<16xf32>,
            tpu.vector_store %arg13[%swap3A_304], %gather3A_298 {strides = array<i32>} : memref<2048xf32, #tpu.memory_space<vmem>>, vector<16xf32>,
            %add3A_306 = arith.constant 32 : i32
            %add3A_307 = vector.broadcast %add3A_306 : i32 to vector<16xi32>
            %add3A_308 = arith.addi %iota3A, %add3A_307 : vector<16xi32>
            %sub3A_309 = vector.broadcast %add3A_139 : i32 to vector<16xi32>
            %sub3A_310 = arith.subi %gather3A_254, %sub3A_309 : vector<16xi32>
            %gather3A_311 = arith.constant 0 : i32
            %gather3A_312 = arith.constant 0 : i32
            %gather3A_313 = tpu.memref_slice %arg11[%while3A_162, %gather3A_311, %gather3A_312] : memref<4x64x256xf32, #tpu.memory_space<vmem>> -> memref<1x64x256xf32, #tpu.memory_space<vmem>>
            %gather3A_314 = tpu.memref_squeeze %gather3A_313 : memref<1x64x256xf32, #tpu.memory_space<vmem>> -> memref<64x256xf32, #tpu.memory_space<vmem>>
            %gather3A_315 = tpu.vector_load_idx %gather3A_314[%add3A_308, %sub3A_310] : memref<64x256xf32, #tpu.memory_space<vmem>>[vector<16xi32>, vector<16xi32>], vector<16xf32>,
            %mul3A_316 = arith.constant 64 : i32
            %mul3A_317 = arith.muli %rem3A_268, %mul3A_316 : i32
            %add3A_318 = arith.constant 32 : i32
            %add3A_319 = arith.addi %mul3A_317, %add3A_318 : i32
            %multiple_of3A_320 = tpu.assume_multiple %add3A_319, 16 : i32
            %swap3A_321 = arith.index_cast %multiple_of3A_320 : i32 to index
            %swap3A_322 = tpu.vector_load %arg13[%swap3A_321] {strides = array<i32>} : memref<2048xf32, #tpu.memory_space<vmem>>, vector<16xf32>,
            tpu.vector_store %arg13[%swap3A_321], %gather3A_315 {strides = array<i32>} : memref<2048xf32, #tpu.memory_space<vmem>>, vector<16xf32>,
            %add3A_323 = arith.constant 48 : i32
            %add3A_324 = vector.broadcast %add3A_323 : i32 to vector<16xi32>
            %add3A_325 = arith.addi %iota3A, %add3A_324 : vector<16xi32>
            %sub3A_326 = vector.broadcast %add3A_139 : i32 to vector<16xi32>
            %sub3A_327 = arith.subi %gather3A_254, %sub3A_326 : vector<16xi32>
            %gather3A_328 = arith.constant 0 : i32
            %gather3A_329 = arith.constant 0 : i32
            %gather3A_330 = tpu.memref_slice %arg11[%while3A_162, %gather3A_328, %gather3A_329] : memref<4x64x256xf32, #tpu.memory_space<vmem>> -> memref<1x64x256xf32, #tpu.memory_space<vmem>>
            %gather3A_331 = tpu.memref_squeeze %gather3A_330 : memref<1x64x256xf32, #tpu.memory_space<vmem>> -> memref<64x256xf32, #tpu.memory_space<vmem>>
            %gather3A_332 = tpu.vector_load_idx %gather3A_331[%add3A_325, %sub3A_327] : memref<64x256xf32, #tpu.memory_space<vmem>>[vector<16xi32>, vector<16xi32>], vector<16xf32>,
            %mul3A_333 = arith.constant 64 : i32
            %mul3A_334 = arith.muli %rem3A_268, %mul3A_333 : i32
            %add3A_335 = arith.constant 48 : i32
            %add3A_336 = arith.addi %mul3A_334, %add3A_335 : i32
            %multiple_of3A_337 = tpu.assume_multiple %add3A_336, 16 : i32
            %swap3A_338 = arith.index_cast %multiple_of3A_337 : i32 to index
            %swap3A_339 = tpu.vector_load %arg13[%swap3A_338] {strides = array<i32>} : memref<2048xf32, #tpu.memory_space<vmem>>, vector<16xf32>,
            tpu.vector_store %arg13[%swap3A_338], %gather3A_332 {strides = array<i32>} : memref<2048xf32, #tpu.memory_space<vmem>>, vector<16xf32>,
            %mul3A_340 = arith.constant 64 : i32
            %mul3A_341 = arith.muli %rem3A_268, %mul3A_340 : i32
            %mul3A_342 = arith.constant 128 : i32
            %mul3A_343 = arith.muli %squeeze3A, %mul3A_342 : i32
            %dma_start3A_344 = tpu.memref_slice %arg13[%mul3A_341] : memref<2048xf32, #tpu.memory_space<vmem>> -> memref<64xf32, #tpu.memory_space<vmem>>
            %dma_start3A_345 = tpu.memref_slice %arg5[%mul3A_343] : memref<2097152xf32, #tpu.memory_space<hbm>> -> memref<64xf32, #tpu.memory_space<hbm>>
            %dma_start3A_346 = tpu.memref_slice %arg5[%mul3A_343] : memref<2097152xf32, #tpu.memory_space<hbm>> -> memref<64xf32, #tpu.memory_space<hbm>>
            %dma_start3A_347 = tpu.memref_slice %arg13[%mul3A_341] : memref<2048xf32, #tpu.memory_space<vmem>> -> memref<64xf32, #tpu.memory_space<vmem>>
            tpu.enqueue_dma source(%dma_start3A_347 : memref<64xf32, #tpu.memory_space<vmem>>) target(%dma_start3A_346 : memref<64xf32, #tpu.memory_space<hbm>>) target_semaphore(%arg18 : memref<!tpu.dma_semaphore, #tpu.memory_space<semaphore_mem>>)
            %add3A_348 = arith.constant 1 : i32
            %add3A_349 = arith.addi %while3A_239, %add3A_348 : i32
            scf.yield %add3A_349 : i32
          }
          scf.yield %while3A_237 : i32
        }
        %add3A_174 = arith.constant 4 : i32
        %add3A_175 = arith.addi %add3A_97, %add3A_174 : i32
        %lt3A_176 = arith.cmpi slt, %add3A_175, %add3A_4 : i32
        %convert_element_type3A_177 = arith.extui %lt3A_176 : i1 to i32
        %cond3A_178 = arith.constant 0 : i32
        %cond3A_179 = arith.cmpi ne, %convert_element_type3A_177, %cond3A_178 : i32
        scf.if %cond3A_179 {
          %add3A_180 = arith.constant 4 : i32
          %add3A_181 = arith.addi %add3A_97, %add3A_180 : i32
          %mul3A_182 = arith.constant 256 : i32
          %mul3A_183 = arith.muli %add3A_181, %mul3A_182 : i32
          %add3A_184 = arith.addi %mul3A_6, %mul3A_183 : i32
          %dma_start3A_185 = arith.constant 0 : i32
          %dma_start3A_186 = arith.constant 0 : i32
          %dma_start3A_187 = arith.constant 0 : i32
          %dma_start3A_188 = tpu.memref_slice %arg11[%dma_start3A_185, %dma_start3A_186, %dma_start3A_187] : memref<4x64x256xf32, #tpu.memory_space<vmem>> -> memref<1x64x256xf32, #tpu.memory_space<vmem>>
          %dma_start3A_189 = tpu.memref_squeeze %dma_start3A_188 : memref<1x64x256xf32, #tpu.memory_space<vmem>> -> memref<64x256xf32, #tpu.memory_space<vmem>>
          %dma_start3A_190 = arith.constant 0 : i32
          %dma_start3A_191 = tpu.memref_slice %arg3[%dma_start3A_190, %add3A_184] : memref<64x1000000xf32, #tpu.memory_space<hbm>> -> memref<64x256xf32, #tpu.memory_space<hbm>>
          %dma_start3A_192 = arith.constant 0 : i32
          %dma_start3A_193 = arith.constant 0 : i32
          %dma_start3A_194 = tpu.memref_slice %arg11[%dma_start3A_185, %dma_start3A_192, %dma_start3A_193] : memref<4x64x256xf32, #tpu.memory_space<vmem>> -> memref<1x64x256xf32, #tpu.memory_space<vmem>>
          %dma_start3A_195 = tpu.memref_squeeze %dma_start3A_194 : memref<1x64x256xf32, #tpu.memory_space<vmem>> -> memref<64x256xf32, #tpu.memory_space<vmem>>
          %dma_start3A_196 = arith.constant 0 : i32
          %dma_start3A_197 = tpu.memref_slice %arg3[%dma_start3A_196, %add3A_184] : memref<64x1000000xf32, #tpu.memory_space<hbm>> -> memref<64x256xf32, #tpu.memory_space<hbm>>
          tpu.enqueue_dma source(%dma_start3A_197 : memref<64x256xf32, #tpu.memory_space<hbm>>) target(%dma_start3A_195 : memref<64x256xf32, #tpu.memory_space<vmem>>) target_semaphore(%arg14 : memref<!tpu.dma_semaphore, #tpu.memory_space<semaphore_mem>>)
        } else {
        }
        scf.yield %while3A_173 : i32
      } else {
        scf.yield %scan3A_93 : i32
      }
      %add3A_102 = arith.constant 1 : i32
      %add3A_103 = arith.addi %mul3A_95, %add3A_102 : i32
      %lt3A_104 = arith.cmpi slt, %add3A_103, %add3A_4 : i32
      %convert_element_type3A_105 = arith.extui %lt3A_104 : i1 to i32
      %cond3A_106 = arith.constant 0 : i32
      %cond3A_107 = arith.cmpi ne, %convert_element_type3A_105, %cond3A_106 : i32
      %cond3A_108 = scf.if %cond3A_107 -> (i32) {
        %dma_wait3A = arith.constant 0 : i32
        %dma_wait3A_123 = arith.constant 0 : i32
        %dma_wait3A_124 = arith.constant 0 : i32
        %dma_wait3A_125 = tpu.memref_slice %arg11[%dma_wait3A, %dma_wait3A_123, %dma_wait3A_124] : memref<4x64x256xf32, #tpu.memory_space<vmem>> -> memref<1x64x256xf32, #tpu.memory_space<vmem>>
        %dma_wait3A_126 = tpu.memref_squeeze %dma_wait3A_125 : memref<1x64x256xf32, #tpu.memory_space<vmem>> -> memref<64x256xf32, #tpu.memory_space<vmem>>
        %dma_wait3A_127 = arith.constant 0 : i32
        %dma_wait3A_128 = arith.constant 0 : i32
        %dma_wait3A_129 = tpu.memref_slice %arg3[%dma_wait3A_127, %dma_wait3A_128] : memref<64x1000000xf32, #tpu.memory_space<hbm>> -> memref<64x256xf32, #tpu.memory_space<hbm>>
        %dma_wait3A_130 = arith.constant 0 : i32
        %dma_wait3A_131 = arith.constant 0 : i32
        %dma_wait3A_132 = tpu.memref_slice %arg11[%dma_wait3A, %dma_wait3A_130, %dma_wait3A_131] : memref<4x64x256xf32, #tpu.memory_space<vmem>> -> memref<1x64x256xf32, #tpu.memory_space<vmem>>
        %dma_wait3A_133 = tpu.memref_squeeze %dma_wait3A_132 : memref<1x64x256xf32, #tpu.memory_space<vmem>> -> memref<64x256xf32, #tpu.memory_space<vmem>>
        %dma_wait3A_134 = arith.constant 0 : i32
        %dma_wait3A_135 = arith.constant 0 : i32
        %dma_wait3A_136 = tpu.memref_slice %arg3[%dma_wait3A_134, %dma_wait3A_135] : memref<64x1000000xf32, #tpu.memory_space<hbm>> -> memref<64x256xf32, #tpu.memory_space<hbm>>
        tpu.wait_dma2 semaphore(%arg15 : memref<!tpu.dma_semaphore, #tpu.memory_space<semaphore_mem>>) src(%dma_wait3A_136 : memref<64x256xf32, #tpu.memory_space<hbm>>) dst(%dma_wait3A_133 : memref<64x256xf32, #tpu.memory_space<vmem>>)
        %mul3A_137 = arith.constant 256 : i32
        %mul3A_138 = arith.muli %add3A_103, %mul3A_137 : i32
        %add3A_139 = arith.addi %mul3A_6, %mul3A_138 : i32
        %add3A_140 = arith.constant 2048 : i32
        %add3A_141 = arith.addi %scan3A_70, %add3A_140 : i32
        %sub3A = arith.constant 1 : i32
        %sub3A_142 = arith.subi %add3A_141, %sub3A : i32
        %jit3A_143 = arith.constant 2048 : i32
        %div3A = arith.divsi %sub3A_142, %jit3A_143 : i32
        %sign3A = arith.constant 0 : i32
        %sign3A_144 = arith.cmpi sgt, %sub3A_142, %sign3A : i32
        %sign3A_145 = arith.extui %sign3A_144 : i1 to i32
        %sign3A_146 = arith.constant 0 : i32
        %sign3A_147 = arith.cmpi slt, %sub3A_142, %sign3A_146 : i32
        %sign3A_148 = arith.extui %sign3A_147 : i1 to i32
        %sign3A_149 = arith.subi %sign3A_145, %sign3A_148 : i32
        %sign3A_150 = arith.constant 0 : i32
        %sign3A_151 = arith.cmpi sgt, %jit3A_143, %sign3A_150 : i32
        %sign3A_152 = arith.extui %sign3A_151 : i1 to i32
        %sign3A_153 = arith.constant 0 : i32
        %sign3A_154 = arith.cmpi slt, %jit3A_143, %sign3A_153 : i32
        %sign3A_155 = arith.extui %sign3A_154 : i1 to i32
        %sign3A_156 = arith.subi %sign3A_152, %sign3A_155 : i32
        %ne3A = arith.cmpi ne, %sign3A_149, %sign3A_156 : i32
        %rem3A = arith.remsi %sub3A_142, %jit3A_143 : i32
        %ne3A_157 = arith.constant 0 : i32
        %ne3A_158 = arith.cmpi ne, %rem3A, %ne3A_157 : i32
        %and3A = arith.andi %ne3A, %ne3A_158 : i1
        %sub3A_159 = arith.constant 1 : i32
        %sub3A_160 = arith.subi %div3A, %sub3A_159 : i32
        %select_n3A_161 = arith.select %and3A, %sub3A_160, %div3A : i32
        %while3A_162 = arith.constant 1 : i32
        %while3A_163 = arith.constant 0 : i32
        %while3A_164 = arith.subi %select_n3A_161, %while3A_163 : i32
        %while3A_165 = arith.addi %while3A_163, %while3A_164 : i32
        %while3A_166 = arith.constant 1 : i32
        %while3A_167 = arith.divsi %while3A_164, %while3A_166 : i32
        %while3A_168 = arith.muli %while3A_167, %while3A_166 : i32
        %while3A_169 = arith.addi %while3A_163, %while3A_168 : i32
        %while3A_170 = arith.constant 1 : i32
        %while3A_171 = scf.for %while3A_180 = %while3A_163 to %while3A_169 step %while3A_170 iter_args(%while3A_181 = %cond3A_101) -> (i32)  : i32 {
          %mul3A_182 = arith.constant 2048 : i32
          %mul3A_183 = arith.muli %while3A_180, %mul3A_182 : i32
          %sub3A_184 = arith.subi %scan3A_70, %mul3A_183 : i32
          %min3A_185 = arith.constant 2048 : i32
          %min3A_186 = arith.minsi %sub3A_184, %min3A_185 : i32
          %add3A_187 = arith.constant 16 : i32
          %add3A_188 = arith.addi %min3A_186, %add3A_187 : i32
          %sub3A_189 = arith.constant 1 : i32
          %sub3A_190 = arith.subi %add3A_188, %sub3A_189 : i32
          %jit3A_191 = arith.constant 16 : i32
          %div3A_192 = arith.divsi %sub3A_190, %jit3A_191 : i32
          %sign3A_193 = arith.constant 0 : i32
          %sign3A_194 = arith.cmpi sgt, %sub3A_190, %sign3A_193 : i32
          %sign3A_195 = arith.extui %sign3A_194 : i1 to i32
          %sign3A_196 = arith.constant 0 : i32
          %sign3A_197 = arith.cmpi slt, %sub3A_190, %sign3A_196 : i32
          %sign3A_198 = arith.extui %sign3A_197 : i1 to i32
          %sign3A_199 = arith.subi %sign3A_195, %sign3A_198 : i32
          %sign3A_200 = arith.constant 0 : i32
          %sign3A_201 = arith.cmpi sgt, %jit3A_191, %sign3A_200 : i32
          %sign3A_202 = arith.extui %sign3A_201 : i1 to i32
          %sign3A_203 = arith.constant 0 : i32
          %sign3A_204 = arith.cmpi slt, %jit3A_191, %sign3A_203 : i32
          %sign3A_205 = arith.extui %sign3A_204 : i1 to i32
          %sign3A_206 = arith.subi %sign3A_202, %sign3A_205 : i32
          %ne3A_207 = arith.cmpi ne, %sign3A_199, %sign3A_206 : i32
          %rem3A_208 = arith.remsi %sub3A_190, %jit3A_191 : i32
          %ne3A_209 = arith.constant 0 : i32
          %ne3A_210 = arith.cmpi ne, %rem3A_208, %ne3A_209 : i32
          %and3A_211 = arith.andi %ne3A_207, %ne3A_210 : i1
          %sub3A_212 = arith.constant 1 : i32
          %sub3A_213 = arith.subi %div3A_192, %sub3A_212 : i32
          %select_n3A_214 = arith.select %and3A_211, %sub3A_213, %div3A_192 : i32
          %while3A_215 = arith.constant 0 : i32
          %while3A_216 = arith.constant 0 : i32
          %while3A_217 = arith.subi %select_n3A_214, %while3A_215 : i32
          %while3A_218 = arith.addi %while3A_215, %while3A_217 : i32
          %while3A_219 = arith.constant 1 : i32
          %while3A_220 = arith.divsi %while3A_217, %while3A_219 : i32
          %while3A_221 = arith.muli %while3A_220, %while3A_219 : i32
          %while3A_222 = arith.addi %while3A_215, %while3A_221 : i32
          %while3A_223 = arith.constant 1 : i32
          %while3A_224 = scf.for %while3A_238 = %while3A_215 to %while3A_222 step %while3A_223 iter_args(%while3A_239 = %while3A_216) -> (i32)  : i32 {
            %mul3A_240 = arith.constant 16 : i32
            %mul3A_241 = arith.muli %while3A_238, %mul3A_240 : i32
            %add3A_242 = arith.addi %mul3A_183, %mul3A_241 : i32
            %multiple_of3A = tpu.assume_multiple %add3A_242, 16 : i32
            %add3A_243 = vector.broadcast %multiple_of3A : i32 to vector<16xi32>
            %add3A_244 = arith.addi %add3A_243, %iota3A : vector<16xi32>
            %get3A = arith.index_cast %multiple_of3A : i32 to index
            %get3A_245 = tpu.vector_load %arg7[%get3A] {strides = array<i32>} : memref<16416xi32, #tpu.memory_space<vmem>>, vector<16xi32>,
            %get3A_246 = arith.index_cast %multiple_of3A : i32 to index
            %get3A_247 = tpu.vector_load %arg8[%get3A_246] {strides = array<i32>} : memref<16416xi32, #tpu.memory_space<vmem>>, vector<16xi32>,
            %ge3A = vector.broadcast %add3A_139 : i32 to vector<16xi32>
            %ge3A_248 = arith.cmpi sge, %get3A_245, %ge3A : vector<16xi32>
            %add3A_249 = arith.constant 256 : i32
            %add3A_250 = arith.addi %add3A_139, %add3A_249 : i32
            %lt3A_251 = vector.broadcast %add3A_250 : i32 to vector<16xi32>
            %lt3A_252 = arith.cmpi slt, %get3A_245, %lt3A_251 : vector<16xi32>
            %and3A_253 = arith.andi %ge3A_248, %lt3A_252 : vector<16xi1>
            %lt3A_254 = vector.broadcast %scan3A_70 : i32 to vector<16xi32>
            %lt3A_255 = arith.cmpi slt, %add3A_244, %lt3A_254 : vector<16xi32>
            %and3A_256 = arith.andi %and3A_253, %lt3A_255 : vector<16xi1>
            %swap3A = arith.index_cast %while3A_239 : i32 to index
            %swap3A_257 = tpu.vector_load %arg9[%swap3A] masked %and3A_256 {strides = array<i32>} : memref<2064xi32, #tpu.memory_space<vmem>>, vector<16xi32>, vector<16xi1>
            tpu.vector_store %arg9[%swap3A], %get3A_245 masked %and3A_256 {strides = array<i32>} : memref<2064xi32, #tpu.memory_space<vmem>>, vector<16xi32>, vector<16xi1>
            %swap3A_258 = arith.index_cast %while3A_239 : i32 to index
            %swap3A_259 = tpu.vector_load %arg10[%swap3A_258] masked %and3A_256 {strides = array<i32>} : memref<2064xi32, #tpu.memory_space<vmem>>, vector<16xi32>, vector<16xi1>
            tpu.vector_store %arg10[%swap3A_258], %get3A_247 masked %and3A_256 {strides = array<i32>} : memref<2064xi32, #tpu.memory_space<vmem>>, vector<16xi32>, vector<16xi1>
            %all_reduce_population_count3A = tpu.all_reduce %and3A_256 {dim = 0 : i64, kind = #tpu.reduction_kind<sum>} : vector<16xi1> -> vector<16xi32>
            %slice3A = vector.extract_strided_slice %all_reduce_population_count3A {offsets = [0], sizes = [1], strides = [1]} : vector<16xi32> to vector<1xi32>
            %squeeze3A = vector.extract %slice3A[0] : i32 from vector<1xi32>
            %add3A_260 = arith.addi %while3A_239, %squeeze3A : i32
            scf.yield %add3A_260 : i32
          }
          %while3A_225 = arith.constant 1 : i32
          %while3A_226 = scf.for %while3A_238 = %while3A_222 to %while3A_218 step %while3A_225 iter_args(%while3A_239 = %while3A_224) -> (i32)  : i32 {
            %mul3A_240 = arith.constant 16 : i32
            %mul3A_241 = arith.muli %while3A_238, %mul3A_240 : i32
            %add3A_242 = arith.addi %mul3A_183, %mul3A_241 : i32
            %multiple_of3A = tpu.assume_multiple %add3A_242, 16 : i32
            %add3A_243 = vector.broadcast %multiple_of3A : i32 to vector<16xi32>
            %add3A_244 = arith.addi %add3A_243, %iota3A : vector<16xi32>
            %get3A = arith.index_cast %multiple_of3A : i32 to index
            %get3A_245 = tpu.vector_load %arg7[%get3A] {strides = array<i32>} : memref<16416xi32, #tpu.memory_space<vmem>>, vector<16xi32>,
            %get3A_246 = arith.index_cast %multiple_of3A : i32 to index
            %get3A_247 = tpu.vector_load %arg8[%get3A_246] {strides = array<i32>} : memref<16416xi32, #tpu.memory_space<vmem>>, vector<16xi32>,
            %ge3A = vector.broadcast %add3A_139 : i32 to vector<16xi32>
            %ge3A_248 = arith.cmpi sge, %get3A_245, %ge3A : vector<16xi32>
            %add3A_249 = arith.constant 256 : i32
            %add3A_250 = arith.addi %add3A_139, %add3A_249 : i32
            %lt3A_251 = vector.broadcast %add3A_250 : i32 to vector<16xi32>
            %lt3A_252 = arith.cmpi slt, %get3A_245, %lt3A_251 : vector<16xi32>
            %and3A_253 = arith.andi %ge3A_248, %lt3A_252 : vector<16xi1>
            %lt3A_254 = vector.broadcast %scan3A_70 : i32 to vector<16xi32>
            %lt3A_255 = arith.cmpi slt, %add3A_244, %lt3A_254 : vector<16xi32>
            %and3A_256 = arith.andi %and3A_253, %lt3A_255 : vector<16xi1>
            %swap3A = arith.index_cast %while3A_239 : i32 to index
            %swap3A_257 = tpu.vector_load %arg9[%swap3A] masked %and3A_256 {strides = array<i32>} : memref<2064xi32, #tpu.memory_space<vmem>>, vector<16xi32>, vector<16xi1>
            tpu.vector_store %arg9[%swap3A], %get3A_245 masked %and3A_256 {strides = array<i32>} : memref<2064xi32, #tpu.memory_space<vmem>>, vector<16xi32>, vector<16xi1>
            %swap3A_258 = arith.index_cast %while3A_239 : i32 to index
            %swap3A_259 = tpu.vector_load %arg10[%swap3A_258] masked %and3A_256 {strides = array<i32>} : memref<2064xi32, #tpu.memory_space<vmem>>, vector<16xi32>, vector<16xi1>
            tpu.vector_store %arg10[%swap3A_258], %get3A_247 masked %and3A_256 {strides = array<i32>} : memref<2064xi32, #tpu.memory_space<vmem>>, vector<16xi32>, vector<16xi1>
            %all_reduce_population_count3A = tpu.all_reduce %and3A_256 {dim = 0 : i64, kind = #tpu.reduction_kind<sum>} : vector<16xi1> -> vector<16xi32>
            %slice3A = vector.extract_strided_slice %all_reduce_population_count3A {offsets = [0], sizes = [1], strides = [1]} : vector<16xi32> to vector<1xi32>
            %squeeze3A = vector.extract %slice3A[0] : i32 from vector<1xi32>
            %add3A_260 = arith.addi %while3A_239, %squeeze3A : i32
            scf.yield %add3A_260 : i32
          }
          %while3A_227 = arith.constant 0 : i32
          %while3A_228 = arith.subi %while3A_226, %while3A_227 : i32
          %while3A_229 = arith.addi %while3A_227, %while3A_228 : i32
          %while3A_230 = arith.constant 1 : i32
          %while3A_231 = arith.divsi %while3A_228, %while3A_230 : i32
          %while3A_232 = arith.muli %while3A_231, %while3A_230 : i32
          %while3A_233 = arith.addi %while3A_227, %while3A_232 : i32
          %while3A_234 = arith.constant 1 : i32
          %while3A_235 = scf.for %while3A_238 = %while3A_227 to %while3A_233 step %while3A_234 iter_args(%while3A_239 = %while3A_181) -> (i32)  : i32 {
            %shift_right_arithmetic3A = arith.constant 4 : i32
            %shift_right_arithmetic3A_240 = arith.shrsi %while3A_238, %shift_right_arithmetic3A : i32
            %mul3A_241 = arith.constant 16 : i32
            %mul3A_242 = arith.muli %shift_right_arithmetic3A_240, %mul3A_241 : i32
            %multiple_of3A = tpu.assume_multiple %mul3A_242, 16 : i32
            %and3A_243 = arith.constant 15 : i32
            %and3A_244 = arith.andi %while3A_238, %and3A_243 : i32
            %broadcast_in_dim3A = vector.broadcast %and3A_244 : i32 to vector<16xi32>
            %get3A = arith.index_cast %multiple_of3A : i32 to index
            %get3A_245 = tpu.vector_load %arg9[%get3A] {strides = array<i32>} : memref<2064xi32, #tpu.memory_space<vmem>>, vector<16xi32>,
            %lt3A_246 = arith.constant 0 : i32
            %lt3A_247 = vector.broadcast %lt3A_246 : i32 to vector<16xi32>
            %lt3A_248 = arith.cmpi slt, %broadcast_in_dim3A, %lt3A_247 : vector<16xi32>
            %add3A_249 = arith.constant 16 : i32
            %add3A_250 = vector.broadcast %add3A_249 : i32 to vector<16xi32>
            %add3A_251 = arith.addi %broadcast_in_dim3A, %add3A_250 : vector<16xi32>
            %select_n3A_252 = arith.select %lt3A_248, %add3A_251, %broadcast_in_dim3A : vector<16xi1>, vector<16xi32>
            %broadcast_in_dim3A_253 = vector.shape_cast %select_n3A_252 : vector<16xi32> to vector<16x1xi32>
            %gather3A = vector.shape_cast %broadcast_in_dim3A_253 : vector<16x1xi32> to vector<16xi32>
            %gather3A_254 = tpu.dynamic_gather %get3A_245[%gather3A] in [0] : vector<16xi32>, vector<16xi32> -> vector<16xi32>
            %get3A_255 = arith.index_cast %multiple_of3A : i32 to index
            %get3A_256 = tpu.vector_load %arg10[%get3A_255] {strides = array<i32>} : memref<2064xi32, #tpu.memory_space<vmem>>, vector<16xi32>,
            %lt3A_257 = arith.constant 0 : i32
            %lt3A_258 = vector.broadcast %lt3A_257 : i32 to vector<16xi32>
            %lt3A_259 = arith.cmpi slt, %broadcast_in_dim3A, %lt3A_258 : vector<16xi32>
            %add3A_260 = arith.constant 16 : i32
            %add3A_261 = vector.broadcast %add3A_260 : i32 to vector<16xi32>
            %add3A_262 = arith.addi %broadcast_in_dim3A, %add3A_261 : vector<16xi32>
            %select_n3A_263 = arith.select %lt3A_259, %add3A_262, %broadcast_in_dim3A : vector<16xi1>, vector<16xi32>
            %broadcast_in_dim3A_264 = vector.shape_cast %select_n3A_263 : vector<16xi32> to vector<16x1xi32>
            %gather3A_265 = vector.shape_cast %broadcast_in_dim3A_264 : vector<16x1xi32> to vector<16xi32>
            %gather3A_266 = tpu.dynamic_gather %get3A_256[%gather3A_265] in [0] : vector<16xi32>, vector<16xi32> -> vector<16xi32>
            %slice3A = vector.extract_strided_slice %gather3A_266 {offsets = [0], sizes = [1], strides = [1]} : vector<16xi32> to vector<1xi32>
            %squeeze3A = vector.extract %slice3A[0] : i32 from vector<1xi32>
            %rem3A_267 = arith.constant 32 : i32
            %rem3A_268 = arith.remsi %while3A_239, %rem3A_267 : i32
            %ge3A = arith.constant 32 : i32
            %ge3A_269 = arith.cmpi sge, %while3A_239, %ge3A : i32
            %convert_element_type3A_270 = arith.extui %ge3A_269 : i1 to i32
            %cond3A_271 = arith.constant 0 : i32
            %cond3A_272 = arith.cmpi ne, %convert_element_type3A_270, %cond3A_271 : i32
            scf.if %cond3A_272 {
              %dma_wait3A_350 = arith.constant 0 : i32
              %dma_wait3A_351 = tpu.memref_slice %arg13[%dma_wait3A_350] : memref<2048xf32, #tpu.memory_space<vmem>> -> memref<64xf32, #tpu.memory_space<vmem>>
              %dma_wait3A_352 = arith.constant 0 : i32
              %dma_wait3A_353 = tpu.memref_slice %arg5[%dma_wait3A_352] : memref<2097152xf32, #tpu.memory_space<hbm>> -> memref<64xf32, #tpu.memory_space<hbm>>
              %dma_wait3A_354 = arith.constant 0 : i32
              %dma_wait3A_355 = tpu.memref_slice %arg13[%dma_wait3A_354] : memref<2048xf32, #tpu.memory_space<vmem>> -> memref<64xf32, #tpu.memory_space<vmem>>
              %dma_wait3A_356 = arith.constant 0 : i32
              %dma_wait3A_357 = tpu.memref_slice %arg5[%dma_wait3A_356] : memref<2097152xf32, #tpu.memory_space<hbm>> -> memref<64xf32, #tpu.memory_space<hbm>>
              tpu.wait_dma2 semaphore(%arg18 : memref<!tpu.dma_semaphore, #tpu.memory_space<semaphore_mem>>) src(%dma_wait3A_357 : memref<64xf32, #tpu.memory_space<hbm>>) dst(%dma_wait3A_355 : memref<64xf32, #tpu.memory_space<vmem>>)
            } else {
            }
            %add3A_273 = arith.constant 0 : i32
            %add3A_274 = vector.broadcast %add3A_273 : i32 to vector<16xi32>
            %add3A_275 = arith.addi %iota3A, %add3A_274 : vector<16xi32>
            %sub3A_276 = vector.broadcast %add3A_139 : i32 to vector<16xi32>
            %sub3A_277 = arith.subi %gather3A_254, %sub3A_276 : vector<16xi32>
            %gather3A_278 = arith.constant 0 : i32
            %gather3A_279 = arith.constant 0 : i32
            %gather3A_280 = tpu.memref_slice %arg11[%while3A_162, %gather3A_278, %gather3A_279] : memref<4x64x256xf32, #tpu.memory_space<vmem>> -> memref<1x64x256xf32, #tpu.memory_space<vmem>>
            %gather3A_281 = tpu.memref_squeeze %gather3A_280 : memref<1x64x256xf32, #tpu.memory_space<vmem>> -> memref<64x256xf32, #tpu.memory_space<vmem>>
            %gather3A_282 = tpu.vector_load_idx %gather3A_281[%add3A_275, %sub3A_277] : memref<64x256xf32, #tpu.memory_space<vmem>>[vector<16xi32>, vector<16xi32>], vector<16xf32>,
            %mul3A_283 = arith.constant 64 : i32
            %mul3A_284 = arith.muli %rem3A_268, %mul3A_283 : i32
            %add3A_285 = arith.constant 0 : i32
            %add3A_286 = arith.addi %mul3A_284, %add3A_285 : i32
            %multiple_of3A_287 = tpu.assume_multiple %add3A_286, 16 : i32
            %swap3A = arith.index_cast %multiple_of3A_287 : i32 to index
            %swap3A_288 = tpu.vector_load %arg13[%swap3A] {strides = array<i32>} : memref<2048xf32, #tpu.memory_space<vmem>>, vector<16xf32>,
            tpu.vector_store %arg13[%swap3A], %gather3A_282 {strides = array<i32>} : memref<2048xf32, #tpu.memory_space<vmem>>, vector<16xf32>,
            %add3A_289 = arith.constant 16 : i32
            %add3A_290 = vector.broadcast %add3A_289 : i32 to vector<16xi32>
            %add3A_291 = arith.addi %iota3A, %add3A_290 : vector<16xi32>
            %sub3A_292 = vector.broadcast %add3A_139 : i32 to vector<16xi32>
            %sub3A_293 = arith.subi %gather3A_254, %sub3A_292 : vector<16xi32>
            %gather3A_294 = arith.constant 0 : i32
            %gather3A_295 = arith.constant 0 : i32
            %gather3A_296 = tpu.memref_slice %arg11[%while3A_162, %gather3A_294, %gather3A_295] : memref<4x64x256xf32, #tpu.memory_space<vmem>> -> memref<1x64x256xf32, #tpu.memory_space<vmem>>
            %gather3A_297 = tpu.memref_squeeze %gather3A_296 : memref<1x64x256xf32, #tpu.memory_space<vmem>> -> memref<64x256xf32, #tpu.memory_space<vmem>>
            %gather3A_298 = tpu.vector_load_idx %gather3A_297[%add3A_291, %sub3A_293] : memref<64x256xf32, #tpu.memory_space<vmem>>[vector<16xi32>, vector<16xi32>], vector<16xf32>,
            %mul3A_299 = arith.constant 64 : i32
            %mul3A_300 = arith.muli %rem3A_268, %mul3A_299 : i32
            %add3A_301 = arith.constant 16 : i32
            %add3A_302 = arith.addi %mul3A_300, %add3A_301 : i32
            %multiple_of3A_303 = tpu.assume_multiple %add3A_302, 16 : i32
            %swap3A_304 = arith.index_cast %multiple_of3A_303 : i32 to index
            %swap3A_305 = tpu.vector_load %arg13[%swap3A_304] {strides = array<i32>} : memref<2048xf32, #tpu.memory_space<vmem>>, vector<16xf32>,
            tpu.vector_store %arg13[%swap3A_304], %gather3A_298 {strides = array<i32>} : memref<2048xf32, #tpu.memory_space<vmem>>, vector<16xf32>,
            %add3A_306 = arith.constant 32 : i32
            %add3A_307 = vector.broadcast %add3A_306 : i32 to vector<16xi32>
            %add3A_308 = arith.addi %iota3A, %add3A_307 : vector<16xi32>
            %sub3A_309 = vector.broadcast %add3A_139 : i32 to vector<16xi32>
            %sub3A_310 = arith.subi %gather3A_254, %sub3A_309 : vector<16xi32>
            %gather3A_311 = arith.constant 0 : i32
            %gather3A_312 = arith.constant 0 : i32
            %gather3A_313 = tpu.memref_slice %arg11[%while3A_162, %gather3A_311, %gather3A_312] : memref<4x64x256xf32, #tpu.memory_space<vmem>> -> memref<1x64x256xf32, #tpu.memory_space<vmem>>
            %gather3A_314 = tpu.memref_squeeze %gather3A_313 : memref<1x64x256xf32, #tpu.memory_space<vmem>> -> memref<64x256xf32, #tpu.memory_space<vmem>>
            %gather3A_315 = tpu.vector_load_idx %gather3A_314[%add3A_308, %sub3A_310] : memref<64x256xf32, #tpu.memory_space<vmem>>[vector<16xi32>, vector<16xi32>], vector<16xf32>,
            %mul3A_316 = arith.constant 64 : i32
            %mul3A_317 = arith.muli %rem3A_268, %mul3A_316 : i32
            %add3A_318 = arith.constant 32 : i32
            %add3A_319 = arith.addi %mul3A_317, %add3A_318 : i32
            %multiple_of3A_320 = tpu.assume_multiple %add3A_319, 16 : i32
            %swap3A_321 = arith.index_cast %multiple_of3A_320 : i32 to index
            %swap3A_322 = tpu.vector_load %arg13[%swap3A_321] {strides = array<i32>} : memref<2048xf32, #tpu.memory_space<vmem>>, vector<16xf32>,
            tpu.vector_store %arg13[%swap3A_321], %gather3A_315 {strides = array<i32>} : memref<2048xf32, #tpu.memory_space<vmem>>, vector<16xf32>,
            %add3A_323 = arith.constant 48 : i32
            %add3A_324 = vector.broadcast %add3A_323 : i32 to vector<16xi32>
            %add3A_325 = arith.addi %iota3A, %add3A_324 : vector<16xi32>
            %sub3A_326 = vector.broadcast %add3A_139 : i32 to vector<16xi32>
            %sub3A_327 = arith.subi %gather3A_254, %sub3A_326 : vector<16xi32>
            %gather3A_328 = arith.constant 0 : i32
            %gather3A_329 = arith.constant 0 : i32
            %gather3A_330 = tpu.memref_slice %arg11[%while3A_162, %gather3A_328, %gather3A_329] : memref<4x64x256xf32, #tpu.memory_space<vmem>> -> memref<1x64x256xf32, #tpu.memory_space<vmem>>
            %gather3A_331 = tpu.memref_squeeze %gather3A_330 : memref<1x64x256xf32, #tpu.memory_space<vmem>> -> memref<64x256xf32, #tpu.memory_space<vmem>>
            %gather3A_332 = tpu.vector_load_idx %gather3A_331[%add3A_325, %sub3A_327] : memref<64x256xf32, #tpu.memory_space<vmem>>[vector<16xi32>, vector<16xi32>], vector<16xf32>,
            %mul3A_333 = arith.constant 64 : i32
            %mul3A_334 = arith.muli %rem3A_268, %mul3A_333 : i32
            %add3A_335 = arith.constant 48 : i32
            %add3A_336 = arith.addi %mul3A_334, %add3A_335 : i32
            %multiple_of3A_337 = tpu.assume_multiple %add3A_336, 16 : i32
            %swap3A_338 = arith.index_cast %multiple_of3A_337 : i32 to index
            %swap3A_339 = tpu.vector_load %arg13[%swap3A_338] {strides = array<i32>} : memref<2048xf32, #tpu.memory_space<vmem>>, vector<16xf32>,
            tpu.vector_store %arg13[%swap3A_338], %gather3A_332 {strides = array<i32>} : memref<2048xf32, #tpu.memory_space<vmem>>, vector<16xf32>,
            %mul3A_340 = arith.constant 64 : i32
            %mul3A_341 = arith.muli %rem3A_268, %mul3A_340 : i32
            %mul3A_342 = arith.constant 128 : i32
            %mul3A_343 = arith.muli %squeeze3A, %mul3A_342 : i32
            %dma_start3A_344 = tpu.memref_slice %arg13[%mul3A_341] : memref<2048xf32, #tpu.memory_space<vmem>> -> memref<64xf32, #tpu.memory_space<vmem>>
            %dma_start3A_345 = tpu.memref_slice %arg5[%mul3A_343] : memref<2097152xf32, #tpu.memory_space<hbm>> -> memref<64xf32, #tpu.memory_space<hbm>>
            %dma_start3A_346 = tpu.memref_slice %arg5[%mul3A_343] : memref<2097152xf32, #tpu.memory_space<hbm>> -> memref<64xf32, #tpu.memory_space<hbm>>
            %dma_start3A_347 = tpu.memref_slice %arg13[%mul3A_341] : memref<2048xf32, #tpu.memory_space<vmem>> -> memref<64xf32, #tpu.memory_space<vmem>>
            tpu.enqueue_dma source(%dma_start3A_347 : memref<64xf32, #tpu.memory_space<vmem>>) target(%dma_start3A_346 : memref<64xf32, #tpu.memory_space<hbm>>) target_semaphore(%arg18 : memref<!tpu.dma_semaphore, #tpu.memory_space<semaphore_mem>>)
            %add3A_348 = arith.constant 1 : i32
            %add3A_349 = arith.addi %while3A_239, %add3A_348 : i32
            scf.yield %add3A_349 : i32
          }
          %while3A_236 = arith.constant 1 : i32
          %while3A_237 = scf.for %while3A_238 = %while3A_233 to %while3A_229 step %while3A_236 iter_args(%while3A_239 = %while3A_235) -> (i32)  : i32 {
            %shift_right_arithmetic3A = arith.constant 4 : i32
            %shift_right_arithmetic3A_240 = arith.shrsi %while3A_238, %shift_right_arithmetic3A : i32
            %mul3A_241 = arith.constant 16 : i32
            %mul3A_242 = arith.muli %shift_right_arithmetic3A_240, %mul3A_241 : i32
            %multiple_of3A = tpu.assume_multiple %mul3A_242, 16 : i32
            %and3A_243 = arith.constant 15 : i32
            %and3A_244 = arith.andi %while3A_238, %and3A_243 : i32
            %broadcast_in_dim3A = vector.broadcast %and3A_244 : i32 to vector<16xi32>
            %get3A = arith.index_cast %multiple_of3A : i32 to index
            %get3A_245 = tpu.vector_load %arg9[%get3A] {strides = array<i32>} : memref<2064xi32, #tpu.memory_space<vmem>>, vector<16xi32>,
            %lt3A_246 = arith.constant 0 : i32
            %lt3A_247 = vector.broadcast %lt3A_246 : i32 to vector<16xi32>
            %lt3A_248 = arith.cmpi slt, %broadcast_in_dim3A, %lt3A_247 : vector<16xi32>
            %add3A_249 = arith.constant 16 : i32
            %add3A_250 = vector.broadcast %add3A_249 : i32 to vector<16xi32>
            %add3A_251 = arith.addi %broadcast_in_dim3A, %add3A_250 : vector<16xi32>
            %select_n3A_252 = arith.select %lt3A_248, %add3A_251, %broadcast_in_dim3A : vector<16xi1>, vector<16xi32>
            %broadcast_in_dim3A_253 = vector.shape_cast %select_n3A_252 : vector<16xi32> to vector<16x1xi32>
            %gather3A = vector.shape_cast %broadcast_in_dim3A_253 : vector<16x1xi32> to vector<16xi32>
            %gather3A_254 = tpu.dynamic_gather %get3A_245[%gather3A] in [0] : vector<16xi32>, vector<16xi32> -> vector<16xi32>
            %get3A_255 = arith.index_cast %multiple_of3A : i32 to index
            %get3A_256 = tpu.vector_load %arg10[%get3A_255] {strides = array<i32>} : memref<2064xi32, #tpu.memory_space<vmem>>, vector<16xi32>,
            %lt3A_257 = arith.constant 0 : i32
            %lt3A_258 = vector.broadcast %lt3A_257 : i32 to vector<16xi32>
            %lt3A_259 = arith.cmpi slt, %broadcast_in_dim3A, %lt3A_258 : vector<16xi32>
            %add3A_260 = arith.constant 16 : i32
            %add3A_261 = vector.broadcast %add3A_260 : i32 to vector<16xi32>
            %add3A_262 = arith.addi %broadcast_in_dim3A, %add3A_261 : vector<16xi32>
            %select_n3A_263 = arith.select %lt3A_259, %add3A_262, %broadcast_in_dim3A : vector<16xi1>, vector<16xi32>
            %broadcast_in_dim3A_264 = vector.shape_cast %select_n3A_263 : vector<16xi32> to vector<16x1xi32>
            %gather3A_265 = vector.shape_cast %broadcast_in_dim3A_264 : vector<16x1xi32> to vector<16xi32>
            %gather3A_266 = tpu.dynamic_gather %get3A_256[%gather3A_265] in [0] : vector<16xi32>, vector<16xi32> -> vector<16xi32>
            %slice3A = vector.extract_strided_slice %gather3A_266 {offsets = [0], sizes = [1], strides = [1]} : vector<16xi32> to vector<1xi32>
            %squeeze3A = vector.extract %slice3A[0] : i32 from vector<1xi32>
            %rem3A_267 = arith.constant 32 : i32
            %rem3A_268 = arith.remsi %while3A_239, %rem3A_267 : i32
            %ge3A = arith.constant 32 : i32
            %ge3A_269 = arith.cmpi sge, %while3A_239, %ge3A : i32
            %convert_element_type3A_270 = arith.extui %ge3A_269 : i1 to i32
            %cond3A_271 = arith.constant 0 : i32
            %cond3A_272 = arith.cmpi ne, %convert_element_type3A_270, %cond3A_271 : i32
            scf.if %cond3A_272 {
              %dma_wait3A_350 = arith.constant 0 : i32
              %dma_wait3A_351 = tpu.memref_slice %arg13[%dma_wait3A_350] : memref<2048xf32, #tpu.memory_space<vmem>> -> memref<64xf32, #tpu.memory_space<vmem>>
              %dma_wait3A_352 = arith.constant 0 : i32
              %dma_wait3A_353 = tpu.memref_slice %arg5[%dma_wait3A_352] : memref<2097152xf32, #tpu.memory_space<hbm>> -> memref<64xf32, #tpu.memory_space<hbm>>
              %dma_wait3A_354 = arith.constant 0 : i32
              %dma_wait3A_355 = tpu.memref_slice %arg13[%dma_wait3A_354] : memref<2048xf32, #tpu.memory_space<vmem>> -> memref<64xf32, #tpu.memory_space<vmem>>
              %dma_wait3A_356 = arith.constant 0 : i32
              %dma_wait3A_357 = tpu.memref_slice %arg5[%dma_wait3A_356] : memref<2097152xf32, #tpu.memory_space<hbm>> -> memref<64xf32, #tpu.memory_space<hbm>>
              tpu.wait_dma2 semaphore(%arg18 : memref<!tpu.dma_semaphore, #tpu.memory_space<semaphore_mem>>) src(%dma_wait3A_357 : memref<64xf32, #tpu.memory_space<hbm>>) dst(%dma_wait3A_355 : memref<64xf32, #tpu.memory_space<vmem>>)
            } else {
            }
            %add3A_273 = arith.constant 0 : i32
            %add3A_274 = vector.broadcast %add3A_273 : i32 to vector<16xi32>
            %add3A_275 = arith.addi %iota3A, %add3A_274 : vector<16xi32>
            %sub3A_276 = vector.broadcast %add3A_139 : i32 to vector<16xi32>
            %sub3A_277 = arith.subi %gather3A_254, %sub3A_276 : vector<16xi32>
            %gather3A_278 = arith.constant 0 : i32
            %gather3A_279 = arith.constant 0 : i32
            %gather3A_280 = tpu.memref_slice %arg11[%while3A_162, %gather3A_278, %gather3A_279] : memref<4x64x256xf32, #tpu.memory_space<vmem>> -> memref<1x64x256xf32, #tpu.memory_space<vmem>>
            %gather3A_281 = tpu.memref_squeeze %gather3A_280 : memref<1x64x256xf32, #tpu.memory_space<vmem>> -> memref<64x256xf32, #tpu.memory_space<vmem>>
            %gather3A_282 = tpu.vector_load_idx %gather3A_281[%add3A_275, %sub3A_277] : memref<64x256xf32, #tpu.memory_space<vmem>>[vector<16xi32>, vector<16xi32>], vector<16xf32>,
            %mul3A_283 = arith.constant 64 : i32
            %mul3A_284 = arith.muli %rem3A_268, %mul3A_283 : i32
            %add3A_285 = arith.constant 0 : i32
            %add3A_286 = arith.addi %mul3A_284, %add3A_285 : i32
            %multiple_of3A_287 = tpu.assume_multiple %add3A_286, 16 : i32
            %swap3A = arith.index_cast %multiple_of3A_287 : i32 to index
            %swap3A_288 = tpu.vector_load %arg13[%swap3A] {strides = array<i32>} : memref<2048xf32, #tpu.memory_space<vmem>>, vector<16xf32>,
            tpu.vector_store %arg13[%swap3A], %gather3A_282 {strides = array<i32>} : memref<2048xf32, #tpu.memory_space<vmem>>, vector<16xf32>,
            %add3A_289 = arith.constant 16 : i32
            %add3A_290 = vector.broadcast %add3A_289 : i32 to vector<16xi32>
            %add3A_291 = arith.addi %iota3A, %add3A_290 : vector<16xi32>
            %sub3A_292 = vector.broadcast %add3A_139 : i32 to vector<16xi32>
            %sub3A_293 = arith.subi %gather3A_254, %sub3A_292 : vector<16xi32>
            %gather3A_294 = arith.constant 0 : i32
            %gather3A_295 = arith.constant 0 : i32
            %gather3A_296 = tpu.memref_slice %arg11[%while3A_162, %gather3A_294, %gather3A_295] : memref<4x64x256xf32, #tpu.memory_space<vmem>> -> memref<1x64x256xf32, #tpu.memory_space<vmem>>
            %gather3A_297 = tpu.memref_squeeze %gather3A_296 : memref<1x64x256xf32, #tpu.memory_space<vmem>> -> memref<64x256xf32, #tpu.memory_space<vmem>>
            %gather3A_298 = tpu.vector_load_idx %gather3A_297[%add3A_291, %sub3A_293] : memref<64x256xf32, #tpu.memory_space<vmem>>[vector<16xi32>, vector<16xi32>], vector<16xf32>,
            %mul3A_299 = arith.constant 64 : i32
            %mul3A_300 = arith.muli %rem3A_268, %mul3A_299 : i32
            %add3A_301 = arith.constant 16 : i32
            %add3A_302 = arith.addi %mul3A_300, %add3A_301 : i32
            %multiple_of3A_303 = tpu.assume_multiple %add3A_302, 16 : i32
            %swap3A_304 = arith.index_cast %multiple_of3A_303 : i32 to index
            %swap3A_305 = tpu.vector_load %arg13[%swap3A_304] {strides = array<i32>} : memref<2048xf32, #tpu.memory_space<vmem>>, vector<16xf32>,
            tpu.vector_store %arg13[%swap3A_304], %gather3A_298 {strides = array<i32>} : memref<2048xf32, #tpu.memory_space<vmem>>, vector<16xf32>,
            %add3A_306 = arith.constant 32 : i32
            %add3A_307 = vector.broadcast %add3A_306 : i32 to vector<16xi32>
            %add3A_308 = arith.addi %iota3A, %add3A_307 : vector<16xi32>
            %sub3A_309 = vector.broadcast %add3A_139 : i32 to vector<16xi32>
            %sub3A_310 = arith.subi %gather3A_254, %sub3A_309 : vector<16xi32>
            %gather3A_311 = arith.constant 0 : i32
            %gather3A_312 = arith.constant 0 : i32
            %gather3A_313 = tpu.memref_slice %arg11[%while3A_162, %gather3A_311, %gather3A_312] : memref<4x64x256xf32, #tpu.memory_space<vmem>> -> memref<1x64x256xf32, #tpu.memory_space<vmem>>
            %gather3A_314 = tpu.memref_squeeze %gather3A_313 : memref<1x64x256xf32, #tpu.memory_space<vmem>> -> memref<64x256xf32, #tpu.memory_space<vmem>>
            %gather3A_315 = tpu.vector_load_idx %gather3A_314[%add3A_308, %sub3A_310] : memref<64x256xf32, #tpu.memory_space<vmem>>[vector<16xi32>, vector<16xi32>], vector<16xf32>,
            %mul3A_316 = arith.constant 64 : i32
            %mul3A_317 = arith.muli %rem3A_268, %mul3A_316 : i32
            %add3A_318 = arith.constant 32 : i32
            %add3A_319 = arith.addi %mul3A_317, %add3A_318 : i32
            %multiple_of3A_320 = tpu.assume_multiple %add3A_319, 16 : i32
            %swap3A_321 = arith.index_cast %multiple_of3A_320 : i32 to index
            %swap3A_322 = tpu.vector_load %arg13[%swap3A_321] {strides = array<i32>} : memref<2048xf32, #tpu.memory_space<vmem>>, vector<16xf32>,
            tpu.vector_store %arg13[%swap3A_321], %gather3A_315 {strides = array<i32>} : memref<2048xf32, #tpu.memory_space<vmem>>, vector<16xf32>,
            %add3A_323 = arith.constant 48 : i32
            %add3A_324 = vector.broadcast %add3A_323 : i32 to vector<16xi32>
            %add3A_325 = arith.addi %iota3A, %add3A_324 : vector<16xi32>
            %sub3A_326 = vector.broadcast %add3A_139 : i32 to vector<16xi32>
            %sub3A_327 = arith.subi %gather3A_254, %sub3A_326 : vector<16xi32>
            %gather3A_328 = arith.constant 0 : i32
            %gather3A_329 = arith.constant 0 : i32
            %gather3A_330 = tpu.memref_slice %arg11[%while3A_162, %gather3A_328, %gather3A_329] : memref<4x64x256xf32, #tpu.memory_space<vmem>> -> memref<1x64x256xf32, #tpu.memory_space<vmem>>
            %gather3A_331 = tpu.memref_squeeze %gather3A_330 : memref<1x64x256xf32, #tpu.memory_space<vmem>> -> memref<64x256xf32, #tpu.memory_space<vmem>>
            %gather3A_332 = tpu.vector_load_idx %gather3A_331[%add3A_325, %sub3A_327] : memref<64x256xf32, #tpu.memory_space<vmem>>[vector<16xi32>, vector<16xi32>], vector<16xf32>,
            %mul3A_333 = arith.constant 64 : i32
            %mul3A_334 = arith.muli %rem3A_268, %mul3A_333 : i32
            %add3A_335 = arith.constant 48 : i32
            %add3A_336 = arith.addi %mul3A_334, %add3A_335 : i32
            %multiple_of3A_337 = tpu.assume_multiple %add3A_336, 16 : i32
            %swap3A_338 = arith.index_cast %multiple_of3A_337 : i32 to index
            %swap3A_339 = tpu.vector_load %arg13[%swap3A_338] {strides = array<i32>} : memref<2048xf32, #tpu.memory_space<vmem>>, vector<16xf32>,
            tpu.vector_store %arg13[%swap3A_338], %gather3A_332 {strides = array<i32>} : memref<2048xf32, #tpu.memory_space<vmem>>, vector<16xf32>,
            %mul3A_340 = arith.constant 64 : i32
            %mul3A_341 = arith.muli %rem3A_268, %mul3A_340 : i32
            %mul3A_342 = arith.constant 128 : i32
            %mul3A_343 = arith.muli %squeeze3A, %mul3A_342 : i32
            %dma_start3A_344 = tpu.memref_slice %arg13[%mul3A_341] : memref<2048xf32, #tpu.memory_space<vmem>> -> memref<64xf32, #tpu.memory_space<vmem>>
            %dma_start3A_345 = tpu.memref_slice %arg5[%mul3A_343] : memref<2097152xf32, #tpu.memory_space<hbm>> -> memref<64xf32, #tpu.memory_space<hbm>>
            %dma_start3A_346 = tpu.memref_slice %arg5[%mul3A_343] : memref<2097152xf32, #tpu.memory_space<hbm>> -> memref<64xf32, #tpu.memory_space<hbm>>
            %dma_start3A_347 = tpu.memref_slice %arg13[%mul3A_341] : memref<2048xf32, #tpu.memory_space<vmem>> -> memref<64xf32, #tpu.memory_space<vmem>>
            tpu.enqueue_dma source(%dma_start3A_347 : memref<64xf32, #tpu.memory_space<vmem>>) target(%dma_start3A_346 : memref<64xf32, #tpu.memory_space<hbm>>) target_semaphore(%arg18 : memref<!tpu.dma_semaphore, #tpu.memory_space<semaphore_mem>>)
            %add3A_348 = arith.constant 1 : i32
            %add3A_349 = arith.addi %while3A_239, %add3A_348 : i32
            scf.yield %add3A_349 : i32
          }
          scf.yield %while3A_237 : i32
        }
        %while3A_172 = arith.constant 1 : i32
        %while3A_173 = scf.for %while3A_180 = %while3A_169 to %while3A_165 step %while3A_172 iter_args(%while3A_181 = %while3A_171) -> (i32)  : i32 {
          %mul3A_182 = arith.constant 2048 : i32
          %mul3A_183 = arith.muli %while3A_180, %mul3A_182 : i32
          %sub3A_184 = arith.subi %scan3A_70, %mul3A_183 : i32
          %min3A_185 = arith.constant 2048 : i32
          %min3A_186 = arith.minsi %sub3A_184, %min3A_185 : i32
          %add3A_187 = arith.constant 16 : i32
          %add3A_188 = arith.addi %min3A_186, %add3A_187 : i32
          %sub3A_189 = arith.constant 1 : i32
          %sub3A_190 = arith.subi %add3A_188, %sub3A_189 : i32
          %jit3A_191 = arith.constant 16 : i32
          %div3A_192 = arith.divsi %sub3A_190, %jit3A_191 : i32
          %sign3A_193 = arith.constant 0 : i32
          %sign3A_194 = arith.cmpi sgt, %sub3A_190, %sign3A_193 : i32
          %sign3A_195 = arith.extui %sign3A_194 : i1 to i32
          %sign3A_196 = arith.constant 0 : i32
          %sign3A_197 = arith.cmpi slt, %sub3A_190, %sign3A_196 : i32
          %sign3A_198 = arith.extui %sign3A_197 : i1 to i32
          %sign3A_199 = arith.subi %sign3A_195, %sign3A_198 : i32
          %sign3A_200 = arith.constant 0 : i32
          %sign3A_201 = arith.cmpi sgt, %jit3A_191, %sign3A_200 : i32
          %sign3A_202 = arith.extui %sign3A_201 : i1 to i32
          %sign3A_203 = arith.constant 0 : i32
          %sign3A_204 = arith.cmpi slt, %jit3A_191, %sign3A_203 : i32
          %sign3A_205 = arith.extui %sign3A_204 : i1 to i32
          %sign3A_206 = arith.subi %sign3A_202, %sign3A_205 : i32
          %ne3A_207 = arith.cmpi ne, %sign3A_199, %sign3A_206 : i32
          %rem3A_208 = arith.remsi %sub3A_190, %jit3A_191 : i32
          %ne3A_209 = arith.constant 0 : i32
          %ne3A_210 = arith.cmpi ne, %rem3A_208, %ne3A_209 : i32
          %and3A_211 = arith.andi %ne3A_207, %ne3A_210 : i1
          %sub3A_212 = arith.constant 1 : i32
          %sub3A_213 = arith.subi %div3A_192, %sub3A_212 : i32
          %select_n3A_214 = arith.select %and3A_211, %sub3A_213, %div3A_192 : i32
          %while3A_215 = arith.constant 0 : i32
          %while3A_216 = arith.constant 0 : i32
          %while3A_217 = arith.subi %select_n3A_214, %while3A_215 : i32
          %while3A_218 = arith.addi %while3A_215, %while3A_217 : i32
          %while3A_219 = arith.constant 1 : i32
          %while3A_220 = arith.divsi %while3A_217, %while3A_219 : i32
          %while3A_221 = arith.muli %while3A_220, %while3A_219 : i32
          %while3A_222 = arith.addi %while3A_215, %while3A_221 : i32
          %while3A_223 = arith.constant 1 : i32
          %while3A_224 = scf.for %while3A_238 = %while3A_215 to %while3A_222 step %while3A_223 iter_args(%while3A_239 = %while3A_216) -> (i32)  : i32 {
            %mul3A_240 = arith.constant 16 : i32
            %mul3A_241 = arith.muli %while3A_238, %mul3A_240 : i32
            %add3A_242 = arith.addi %mul3A_183, %mul3A_241 : i32
            %multiple_of3A = tpu.assume_multiple %add3A_242, 16 : i32
            %add3A_243 = vector.broadcast %multiple_of3A : i32 to vector<16xi32>
            %add3A_244 = arith.addi %add3A_243, %iota3A : vector<16xi32>
            %get3A = arith.index_cast %multiple_of3A : i32 to index
            %get3A_245 = tpu.vector_load %arg7[%get3A] {strides = array<i32>} : memref<16416xi32, #tpu.memory_space<vmem>>, vector<16xi32>,
            %get3A_246 = arith.index_cast %multiple_of3A : i32 to index
            %get3A_247 = tpu.vector_load %arg8[%get3A_246] {strides = array<i32>} : memref<16416xi32, #tpu.memory_space<vmem>>, vector<16xi32>,
            %ge3A = vector.broadcast %add3A_139 : i32 to vector<16xi32>
            %ge3A_248 = arith.cmpi sge, %get3A_245, %ge3A : vector<16xi32>
            %add3A_249 = arith.constant 256 : i32
            %add3A_250 = arith.addi %add3A_139, %add3A_249 : i32
            %lt3A_251 = vector.broadcast %add3A_250 : i32 to vector<16xi32>
            %lt3A_252 = arith.cmpi slt, %get3A_245, %lt3A_251 : vector<16xi32>
            %and3A_253 = arith.andi %ge3A_248, %lt3A_252 : vector<16xi1>
            %lt3A_254 = vector.broadcast %scan3A_70 : i32 to vector<16xi32>
            %lt3A_255 = arith.cmpi slt, %add3A_244, %lt3A_254 : vector<16xi32>
            %and3A_256 = arith.andi %and3A_253, %lt3A_255 : vector<16xi1>
            %swap3A = arith.index_cast %while3A_239 : i32 to index
            %swap3A_257 = tpu.vector_load %arg9[%swap3A] masked %and3A_256 {strides = array<i32>} : memref<2064xi32, #tpu.memory_space<vmem>>, vector<16xi32>, vector<16xi1>
            tpu.vector_store %arg9[%swap3A], %get3A_245 masked %and3A_256 {strides = array<i32>} : memref<2064xi32, #tpu.memory_space<vmem>>, vector<16xi32>, vector<16xi1>
            %swap3A_258 = arith.index_cast %while3A_239 : i32 to index
            %swap3A_259 = tpu.vector_load %arg10[%swap3A_258] masked %and3A_256 {strides = array<i32>} : memref<2064xi32, #tpu.memory_space<vmem>>, vector<16xi32>, vector<16xi1>
            tpu.vector_store %arg10[%swap3A_258], %get3A_247 masked %and3A_256 {strides = array<i32>} : memref<2064xi32, #tpu.memory_space<vmem>>, vector<16xi32>, vector<16xi1>
            %all_reduce_population_count3A = tpu.all_reduce %and3A_256 {dim = 0 : i64, kind = #tpu.reduction_kind<sum>} : vector<16xi1> -> vector<16xi32>
            %slice3A = vector.extract_strided_slice %all_reduce_population_count3A {offsets = [0], sizes = [1], strides = [1]} : vector<16xi32> to vector<1xi32>
            %squeeze3A = vector.extract %slice3A[0] : i32 from vector<1xi32>
            %add3A_260 = arith.addi %while3A_239, %squeeze3A : i32
            scf.yield %add3A_260 : i32
          }
          %while3A_225 = arith.constant 1 : i32
          %while3A_226 = scf.for %while3A_238 = %while3A_222 to %while3A_218 step %while3A_225 iter_args(%while3A_239 = %while3A_224) -> (i32)  : i32 {
            %mul3A_240 = arith.constant 16 : i32
            %mul3A_241 = arith.muli %while3A_238, %mul3A_240 : i32
            %add3A_242 = arith.addi %mul3A_183, %mul3A_241 : i32
            %multiple_of3A = tpu.assume_multiple %add3A_242, 16 : i32
            %add3A_243 = vector.broadcast %multiple_of3A : i32 to vector<16xi32>
            %add3A_244 = arith.addi %add3A_243, %iota3A : vector<16xi32>
            %get3A = arith.index_cast %multiple_of3A : i32 to index
            %get3A_245 = tpu.vector_load %arg7[%get3A] {strides = array<i32>} : memref<16416xi32, #tpu.memory_space<vmem>>, vector<16xi32>,
            %get3A_246 = arith.index_cast %multiple_of3A : i32 to index
            %get3A_247 = tpu.vector_load %arg8[%get3A_246] {strides = array<i32>} : memref<16416xi32, #tpu.memory_space<vmem>>, vector<16xi32>,
            %ge3A = vector.broadcast %add3A_139 : i32 to vector<16xi32>
            %ge3A_248 = arith.cmpi sge, %get3A_245, %ge3A : vector<16xi32>
            %add3A_249 = arith.constant 256 : i32
            %add3A_250 = arith.addi %add3A_139, %add3A_249 : i32
            %lt3A_251 = vector.broadcast %add3A_250 : i32 to vector<16xi32>
            %lt3A_252 = arith.cmpi slt, %get3A_245, %lt3A_251 : vector<16xi32>
            %and3A_253 = arith.andi %ge3A_248, %lt3A_252 : vector<16xi1>
            %lt3A_254 = vector.broadcast %scan3A_70 : i32 to vector<16xi32>
            %lt3A_255 = arith.cmpi slt, %add3A_244, %lt3A_254 : vector<16xi32>
            %and3A_256 = arith.andi %and3A_253, %lt3A_255 : vector<16xi1>
            %swap3A = arith.index_cast %while3A_239 : i32 to index
            %swap3A_257 = tpu.vector_load %arg9[%swap3A] masked %and3A_256 {strides = array<i32>} : memref<2064xi32, #tpu.memory_space<vmem>>, vector<16xi32>, vector<16xi1>
            tpu.vector_store %arg9[%swap3A], %get3A_245 masked %and3A_256 {strides = array<i32>} : memref<2064xi32, #tpu.memory_space<vmem>>, vector<16xi32>, vector<16xi1>
            %swap3A_258 = arith.index_cast %while3A_239 : i32 to index
            %swap3A_259 = tpu.vector_load %arg10[%swap3A_258] masked %and3A_256 {strides = array<i32>} : memref<2064xi32, #tpu.memory_space<vmem>>, vector<16xi32>, vector<16xi1>
            tpu.vector_store %arg10[%swap3A_258], %get3A_247 masked %and3A_256 {strides = array<i32>} : memref<2064xi32, #tpu.memory_space<vmem>>, vector<16xi32>, vector<16xi1>
            %all_reduce_population_count3A = tpu.all_reduce %and3A_256 {dim = 0 : i64, kind = #tpu.reduction_kind<sum>} : vector<16xi1> -> vector<16xi32>
            %slice3A = vector.extract_strided_slice %all_reduce_population_count3A {offsets = [0], sizes = [1], strides = [1]} : vector<16xi32> to vector<1xi32>
            %squeeze3A = vector.extract %slice3A[0] : i32 from vector<1xi32>
            %add3A_260 = arith.addi %while3A_239, %squeeze3A : i32
            scf.yield %add3A_260 : i32
          }
          %while3A_227 = arith.constant 0 : i32
          %while3A_228 = arith.subi %while3A_226, %while3A_227 : i32
          %while3A_229 = arith.addi %while3A_227, %while3A_228 : i32
          %while3A_230 = arith.constant 1 : i32
          %while3A_231 = arith.divsi %while3A_228, %while3A_230 : i32
          %while3A_232 = arith.muli %while3A_231, %while3A_230 : i32
          %while3A_233 = arith.addi %while3A_227, %while3A_232 : i32
          %while3A_234 = arith.constant 1 : i32
          %while3A_235 = scf.for %while3A_238 = %while3A_227 to %while3A_233 step %while3A_234 iter_args(%while3A_239 = %while3A_181) -> (i32)  : i32 {
            %shift_right_arithmetic3A = arith.constant 4 : i32
            %shift_right_arithmetic3A_240 = arith.shrsi %while3A_238, %shift_right_arithmetic3A : i32
            %mul3A_241 = arith.constant 16 : i32
            %mul3A_242 = arith.muli %shift_right_arithmetic3A_240, %mul3A_241 : i32
            %multiple_of3A = tpu.assume_multiple %mul3A_242, 16 : i32
            %and3A_243 = arith.constant 15 : i32
            %and3A_244 = arith.andi %while3A_238, %and3A_243 : i32
            %broadcast_in_dim3A = vector.broadcast %and3A_244 : i32 to vector<16xi32>
            %get3A = arith.index_cast %multiple_of3A : i32 to index
            %get3A_245 = tpu.vector_load %arg9[%get3A] {strides = array<i32>} : memref<2064xi32, #tpu.memory_space<vmem>>, vector<16xi32>,
            %lt3A_246 = arith.constant 0 : i32
            %lt3A_247 = vector.broadcast %lt3A_246 : i32 to vector<16xi32>
            %lt3A_248 = arith.cmpi slt, %broadcast_in_dim3A, %lt3A_247 : vector<16xi32>
            %add3A_249 = arith.constant 16 : i32
            %add3A_250 = vector.broadcast %add3A_249 : i32 to vector<16xi32>
            %add3A_251 = arith.addi %broadcast_in_dim3A, %add3A_250 : vector<16xi32>
            %select_n3A_252 = arith.select %lt3A_248, %add3A_251, %broadcast_in_dim3A : vector<16xi1>, vector<16xi32>
            %broadcast_in_dim3A_253 = vector.shape_cast %select_n3A_252 : vector<16xi32> to vector<16x1xi32>
            %gather3A = vector.shape_cast %broadcast_in_dim3A_253 : vector<16x1xi32> to vector<16xi32>
            %gather3A_254 = tpu.dynamic_gather %get3A_245[%gather3A] in [0] : vector<16xi32>, vector<16xi32> -> vector<16xi32>
            %get3A_255 = arith.index_cast %multiple_of3A : i32 to index
            %get3A_256 = tpu.vector_load %arg10[%get3A_255] {strides = array<i32>} : memref<2064xi32, #tpu.memory_space<vmem>>, vector<16xi32>,
            %lt3A_257 = arith.constant 0 : i32
            %lt3A_258 = vector.broadcast %lt3A_257 : i32 to vector<16xi32>
            %lt3A_259 = arith.cmpi slt, %broadcast_in_dim3A, %lt3A_258 : vector<16xi32>
            %add3A_260 = arith.constant 16 : i32
            %add3A_261 = vector.broadcast %add3A_260 : i32 to vector<16xi32>
            %add3A_262 = arith.addi %broadcast_in_dim3A, %add3A_261 : vector<16xi32>
            %select_n3A_263 = arith.select %lt3A_259, %add3A_262, %broadcast_in_dim3A : vector<16xi1>, vector<16xi32>
            %broadcast_in_dim3A_264 = vector.shape_cast %select_n3A_263 : vector<16xi32> to vector<16x1xi32>
            %gather3A_265 = vector.shape_cast %broadcast_in_dim3A_264 : vector<16x1xi32> to vector<16xi32>
            %gather3A_266 = tpu.dynamic_gather %get3A_256[%gather3A_265] in [0] : vector<16xi32>, vector<16xi32> -> vector<16xi32>
            %slice3A = vector.extract_strided_slice %gather3A_266 {offsets = [0], sizes = [1], strides = [1]} : vector<16xi32> to vector<1xi32>
            %squeeze3A = vector.extract %slice3A[0] : i32 from vector<1xi32>
            %rem3A_267 = arith.constant 32 : i32
            %rem3A_268 = arith.remsi %while3A_239, %rem3A_267 : i32
            %ge3A = arith.constant 32 : i32
            %ge3A_269 = arith.cmpi sge, %while3A_239, %ge3A : i32
            %convert_element_type3A_270 = arith.extui %ge3A_269 : i1 to i32
            %cond3A_271 = arith.constant 0 : i32
            %cond3A_272 = arith.cmpi ne, %convert_element_type3A_270, %cond3A_271 : i32
            scf.if %cond3A_272 {
              %dma_wait3A_350 = arith.constant 0 : i32
              %dma_wait3A_351 = tpu.memref_slice %arg13[%dma_wait3A_350] : memref<2048xf32, #tpu.memory_space<vmem>> -> memref<64xf32, #tpu.memory_space<vmem>>
              %dma_wait3A_352 = arith.constant 0 : i32
              %dma_wait3A_353 = tpu.memref_slice %arg5[%dma_wait3A_352] : memref<2097152xf32, #tpu.memory_space<hbm>> -> memref<64xf32, #tpu.memory_space<hbm>>
              %dma_wait3A_354 = arith.constant 0 : i32
              %dma_wait3A_355 = tpu.memref_slice %arg13[%dma_wait3A_354] : memref<2048xf32, #tpu.memory_space<vmem>> -> memref<64xf32, #tpu.memory_space<vmem>>
              %dma_wait3A_356 = arith.constant 0 : i32
              %dma_wait3A_357 = tpu.memref_slice %arg5[%dma_wait3A_356] : memref<2097152xf32, #tpu.memory_space<hbm>> -> memref<64xf32, #tpu.memory_space<hbm>>
              tpu.wait_dma2 semaphore(%arg18 : memref<!tpu.dma_semaphore, #tpu.memory_space<semaphore_mem>>) src(%dma_wait3A_357 : memref<64xf32, #tpu.memory_space<hbm>>) dst(%dma_wait3A_355 : memref<64xf32, #tpu.memory_space<vmem>>)
            } else {
            }
            %add3A_273 = arith.constant 0 : i32
            %add3A_274 = vector.broadcast %add3A_273 : i32 to vector<16xi32>
            %add3A_275 = arith.addi %iota3A, %add3A_274 : vector<16xi32>
            %sub3A_276 = vector.broadcast %add3A_139 : i32 to vector<16xi32>
            %sub3A_277 = arith.subi %gather3A_254, %sub3A_276 : vector<16xi32>
            %gather3A_278 = arith.constant 0 : i32
            %gather3A_279 = arith.constant 0 : i32
            %gather3A_280 = tpu.memref_slice %arg11[%while3A_162, %gather3A_278, %gather3A_279] : memref<4x64x256xf32, #tpu.memory_space<vmem>> -> memref<1x64x256xf32, #tpu.memory_space<vmem>>
            %gather3A_281 = tpu.memref_squeeze %gather3A_280 : memref<1x64x256xf32, #tpu.memory_space<vmem>> -> memref<64x256xf32, #tpu.memory_space<vmem>>
            %gather3A_282 = tpu.vector_load_idx %gather3A_281[%add3A_275, %sub3A_277] : memref<64x256xf32, #tpu.memory_space<vmem>>[vector<16xi32>, vector<16xi32>], vector<16xf32>,
            %mul3A_283 = arith.constant 64 : i32
            %mul3A_284 = arith.muli %rem3A_268, %mul3A_283 : i32
            %add3A_285 = arith.constant 0 : i32
            %add3A_286 = arith.addi %mul3A_284, %add3A_285 : i32
            %multiple_of3A_287 = tpu.assume_multiple %add3A_286, 16 : i32
            %swap3A = arith.index_cast %multiple_of3A_287 : i32 to index
            %swap3A_288 = tpu.vector_load %arg13[%swap3A] {strides = array<i32>} : memref<2048xf32, #tpu.memory_space<vmem>>, vector<16xf32>,
            tpu.vector_store %arg13[%swap3A], %gather3A_282 {strides = array<i32>} : memref<2048xf32, #tpu.memory_space<vmem>>, vector<16xf32>,
            %add3A_289 = arith.constant 16 : i32
            %add3A_290 = vector.broadcast %add3A_289 : i32 to vector<16xi32>
            %add3A_291 = arith.addi %iota3A, %add3A_290 : vector<16xi32>
            %sub3A_292 = vector.broadcast %add3A_139 : i32 to vector<16xi32>
            %sub3A_293 = arith.subi %gather3A_254, %sub3A_292 : vector<16xi32>
            %gather3A_294 = arith.constant 0 : i32
            %gather3A_295 = arith.constant 0 : i32
            %gather3A_296 = tpu.memref_slice %arg11[%while3A_162, %gather3A_294, %gather3A_295] : memref<4x64x256xf32, #tpu.memory_space<vmem>> -> memref<1x64x256xf32, #tpu.memory_space<vmem>>
            %gather3A_297 = tpu.memref_squeeze %gather3A_296 : memref<1x64x256xf32, #tpu.memory_space<vmem>> -> memref<64x256xf32, #tpu.memory_space<vmem>>
            %gather3A_298 = tpu.vector_load_idx %gather3A_297[%add3A_291, %sub3A_293] : memref<64x256xf32, #tpu.memory_space<vmem>>[vector<16xi32>, vector<16xi32>], vector<16xf32>,
            %mul3A_299 = arith.constant 64 : i32
            %mul3A_300 = arith.muli %rem3A_268, %mul3A_299 : i32
            %add3A_301 = arith.constant 16 : i32
            %add3A_302 = arith.addi %mul3A_300, %add3A_301 : i32
            %multiple_of3A_303 = tpu.assume_multiple %add3A_302, 16 : i32
            %swap3A_304 = arith.index_cast %multiple_of3A_303 : i32 to index
            %swap3A_305 = tpu.vector_load %arg13[%swap3A_304] {strides = array<i32>} : memref<2048xf32, #tpu.memory_space<vmem>>, vector<16xf32>,
            tpu.vector_store %arg13[%swap3A_304], %gather3A_298 {strides = array<i32>} : memref<2048xf32, #tpu.memory_space<vmem>>, vector<16xf32>,
            %add3A_306 = arith.constant 32 : i32
            %add3A_307 = vector.broadcast %add3A_306 : i32 to vector<16xi32>
            %add3A_308 = arith.addi %iota3A, %add3A_307 : vector<16xi32>
            %sub3A_309 = vector.broadcast %add3A_139 : i32 to vector<16xi32>
            %sub3A_310 = arith.subi %gather3A_254, %sub3A_309 : vector<16xi32>
            %gather3A_311 = arith.constant 0 : i32
            %gather3A_312 = arith.constant 0 : i32
            %gather3A_313 = tpu.memref_slice %arg11[%while3A_162, %gather3A_311, %gather3A_312] : memref<4x64x256xf32, #tpu.memory_space<vmem>> -> memref<1x64x256xf32, #tpu.memory_space<vmem>>
            %gather3A_314 = tpu.memref_squeeze %gather3A_313 : memref<1x64x256xf32, #tpu.memory_space<vmem>> -> memref<64x256xf32, #tpu.memory_space<vmem>>
            %gather3A_315 = tpu.vector_load_idx %gather3A_314[%add3A_308, %sub3A_310] : memref<64x256xf32, #tpu.memory_space<vmem>>[vector<16xi32>, vector<16xi32>], vector<16xf32>,
            %mul3A_316 = arith.constant 64 : i32
            %mul3A_317 = arith.muli %rem3A_268, %mul3A_316 : i32
            %add3A_318 = arith.constant 32 : i32
            %add3A_319 = arith.addi %mul3A_317, %add3A_318 : i32
            %multiple_of3A_320 = tpu.assume_multiple %add3A_319, 16 : i32
            %swap3A_321 = arith.index_cast %multiple_of3A_320 : i32 to index
            %swap3A_322 = tpu.vector_load %arg13[%swap3A_321] {strides = array<i32>} : memref<2048xf32, #tpu.memory_space<vmem>>, vector<16xf32>,
            tpu.vector_store %arg13[%swap3A_321], %gather3A_315 {strides = array<i32>} : memref<2048xf32, #tpu.memory_space<vmem>>, vector<16xf32>,
            %add3A_323 = arith.constant 48 : i32
            %add3A_324 = vector.broadcast %add3A_323 : i32 to vector<16xi32>
            %add3A_325 = arith.addi %iota3A, %add3A_324 : vector<16xi32>
            %sub3A_326 = vector.broadcast %add3A_139 : i32 to vector<16xi32>
            %sub3A_327 = arith.subi %gather3A_254, %sub3A_326 : vector<16xi32>
            %gather3A_328 = arith.constant 0 : i32
            %gather3A_329 = arith.constant 0 : i32
            %gather3A_330 = tpu.memref_slice %arg11[%while3A_162, %gather3A_328, %gather3A_329] : memref<4x64x256xf32, #tpu.memory_space<vmem>> -> memref<1x64x256xf32, #tpu.memory_space<vmem>>
            %gather3A_331 = tpu.memref_squeeze %gather3A_330 : memref<1x64x256xf32, #tpu.memory_space<vmem>> -> memref<64x256xf32, #tpu.memory_space<vmem>>
            %gather3A_332 = tpu.vector_load_idx %gather3A_331[%add3A_325, %sub3A_327] : memref<64x256xf32, #tpu.memory_space<vmem>>[vector<16xi32>, vector<16xi32>], vector<16xf32>,
            %mul3A_333 = arith.constant 64 : i32
            %mul3A_334 = arith.muli %rem3A_268, %mul3A_333 : i32
            %add3A_335 = arith.constant 48 : i32
            %add3A_336 = arith.addi %mul3A_334, %add3A_335 : i32
            %multiple_of3A_337 = tpu.assume_multiple %add3A_336, 16 : i32
            %swap3A_338 = arith.index_cast %multiple_of3A_337 : i32 to index
            %swap3A_339 = tpu.vector_load %arg13[%swap3A_338] {strides = array<i32>} : memref<2048xf32, #tpu.memory_space<vmem>>, vector<16xf32>,
            tpu.vector_store %arg13[%swap3A_338], %gather3A_332 {strides = array<i32>} : memref<2048xf32, #tpu.memory_space<vmem>>, vector<16xf32>,
            %mul3A_340 = arith.constant 64 : i32
            %mul3A_341 = arith.muli %rem3A_268, %mul3A_340 : i32
            %mul3A_342 = arith.constant 128 : i32
            %mul3A_343 = arith.muli %squeeze3A, %mul3A_342 : i32
            %dma_start3A_344 = tpu.memref_slice %arg13[%mul3A_341] : memref<2048xf32, #tpu.memory_space<vmem>> -> memref<64xf32, #tpu.memory_space<vmem>>
            %dma_start3A_345 = tpu.memref_slice %arg5[%mul3A_343] : memref<2097152xf32, #tpu.memory_space<hbm>> -> memref<64xf32, #tpu.memory_space<hbm>>
            %dma_start3A_346 = tpu.memref_slice %arg5[%mul3A_343] : memref<2097152xf32, #tpu.memory_space<hbm>> -> memref<64xf32, #tpu.memory_space<hbm>>
            %dma_start3A_347 = tpu.memref_slice %arg13[%mul3A_341] : memref<2048xf32, #tpu.memory_space<vmem>> -> memref<64xf32, #tpu.memory_space<vmem>>
            tpu.enqueue_dma source(%dma_start3A_347 : memref<64xf32, #tpu.memory_space<vmem>>) target(%dma_start3A_346 : memref<64xf32, #tpu.memory_space<hbm>>) target_semaphore(%arg18 : memref<!tpu.dma_semaphore, #tpu.memory_space<semaphore_mem>>)
            %add3A_348 = arith.constant 1 : i32
            %add3A_349 = arith.addi %while3A_239, %add3A_348 : i32
            scf.yield %add3A_349 : i32
          }
          %while3A_236 = arith.constant 1 : i32
          %while3A_237 = scf.for %while3A_238 = %while3A_233 to %while3A_229 step %while3A_236 iter_args(%while3A_239 = %while3A_235) -> (i32)  : i32 {
            %shift_right_arithmetic3A = arith.constant 4 : i32
            %shift_right_arithmetic3A_240 = arith.shrsi %while3A_238, %shift_right_arithmetic3A : i32
            %mul3A_241 = arith.constant 16 : i32
            %mul3A_242 = arith.muli %shift_right_arithmetic3A_240, %mul3A_241 : i32
            %multiple_of3A = tpu.assume_multiple %mul3A_242, 16 : i32
            %and3A_243 = arith.constant 15 : i32
            %and3A_244 = arith.andi %while3A_238, %and3A_243 : i32
            %broadcast_in_dim3A = vector.broadcast %and3A_244 : i32 to vector<16xi32>
            %get3A = arith.index_cast %multiple_of3A : i32 to index
            %get3A_245 = tpu.vector_load %arg9[%get3A] {strides = array<i32>} : memref<2064xi32, #tpu.memory_space<vmem>>, vector<16xi32>,
            %lt3A_246 = arith.constant 0 : i32
            %lt3A_247 = vector.broadcast %lt3A_246 : i32 to vector<16xi32>
            %lt3A_248 = arith.cmpi slt, %broadcast_in_dim3A, %lt3A_247 : vector<16xi32>
            %add3A_249 = arith.constant 16 : i32
            %add3A_250 = vector.broadcast %add3A_249 : i32 to vector<16xi32>
            %add3A_251 = arith.addi %broadcast_in_dim3A, %add3A_250 : vector<16xi32>
            %select_n3A_252 = arith.select %lt3A_248, %add3A_251, %broadcast_in_dim3A : vector<16xi1>, vector<16xi32>
            %broadcast_in_dim3A_253 = vector.shape_cast %select_n3A_252 : vector<16xi32> to vector<16x1xi32>
            %gather3A = vector.shape_cast %broadcast_in_dim3A_253 : vector<16x1xi32> to vector<16xi32>
            %gather3A_254 = tpu.dynamic_gather %get3A_245[%gather3A] in [0] : vector<16xi32>, vector<16xi32> -> vector<16xi32>
            %get3A_255 = arith.index_cast %multiple_of3A : i32 to index
            %get3A_256 = tpu.vector_load %arg10[%get3A_255] {strides = array<i32>} : memref<2064xi32, #tpu.memory_space<vmem>>, vector<16xi32>,
            %lt3A_257 = arith.constant 0 : i32
            %lt3A_258 = vector.broadcast %lt3A_257 : i32 to vector<16xi32>
            %lt3A_259 = arith.cmpi slt, %broadcast_in_dim3A, %lt3A_258 : vector<16xi32>
            %add3A_260 = arith.constant 16 : i32
            %add3A_261 = vector.broadcast %add3A_260 : i32 to vector<16xi32>
            %add3A_262 = arith.addi %broadcast_in_dim3A, %add3A_261 : vector<16xi32>
            %select_n3A_263 = arith.select %lt3A_259, %add3A_262, %broadcast_in_dim3A : vector<16xi1>, vector<16xi32>
            %broadcast_in_dim3A_264 = vector.shape_cast %select_n3A_263 : vector<16xi32> to vector<16x1xi32>
            %gather3A_265 = vector.shape_cast %broadcast_in_dim3A_264 : vector<16x1xi32> to vector<16xi32>
            %gather3A_266 = tpu.dynamic_gather %get3A_256[%gather3A_265] in [0] : vector<16xi32>, vector<16xi32> -> vector<16xi32>
            %slice3A = vector.extract_strided_slice %gather3A_266 {offsets = [0], sizes = [1], strides = [1]} : vector<16xi32> to vector<1xi32>
            %squeeze3A = vector.extract %slice3A[0] : i32 from vector<1xi32>
            %rem3A_267 = arith.constant 32 : i32
            %rem3A_268 = arith.remsi %while3A_239, %rem3A_267 : i32
            %ge3A = arith.constant 32 : i32
            %ge3A_269 = arith.cmpi sge, %while3A_239, %ge3A : i32
            %convert_element_type3A_270 = arith.extui %ge3A_269 : i1 to i32
            %cond3A_271 = arith.constant 0 : i32
            %cond3A_272 = arith.cmpi ne, %convert_element_type3A_270, %cond3A_271 : i32
            scf.if %cond3A_272 {
              %dma_wait3A_350 = arith.constant 0 : i32
              %dma_wait3A_351 = tpu.memref_slice %arg13[%dma_wait3A_350] : memref<2048xf32, #tpu.memory_space<vmem>> -> memref<64xf32, #tpu.memory_space<vmem>>
              %dma_wait3A_352 = arith.constant 0 : i32
              %dma_wait3A_353 = tpu.memref_slice %arg5[%dma_wait3A_352] : memref<2097152xf32, #tpu.memory_space<hbm>> -> memref<64xf32, #tpu.memory_space<hbm>>
              %dma_wait3A_354 = arith.constant 0 : i32
              %dma_wait3A_355 = tpu.memref_slice %arg13[%dma_wait3A_354] : memref<2048xf32, #tpu.memory_space<vmem>> -> memref<64xf32, #tpu.memory_space<vmem>>
              %dma_wait3A_356 = arith.constant 0 : i32
              %dma_wait3A_357 = tpu.memref_slice %arg5[%dma_wait3A_356] : memref<2097152xf32, #tpu.memory_space<hbm>> -> memref<64xf32, #tpu.memory_space<hbm>>
              tpu.wait_dma2 semaphore(%arg18 : memref<!tpu.dma_semaphore, #tpu.memory_space<semaphore_mem>>) src(%dma_wait3A_357 : memref<64xf32, #tpu.memory_space<hbm>>) dst(%dma_wait3A_355 : memref<64xf32, #tpu.memory_space<vmem>>)
            } else {
            }
            %add3A_273 = arith.constant 0 : i32
            %add3A_274 = vector.broadcast %add3A_273 : i32 to vector<16xi32>
            %add3A_275 = arith.addi %iota3A, %add3A_274 : vector<16xi32>
            %sub3A_276 = vector.broadcast %add3A_139 : i32 to vector<16xi32>
            %sub3A_277 = arith.subi %gather3A_254, %sub3A_276 : vector<16xi32>
            %gather3A_278 = arith.constant 0 : i32
            %gather3A_279 = arith.constant 0 : i32
            %gather3A_280 = tpu.memref_slice %arg11[%while3A_162, %gather3A_278, %gather3A_279] : memref<4x64x256xf32, #tpu.memory_space<vmem>> -> memref<1x64x256xf32, #tpu.memory_space<vmem>>
            %gather3A_281 = tpu.memref_squeeze %gather3A_280 : memref<1x64x256xf32, #tpu.memory_space<vmem>> -> memref<64x256xf32, #tpu.memory_space<vmem>>
            %gather3A_282 = tpu.vector_load_idx %gather3A_281[%add3A_275, %sub3A_277] : memref<64x256xf32, #tpu.memory_space<vmem>>[vector<16xi32>, vector<16xi32>], vector<16xf32>,
            %mul3A_283 = arith.constant 64 : i32
            %mul3A_284 = arith.muli %rem3A_268, %mul3A_283 : i32
            %add3A_285 = arith.constant 0 : i32
            %add3A_286 = arith.addi %mul3A_284, %add3A_285 : i32
            %multiple_of3A_287 = tpu.assume_multiple %add3A_286, 16 : i32
            %swap3A = arith.index_cast %multiple_of3A_287 : i32 to index
            %swap3A_288 = tpu.vector_load %arg13[%swap3A] {strides = array<i32>} : memref<2048xf32, #tpu.memory_space<vmem>>, vector<16xf32>,
            tpu.vector_store %arg13[%swap3A], %gather3A_282 {strides = array<i32>} : memref<2048xf32, #tpu.memory_space<vmem>>, vector<16xf32>,
            %add3A_289 = arith.constant 16 : i32
            %add3A_290 = vector.broadcast %add3A_289 : i32 to vector<16xi32>
            %add3A_291 = arith.addi %iota3A, %add3A_290 : vector<16xi32>
            %sub3A_292 = vector.broadcast %add3A_139 : i32 to vector<16xi32>
            %sub3A_293 = arith.subi %gather3A_254, %sub3A_292 : vector<16xi32>
            %gather3A_294 = arith.constant 0 : i32
            %gather3A_295 = arith.constant 0 : i32
            %gather3A_296 = tpu.memref_slice %arg11[%while3A_162, %gather3A_294, %gather3A_295] : memref<4x64x256xf32, #tpu.memory_space<vmem>> -> memref<1x64x256xf32, #tpu.memory_space<vmem>>
            %gather3A_297 = tpu.memref_squeeze %gather3A_296 : memref<1x64x256xf32, #tpu.memory_space<vmem>> -> memref<64x256xf32, #tpu.memory_space<vmem>>
            %gather3A_298 = tpu.vector_load_idx %gather3A_297[%add3A_291, %sub3A_293] : memref<64x256xf32, #tpu.memory_space<vmem>>[vector<16xi32>, vector<16xi32>], vector<16xf32>,
            %mul3A_299 = arith.constant 64 : i32
            %mul3A_300 = arith.muli %rem3A_268, %mul3A_299 : i32
            %add3A_301 = arith.constant 16 : i32
            %add3A_302 = arith.addi %mul3A_300, %add3A_301 : i32
            %multiple_of3A_303 = tpu.assume_multiple %add3A_302, 16 : i32
            %swap3A_304 = arith.index_cast %multiple_of3A_303 : i32 to index
            %swap3A_305 = tpu.vector_load %arg13[%swap3A_304] {strides = array<i32>} : memref<2048xf32, #tpu.memory_space<vmem>>, vector<16xf32>,
            tpu.vector_store %arg13[%swap3A_304], %gather3A_298 {strides = array<i32>} : memref<2048xf32, #tpu.memory_space<vmem>>, vector<16xf32>,
            %add3A_306 = arith.constant 32 : i32
            %add3A_307 = vector.broadcast %add3A_306 : i32 to vector<16xi32>
            %add3A_308 = arith.addi %iota3A, %add3A_307 : vector<16xi32>
            %sub3A_309 = vector.broadcast %add3A_139 : i32 to vector<16xi32>
            %sub3A_310 = arith.subi %gather3A_254, %sub3A_309 : vector<16xi32>
            %gather3A_311 = arith.constant 0 : i32
            %gather3A_312 = arith.constant 0 : i32
            %gather3A_313 = tpu.memref_slice %arg11[%while3A_162, %gather3A_311, %gather3A_312] : memref<4x64x256xf32, #tpu.memory_space<vmem>> -> memref<1x64x256xf32, #tpu.memory_space<vmem>>
            %gather3A_314 = tpu.memref_squeeze %gather3A_313 : memref<1x64x256xf32, #tpu.memory_space<vmem>> -> memref<64x256xf32, #tpu.memory_space<vmem>>
            %gather3A_315 = tpu.vector_load_idx %gather3A_314[%add3A_308, %sub3A_310] : memref<64x256xf32, #tpu.memory_space<vmem>>[vector<16xi32>, vector<16xi32>], vector<16xf32>,
            %mul3A_316 = arith.constant 64 : i32
            %mul3A_317 = arith.muli %rem3A_268, %mul3A_316 : i32
            %add3A_318 = arith.constant 32 : i32
            %add3A_319 = arith.addi %mul3A_317, %add3A_318 : i32
            %multiple_of3A_320 = tpu.assume_multiple %add3A_319, 16 : i32
            %swap3A_321 = arith.index_cast %multiple_of3A_320 : i32 to index
            %swap3A_322 = tpu.vector_load %arg13[%swap3A_321] {strides = array<i32>} : memref<2048xf32, #tpu.memory_space<vmem>>, vector<16xf32>,
            tpu.vector_store %arg13[%swap3A_321], %gather3A_315 {strides = array<i32>} : memref<2048xf32, #tpu.memory_space<vmem>>, vector<16xf32>,
            %add3A_323 = arith.constant 48 : i32
            %add3A_324 = vector.broadcast %add3A_323 : i32 to vector<16xi32>
            %add3A_325 = arith.addi %iota3A, %add3A_324 : vector<16xi32>
            %sub3A_326 = vector.broadcast %add3A_139 : i32 to vector<16xi32>
            %sub3A_327 = arith.subi %gather3A_254, %sub3A_326 : vector<16xi32>
            %gather3A_328 = arith.constant 0 : i32
            %gather3A_329 = arith.constant 0 : i32
            %gather3A_330 = tpu.memref_slice %arg11[%while3A_162, %gather3A_328, %gather3A_329] : memref<4x64x256xf32, #tpu.memory_space<vmem>> -> memref<1x64x256xf32, #tpu.memory_space<vmem>>
            %gather3A_331 = tpu.memref_squeeze %gather3A_330 : memref<1x64x256xf32, #tpu.memory_space<vmem>> -> memref<64x256xf32, #tpu.memory_space<vmem>>
            %gather3A_332 = tpu.vector_load_idx %gather3A_331[%add3A_325, %sub3A_327] : memref<64x256xf32, #tpu.memory_space<vmem>>[vector<16xi32>, vector<16xi32>], vector<16xf32>,
            %mul3A_333 = arith.constant 64 : i32
            %mul3A_334 = arith.muli %rem3A_268, %mul3A_333 : i32
            %add3A_335 = arith.constant 48 : i32
            %add3A_336 = arith.addi %mul3A_334, %add3A_335 : i32
            %multiple_of3A_337 = tpu.assume_multiple %add3A_336, 16 : i32
            %swap3A_338 = arith.index_cast %multiple_of3A_337 : i32 to index
            %swap3A_339 = tpu.vector_load %arg13[%swap3A_338] {strides = array<i32>} : memref<2048xf32, #tpu.memory_space<vmem>>, vector<16xf32>,
            tpu.vector_store %arg13[%swap3A_338], %gather3A_332 {strides = array<i32>} : memref<2048xf32, #tpu.memory_space<vmem>>, vector<16xf32>,
            %mul3A_340 = arith.constant 64 : i32
            %mul3A_341 = arith.muli %rem3A_268, %mul3A_340 : i32
            %mul3A_342 = arith.constant 128 : i32
            %mul3A_343 = arith.muli %squeeze3A, %mul3A_342 : i32
            %dma_start3A_344 = tpu.memref_slice %arg13[%mul3A_341] : memref<2048xf32, #tpu.memory_space<vmem>> -> memref<64xf32, #tpu.memory_space<vmem>>
            %dma_start3A_345 = tpu.memref_slice %arg5[%mul3A_343] : memref<2097152xf32, #tpu.memory_space<hbm>> -> memref<64xf32, #tpu.memory_space<hbm>>
            %dma_start3A_346 = tpu.memref_slice %arg5[%mul3A_343] : memref<2097152xf32, #tpu.memory_space<hbm>> -> memref<64xf32, #tpu.memory_space<hbm>>
            %dma_start3A_347 = tpu.memref_slice %arg13[%mul3A_341] : memref<2048xf32, #tpu.memory_space<vmem>> -> memref<64xf32, #tpu.memory_space<vmem>>
            tpu.enqueue_dma source(%dma_start3A_347 : memref<64xf32, #tpu.memory_space<vmem>>) target(%dma_start3A_346 : memref<64xf32, #tpu.memory_space<hbm>>) target_semaphore(%arg18 : memref<!tpu.dma_semaphore, #tpu.memory_space<semaphore_mem>>)
            %add3A_348 = arith.constant 1 : i32
            %add3A_349 = arith.addi %while3A_239, %add3A_348 : i32
            scf.yield %add3A_349 : i32
          }
          scf.yield %while3A_237 : i32
        }
        %add3A_174 = arith.constant 4 : i32
        %add3A_175 = arith.addi %add3A_103, %add3A_174 : i32
        %lt3A_176 = arith.cmpi slt, %add3A_175, %add3A_4 : i32
        %convert_element_type3A_177 = arith.extui %lt3A_176 : i1 to i32
        %cond3A_178 = arith.constant 0 : i32
        %cond3A_179 = arith.cmpi ne, %convert_element_type3A_177, %cond3A_178 : i32
        scf.if %cond3A_179 {
          %add3A_180 = arith.constant 4 : i32
          %add3A_181 = arith.addi %add3A_103, %add3A_180 : i32
          %mul3A_182 = arith.constant 256 : i32
          %mul3A_183 = arith.muli %add3A_181, %mul3A_182 : i32
          %add3A_184 = arith.addi %mul3A_6, %mul3A_183 : i32
          %dma_start3A_185 = arith.constant 1 : i32
          %dma_start3A_186 = arith.constant 0 : i32
          %dma_start3A_187 = arith.constant 0 : i32
          %dma_start3A_188 = tpu.memref_slice %arg11[%dma_start3A_185, %dma_start3A_186, %dma_start3A_187] : memref<4x64x256xf32, #tpu.memory_space<vmem>> -> memref<1x64x256xf32, #tpu.memory_space<vmem>>
          %dma_start3A_189 = tpu.memref_squeeze %dma_start3A_188 : memref<1x64x256xf32, #tpu.memory_space<vmem>> -> memref<64x256xf32, #tpu.memory_space<vmem>>
          %dma_start3A_190 = arith.constant 0 : i32
          %dma_start3A_191 = tpu.memref_slice %arg3[%dma_start3A_190, %add3A_184] : memref<64x1000000xf32, #tpu.memory_space<hbm>> -> memref<64x256xf32, #tpu.memory_space<hbm>>
          %dma_start3A_192 = arith.constant 0 : i32
          %dma_start3A_193 = arith.constant 0 : i32
          %dma_start3A_194 = tpu.memref_slice %arg11[%dma_start3A_185, %dma_start3A_192, %dma_start3A_193] : memref<4x64x256xf32, #tpu.memory_space<vmem>> -> memref<1x64x256xf32, #tpu.memory_space<vmem>>
          %dma_start3A_195 = tpu.memref_squeeze %dma_start3A_194 : memref<1x64x256xf32, #tpu.memory_space<vmem>> -> memref<64x256xf32, #tpu.memory_space<vmem>>
          %dma_start3A_196 = arith.constant 0 : i32
          %dma_start3A_197 = tpu.memref_slice %arg3[%dma_start3A_196, %add3A_184] : memref<64x1000000xf32, #tpu.memory_space<hbm>> -> memref<64x256xf32, #tpu.memory_space<hbm>>
          tpu.enqueue_dma source(%dma_start3A_197 : memref<64x256xf32, #tpu.memory_space<hbm>>) target(%dma_start3A_195 : memref<64x256xf32, #tpu.memory_space<vmem>>) target_semaphore(%arg15 : memref<!tpu.dma_semaphore, #tpu.memory_space<semaphore_mem>>)
        } else {
        }
        scf.yield %while3A_173 : i32
      } else {
        scf.yield %cond3A_101 : i32
      }
      %add3A_109 = arith.constant 2 : i32
      %add3A_110 = arith.addi %mul3A_95, %add3A_109 : i32
      %lt3A_111 = arith.cmpi slt, %add3A_110, %add3A_4 : i32
      %convert_element_type3A_112 = arith.extui %lt3A_111 : i1 to i32
      %cond3A_113 = arith.constant 0 : i32
      %cond3A_114 = arith.cmpi ne, %convert_element_type3A_112, %cond3A_113 : i32
      %cond3A_115 = scf.if %cond3A_114 -> (i32) {
        %dma_wait3A = arith.constant 0 : i32
        %dma_wait3A_123 = arith.constant 0 : i32
        %dma_wait3A_124 = arith.constant 0 : i32
        %dma_wait3A_125 = tpu.memref_slice %arg11[%dma_wait3A, %dma_wait3A_123, %dma_wait3A_124] : memref<4x64x256xf32, #tpu.memory_space<vmem>> -> memref<1x64x256xf32, #tpu.memory_space<vmem>>
        %dma_wait3A_126 = tpu.memref_squeeze %dma_wait3A_125 : memref<1x64x256xf32, #tpu.memory_space<vmem>> -> memref<64x256xf32, #tpu.memory_space<vmem>>
        %dma_wait3A_127 = arith.constant 0 : i32
        %dma_wait3A_128 = arith.constant 0 : i32
        %dma_wait3A_129 = tpu.memref_slice %arg3[%dma_wait3A_127, %dma_wait3A_128] : memref<64x1000000xf32, #tpu.memory_space<hbm>> -> memref<64x256xf32, #tpu.memory_space<hbm>>
        %dma_wait3A_130 = arith.constant 0 : i32
        %dma_wait3A_131 = arith.constant 0 : i32
        %dma_wait3A_132 = tpu.memref_slice %arg11[%dma_wait3A, %dma_wait3A_130, %dma_wait3A_131] : memref<4x64x256xf32, #tpu.memory_space<vmem>> -> memref<1x64x256xf32, #tpu.memory_space<vmem>>
        %dma_wait3A_133 = tpu.memref_squeeze %dma_wait3A_132 : memref<1x64x256xf32, #tpu.memory_space<vmem>> -> memref<64x256xf32, #tpu.memory_space<vmem>>
        %dma_wait3A_134 = arith.constant 0 : i32
        %dma_wait3A_135 = arith.constant 0 : i32
        %dma_wait3A_136 = tpu.memref_slice %arg3[%dma_wait3A_134, %dma_wait3A_135] : memref<64x1000000xf32, #tpu.memory_space<hbm>> -> memref<64x256xf32, #tpu.memory_space<hbm>>
        tpu.wait_dma2 semaphore(%arg16 : memref<!tpu.dma_semaphore, #tpu.memory_space<semaphore_mem>>) src(%dma_wait3A_136 : memref<64x256xf32, #tpu.memory_space<hbm>>) dst(%dma_wait3A_133 : memref<64x256xf32, #tpu.memory_space<vmem>>)
        %mul3A_137 = arith.constant 256 : i32
        %mul3A_138 = arith.muli %add3A_110, %mul3A_137 : i32
        %add3A_139 = arith.addi %mul3A_6, %mul3A_138 : i32
        %add3A_140 = arith.constant 2048 : i32
        %add3A_141 = arith.addi %scan3A_70, %add3A_140 : i32
        %sub3A = arith.constant 1 : i32
        %sub3A_142 = arith.subi %add3A_141, %sub3A : i32
        %jit3A_143 = arith.constant 2048 : i32
        %div3A = arith.divsi %sub3A_142, %jit3A_143 : i32
        %sign3A = arith.constant 0 : i32
        %sign3A_144 = arith.cmpi sgt, %sub3A_142, %sign3A : i32
        %sign3A_145 = arith.extui %sign3A_144 : i1 to i32
        %sign3A_146 = arith.constant 0 : i32
        %sign3A_147 = arith.cmpi slt, %sub3A_142, %sign3A_146 : i32
        %sign3A_148 = arith.extui %sign3A_147 : i1 to i32
        %sign3A_149 = arith.subi %sign3A_145, %sign3A_148 : i32
        %sign3A_150 = arith.constant 0 : i32
        %sign3A_151 = arith.cmpi sgt, %jit3A_143, %sign3A_150 : i32
        %sign3A_152 = arith.extui %sign3A_151 : i1 to i32
        %sign3A_153 = arith.constant 0 : i32
        %sign3A_154 = arith.cmpi slt, %jit3A_143, %sign3A_153 : i32
        %sign3A_155 = arith.extui %sign3A_154 : i1 to i32
        %sign3A_156 = arith.subi %sign3A_152, %sign3A_155 : i32
        %ne3A = arith.cmpi ne, %sign3A_149, %sign3A_156 : i32
        %rem3A = arith.remsi %sub3A_142, %jit3A_143 : i32
        %ne3A_157 = arith.constant 0 : i32
        %ne3A_158 = arith.cmpi ne, %rem3A, %ne3A_157 : i32
        %and3A = arith.andi %ne3A, %ne3A_158 : i1
        %sub3A_159 = arith.constant 1 : i32
        %sub3A_160 = arith.subi %div3A, %sub3A_159 : i32
        %select_n3A_161 = arith.select %and3A, %sub3A_160, %div3A : i32
        %while3A_162 = arith.constant 2 : i32
        %while3A_163 = arith.constant 0 : i32
        %while3A_164 = arith.subi %select_n3A_161, %while3A_163 : i32
        %while3A_165 = arith.addi %while3A_163, %while3A_164 : i32
        %while3A_166 = arith.constant 1 : i32
        %while3A_167 = arith.divsi %while3A_164, %while3A_166 : i32
        %while3A_168 = arith.muli %while3A_167, %while3A_166 : i32
        %while3A_169 = arith.addi %while3A_163, %while3A_168 : i32
        %while3A_170 = arith.constant 1 : i32
        %while3A_171 = scf.for %while3A_180 = %while3A_163 to %while3A_169 step %while3A_170 iter_args(%while3A_181 = %cond3A_108) -> (i32)  : i32 {
          %mul3A_182 = arith.constant 2048 : i32
          %mul3A_183 = arith.muli %while3A_180, %mul3A_182 : i32
          %sub3A_184 = arith.subi %scan3A_70, %mul3A_183 : i32
          %min3A_185 = arith.constant 2048 : i32
          %min3A_186 = arith.minsi %sub3A_184, %min3A_185 : i32
          %add3A_187 = arith.constant 16 : i32
          %add3A_188 = arith.addi %min3A_186, %add3A_187 : i32
          %sub3A_189 = arith.constant 1 : i32
          %sub3A_190 = arith.subi %add3A_188, %sub3A_189 : i32
          %jit3A_191 = arith.constant 16 : i32
          %div3A_192 = arith.divsi %sub3A_190, %jit3A_191 : i32
          %sign3A_193 = arith.constant 0 : i32
          %sign3A_194 = arith.cmpi sgt, %sub3A_190, %sign3A_193 : i32
          %sign3A_195 = arith.extui %sign3A_194 : i1 to i32
          %sign3A_196 = arith.constant 0 : i32
          %sign3A_197 = arith.cmpi slt, %sub3A_190, %sign3A_196 : i32
          %sign3A_198 = arith.extui %sign3A_197 : i1 to i32
          %sign3A_199 = arith.subi %sign3A_195, %sign3A_198 : i32
          %sign3A_200 = arith.constant 0 : i32
          %sign3A_201 = arith.cmpi sgt, %jit3A_191, %sign3A_200 : i32
          %sign3A_202 = arith.extui %sign3A_201 : i1 to i32
          %sign3A_203 = arith.constant 0 : i32
          %sign3A_204 = arith.cmpi slt, %jit3A_191, %sign3A_203 : i32
          %sign3A_205 = arith.extui %sign3A_204 : i1 to i32
          %sign3A_206 = arith.subi %sign3A_202, %sign3A_205 : i32
          %ne3A_207 = arith.cmpi ne, %sign3A_199, %sign3A_206 : i32
          %rem3A_208 = arith.remsi %sub3A_190, %jit3A_191 : i32
          %ne3A_209 = arith.constant 0 : i32
          %ne3A_210 = arith.cmpi ne, %rem3A_208, %ne3A_209 : i32
          %and3A_211 = arith.andi %ne3A_207, %ne3A_210 : i1
          %sub3A_212 = arith.constant 1 : i32
          %sub3A_213 = arith.subi %div3A_192, %sub3A_212 : i32
          %select_n3A_214 = arith.select %and3A_211, %sub3A_213, %div3A_192 : i32
          %while3A_215 = arith.constant 0 : i32
          %while3A_216 = arith.constant 0 : i32
          %while3A_217 = arith.subi %select_n3A_214, %while3A_215 : i32
          %while3A_218 = arith.addi %while3A_215, %while3A_217 : i32
          %while3A_219 = arith.constant 1 : i32
          %while3A_220 = arith.divsi %while3A_217, %while3A_219 : i32
          %while3A_221 = arith.muli %while3A_220, %while3A_219 : i32
          %while3A_222 = arith.addi %while3A_215, %while3A_221 : i32
          %while3A_223 = arith.constant 1 : i32
          %while3A_224 = scf.for %while3A_238 = %while3A_215 to %while3A_222 step %while3A_223 iter_args(%while3A_239 = %while3A_216) -> (i32)  : i32 {
            %mul3A_240 = arith.constant 16 : i32
            %mul3A_241 = arith.muli %while3A_238, %mul3A_240 : i32
            %add3A_242 = arith.addi %mul3A_183, %mul3A_241 : i32
            %multiple_of3A = tpu.assume_multiple %add3A_242, 16 : i32
            %add3A_243 = vector.broadcast %multiple_of3A : i32 to vector<16xi32>
            %add3A_244 = arith.addi %add3A_243, %iota3A : vector<16xi32>
            %get3A = arith.index_cast %multiple_of3A : i32 to index
            %get3A_245 = tpu.vector_load %arg7[%get3A] {strides = array<i32>} : memref<16416xi32, #tpu.memory_space<vmem>>, vector<16xi32>,
            %get3A_246 = arith.index_cast %multiple_of3A : i32 to index
            %get3A_247 = tpu.vector_load %arg8[%get3A_246] {strides = array<i32>} : memref<16416xi32, #tpu.memory_space<vmem>>, vector<16xi32>,
            %ge3A = vector.broadcast %add3A_139 : i32 to vector<16xi32>
            %ge3A_248 = arith.cmpi sge, %get3A_245, %ge3A : vector<16xi32>
            %add3A_249 = arith.constant 256 : i32
            %add3A_250 = arith.addi %add3A_139, %add3A_249 : i32
            %lt3A_251 = vector.broadcast %add3A_250 : i32 to vector<16xi32>
            %lt3A_252 = arith.cmpi slt, %get3A_245, %lt3A_251 : vector<16xi32>
            %and3A_253 = arith.andi %ge3A_248, %lt3A_252 : vector<16xi1>
            %lt3A_254 = vector.broadcast %scan3A_70 : i32 to vector<16xi32>
            %lt3A_255 = arith.cmpi slt, %add3A_244, %lt3A_254 : vector<16xi32>
            %and3A_256 = arith.andi %and3A_253, %lt3A_255 : vector<16xi1>
            %swap3A = arith.index_cast %while3A_239 : i32 to index
            %swap3A_257 = tpu.vector_load %arg9[%swap3A] masked %and3A_256 {strides = array<i32>} : memref<2064xi32, #tpu.memory_space<vmem>>, vector<16xi32>, vector<16xi1>
            tpu.vector_store %arg9[%swap3A], %get3A_245 masked %and3A_256 {strides = array<i32>} : memref<2064xi32, #tpu.memory_space<vmem>>, vector<16xi32>, vector<16xi1>
            %swap3A_258 = arith.index_cast %while3A_239 : i32 to index
            %swap3A_259 = tpu.vector_load %arg10[%swap3A_258] masked %and3A_256 {strides = array<i32>} : memref<2064xi32, #tpu.memory_space<vmem>>, vector<16xi32>, vector<16xi1>
            tpu.vector_store %arg10[%swap3A_258], %get3A_247 masked %and3A_256 {strides = array<i32>} : memref<2064xi32, #tpu.memory_space<vmem>>, vector<16xi32>, vector<16xi1>
            %all_reduce_population_count3A = tpu.all_reduce %and3A_256 {dim = 0 : i64, kind = #tpu.reduction_kind<sum>} : vector<16xi1> -> vector<16xi32>
            %slice3A = vector.extract_strided_slice %all_reduce_population_count3A {offsets = [0], sizes = [1], strides = [1]} : vector<16xi32> to vector<1xi32>
            %squeeze3A = vector.extract %slice3A[0] : i32 from vector<1xi32>
            %add3A_260 = arith.addi %while3A_239, %squeeze3A : i32
            scf.yield %add3A_260 : i32
          }
          %while3A_225 = arith.constant 1 : i32
          %while3A_226 = scf.for %while3A_238 = %while3A_222 to %while3A_218 step %while3A_225 iter_args(%while3A_239 = %while3A_224) -> (i32)  : i32 {
            %mul3A_240 = arith.constant 16 : i32
            %mul3A_241 = arith.muli %while3A_238, %mul3A_240 : i32
            %add3A_242 = arith.addi %mul3A_183, %mul3A_241 : i32
            %multiple_of3A = tpu.assume_multiple %add3A_242, 16 : i32
            %add3A_243 = vector.broadcast %multiple_of3A : i32 to vector<16xi32>
            %add3A_244 = arith.addi %add3A_243, %iota3A : vector<16xi32>
            %get3A = arith.index_cast %multiple_of3A : i32 to index
            %get3A_245 = tpu.vector_load %arg7[%get3A] {strides = array<i32>} : memref<16416xi32, #tpu.memory_space<vmem>>, vector<16xi32>,
            %get3A_246 = arith.index_cast %multiple_of3A : i32 to index
            %get3A_247 = tpu.vector_load %arg8[%get3A_246] {strides = array<i32>} : memref<16416xi32, #tpu.memory_space<vmem>>, vector<16xi32>,
            %ge3A = vector.broadcast %add3A_139 : i32 to vector<16xi32>
            %ge3A_248 = arith.cmpi sge, %get3A_245, %ge3A : vector<16xi32>
            %add3A_249 = arith.constant 256 : i32
            %add3A_250 = arith.addi %add3A_139, %add3A_249 : i32
            %lt3A_251 = vector.broadcast %add3A_250 : i32 to vector<16xi32>
            %lt3A_252 = arith.cmpi slt, %get3A_245, %lt3A_251 : vector<16xi32>
            %and3A_253 = arith.andi %ge3A_248, %lt3A_252 : vector<16xi1>
            %lt3A_254 = vector.broadcast %scan3A_70 : i32 to vector<16xi32>
            %lt3A_255 = arith.cmpi slt, %add3A_244, %lt3A_254 : vector<16xi32>
            %and3A_256 = arith.andi %and3A_253, %lt3A_255 : vector<16xi1>
            %swap3A = arith.index_cast %while3A_239 : i32 to index
            %swap3A_257 = tpu.vector_load %arg9[%swap3A] masked %and3A_256 {strides = array<i32>} : memref<2064xi32, #tpu.memory_space<vmem>>, vector<16xi32>, vector<16xi1>
            tpu.vector_store %arg9[%swap3A], %get3A_245 masked %and3A_256 {strides = array<i32>} : memref<2064xi32, #tpu.memory_space<vmem>>, vector<16xi32>, vector<16xi1>
            %swap3A_258 = arith.index_cast %while3A_239 : i32 to index
            %swap3A_259 = tpu.vector_load %arg10[%swap3A_258] masked %and3A_256 {strides = array<i32>} : memref<2064xi32, #tpu.memory_space<vmem>>, vector<16xi32>, vector<16xi1>
            tpu.vector_store %arg10[%swap3A_258], %get3A_247 masked %and3A_256 {strides = array<i32>} : memref<2064xi32, #tpu.memory_space<vmem>>, vector<16xi32>, vector<16xi1>
            %all_reduce_population_count3A = tpu.all_reduce %and3A_256 {dim = 0 : i64, kind = #tpu.reduction_kind<sum>} : vector<16xi1> -> vector<16xi32>
            %slice3A = vector.extract_strided_slice %all_reduce_population_count3A {offsets = [0], sizes = [1], strides = [1]} : vector<16xi32> to vector<1xi32>
            %squeeze3A = vector.extract %slice3A[0] : i32 from vector<1xi32>
            %add3A_260 = arith.addi %while3A_239, %squeeze3A : i32
            scf.yield %add3A_260 : i32
          }
          %while3A_227 = arith.constant 0 : i32
          %while3A_228 = arith.subi %while3A_226, %while3A_227 : i32
          %while3A_229 = arith.addi %while3A_227, %while3A_228 : i32
          %while3A_230 = arith.constant 1 : i32
          %while3A_231 = arith.divsi %while3A_228, %while3A_230 : i32
          %while3A_232 = arith.muli %while3A_231, %while3A_230 : i32
          %while3A_233 = arith.addi %while3A_227, %while3A_232 : i32
          %while3A_234 = arith.constant 1 : i32
          %while3A_235 = scf.for %while3A_238 = %while3A_227 to %while3A_233 step %while3A_234 iter_args(%while3A_239 = %while3A_181) -> (i32)  : i32 {
            %shift_right_arithmetic3A = arith.constant 4 : i32
            %shift_right_arithmetic3A_240 = arith.shrsi %while3A_238, %shift_right_arithmetic3A : i32
            %mul3A_241 = arith.constant 16 : i32
            %mul3A_242 = arith.muli %shift_right_arithmetic3A_240, %mul3A_241 : i32
            %multiple_of3A = tpu.assume_multiple %mul3A_242, 16 : i32
            %and3A_243 = arith.constant 15 : i32
            %and3A_244 = arith.andi %while3A_238, %and3A_243 : i32
            %broadcast_in_dim3A = vector.broadcast %and3A_244 : i32 to vector<16xi32>
            %get3A = arith.index_cast %multiple_of3A : i32 to index
            %get3A_245 = tpu.vector_load %arg9[%get3A] {strides = array<i32>} : memref<2064xi32, #tpu.memory_space<vmem>>, vector<16xi32>,
            %lt3A_246 = arith.constant 0 : i32
            %lt3A_247 = vector.broadcast %lt3A_246 : i32 to vector<16xi32>
            %lt3A_248 = arith.cmpi slt, %broadcast_in_dim3A, %lt3A_247 : vector<16xi32>
            %add3A_249 = arith.constant 16 : i32
            %add3A_250 = vector.broadcast %add3A_249 : i32 to vector<16xi32>
            %add3A_251 = arith.addi %broadcast_in_dim3A, %add3A_250 : vector<16xi32>
            %select_n3A_252 = arith.select %lt3A_248, %add3A_251, %broadcast_in_dim3A : vector<16xi1>, vector<16xi32>
            %broadcast_in_dim3A_253 = vector.shape_cast %select_n3A_252 : vector<16xi32> to vector<16x1xi32>
            %gather3A = vector.shape_cast %broadcast_in_dim3A_253 : vector<16x1xi32> to vector<16xi32>
            %gather3A_254 = tpu.dynamic_gather %get3A_245[%gather3A] in [0] : vector<16xi32>, vector<16xi32> -> vector<16xi32>
            %get3A_255 = arith.index_cast %multiple_of3A : i32 to index
            %get3A_256 = tpu.vector_load %arg10[%get3A_255] {strides = array<i32>} : memref<2064xi32, #tpu.memory_space<vmem>>, vector<16xi32>,
            %lt3A_257 = arith.constant 0 : i32
            %lt3A_258 = vector.broadcast %lt3A_257 : i32 to vector<16xi32>
            %lt3A_259 = arith.cmpi slt, %broadcast_in_dim3A, %lt3A_258 : vector<16xi32>
            %add3A_260 = arith.constant 16 : i32
            %add3A_261 = vector.broadcast %add3A_260 : i32 to vector<16xi32>
            %add3A_262 = arith.addi %broadcast_in_dim3A, %add3A_261 : vector<16xi32>
            %select_n3A_263 = arith.select %lt3A_259, %add3A_262, %broadcast_in_dim3A : vector<16xi1>, vector<16xi32>
            %broadcast_in_dim3A_264 = vector.shape_cast %select_n3A_263 : vector<16xi32> to vector<16x1xi32>
            %gather3A_265 = vector.shape_cast %broadcast_in_dim3A_264 : vector<16x1xi32> to vector<16xi32>
            %gather3A_266 = tpu.dynamic_gather %get3A_256[%gather3A_265] in [0] : vector<16xi32>, vector<16xi32> -> vector<16xi32>
            %slice3A = vector.extract_strided_slice %gather3A_266 {offsets = [0], sizes = [1], strides = [1]} : vector<16xi32> to vector<1xi32>
            %squeeze3A = vector.extract %slice3A[0] : i32 from vector<1xi32>
            %rem3A_267 = arith.constant 32 : i32
            %rem3A_268 = arith.remsi %while3A_239, %rem3A_267 : i32
            %ge3A = arith.constant 32 : i32
            %ge3A_269 = arith.cmpi sge, %while3A_239, %ge3A : i32
            %convert_element_type3A_270 = arith.extui %ge3A_269 : i1 to i32
            %cond3A_271 = arith.constant 0 : i32
            %cond3A_272 = arith.cmpi ne, %convert_element_type3A_270, %cond3A_271 : i32
            scf.if %cond3A_272 {
              %dma_wait3A_350 = arith.constant 0 : i32
              %dma_wait3A_351 = tpu.memref_slice %arg13[%dma_wait3A_350] : memref<2048xf32, #tpu.memory_space<vmem>> -> memref<64xf32, #tpu.memory_space<vmem>>
              %dma_wait3A_352 = arith.constant 0 : i32
              %dma_wait3A_353 = tpu.memref_slice %arg5[%dma_wait3A_352] : memref<2097152xf32, #tpu.memory_space<hbm>> -> memref<64xf32, #tpu.memory_space<hbm>>
              %dma_wait3A_354 = arith.constant 0 : i32
              %dma_wait3A_355 = tpu.memref_slice %arg13[%dma_wait3A_354] : memref<2048xf32, #tpu.memory_space<vmem>> -> memref<64xf32, #tpu.memory_space<vmem>>
              %dma_wait3A_356 = arith.constant 0 : i32
              %dma_wait3A_357 = tpu.memref_slice %arg5[%dma_wait3A_356] : memref<2097152xf32, #tpu.memory_space<hbm>> -> memref<64xf32, #tpu.memory_space<hbm>>
              tpu.wait_dma2 semaphore(%arg18 : memref<!tpu.dma_semaphore, #tpu.memory_space<semaphore_mem>>) src(%dma_wait3A_357 : memref<64xf32, #tpu.memory_space<hbm>>) dst(%dma_wait3A_355 : memref<64xf32, #tpu.memory_space<vmem>>)
            } else {
            }
            %add3A_273 = arith.constant 0 : i32
            %add3A_274 = vector.broadcast %add3A_273 : i32 to vector<16xi32>
            %add3A_275 = arith.addi %iota3A, %add3A_274 : vector<16xi32>
            %sub3A_276 = vector.broadcast %add3A_139 : i32 to vector<16xi32>
            %sub3A_277 = arith.subi %gather3A_254, %sub3A_276 : vector<16xi32>
            %gather3A_278 = arith.constant 0 : i32
            %gather3A_279 = arith.constant 0 : i32
            %gather3A_280 = tpu.memref_slice %arg11[%while3A_162, %gather3A_278, %gather3A_279] : memref<4x64x256xf32, #tpu.memory_space<vmem>> -> memref<1x64x256xf32, #tpu.memory_space<vmem>>
            %gather3A_281 = tpu.memref_squeeze %gather3A_280 : memref<1x64x256xf32, #tpu.memory_space<vmem>> -> memref<64x256xf32, #tpu.memory_space<vmem>>
            %gather3A_282 = tpu.vector_load_idx %gather3A_281[%add3A_275, %sub3A_277] : memref<64x256xf32, #tpu.memory_space<vmem>>[vector<16xi32>, vector<16xi32>], vector<16xf32>,
            %mul3A_283 = arith.constant 64 : i32
            %mul3A_284 = arith.muli %rem3A_268, %mul3A_283 : i32
            %add3A_285 = arith.constant 0 : i32
            %add3A_286 = arith.addi %mul3A_284, %add3A_285 : i32
            %multiple_of3A_287 = tpu.assume_multiple %add3A_286, 16 : i32
            %swap3A = arith.index_cast %multiple_of3A_287 : i32 to index
            %swap3A_288 = tpu.vector_load %arg13[%swap3A] {strides = array<i32>} : memref<2048xf32, #tpu.memory_space<vmem>>, vector<16xf32>,
            tpu.vector_store %arg13[%swap3A], %gather3A_282 {strides = array<i32>} : memref<2048xf32, #tpu.memory_space<vmem>>, vector<16xf32>,
            %add3A_289 = arith.constant 16 : i32
            %add3A_290 = vector.broadcast %add3A_289 : i32 to vector<16xi32>
            %add3A_291 = arith.addi %iota3A, %add3A_290 : vector<16xi32>
            %sub3A_292 = vector.broadcast %add3A_139 : i32 to vector<16xi32>
            %sub3A_293 = arith.subi %gather3A_254, %sub3A_292 : vector<16xi32>
            %gather3A_294 = arith.constant 0 : i32
            %gather3A_295 = arith.constant 0 : i32
            %gather3A_296 = tpu.memref_slice %arg11[%while3A_162, %gather3A_294, %gather3A_295] : memref<4x64x256xf32, #tpu.memory_space<vmem>> -> memref<1x64x256xf32, #tpu.memory_space<vmem>>
            %gather3A_297 = tpu.memref_squeeze %gather3A_296 : memref<1x64x256xf32, #tpu.memory_space<vmem>> -> memref<64x256xf32, #tpu.memory_space<vmem>>
            %gather3A_298 = tpu.vector_load_idx %gather3A_297[%add3A_291, %sub3A_293] : memref<64x256xf32, #tpu.memory_space<vmem>>[vector<16xi32>, vector<16xi32>], vector<16xf32>,
            %mul3A_299 = arith.constant 64 : i32
            %mul3A_300 = arith.muli %rem3A_268, %mul3A_299 : i32
            %add3A_301 = arith.constant 16 : i32
            %add3A_302 = arith.addi %mul3A_300, %add3A_301 : i32
            %multiple_of3A_303 = tpu.assume_multiple %add3A_302, 16 : i32
            %swap3A_304 = arith.index_cast %multiple_of3A_303 : i32 to index
            %swap3A_305 = tpu.vector_load %arg13[%swap3A_304] {strides = array<i32>} : memref<2048xf32, #tpu.memory_space<vmem>>, vector<16xf32>,
            tpu.vector_store %arg13[%swap3A_304], %gather3A_298 {strides = array<i32>} : memref<2048xf32, #tpu.memory_space<vmem>>, vector<16xf32>,
            %add3A_306 = arith.constant 32 : i32
            %add3A_307 = vector.broadcast %add3A_306 : i32 to vector<16xi32>
            %add3A_308 = arith.addi %iota3A, %add3A_307 : vector<16xi32>
            %sub3A_309 = vector.broadcast %add3A_139 : i32 to vector<16xi32>
            %sub3A_310 = arith.subi %gather3A_254, %sub3A_309 : vector<16xi32>
            %gather3A_311 = arith.constant 0 : i32
            %gather3A_312 = arith.constant 0 : i32
            %gather3A_313 = tpu.memref_slice %arg11[%while3A_162, %gather3A_311, %gather3A_312] : memref<4x64x256xf32, #tpu.memory_space<vmem>> -> memref<1x64x256xf32, #tpu.memory_space<vmem>>
            %gather3A_314 = tpu.memref_squeeze %gather3A_313 : memref<1x64x256xf32, #tpu.memory_space<vmem>> -> memref<64x256xf32, #tpu.memory_space<vmem>>
            %gather3A_315 = tpu.vector_load_idx %gather3A_314[%add3A_308, %sub3A_310] : memref<64x256xf32, #tpu.memory_space<vmem>>[vector<16xi32>, vector<16xi32>], vector<16xf32>,
            %mul3A_316 = arith.constant 64 : i32
            %mul3A_317 = arith.muli %rem3A_268, %mul3A_316 : i32
            %add3A_318 = arith.constant 32 : i32
            %add3A_319 = arith.addi %mul3A_317, %add3A_318 : i32
            %multiple_of3A_320 = tpu.assume_multiple %add3A_319, 16 : i32
            %swap3A_321 = arith.index_cast %multiple_of3A_320 : i32 to index
            %swap3A_322 = tpu.vector_load %arg13[%swap3A_321] {strides = array<i32>} : memref<2048xf32, #tpu.memory_space<vmem>>, vector<16xf32>,
            tpu.vector_store %arg13[%swap3A_321], %gather3A_315 {strides = array<i32>} : memref<2048xf32, #tpu.memory_space<vmem>>, vector<16xf32>,
            %add3A_323 = arith.constant 48 : i32
            %add3A_324 = vector.broadcast %add3A_323 : i32 to vector<16xi32>
            %add3A_325 = arith.addi %iota3A, %add3A_324 : vector<16xi32>
            %sub3A_326 = vector.broadcast %add3A_139 : i32 to vector<16xi32>
            %sub3A_327 = arith.subi %gather3A_254, %sub3A_326 : vector<16xi32>
            %gather3A_328 = arith.constant 0 : i32
            %gather3A_329 = arith.constant 0 : i32
            %gather3A_330 = tpu.memref_slice %arg11[%while3A_162, %gather3A_328, %gather3A_329] : memref<4x64x256xf32, #tpu.memory_space<vmem>> -> memref<1x64x256xf32, #tpu.memory_space<vmem>>
            %gather3A_331 = tpu.memref_squeeze %gather3A_330 : memref<1x64x256xf32, #tpu.memory_space<vmem>> -> memref<64x256xf32, #tpu.memory_space<vmem>>
            %gather3A_332 = tpu.vector_load_idx %gather3A_331[%add3A_325, %sub3A_327] : memref<64x256xf32, #tpu.memory_space<vmem>>[vector<16xi32>, vector<16xi32>], vector<16xf32>,
            %mul3A_333 = arith.constant 64 : i32
            %mul3A_334 = arith.muli %rem3A_268, %mul3A_333 : i32
            %add3A_335 = arith.constant 48 : i32
            %add3A_336 = arith.addi %mul3A_334, %add3A_335 : i32
            %multiple_of3A_337 = tpu.assume_multiple %add3A_336, 16 : i32
            %swap3A_338 = arith.index_cast %multiple_of3A_337 : i32 to index
            %swap3A_339 = tpu.vector_load %arg13[%swap3A_338] {strides = array<i32>} : memref<2048xf32, #tpu.memory_space<vmem>>, vector<16xf32>,
            tpu.vector_store %arg13[%swap3A_338], %gather3A_332 {strides = array<i32>} : memref<2048xf32, #tpu.memory_space<vmem>>, vector<16xf32>,
            %mul3A_340 = arith.constant 64 : i32
            %mul3A_341 = arith.muli %rem3A_268, %mul3A_340 : i32
            %mul3A_342 = arith.constant 128 : i32
            %mul3A_343 = arith.muli %squeeze3A, %mul3A_342 : i32
            %dma_start3A_344 = tpu.memref_slice %arg13[%mul3A_341] : memref<2048xf32, #tpu.memory_space<vmem>> -> memref<64xf32, #tpu.memory_space<vmem>>
            %dma_start3A_345 = tpu.memref_slice %arg5[%mul3A_343] : memref<2097152xf32, #tpu.memory_space<hbm>> -> memref<64xf32, #tpu.memory_space<hbm>>
            %dma_start3A_346 = tpu.memref_slice %arg5[%mul3A_343] : memref<2097152xf32, #tpu.memory_space<hbm>> -> memref<64xf32, #tpu.memory_space<hbm>>
            %dma_start3A_347 = tpu.memref_slice %arg13[%mul3A_341] : memref<2048xf32, #tpu.memory_space<vmem>> -> memref<64xf32, #tpu.memory_space<vmem>>
            tpu.enqueue_dma source(%dma_start3A_347 : memref<64xf32, #tpu.memory_space<vmem>>) target(%dma_start3A_346 : memref<64xf32, #tpu.memory_space<hbm>>) target_semaphore(%arg18 : memref<!tpu.dma_semaphore, #tpu.memory_space<semaphore_mem>>)
            %add3A_348 = arith.constant 1 : i32
            %add3A_349 = arith.addi %while3A_239, %add3A_348 : i32
            scf.yield %add3A_349 : i32
          }
          %while3A_236 = arith.constant 1 : i32
          %while3A_237 = scf.for %while3A_238 = %while3A_233 to %while3A_229 step %while3A_236 iter_args(%while3A_239 = %while3A_235) -> (i32)  : i32 {
            %shift_right_arithmetic3A = arith.constant 4 : i32
            %shift_right_arithmetic3A_240 = arith.shrsi %while3A_238, %shift_right_arithmetic3A : i32
            %mul3A_241 = arith.constant 16 : i32
            %mul3A_242 = arith.muli %shift_right_arithmetic3A_240, %mul3A_241 : i32
            %multiple_of3A = tpu.assume_multiple %mul3A_242, 16 : i32
            %and3A_243 = arith.constant 15 : i32
            %and3A_244 = arith.andi %while3A_238, %and3A_243 : i32
            %broadcast_in_dim3A = vector.broadcast %and3A_244 : i32 to vector<16xi32>
            %get3A = arith.index_cast %multiple_of3A : i32 to index
            %get3A_245 = tpu.vector_load %arg9[%get3A] {strides = array<i32>} : memref<2064xi32, #tpu.memory_space<vmem>>, vector<16xi32>,
            %lt3A_246 = arith.constant 0 : i32
            %lt3A_247 = vector.broadcast %lt3A_246 : i32 to vector<16xi32>
            %lt3A_248 = arith.cmpi slt, %broadcast_in_dim3A, %lt3A_247 : vector<16xi32>
            %add3A_249 = arith.constant 16 : i32
            %add3A_250 = vector.broadcast %add3A_249 : i32 to vector<16xi32>
            %add3A_251 = arith.addi %broadcast_in_dim3A, %add3A_250 : vector<16xi32>
            %select_n3A_252 = arith.select %lt3A_248, %add3A_251, %broadcast_in_dim3A : vector<16xi1>, vector<16xi32>
            %broadcast_in_dim3A_253 = vector.shape_cast %select_n3A_252 : vector<16xi32> to vector<16x1xi32>
            %gather3A = vector.shape_cast %broadcast_in_dim3A_253 : vector<16x1xi32> to vector<16xi32>
            %gather3A_254 = tpu.dynamic_gather %get3A_245[%gather3A] in [0] : vector<16xi32>, vector<16xi32> -> vector<16xi32>
            %get3A_255 = arith.index_cast %multiple_of3A : i32 to index
            %get3A_256 = tpu.vector_load %arg10[%get3A_255] {strides = array<i32>} : memref<2064xi32, #tpu.memory_space<vmem>>, vector<16xi32>,
            %lt3A_257 = arith.constant 0 : i32
            %lt3A_258 = vector.broadcast %lt3A_257 : i32 to vector<16xi32>
            %lt3A_259 = arith.cmpi slt, %broadcast_in_dim3A, %lt3A_258 : vector<16xi32>
            %add3A_260 = arith.constant 16 : i32
            %add3A_261 = vector.broadcast %add3A_260 : i32 to vector<16xi32>
            %add3A_262 = arith.addi %broadcast_in_dim3A, %add3A_261 : vector<16xi32>
            %select_n3A_263 = arith.select %lt3A_259, %add3A_262, %broadcast_in_dim3A : vector<16xi1>, vector<16xi32>
            %broadcast_in_dim3A_264 = vector.shape_cast %select_n3A_263 : vector<16xi32> to vector<16x1xi32>
            %gather3A_265 = vector.shape_cast %broadcast_in_dim3A_264 : vector<16x1xi32> to vector<16xi32>
            %gather3A_266 = tpu.dynamic_gather %get3A_256[%gather3A_265] in [0] : vector<16xi32>, vector<16xi32> -> vector<16xi32>
            %slice3A = vector.extract_strided_slice %gather3A_266 {offsets = [0], sizes = [1], strides = [1]} : vector<16xi32> to vector<1xi32>
            %squeeze3A = vector.extract %slice3A[0] : i32 from vector<1xi32>
            %rem3A_267 = arith.constant 32 : i32
            %rem3A_268 = arith.remsi %while3A_239, %rem3A_267 : i32
            %ge3A = arith.constant 32 : i32
            %ge3A_269 = arith.cmpi sge, %while3A_239, %ge3A : i32
            %convert_element_type3A_270 = arith.extui %ge3A_269 : i1 to i32
            %cond3A_271 = arith.constant 0 : i32
            %cond3A_272 = arith.cmpi ne, %convert_element_type3A_270, %cond3A_271 : i32
            scf.if %cond3A_272 {
              %dma_wait3A_350 = arith.constant 0 : i32
              %dma_wait3A_351 = tpu.memref_slice %arg13[%dma_wait3A_350] : memref<2048xf32, #tpu.memory_space<vmem>> -> memref<64xf32, #tpu.memory_space<vmem>>
              %dma_wait3A_352 = arith.constant 0 : i32
              %dma_wait3A_353 = tpu.memref_slice %arg5[%dma_wait3A_352] : memref<2097152xf32, #tpu.memory_space<hbm>> -> memref<64xf32, #tpu.memory_space<hbm>>
              %dma_wait3A_354 = arith.constant 0 : i32
              %dma_wait3A_355 = tpu.memref_slice %arg13[%dma_wait3A_354] : memref<2048xf32, #tpu.memory_space<vmem>> -> memref<64xf32, #tpu.memory_space<vmem>>
              %dma_wait3A_356 = arith.constant 0 : i32
              %dma_wait3A_357 = tpu.memref_slice %arg5[%dma_wait3A_356] : memref<2097152xf32, #tpu.memory_space<hbm>> -> memref<64xf32, #tpu.memory_space<hbm>>
              tpu.wait_dma2 semaphore(%arg18 : memref<!tpu.dma_semaphore, #tpu.memory_space<semaphore_mem>>) src(%dma_wait3A_357 : memref<64xf32, #tpu.memory_space<hbm>>) dst(%dma_wait3A_355 : memref<64xf32, #tpu.memory_space<vmem>>)
            } else {
            }
            %add3A_273 = arith.constant 0 : i32
            %add3A_274 = vector.broadcast %add3A_273 : i32 to vector<16xi32>
            %add3A_275 = arith.addi %iota3A, %add3A_274 : vector<16xi32>
            %sub3A_276 = vector.broadcast %add3A_139 : i32 to vector<16xi32>
            %sub3A_277 = arith.subi %gather3A_254, %sub3A_276 : vector<16xi32>
            %gather3A_278 = arith.constant 0 : i32
            %gather3A_279 = arith.constant 0 : i32
            %gather3A_280 = tpu.memref_slice %arg11[%while3A_162, %gather3A_278, %gather3A_279] : memref<4x64x256xf32, #tpu.memory_space<vmem>> -> memref<1x64x256xf32, #tpu.memory_space<vmem>>
            %gather3A_281 = tpu.memref_squeeze %gather3A_280 : memref<1x64x256xf32, #tpu.memory_space<vmem>> -> memref<64x256xf32, #tpu.memory_space<vmem>>
            %gather3A_282 = tpu.vector_load_idx %gather3A_281[%add3A_275, %sub3A_277] : memref<64x256xf32, #tpu.memory_space<vmem>>[vector<16xi32>, vector<16xi32>], vector<16xf32>,
            %mul3A_283 = arith.constant 64 : i32
            %mul3A_284 = arith.muli %rem3A_268, %mul3A_283 : i32
            %add3A_285 = arith.constant 0 : i32
            %add3A_286 = arith.addi %mul3A_284, %add3A_285 : i32
            %multiple_of3A_287 = tpu.assume_multiple %add3A_286, 16 : i32
            %swap3A = arith.index_cast %multiple_of3A_287 : i32 to index
            %swap3A_288 = tpu.vector_load %arg13[%swap3A] {strides = array<i32>} : memref<2048xf32, #tpu.memory_space<vmem>>, vector<16xf32>,
            tpu.vector_store %arg13[%swap3A], %gather3A_282 {strides = array<i32>} : memref<2048xf32, #tpu.memory_space<vmem>>, vector<16xf32>,
            %add3A_289 = arith.constant 16 : i32
            %add3A_290 = vector.broadcast %add3A_289 : i32 to vector<16xi32>
            %add3A_291 = arith.addi %iota3A, %add3A_290 : vector<16xi32>
            %sub3A_292 = vector.broadcast %add3A_139 : i32 to vector<16xi32>
            %sub3A_293 = arith.subi %gather3A_254, %sub3A_292 : vector<16xi32>
            %gather3A_294 = arith.constant 0 : i32
            %gather3A_295 = arith.constant 0 : i32
            %gather3A_296 = tpu.memref_slice %arg11[%while3A_162, %gather3A_294, %gather3A_295] : memref<4x64x256xf32, #tpu.memory_space<vmem>> -> memref<1x64x256xf32, #tpu.memory_space<vmem>>
            %gather3A_297 = tpu.memref_squeeze %gather3A_296 : memref<1x64x256xf32, #tpu.memory_space<vmem>> -> memref<64x256xf32, #tpu.memory_space<vmem>>
            %gather3A_298 = tpu.vector_load_idx %gather3A_297[%add3A_291, %sub3A_293] : memref<64x256xf32, #tpu.memory_space<vmem>>[vector<16xi32>, vector<16xi32>], vector<16xf32>,
            %mul3A_299 = arith.constant 64 : i32
            %mul3A_300 = arith.muli %rem3A_268, %mul3A_299 : i32
            %add3A_301 = arith.constant 16 : i32
            %add3A_302 = arith.addi %mul3A_300, %add3A_301 : i32
            %multiple_of3A_303 = tpu.assume_multiple %add3A_302, 16 : i32
            %swap3A_304 = arith.index_cast %multiple_of3A_303 : i32 to index
            %swap3A_305 = tpu.vector_load %arg13[%swap3A_304] {strides = array<i32>} : memref<2048xf32, #tpu.memory_space<vmem>>, vector<16xf32>,
            tpu.vector_store %arg13[%swap3A_304], %gather3A_298 {strides = array<i32>} : memref<2048xf32, #tpu.memory_space<vmem>>, vector<16xf32>,
            %add3A_306 = arith.constant 32 : i32
            %add3A_307 = vector.broadcast %add3A_306 : i32 to vector<16xi32>
            %add3A_308 = arith.addi %iota3A, %add3A_307 : vector<16xi32>
            %sub3A_309 = vector.broadcast %add3A_139 : i32 to vector<16xi32>
            %sub3A_310 = arith.subi %gather3A_254, %sub3A_309 : vector<16xi32>
            %gather3A_311 = arith.constant 0 : i32
            %gather3A_312 = arith.constant 0 : i32
            %gather3A_313 = tpu.memref_slice %arg11[%while3A_162, %gather3A_311, %gather3A_312] : memref<4x64x256xf32, #tpu.memory_space<vmem>> -> memref<1x64x256xf32, #tpu.memory_space<vmem>>
            %gather3A_314 = tpu.memref_squeeze %gather3A_313 : memref<1x64x256xf32, #tpu.memory_space<vmem>> -> memref<64x256xf32, #tpu.memory_space<vmem>>
            %gather3A_315 = tpu.vector_load_idx %gather3A_314[%add3A_308, %sub3A_310] : memref<64x256xf32, #tpu.memory_space<vmem>>[vector<16xi32>, vector<16xi32>], vector<16xf32>,
            %mul3A_316 = arith.constant 64 : i32
            %mul3A_317 = arith.muli %rem3A_268, %mul3A_316 : i32
            %add3A_318 = arith.constant 32 : i32
            %add3A_319 = arith.addi %mul3A_317, %add3A_318 : i32
            %multiple_of3A_320 = tpu.assume_multiple %add3A_319, 16 : i32
            %swap3A_321 = arith.index_cast %multiple_of3A_320 : i32 to index
            %swap3A_322 = tpu.vector_load %arg13[%swap3A_321] {strides = array<i32>} : memref<2048xf32, #tpu.memory_space<vmem>>, vector<16xf32>,
            tpu.vector_store %arg13[%swap3A_321], %gather3A_315 {strides = array<i32>} : memref<2048xf32, #tpu.memory_space<vmem>>, vector<16xf32>,
            %add3A_323 = arith.constant 48 : i32
            %add3A_324 = vector.broadcast %add3A_323 : i32 to vector<16xi32>
            %add3A_325 = arith.addi %iota3A, %add3A_324 : vector<16xi32>
            %sub3A_326 = vector.broadcast %add3A_139 : i32 to vector<16xi32>
            %sub3A_327 = arith.subi %gather3A_254, %sub3A_326 : vector<16xi32>
            %gather3A_328 = arith.constant 0 : i32
            %gather3A_329 = arith.constant 0 : i32
            %gather3A_330 = tpu.memref_slice %arg11[%while3A_162, %gather3A_328, %gather3A_329] : memref<4x64x256xf32, #tpu.memory_space<vmem>> -> memref<1x64x256xf32, #tpu.memory_space<vmem>>
            %gather3A_331 = tpu.memref_squeeze %gather3A_330 : memref<1x64x256xf32, #tpu.memory_space<vmem>> -> memref<64x256xf32, #tpu.memory_space<vmem>>
            %gather3A_332 = tpu.vector_load_idx %gather3A_331[%add3A_325, %sub3A_327] : memref<64x256xf32, #tpu.memory_space<vmem>>[vector<16xi32>, vector<16xi32>], vector<16xf32>,
            %mul3A_333 = arith.constant 64 : i32
            %mul3A_334 = arith.muli %rem3A_268, %mul3A_333 : i32
            %add3A_335 = arith.constant 48 : i32
            %add3A_336 = arith.addi %mul3A_334, %add3A_335 : i32
            %multiple_of3A_337 = tpu.assume_multiple %add3A_336, 16 : i32
            %swap3A_338 = arith.index_cast %multiple_of3A_337 : i32 to index
            %swap3A_339 = tpu.vector_load %arg13[%swap3A_338] {strides = array<i32>} : memref<2048xf32, #tpu.memory_space<vmem>>, vector<16xf32>,
            tpu.vector_store %arg13[%swap3A_338], %gather3A_332 {strides = array<i32>} : memref<2048xf32, #tpu.memory_space<vmem>>, vector<16xf32>,
            %mul3A_340 = arith.constant 64 : i32
            %mul3A_341 = arith.muli %rem3A_268, %mul3A_340 : i32
            %mul3A_342 = arith.constant 128 : i32
            %mul3A_343 = arith.muli %squeeze3A, %mul3A_342 : i32
            %dma_start3A_344 = tpu.memref_slice %arg13[%mul3A_341] : memref<2048xf32, #tpu.memory_space<vmem>> -> memref<64xf32, #tpu.memory_space<vmem>>
            %dma_start3A_345 = tpu.memref_slice %arg5[%mul3A_343] : memref<2097152xf32, #tpu.memory_space<hbm>> -> memref<64xf32, #tpu.memory_space<hbm>>
            %dma_start3A_346 = tpu.memref_slice %arg5[%mul3A_343] : memref<2097152xf32, #tpu.memory_space<hbm>> -> memref<64xf32, #tpu.memory_space<hbm>>
            %dma_start3A_347 = tpu.memref_slice %arg13[%mul3A_341] : memref<2048xf32, #tpu.memory_space<vmem>> -> memref<64xf32, #tpu.memory_space<vmem>>
            tpu.enqueue_dma source(%dma_start3A_347 : memref<64xf32, #tpu.memory_space<vmem>>) target(%dma_start3A_346 : memref<64xf32, #tpu.memory_space<hbm>>) target_semaphore(%arg18 : memref<!tpu.dma_semaphore, #tpu.memory_space<semaphore_mem>>)
            %add3A_348 = arith.constant 1 : i32
            %add3A_349 = arith.addi %while3A_239, %add3A_348 : i32
            scf.yield %add3A_349 : i32
          }
          scf.yield %while3A_237 : i32
        }
        %while3A_172 = arith.constant 1 : i32
        %while3A_173 = scf.for %while3A_180 = %while3A_169 to %while3A_165 step %while3A_172 iter_args(%while3A_181 = %while3A_171) -> (i32)  : i32 {
          %mul3A_182 = arith.constant 2048 : i32
          %mul3A_183 = arith.muli %while3A_180, %mul3A_182 : i32
          %sub3A_184 = arith.subi %scan3A_70, %mul3A_183 : i32
          %min3A_185 = arith.constant 2048 : i32
          %min3A_186 = arith.minsi %sub3A_184, %min3A_185 : i32
          %add3A_187 = arith.constant 16 : i32
          %add3A_188 = arith.addi %min3A_186, %add3A_187 : i32
          %sub3A_189 = arith.constant 1 : i32
          %sub3A_190 = arith.subi %add3A_188, %sub3A_189 : i32
          %jit3A_191 = arith.constant 16 : i32
          %div3A_192 = arith.divsi %sub3A_190, %jit3A_191 : i32
          %sign3A_193 = arith.constant 0 : i32
          %sign3A_194 = arith.cmpi sgt, %sub3A_190, %sign3A_193 : i32
          %sign3A_195 = arith.extui %sign3A_194 : i1 to i32
          %sign3A_196 = arith.constant 0 : i32
          %sign3A_197 = arith.cmpi slt, %sub3A_190, %sign3A_196 : i32
          %sign3A_198 = arith.extui %sign3A_197 : i1 to i32
          %sign3A_199 = arith.subi %sign3A_195, %sign3A_198 : i32
          %sign3A_200 = arith.constant 0 : i32
          %sign3A_201 = arith.cmpi sgt, %jit3A_191, %sign3A_200 : i32
          %sign3A_202 = arith.extui %sign3A_201 : i1 to i32
          %sign3A_203 = arith.constant 0 : i32
          %sign3A_204 = arith.cmpi slt, %jit3A_191, %sign3A_203 : i32
          %sign3A_205 = arith.extui %sign3A_204 : i1 to i32
          %sign3A_206 = arith.subi %sign3A_202, %sign3A_205 : i32
          %ne3A_207 = arith.cmpi ne, %sign3A_199, %sign3A_206 : i32
          %rem3A_208 = arith.remsi %sub3A_190, %jit3A_191 : i32
          %ne3A_209 = arith.constant 0 : i32
          %ne3A_210 = arith.cmpi ne, %rem3A_208, %ne3A_209 : i32
          %and3A_211 = arith.andi %ne3A_207, %ne3A_210 : i1
          %sub3A_212 = arith.constant 1 : i32
          %sub3A_213 = arith.subi %div3A_192, %sub3A_212 : i32
          %select_n3A_214 = arith.select %and3A_211, %sub3A_213, %div3A_192 : i32
          %while3A_215 = arith.constant 0 : i32
          %while3A_216 = arith.constant 0 : i32
          %while3A_217 = arith.subi %select_n3A_214, %while3A_215 : i32
          %while3A_218 = arith.addi %while3A_215, %while3A_217 : i32
          %while3A_219 = arith.constant 1 : i32
          %while3A_220 = arith.divsi %while3A_217, %while3A_219 : i32
          %while3A_221 = arith.muli %while3A_220, %while3A_219 : i32
          %while3A_222 = arith.addi %while3A_215, %while3A_221 : i32
          %while3A_223 = arith.constant 1 : i32
          %while3A_224 = scf.for %while3A_238 = %while3A_215 to %while3A_222 step %while3A_223 iter_args(%while3A_239 = %while3A_216) -> (i32)  : i32 {
            %mul3A_240 = arith.constant 16 : i32
            %mul3A_241 = arith.muli %while3A_238, %mul3A_240 : i32
            %add3A_242 = arith.addi %mul3A_183, %mul3A_241 : i32
            %multiple_of3A = tpu.assume_multiple %add3A_242, 16 : i32
            %add3A_243 = vector.broadcast %multiple_of3A : i32 to vector<16xi32>
            %add3A_244 = arith.addi %add3A_243, %iota3A : vector<16xi32>
            %get3A = arith.index_cast %multiple_of3A : i32 to index
            %get3A_245 = tpu.vector_load %arg7[%get3A] {strides = array<i32>} : memref<16416xi32, #tpu.memory_space<vmem>>, vector<16xi32>,
            %get3A_246 = arith.index_cast %multiple_of3A : i32 to index
            %get3A_247 = tpu.vector_load %arg8[%get3A_246] {strides = array<i32>} : memref<16416xi32, #tpu.memory_space<vmem>>, vector<16xi32>,
            %ge3A = vector.broadcast %add3A_139 : i32 to vector<16xi32>
            %ge3A_248 = arith.cmpi sge, %get3A_245, %ge3A : vector<16xi32>
            %add3A_249 = arith.constant 256 : i32
            %add3A_250 = arith.addi %add3A_139, %add3A_249 : i32
            %lt3A_251 = vector.broadcast %add3A_250 : i32 to vector<16xi32>
            %lt3A_252 = arith.cmpi slt, %get3A_245, %lt3A_251 : vector<16xi32>
            %and3A_253 = arith.andi %ge3A_248, %lt3A_252 : vector<16xi1>
            %lt3A_254 = vector.broadcast %scan3A_70 : i32 to vector<16xi32>
            %lt3A_255 = arith.cmpi slt, %add3A_244, %lt3A_254 : vector<16xi32>
            %and3A_256 = arith.andi %and3A_253, %lt3A_255 : vector<16xi1>
            %swap3A = arith.index_cast %while3A_239 : i32 to index
            %swap3A_257 = tpu.vector_load %arg9[%swap3A] masked %and3A_256 {strides = array<i32>} : memref<2064xi32, #tpu.memory_space<vmem>>, vector<16xi32>, vector<16xi1>
            tpu.vector_store %arg9[%swap3A], %get3A_245 masked %and3A_256 {strides = array<i32>} : memref<2064xi32, #tpu.memory_space<vmem>>, vector<16xi32>, vector<16xi1>
            %swap3A_258 = arith.index_cast %while3A_239 : i32 to index
            %swap3A_259 = tpu.vector_load %arg10[%swap3A_258] masked %and3A_256 {strides = array<i32>} : memref<2064xi32, #tpu.memory_space<vmem>>, vector<16xi32>, vector<16xi1>
            tpu.vector_store %arg10[%swap3A_258], %get3A_247 masked %and3A_256 {strides = array<i32>} : memref<2064xi32, #tpu.memory_space<vmem>>, vector<16xi32>, vector<16xi1>
            %all_reduce_population_count3A = tpu.all_reduce %and3A_256 {dim = 0 : i64, kind = #tpu.reduction_kind<sum>} : vector<16xi1> -> vector<16xi32>
            %slice3A = vector.extract_strided_slice %all_reduce_population_count3A {offsets = [0], sizes = [1], strides = [1]} : vector<16xi32> to vector<1xi32>
            %squeeze3A = vector.extract %slice3A[0] : i32 from vector<1xi32>
            %add3A_260 = arith.addi %while3A_239, %squeeze3A : i32
            scf.yield %add3A_260 : i32
          }
          %while3A_225 = arith.constant 1 : i32
          %while3A_226 = scf.for %while3A_238 = %while3A_222 to %while3A_218 step %while3A_225 iter_args(%while3A_239 = %while3A_224) -> (i32)  : i32 {
            %mul3A_240 = arith.constant 16 : i32
            %mul3A_241 = arith.muli %while3A_238, %mul3A_240 : i32
            %add3A_242 = arith.addi %mul3A_183, %mul3A_241 : i32
            %multiple_of3A = tpu.assume_multiple %add3A_242, 16 : i32
            %add3A_243 = vector.broadcast %multiple_of3A : i32 to vector<16xi32>
            %add3A_244 = arith.addi %add3A_243, %iota3A : vector<16xi32>
            %get3A = arith.index_cast %multiple_of3A : i32 to index
            %get3A_245 = tpu.vector_load %arg7[%get3A] {strides = array<i32>} : memref<16416xi32, #tpu.memory_space<vmem>>, vector<16xi32>,
            %get3A_246 = arith.index_cast %multiple_of3A : i32 to index
            %get3A_247 = tpu.vector_load %arg8[%get3A_246] {strides = array<i32>} : memref<16416xi32, #tpu.memory_space<vmem>>, vector<16xi32>,
            %ge3A = vector.broadcast %add3A_139 : i32 to vector<16xi32>
            %ge3A_248 = arith.cmpi sge, %get3A_245, %ge3A : vector<16xi32>
            %add3A_249 = arith.constant 256 : i32
            %add3A_250 = arith.addi %add3A_139, %add3A_249 : i32
            %lt3A_251 = vector.broadcast %add3A_250 : i32 to vector<16xi32>
            %lt3A_252 = arith.cmpi slt, %get3A_245, %lt3A_251 : vector<16xi32>
            %and3A_253 = arith.andi %ge3A_248, %lt3A_252 : vector<16xi1>
            %lt3A_254 = vector.broadcast %scan3A_70 : i32 to vector<16xi32>
            %lt3A_255 = arith.cmpi slt, %add3A_244, %lt3A_254 : vector<16xi32>
            %and3A_256 = arith.andi %and3A_253, %lt3A_255 : vector<16xi1>
            %swap3A = arith.index_cast %while3A_239 : i32 to index
            %swap3A_257 = tpu.vector_load %arg9[%swap3A] masked %and3A_256 {strides = array<i32>} : memref<2064xi32, #tpu.memory_space<vmem>>, vector<16xi32>, vector<16xi1>
            tpu.vector_store %arg9[%swap3A], %get3A_245 masked %and3A_256 {strides = array<i32>} : memref<2064xi32, #tpu.memory_space<vmem>>, vector<16xi32>, vector<16xi1>
            %swap3A_258 = arith.index_cast %while3A_239 : i32 to index
            %swap3A_259 = tpu.vector_load %arg10[%swap3A_258] masked %and3A_256 {strides = array<i32>} : memref<2064xi32, #tpu.memory_space<vmem>>, vector<16xi32>, vector<16xi1>
            tpu.vector_store %arg10[%swap3A_258], %get3A_247 masked %and3A_256 {strides = array<i32>} : memref<2064xi32, #tpu.memory_space<vmem>>, vector<16xi32>, vector<16xi1>
            %all_reduce_population_count3A = tpu.all_reduce %and3A_256 {dim = 0 : i64, kind = #tpu.reduction_kind<sum>} : vector<16xi1> -> vector<16xi32>
            %slice3A = vector.extract_strided_slice %all_reduce_population_count3A {offsets = [0], sizes = [1], strides = [1]} : vector<16xi32> to vector<1xi32>
            %squeeze3A = vector.extract %slice3A[0] : i32 from vector<1xi32>
            %add3A_260 = arith.addi %while3A_239, %squeeze3A : i32
            scf.yield %add3A_260 : i32
          }
          %while3A_227 = arith.constant 0 : i32
          %while3A_228 = arith.subi %while3A_226, %while3A_227 : i32
          %while3A_229 = arith.addi %while3A_227, %while3A_228 : i32
          %while3A_230 = arith.constant 1 : i32
          %while3A_231 = arith.divsi %while3A_228, %while3A_230 : i32
          %while3A_232 = arith.muli %while3A_231, %while3A_230 : i32
          %while3A_233 = arith.addi %while3A_227, %while3A_232 : i32
          %while3A_234 = arith.constant 1 : i32
          %while3A_235 = scf.for %while3A_238 = %while3A_227 to %while3A_233 step %while3A_234 iter_args(%while3A_239 = %while3A_181) -> (i32)  : i32 {
            %shift_right_arithmetic3A = arith.constant 4 : i32
            %shift_right_arithmetic3A_240 = arith.shrsi %while3A_238, %shift_right_arithmetic3A : i32
            %mul3A_241 = arith.constant 16 : i32
            %mul3A_242 = arith.muli %shift_right_arithmetic3A_240, %mul3A_241 : i32
            %multiple_of3A = tpu.assume_multiple %mul3A_242, 16 : i32
            %and3A_243 = arith.constant 15 : i32
            %and3A_244 = arith.andi %while3A_238, %and3A_243 : i32
            %broadcast_in_dim3A = vector.broadcast %and3A_244 : i32 to vector<16xi32>
            %get3A = arith.index_cast %multiple_of3A : i32 to index
            %get3A_245 = tpu.vector_load %arg9[%get3A] {strides = array<i32>} : memref<2064xi32, #tpu.memory_space<vmem>>, vector<16xi32>,
            %lt3A_246 = arith.constant 0 : i32
            %lt3A_247 = vector.broadcast %lt3A_246 : i32 to vector<16xi32>
            %lt3A_248 = arith.cmpi slt, %broadcast_in_dim3A, %lt3A_247 : vector<16xi32>
            %add3A_249 = arith.constant 16 : i32
            %add3A_250 = vector.broadcast %add3A_249 : i32 to vector<16xi32>
            %add3A_251 = arith.addi %broadcast_in_dim3A, %add3A_250 : vector<16xi32>
            %select_n3A_252 = arith.select %lt3A_248, %add3A_251, %broadcast_in_dim3A : vector<16xi1>, vector<16xi32>
            %broadcast_in_dim3A_253 = vector.shape_cast %select_n3A_252 : vector<16xi32> to vector<16x1xi32>
            %gather3A = vector.shape_cast %broadcast_in_dim3A_253 : vector<16x1xi32> to vector<16xi32>
            %gather3A_254 = tpu.dynamic_gather %get3A_245[%gather3A] in [0] : vector<16xi32>, vector<16xi32> -> vector<16xi32>
            %get3A_255 = arith.index_cast %multiple_of3A : i32 to index
            %get3A_256 = tpu.vector_load %arg10[%get3A_255] {strides = array<i32>} : memref<2064xi32, #tpu.memory_space<vmem>>, vector<16xi32>,
            %lt3A_257 = arith.constant 0 : i32
            %lt3A_258 = vector.broadcast %lt3A_257 : i32 to vector<16xi32>
            %lt3A_259 = arith.cmpi slt, %broadcast_in_dim3A, %lt3A_258 : vector<16xi32>
            %add3A_260 = arith.constant 16 : i32
            %add3A_261 = vector.broadcast %add3A_260 : i32 to vector<16xi32>
            %add3A_262 = arith.addi %broadcast_in_dim3A, %add3A_261 : vector<16xi32>
            %select_n3A_263 = arith.select %lt3A_259, %add3A_262, %broadcast_in_dim3A : vector<16xi1>, vector<16xi32>
            %broadcast_in_dim3A_264 = vector.shape_cast %select_n3A_263 : vector<16xi32> to vector<16x1xi32>
            %gather3A_265 = vector.shape_cast %broadcast_in_dim3A_264 : vector<16x1xi32> to vector<16xi32>
            %gather3A_266 = tpu.dynamic_gather %get3A_256[%gather3A_265] in [0] : vector<16xi32>, vector<16xi32> -> vector<16xi32>
            %slice3A = vector.extract_strided_slice %gather3A_266 {offsets = [0], sizes = [1], strides = [1]} : vector<16xi32> to vector<1xi32>
            %squeeze3A = vector.extract %slice3A[0] : i32 from vector<1xi32>
            %rem3A_267 = arith.constant 32 : i32
            %rem3A_268 = arith.remsi %while3A_239, %rem3A_267 : i32
            %ge3A = arith.constant 32 : i32
            %ge3A_269 = arith.cmpi sge, %while3A_239, %ge3A : i32
            %convert_element_type3A_270 = arith.extui %ge3A_269 : i1 to i32
            %cond3A_271 = arith.constant 0 : i32
            %cond3A_272 = arith.cmpi ne, %convert_element_type3A_270, %cond3A_271 : i32
            scf.if %cond3A_272 {
              %dma_wait3A_350 = arith.constant 0 : i32
              %dma_wait3A_351 = tpu.memref_slice %arg13[%dma_wait3A_350] : memref<2048xf32, #tpu.memory_space<vmem>> -> memref<64xf32, #tpu.memory_space<vmem>>
              %dma_wait3A_352 = arith.constant 0 : i32
              %dma_wait3A_353 = tpu.memref_slice %arg5[%dma_wait3A_352] : memref<2097152xf32, #tpu.memory_space<hbm>> -> memref<64xf32, #tpu.memory_space<hbm>>
              %dma_wait3A_354 = arith.constant 0 : i32
              %dma_wait3A_355 = tpu.memref_slice %arg13[%dma_wait3A_354] : memref<2048xf32, #tpu.memory_space<vmem>> -> memref<64xf32, #tpu.memory_space<vmem>>
              %dma_wait3A_356 = arith.constant 0 : i32
              %dma_wait3A_357 = tpu.memref_slice %arg5[%dma_wait3A_356] : memref<2097152xf32, #tpu.memory_space<hbm>> -> memref<64xf32, #tpu.memory_space<hbm>>
              tpu.wait_dma2 semaphore(%arg18 : memref<!tpu.dma_semaphore, #tpu.memory_space<semaphore_mem>>) src(%dma_wait3A_357 : memref<64xf32, #tpu.memory_space<hbm>>) dst(%dma_wait3A_355 : memref<64xf32, #tpu.memory_space<vmem>>)
            } else {
            }
            %add3A_273 = arith.constant 0 : i32
            %add3A_274 = vector.broadcast %add3A_273 : i32 to vector<16xi32>
            %add3A_275 = arith.addi %iota3A, %add3A_274 : vector<16xi32>
            %sub3A_276 = vector.broadcast %add3A_139 : i32 to vector<16xi32>
            %sub3A_277 = arith.subi %gather3A_254, %sub3A_276 : vector<16xi32>
            %gather3A_278 = arith.constant 0 : i32
            %gather3A_279 = arith.constant 0 : i32
            %gather3A_280 = tpu.memref_slice %arg11[%while3A_162, %gather3A_278, %gather3A_279] : memref<4x64x256xf32, #tpu.memory_space<vmem>> -> memref<1x64x256xf32, #tpu.memory_space<vmem>>
            %gather3A_281 = tpu.memref_squeeze %gather3A_280 : memref<1x64x256xf32, #tpu.memory_space<vmem>> -> memref<64x256xf32, #tpu.memory_space<vmem>>
            %gather3A_282 = tpu.vector_load_idx %gather3A_281[%add3A_275, %sub3A_277] : memref<64x256xf32, #tpu.memory_space<vmem>>[vector<16xi32>, vector<16xi32>], vector<16xf32>,
            %mul3A_283 = arith.constant 64 : i32
            %mul3A_284 = arith.muli %rem3A_268, %mul3A_283 : i32
            %add3A_285 = arith.constant 0 : i32
            %add3A_286 = arith.addi %mul3A_284, %add3A_285 : i32
            %multiple_of3A_287 = tpu.assume_multiple %add3A_286, 16 : i32
            %swap3A = arith.index_cast %multiple_of3A_287 : i32 to index
            %swap3A_288 = tpu.vector_load %arg13[%swap3A] {strides = array<i32>} : memref<2048xf32, #tpu.memory_space<vmem>>, vector<16xf32>,
            tpu.vector_store %arg13[%swap3A], %gather3A_282 {strides = array<i32>} : memref<2048xf32, #tpu.memory_space<vmem>>, vector<16xf32>,
            %add3A_289 = arith.constant 16 : i32
            %add3A_290 = vector.broadcast %add3A_289 : i32 to vector<16xi32>
            %add3A_291 = arith.addi %iota3A, %add3A_290 : vector<16xi32>
            %sub3A_292 = vector.broadcast %add3A_139 : i32 to vector<16xi32>
            %sub3A_293 = arith.subi %gather3A_254, %sub3A_292 : vector<16xi32>
            %gather3A_294 = arith.constant 0 : i32
            %gather3A_295 = arith.constant 0 : i32
            %gather3A_296 = tpu.memref_slice %arg11[%while3A_162, %gather3A_294, %gather3A_295] : memref<4x64x256xf32, #tpu.memory_space<vmem>> -> memref<1x64x256xf32, #tpu.memory_space<vmem>>
            %gather3A_297 = tpu.memref_squeeze %gather3A_296 : memref<1x64x256xf32, #tpu.memory_space<vmem>> -> memref<64x256xf32, #tpu.memory_space<vmem>>
            %gather3A_298 = tpu.vector_load_idx %gather3A_297[%add3A_291, %sub3A_293] : memref<64x256xf32, #tpu.memory_space<vmem>>[vector<16xi32>, vector<16xi32>], vector<16xf32>,
            %mul3A_299 = arith.constant 64 : i32
            %mul3A_300 = arith.muli %rem3A_268, %mul3A_299 : i32
            %add3A_301 = arith.constant 16 : i32
            %add3A_302 = arith.addi %mul3A_300, %add3A_301 : i32
            %multiple_of3A_303 = tpu.assume_multiple %add3A_302, 16 : i32
            %swap3A_304 = arith.index_cast %multiple_of3A_303 : i32 to index
            %swap3A_305 = tpu.vector_load %arg13[%swap3A_304] {strides = array<i32>} : memref<2048xf32, #tpu.memory_space<vmem>>, vector<16xf32>,
            tpu.vector_store %arg13[%swap3A_304], %gather3A_298 {strides = array<i32>} : memref<2048xf32, #tpu.memory_space<vmem>>, vector<16xf32>,
            %add3A_306 = arith.constant 32 : i32
            %add3A_307 = vector.broadcast %add3A_306 : i32 to vector<16xi32>
            %add3A_308 = arith.addi %iota3A, %add3A_307 : vector<16xi32>
            %sub3A_309 = vector.broadcast %add3A_139 : i32 to vector<16xi32>
            %sub3A_310 = arith.subi %gather3A_254, %sub3A_309 : vector<16xi32>
            %gather3A_311 = arith.constant 0 : i32
            %gather3A_312 = arith.constant 0 : i32
            %gather3A_313 = tpu.memref_slice %arg11[%while3A_162, %gather3A_311, %gather3A_312] : memref<4x64x256xf32, #tpu.memory_space<vmem>> -> memref<1x64x256xf32, #tpu.memory_space<vmem>>
            %gather3A_314 = tpu.memref_squeeze %gather3A_313 : memref<1x64x256xf32, #tpu.memory_space<vmem>> -> memref<64x256xf32, #tpu.memory_space<vmem>>
            %gather3A_315 = tpu.vector_load_idx %gather3A_314[%add3A_308, %sub3A_310] : memref<64x256xf32, #tpu.memory_space<vmem>>[vector<16xi32>, vector<16xi32>], vector<16xf32>,
            %mul3A_316 = arith.constant 64 : i32
            %mul3A_317 = arith.muli %rem3A_268, %mul3A_316 : i32
            %add3A_318 = arith.constant 32 : i32
            %add3A_319 = arith.addi %mul3A_317, %add3A_318 : i32
            %multiple_of3A_320 = tpu.assume_multiple %add3A_319, 16 : i32
            %swap3A_321 = arith.index_cast %multiple_of3A_320 : i32 to index
            %swap3A_322 = tpu.vector_load %arg13[%swap3A_321] {strides = array<i32>} : memref<2048xf32, #tpu.memory_space<vmem>>, vector<16xf32>,
            tpu.vector_store %arg13[%swap3A_321], %gather3A_315 {strides = array<i32>} : memref<2048xf32, #tpu.memory_space<vmem>>, vector<16xf32>,
            %add3A_323 = arith.constant 48 : i32
            %add3A_324 = vector.broadcast %add3A_323 : i32 to vector<16xi32>
            %add3A_325 = arith.addi %iota3A, %add3A_324 : vector<16xi32>
            %sub3A_326 = vector.broadcast %add3A_139 : i32 to vector<16xi32>
            %sub3A_327 = arith.subi %gather3A_254, %sub3A_326 : vector<16xi32>
            %gather3A_328 = arith.constant 0 : i32
            %gather3A_329 = arith.constant 0 : i32
            %gather3A_330 = tpu.memref_slice %arg11[%while3A_162, %gather3A_328, %gather3A_329] : memref<4x64x256xf32, #tpu.memory_space<vmem>> -> memref<1x64x256xf32, #tpu.memory_space<vmem>>
            %gather3A_331 = tpu.memref_squeeze %gather3A_330 : memref<1x64x256xf32, #tpu.memory_space<vmem>> -> memref<64x256xf32, #tpu.memory_space<vmem>>
            %gather3A_332 = tpu.vector_load_idx %gather3A_331[%add3A_325, %sub3A_327] : memref<64x256xf32, #tpu.memory_space<vmem>>[vector<16xi32>, vector<16xi32>], vector<16xf32>,
            %mul3A_333 = arith.constant 64 : i32
            %mul3A_334 = arith.muli %rem3A_268, %mul3A_333 : i32
            %add3A_335 = arith.constant 48 : i32
            %add3A_336 = arith.addi %mul3A_334, %add3A_335 : i32
            %multiple_of3A_337 = tpu.assume_multiple %add3A_336, 16 : i32
            %swap3A_338 = arith.index_cast %multiple_of3A_337 : i32 to index
            %swap3A_339 = tpu.vector_load %arg13[%swap3A_338] {strides = array<i32>} : memref<2048xf32, #tpu.memory_space<vmem>>, vector<16xf32>,
            tpu.vector_store %arg13[%swap3A_338], %gather3A_332 {strides = array<i32>} : memref<2048xf32, #tpu.memory_space<vmem>>, vector<16xf32>,
            %mul3A_340 = arith.constant 64 : i32
            %mul3A_341 = arith.muli %rem3A_268, %mul3A_340 : i32
            %mul3A_342 = arith.constant 128 : i32
            %mul3A_343 = arith.muli %squeeze3A, %mul3A_342 : i32
            %dma_start3A_344 = tpu.memref_slice %arg13[%mul3A_341] : memref<2048xf32, #tpu.memory_space<vmem>> -> memref<64xf32, #tpu.memory_space<vmem>>
            %dma_start3A_345 = tpu.memref_slice %arg5[%mul3A_343] : memref<2097152xf32, #tpu.memory_space<hbm>> -> memref<64xf32, #tpu.memory_space<hbm>>
            %dma_start3A_346 = tpu.memref_slice %arg5[%mul3A_343] : memref<2097152xf32, #tpu.memory_space<hbm>> -> memref<64xf32, #tpu.memory_space<hbm>>
            %dma_start3A_347 = tpu.memref_slice %arg13[%mul3A_341] : memref<2048xf32, #tpu.memory_space<vmem>> -> memref<64xf32, #tpu.memory_space<vmem>>
            tpu.enqueue_dma source(%dma_start3A_347 : memref<64xf32, #tpu.memory_space<vmem>>) target(%dma_start3A_346 : memref<64xf32, #tpu.memory_space<hbm>>) target_semaphore(%arg18 : memref<!tpu.dma_semaphore, #tpu.memory_space<semaphore_mem>>)
            %add3A_348 = arith.constant 1 : i32
            %add3A_349 = arith.addi %while3A_239, %add3A_348 : i32
            scf.yield %add3A_349 : i32
          }
          %while3A_236 = arith.constant 1 : i32
          %while3A_237 = scf.for %while3A_238 = %while3A_233 to %while3A_229 step %while3A_236 iter_args(%while3A_239 = %while3A_235) -> (i32)  : i32 {
            %shift_right_arithmetic3A = arith.constant 4 : i32
            %shift_right_arithmetic3A_240 = arith.shrsi %while3A_238, %shift_right_arithmetic3A : i32
            %mul3A_241 = arith.constant 16 : i32
            %mul3A_242 = arith.muli %shift_right_arithmetic3A_240, %mul3A_241 : i32
            %multiple_of3A = tpu.assume_multiple %mul3A_242, 16 : i32
            %and3A_243 = arith.constant 15 : i32
            %and3A_244 = arith.andi %while3A_238, %and3A_243 : i32
            %broadcast_in_dim3A = vector.broadcast %and3A_244 : i32 to vector<16xi32>
            %get3A = arith.index_cast %multiple_of3A : i32 to index
            %get3A_245 = tpu.vector_load %arg9[%get3A] {strides = array<i32>} : memref<2064xi32, #tpu.memory_space<vmem>>, vector<16xi32>,
            %lt3A_246 = arith.constant 0 : i32
            %lt3A_247 = vector.broadcast %lt3A_246 : i32 to vector<16xi32>
            %lt3A_248 = arith.cmpi slt, %broadcast_in_dim3A, %lt3A_247 : vector<16xi32>
            %add3A_249 = arith.constant 16 : i32
            %add3A_250 = vector.broadcast %add3A_249 : i32 to vector<16xi32>
            %add3A_251 = arith.addi %broadcast_in_dim3A, %add3A_250 : vector<16xi32>
            %select_n3A_252 = arith.select %lt3A_248, %add3A_251, %broadcast_in_dim3A : vector<16xi1>, vector<16xi32>
            %broadcast_in_dim3A_253 = vector.shape_cast %select_n3A_252 : vector<16xi32> to vector<16x1xi32>
            %gather3A = vector.shape_cast %broadcast_in_dim3A_253 : vector<16x1xi32> to vector<16xi32>
            %gather3A_254 = tpu.dynamic_gather %get3A_245[%gather3A] in [0] : vector<16xi32>, vector<16xi32> -> vector<16xi32>
            %get3A_255 = arith.index_cast %multiple_of3A : i32 to index
            %get3A_256 = tpu.vector_load %arg10[%get3A_255] {strides = array<i32>} : memref<2064xi32, #tpu.memory_space<vmem>>, vector<16xi32>,
            %lt3A_257 = arith.constant 0 : i32
            %lt3A_258 = vector.broadcast %lt3A_257 : i32 to vector<16xi32>
            %lt3A_259 = arith.cmpi slt, %broadcast_in_dim3A, %lt3A_258 : vector<16xi32>
            %add3A_260 = arith.constant 16 : i32
            %add3A_261 = vector.broadcast %add3A_260 : i32 to vector<16xi32>
            %add3A_262 = arith.addi %broadcast_in_dim3A, %add3A_261 : vector<16xi32>
            %select_n3A_263 = arith.select %lt3A_259, %add3A_262, %broadcast_in_dim3A : vector<16xi1>, vector<16xi32>
            %broadcast_in_dim3A_264 = vector.shape_cast %select_n3A_263 : vector<16xi32> to vector<16x1xi32>
            %gather3A_265 = vector.shape_cast %broadcast_in_dim3A_264 : vector<16x1xi32> to vector<16xi32>
            %gather3A_266 = tpu.dynamic_gather %get3A_256[%gather3A_265] in [0] : vector<16xi32>, vector<16xi32> -> vector<16xi32>
            %slice3A = vector.extract_strided_slice %gather3A_266 {offsets = [0], sizes = [1], strides = [1]} : vector<16xi32> to vector<1xi32>
            %squeeze3A = vector.extract %slice3A[0] : i32 from vector<1xi32>
            %rem3A_267 = arith.constant 32 : i32
            %rem3A_268 = arith.remsi %while3A_239, %rem3A_267 : i32
            %ge3A = arith.constant 32 : i32
            %ge3A_269 = arith.cmpi sge, %while3A_239, %ge3A : i32
            %convert_element_type3A_270 = arith.extui %ge3A_269 : i1 to i32
            %cond3A_271 = arith.constant 0 : i32
            %cond3A_272 = arith.cmpi ne, %convert_element_type3A_270, %cond3A_271 : i32
            scf.if %cond3A_272 {
              %dma_wait3A_350 = arith.constant 0 : i32
              %dma_wait3A_351 = tpu.memref_slice %arg13[%dma_wait3A_350] : memref<2048xf32, #tpu.memory_space<vmem>> -> memref<64xf32, #tpu.memory_space<vmem>>
              %dma_wait3A_352 = arith.constant 0 : i32
              %dma_wait3A_353 = tpu.memref_slice %arg5[%dma_wait3A_352] : memref<2097152xf32, #tpu.memory_space<hbm>> -> memref<64xf32, #tpu.memory_space<hbm>>
              %dma_wait3A_354 = arith.constant 0 : i32
              %dma_wait3A_355 = tpu.memref_slice %arg13[%dma_wait3A_354] : memref<2048xf32, #tpu.memory_space<vmem>> -> memref<64xf32, #tpu.memory_space<vmem>>
              %dma_wait3A_356 = arith.constant 0 : i32
              %dma_wait3A_357 = tpu.memref_slice %arg5[%dma_wait3A_356] : memref<2097152xf32, #tpu.memory_space<hbm>> -> memref<64xf32, #tpu.memory_space<hbm>>
              tpu.wait_dma2 semaphore(%arg18 : memref<!tpu.dma_semaphore, #tpu.memory_space<semaphore_mem>>) src(%dma_wait3A_357 : memref<64xf32, #tpu.memory_space<hbm>>) dst(%dma_wait3A_355 : memref<64xf32, #tpu.memory_space<vmem>>)
            } else {
            }
            %add3A_273 = arith.constant 0 : i32
            %add3A_274 = vector.broadcast %add3A_273 : i32 to vector<16xi32>
            %add3A_275 = arith.addi %iota3A, %add3A_274 : vector<16xi32>
            %sub3A_276 = vector.broadcast %add3A_139 : i32 to vector<16xi32>
            %sub3A_277 = arith.subi %gather3A_254, %sub3A_276 : vector<16xi32>
            %gather3A_278 = arith.constant 0 : i32
            %gather3A_279 = arith.constant 0 : i32
            %gather3A_280 = tpu.memref_slice %arg11[%while3A_162, %gather3A_278, %gather3A_279] : memref<4x64x256xf32, #tpu.memory_space<vmem>> -> memref<1x64x256xf32, #tpu.memory_space<vmem>>
            %gather3A_281 = tpu.memref_squeeze %gather3A_280 : memref<1x64x256xf32, #tpu.memory_space<vmem>> -> memref<64x256xf32, #tpu.memory_space<vmem>>
            %gather3A_282 = tpu.vector_load_idx %gather3A_281[%add3A_275, %sub3A_277] : memref<64x256xf32, #tpu.memory_space<vmem>>[vector<16xi32>, vector<16xi32>], vector<16xf32>,
            %mul3A_283 = arith.constant 64 : i32
            %mul3A_284 = arith.muli %rem3A_268, %mul3A_283 : i32
            %add3A_285 = arith.constant 0 : i32
            %add3A_286 = arith.addi %mul3A_284, %add3A_285 : i32
            %multiple_of3A_287 = tpu.assume_multiple %add3A_286, 16 : i32
            %swap3A = arith.index_cast %multiple_of3A_287 : i32 to index
            %swap3A_288 = tpu.vector_load %arg13[%swap3A] {strides = array<i32>} : memref<2048xf32, #tpu.memory_space<vmem>>, vector<16xf32>,
            tpu.vector_store %arg13[%swap3A], %gather3A_282 {strides = array<i32>} : memref<2048xf32, #tpu.memory_space<vmem>>, vector<16xf32>,
            %add3A_289 = arith.constant 16 : i32
            %add3A_290 = vector.broadcast %add3A_289 : i32 to vector<16xi32>
            %add3A_291 = arith.addi %iota3A, %add3A_290 : vector<16xi32>
            %sub3A_292 = vector.broadcast %add3A_139 : i32 to vector<16xi32>
            %sub3A_293 = arith.subi %gather3A_254, %sub3A_292 : vector<16xi32>
            %gather3A_294 = arith.constant 0 : i32
            %gather3A_295 = arith.constant 0 : i32
            %gather3A_296 = tpu.memref_slice %arg11[%while3A_162, %gather3A_294, %gather3A_295] : memref<4x64x256xf32, #tpu.memory_space<vmem>> -> memref<1x64x256xf32, #tpu.memory_space<vmem>>
            %gather3A_297 = tpu.memref_squeeze %gather3A_296 : memref<1x64x256xf32, #tpu.memory_space<vmem>> -> memref<64x256xf32, #tpu.memory_space<vmem>>
            %gather3A_298 = tpu.vector_load_idx %gather3A_297[%add3A_291, %sub3A_293] : memref<64x256xf32, #tpu.memory_space<vmem>>[vector<16xi32>, vector<16xi32>], vector<16xf32>,
            %mul3A_299 = arith.constant 64 : i32
            %mul3A_300 = arith.muli %rem3A_268, %mul3A_299 : i32
            %add3A_301 = arith.constant 16 : i32
            %add3A_302 = arith.addi %mul3A_300, %add3A_301 : i32
            %multiple_of3A_303 = tpu.assume_multiple %add3A_302, 16 : i32
            %swap3A_304 = arith.index_cast %multiple_of3A_303 : i32 to index
            %swap3A_305 = tpu.vector_load %arg13[%swap3A_304] {strides = array<i32>} : memref<2048xf32, #tpu.memory_space<vmem>>, vector<16xf32>,
            tpu.vector_store %arg13[%swap3A_304], %gather3A_298 {strides = array<i32>} : memref<2048xf32, #tpu.memory_space<vmem>>, vector<16xf32>,
            %add3A_306 = arith.constant 32 : i32
            %add3A_307 = vector.broadcast %add3A_306 : i32 to vector<16xi32>
            %add3A_308 = arith.addi %iota3A, %add3A_307 : vector<16xi32>
            %sub3A_309 = vector.broadcast %add3A_139 : i32 to vector<16xi32>
            %sub3A_310 = arith.subi %gather3A_254, %sub3A_309 : vector<16xi32>
            %gather3A_311 = arith.constant 0 : i32
            %gather3A_312 = arith.constant 0 : i32
            %gather3A_313 = tpu.memref_slice %arg11[%while3A_162, %gather3A_311, %gather3A_312] : memref<4x64x256xf32, #tpu.memory_space<vmem>> -> memref<1x64x256xf32, #tpu.memory_space<vmem>>
            %gather3A_314 = tpu.memref_squeeze %gather3A_313 : memref<1x64x256xf32, #tpu.memory_space<vmem>> -> memref<64x256xf32, #tpu.memory_space<vmem>>
            %gather3A_315 = tpu.vector_load_idx %gather3A_314[%add3A_308, %sub3A_310] : memref<64x256xf32, #tpu.memory_space<vmem>>[vector<16xi32>, vector<16xi32>], vector<16xf32>,
            %mul3A_316 = arith.constant 64 : i32
            %mul3A_317 = arith.muli %rem3A_268, %mul3A_316 : i32
            %add3A_318 = arith.constant 32 : i32
            %add3A_319 = arith.addi %mul3A_317, %add3A_318 : i32
            %multiple_of3A_320 = tpu.assume_multiple %add3A_319, 16 : i32
            %swap3A_321 = arith.index_cast %multiple_of3A_320 : i32 to index
            %swap3A_322 = tpu.vector_load %arg13[%swap3A_321] {strides = array<i32>} : memref<2048xf32, #tpu.memory_space<vmem>>, vector<16xf32>,
            tpu.vector_store %arg13[%swap3A_321], %gather3A_315 {strides = array<i32>} : memref<2048xf32, #tpu.memory_space<vmem>>, vector<16xf32>,
            %add3A_323 = arith.constant 48 : i32
            %add3A_324 = vector.broadcast %add3A_323 : i32 to vector<16xi32>
            %add3A_325 = arith.addi %iota3A, %add3A_324 : vector<16xi32>
            %sub3A_326 = vector.broadcast %add3A_139 : i32 to vector<16xi32>
            %sub3A_327 = arith.subi %gather3A_254, %sub3A_326 : vector<16xi32>
            %gather3A_328 = arith.constant 0 : i32
            %gather3A_329 = arith.constant 0 : i32
            %gather3A_330 = tpu.memref_slice %arg11[%while3A_162, %gather3A_328, %gather3A_329] : memref<4x64x256xf32, #tpu.memory_space<vmem>> -> memref<1x64x256xf32, #tpu.memory_space<vmem>>
            %gather3A_331 = tpu.memref_squeeze %gather3A_330 : memref<1x64x256xf32, #tpu.memory_space<vmem>> -> memref<64x256xf32, #tpu.memory_space<vmem>>
            %gather3A_332 = tpu.vector_load_idx %gather3A_331[%add3A_325, %sub3A_327] : memref<64x256xf32, #tpu.memory_space<vmem>>[vector<16xi32>, vector<16xi32>], vector<16xf32>,
            %mul3A_333 = arith.constant 64 : i32
            %mul3A_334 = arith.muli %rem3A_268, %mul3A_333 : i32
            %add3A_335 = arith.constant 48 : i32
            %add3A_336 = arith.addi %mul3A_334, %add3A_335 : i32
            %multiple_of3A_337 = tpu.assume_multiple %add3A_336, 16 : i32
            %swap3A_338 = arith.index_cast %multiple_of3A_337 : i32 to index
            %swap3A_339 = tpu.vector_load %arg13[%swap3A_338] {strides = array<i32>} : memref<2048xf32, #tpu.memory_space<vmem>>, vector<16xf32>,
            tpu.vector_store %arg13[%swap3A_338], %gather3A_332 {strides = array<i32>} : memref<2048xf32, #tpu.memory_space<vmem>>, vector<16xf32>,
            %mul3A_340 = arith.constant 64 : i32
            %mul3A_341 = arith.muli %rem3A_268, %mul3A_340 : i32
            %mul3A_342 = arith.constant 128 : i32
            %mul3A_343 = arith.muli %squeeze3A, %mul3A_342 : i32
            %dma_start3A_344 = tpu.memref_slice %arg13[%mul3A_341] : memref<2048xf32, #tpu.memory_space<vmem>> -> memref<64xf32, #tpu.memory_space<vmem>>
            %dma_start3A_345 = tpu.memref_slice %arg5[%mul3A_343] : memref<2097152xf32, #tpu.memory_space<hbm>> -> memref<64xf32, #tpu.memory_space<hbm>>
            %dma_start3A_346 = tpu.memref_slice %arg5[%mul3A_343] : memref<2097152xf32, #tpu.memory_space<hbm>> -> memref<64xf32, #tpu.memory_space<hbm>>
            %dma_start3A_347 = tpu.memref_slice %arg13[%mul3A_341] : memref<2048xf32, #tpu.memory_space<vmem>> -> memref<64xf32, #tpu.memory_space<vmem>>
            tpu.enqueue_dma source(%dma_start3A_347 : memref<64xf32, #tpu.memory_space<vmem>>) target(%dma_start3A_346 : memref<64xf32, #tpu.memory_space<hbm>>) target_semaphore(%arg18 : memref<!tpu.dma_semaphore, #tpu.memory_space<semaphore_mem>>)
            %add3A_348 = arith.constant 1 : i32
            %add3A_349 = arith.addi %while3A_239, %add3A_348 : i32
            scf.yield %add3A_349 : i32
          }
          scf.yield %while3A_237 : i32
        }
        %add3A_174 = arith.constant 4 : i32
        %add3A_175 = arith.addi %add3A_110, %add3A_174 : i32
        %lt3A_176 = arith.cmpi slt, %add3A_175, %add3A_4 : i32
        %convert_element_type3A_177 = arith.extui %lt3A_176 : i1 to i32
        %cond3A_178 = arith.constant 0 : i32
        %cond3A_179 = arith.cmpi ne, %convert_element_type3A_177, %cond3A_178 : i32
        scf.if %cond3A_179 {
          %add3A_180 = arith.constant 4 : i32
          %add3A_181 = arith.addi %add3A_110, %add3A_180 : i32
          %mul3A_182 = arith.constant 256 : i32
          %mul3A_183 = arith.muli %add3A_181, %mul3A_182 : i32
          %add3A_184 = arith.addi %mul3A_6, %mul3A_183 : i32
          %dma_start3A_185 = arith.constant 2 : i32
          %dma_start3A_186 = arith.constant 0 : i32
          %dma_start3A_187 = arith.constant 0 : i32
          %dma_start3A_188 = tpu.memref_slice %arg11[%dma_start3A_185, %dma_start3A_186, %dma_start3A_187] : memref<4x64x256xf32, #tpu.memory_space<vmem>> -> memref<1x64x256xf32, #tpu.memory_space<vmem>>
          %dma_start3A_189 = tpu.memref_squeeze %dma_start3A_188 : memref<1x64x256xf32, #tpu.memory_space<vmem>> -> memref<64x256xf32, #tpu.memory_space<vmem>>
          %dma_start3A_190 = arith.constant 0 : i32
          %dma_start3A_191 = tpu.memref_slice %arg3[%dma_start3A_190, %add3A_184] : memref<64x1000000xf32, #tpu.memory_space<hbm>> -> memref<64x256xf32, #tpu.memory_space<hbm>>
          %dma_start3A_192 = arith.constant 0 : i32
          %dma_start3A_193 = arith.constant 0 : i32
          %dma_start3A_194 = tpu.memref_slice %arg11[%dma_start3A_185, %dma_start3A_192, %dma_start3A_193] : memref<4x64x256xf32, #tpu.memory_space<vmem>> -> memref<1x64x256xf32, #tpu.memory_space<vmem>>
          %dma_start3A_195 = tpu.memref_squeeze %dma_start3A_194 : memref<1x64x256xf32, #tpu.memory_space<vmem>> -> memref<64x256xf32, #tpu.memory_space<vmem>>
          %dma_start3A_196 = arith.constant 0 : i32
          %dma_start3A_197 = tpu.memref_slice %arg3[%dma_start3A_196, %add3A_184] : memref<64x1000000xf32, #tpu.memory_space<hbm>> -> memref<64x256xf32, #tpu.memory_space<hbm>>
          tpu.enqueue_dma source(%dma_start3A_197 : memref<64x256xf32, #tpu.memory_space<hbm>>) target(%dma_start3A_195 : memref<64x256xf32, #tpu.memory_space<vmem>>) target_semaphore(%arg16 : memref<!tpu.dma_semaphore, #tpu.memory_space<semaphore_mem>>)
        } else {
        }
        scf.yield %while3A_173 : i32
      } else {
        scf.yield %cond3A_108 : i32
      }
      %add3A_116 = arith.constant 3 : i32
      %add3A_117 = arith.addi %mul3A_95, %add3A_116 : i32
      %lt3A_118 = arith.cmpi slt, %add3A_117, %add3A_4 : i32
      %convert_element_type3A_119 = arith.extui %lt3A_118 : i1 to i32
      %cond3A_120 = arith.constant 0 : i32
      %cond3A_121 = arith.cmpi ne, %convert_element_type3A_119, %cond3A_120 : i32
      %cond3A_122 = scf.if %cond3A_121 -> (i32) {
        %dma_wait3A = arith.constant 0 : i32
        %dma_wait3A_123 = arith.constant 0 : i32
        %dma_wait3A_124 = arith.constant 0 : i32
        %dma_wait3A_125 = tpu.memref_slice %arg11[%dma_wait3A, %dma_wait3A_123, %dma_wait3A_124] : memref<4x64x256xf32, #tpu.memory_space<vmem>> -> memref<1x64x256xf32, #tpu.memory_space<vmem>>
        %dma_wait3A_126 = tpu.memref_squeeze %dma_wait3A_125 : memref<1x64x256xf32, #tpu.memory_space<vmem>> -> memref<64x256xf32, #tpu.memory_space<vmem>>
        %dma_wait3A_127 = arith.constant 0 : i32
        %dma_wait3A_128 = arith.constant 0 : i32
        %dma_wait3A_129 = tpu.memref_slice %arg3[%dma_wait3A_127, %dma_wait3A_128] : memref<64x1000000xf32, #tpu.memory_space<hbm>> -> memref<64x256xf32, #tpu.memory_space<hbm>>
        %dma_wait3A_130 = arith.constant 0 : i32
        %dma_wait3A_131 = arith.constant 0 : i32
        %dma_wait3A_132 = tpu.memref_slice %arg11[%dma_wait3A, %dma_wait3A_130, %dma_wait3A_131] : memref<4x64x256xf32, #tpu.memory_space<vmem>> -> memref<1x64x256xf32, #tpu.memory_space<vmem>>
        %dma_wait3A_133 = tpu.memref_squeeze %dma_wait3A_132 : memref<1x64x256xf32, #tpu.memory_space<vmem>> -> memref<64x256xf32, #tpu.memory_space<vmem>>
        %dma_wait3A_134 = arith.constant 0 : i32
        %dma_wait3A_135 = arith.constant 0 : i32
        %dma_wait3A_136 = tpu.memref_slice %arg3[%dma_wait3A_134, %dma_wait3A_135] : memref<64x1000000xf32, #tpu.memory_space<hbm>> -> memref<64x256xf32, #tpu.memory_space<hbm>>
        tpu.wait_dma2 semaphore(%arg17 : memref<!tpu.dma_semaphore, #tpu.memory_space<semaphore_mem>>) src(%dma_wait3A_136 : memref<64x256xf32, #tpu.memory_space<hbm>>) dst(%dma_wait3A_133 : memref<64x256xf32, #tpu.memory_space<vmem>>)
        %mul3A_137 = arith.constant 256 : i32
        %mul3A_138 = arith.muli %add3A_117, %mul3A_137 : i32
        %add3A_139 = arith.addi %mul3A_6, %mul3A_138 : i32
        %add3A_140 = arith.constant 2048 : i32
        %add3A_141 = arith.addi %scan3A_70, %add3A_140 : i32
        %sub3A = arith.constant 1 : i32
        %sub3A_142 = arith.subi %add3A_141, %sub3A : i32
        %jit3A_143 = arith.constant 2048 : i32
        %div3A = arith.divsi %sub3A_142, %jit3A_143 : i32
        %sign3A = arith.constant 0 : i32
        %sign3A_144 = arith.cmpi sgt, %sub3A_142, %sign3A : i32
        %sign3A_145 = arith.extui %sign3A_144 : i1 to i32
        %sign3A_146 = arith.constant 0 : i32
        %sign3A_147 = arith.cmpi slt, %sub3A_142, %sign3A_146 : i32
        %sign3A_148 = arith.extui %sign3A_147 : i1 to i32
        %sign3A_149 = arith.subi %sign3A_145, %sign3A_148 : i32
        %sign3A_150 = arith.constant 0 : i32
        %sign3A_151 = arith.cmpi sgt, %jit3A_143, %sign3A_150 : i32
        %sign3A_152 = arith.extui %sign3A_151 : i1 to i32
        %sign3A_153 = arith.constant 0 : i32
        %sign3A_154 = arith.cmpi slt, %jit3A_143, %sign3A_153 : i32
        %sign3A_155 = arith.extui %sign3A_154 : i1 to i32
        %sign3A_156 = arith.subi %sign3A_152, %sign3A_155 : i32
        %ne3A = arith.cmpi ne, %sign3A_149, %sign3A_156 : i32
        %rem3A = arith.remsi %sub3A_142, %jit3A_143 : i32
        %ne3A_157 = arith.constant 0 : i32
        %ne3A_158 = arith.cmpi ne, %rem3A, %ne3A_157 : i32
        %and3A = arith.andi %ne3A, %ne3A_158 : i1
        %sub3A_159 = arith.constant 1 : i32
        %sub3A_160 = arith.subi %div3A, %sub3A_159 : i32
        %select_n3A_161 = arith.select %and3A, %sub3A_160, %div3A : i32
        %while3A_162 = arith.constant 3 : i32
        %while3A_163 = arith.constant 0 : i32
        %while3A_164 = arith.subi %select_n3A_161, %while3A_163 : i32
        %while3A_165 = arith.addi %while3A_163, %while3A_164 : i32
        %while3A_166 = arith.constant 1 : i32
        %while3A_167 = arith.divsi %while3A_164, %while3A_166 : i32
        %while3A_168 = arith.muli %while3A_167, %while3A_166 : i32
        %while3A_169 = arith.addi %while3A_163, %while3A_168 : i32
        %while3A_170 = arith.constant 1 : i32
        %while3A_171 = scf.for %while3A_180 = %while3A_163 to %while3A_169 step %while3A_170 iter_args(%while3A_181 = %cond3A_115) -> (i32)  : i32 {
          %mul3A_182 = arith.constant 2048 : i32
          %mul3A_183 = arith.muli %while3A_180, %mul3A_182 : i32
          %sub3A_184 = arith.subi %scan3A_70, %mul3A_183 : i32
          %min3A_185 = arith.constant 2048 : i32
          %min3A_186 = arith.minsi %sub3A_184, %min3A_185 : i32
          %add3A_187 = arith.constant 16 : i32
          %add3A_188 = arith.addi %min3A_186, %add3A_187 : i32
          %sub3A_189 = arith.constant 1 : i32
          %sub3A_190 = arith.subi %add3A_188, %sub3A_189 : i32
          %jit3A_191 = arith.constant 16 : i32
          %div3A_192 = arith.divsi %sub3A_190, %jit3A_191 : i32
          %sign3A_193 = arith.constant 0 : i32
          %sign3A_194 = arith.cmpi sgt, %sub3A_190, %sign3A_193 : i32
          %sign3A_195 = arith.extui %sign3A_194 : i1 to i32
          %sign3A_196 = arith.constant 0 : i32
          %sign3A_197 = arith.cmpi slt, %sub3A_190, %sign3A_196 : i32
          %sign3A_198 = arith.extui %sign3A_197 : i1 to i32
          %sign3A_199 = arith.subi %sign3A_195, %sign3A_198 : i32
          %sign3A_200 = arith.constant 0 : i32
          %sign3A_201 = arith.cmpi sgt, %jit3A_191, %sign3A_200 : i32
          %sign3A_202 = arith.extui %sign3A_201 : i1 to i32
          %sign3A_203 = arith.constant 0 : i32
          %sign3A_204 = arith.cmpi slt, %jit3A_191, %sign3A_203 : i32
          %sign3A_205 = arith.extui %sign3A_204 : i1 to i32
          %sign3A_206 = arith.subi %sign3A_202, %sign3A_205 : i32
          %ne3A_207 = arith.cmpi ne, %sign3A_199, %sign3A_206 : i32
          %rem3A_208 = arith.remsi %sub3A_190, %jit3A_191 : i32
          %ne3A_209 = arith.constant 0 : i32
          %ne3A_210 = arith.cmpi ne, %rem3A_208, %ne3A_209 : i32
          %and3A_211 = arith.andi %ne3A_207, %ne3A_210 : i1
          %sub3A_212 = arith.constant 1 : i32
          %sub3A_213 = arith.subi %div3A_192, %sub3A_212 : i32
          %select_n3A_214 = arith.select %and3A_211, %sub3A_213, %div3A_192 : i32
          %while3A_215 = arith.constant 0 : i32
          %while3A_216 = arith.constant 0 : i32
          %while3A_217 = arith.subi %select_n3A_214, %while3A_215 : i32
          %while3A_218 = arith.addi %while3A_215, %while3A_217 : i32
          %while3A_219 = arith.constant 1 : i32
          %while3A_220 = arith.divsi %while3A_217, %while3A_219 : i32
          %while3A_221 = arith.muli %while3A_220, %while3A_219 : i32
          %while3A_222 = arith.addi %while3A_215, %while3A_221 : i32
          %while3A_223 = arith.constant 1 : i32
          %while3A_224 = scf.for %while3A_238 = %while3A_215 to %while3A_222 step %while3A_223 iter_args(%while3A_239 = %while3A_216) -> (i32)  : i32 {
            %mul3A_240 = arith.constant 16 : i32
            %mul3A_241 = arith.muli %while3A_238, %mul3A_240 : i32
            %add3A_242 = arith.addi %mul3A_183, %mul3A_241 : i32
            %multiple_of3A = tpu.assume_multiple %add3A_242, 16 : i32
            %add3A_243 = vector.broadcast %multiple_of3A : i32 to vector<16xi32>
            %add3A_244 = arith.addi %add3A_243, %iota3A : vector<16xi32>
            %get3A = arith.index_cast %multiple_of3A : i32 to index
            %get3A_245 = tpu.vector_load %arg7[%get3A] {strides = array<i32>} : memref<16416xi32, #tpu.memory_space<vmem>>, vector<16xi32>,
            %get3A_246 = arith.index_cast %multiple_of3A : i32 to index
            %get3A_247 = tpu.vector_load %arg8[%get3A_246] {strides = array<i32>} : memref<16416xi32, #tpu.memory_space<vmem>>, vector<16xi32>,
            %ge3A = vector.broadcast %add3A_139 : i32 to vector<16xi32>
            %ge3A_248 = arith.cmpi sge, %get3A_245, %ge3A : vector<16xi32>
            %add3A_249 = arith.constant 256 : i32
            %add3A_250 = arith.addi %add3A_139, %add3A_249 : i32
            %lt3A_251 = vector.broadcast %add3A_250 : i32 to vector<16xi32>
            %lt3A_252 = arith.cmpi slt, %get3A_245, %lt3A_251 : vector<16xi32>
            %and3A_253 = arith.andi %ge3A_248, %lt3A_252 : vector<16xi1>
            %lt3A_254 = vector.broadcast %scan3A_70 : i32 to vector<16xi32>
            %lt3A_255 = arith.cmpi slt, %add3A_244, %lt3A_254 : vector<16xi32>
            %and3A_256 = arith.andi %and3A_253, %lt3A_255 : vector<16xi1>
            %swap3A = arith.index_cast %while3A_239 : i32 to index
            %swap3A_257 = tpu.vector_load %arg9[%swap3A] masked %and3A_256 {strides = array<i32>} : memref<2064xi32, #tpu.memory_space<vmem>>, vector<16xi32>, vector<16xi1>
            tpu.vector_store %arg9[%swap3A], %get3A_245 masked %and3A_256 {strides = array<i32>} : memref<2064xi32, #tpu.memory_space<vmem>>, vector<16xi32>, vector<16xi1>
            %swap3A_258 = arith.index_cast %while3A_239 : i32 to index
            %swap3A_259 = tpu.vector_load %arg10[%swap3A_258] masked %and3A_256 {strides = array<i32>} : memref<2064xi32, #tpu.memory_space<vmem>>, vector<16xi32>, vector<16xi1>
            tpu.vector_store %arg10[%swap3A_258], %get3A_247 masked %and3A_256 {strides = array<i32>} : memref<2064xi32, #tpu.memory_space<vmem>>, vector<16xi32>, vector<16xi1>
            %all_reduce_population_count3A = tpu.all_reduce %and3A_256 {dim = 0 : i64, kind = #tpu.reduction_kind<sum>} : vector<16xi1> -> vector<16xi32>
            %slice3A = vector.extract_strided_slice %all_reduce_population_count3A {offsets = [0], sizes = [1], strides = [1]} : vector<16xi32> to vector<1xi32>
            %squeeze3A = vector.extract %slice3A[0] : i32 from vector<1xi32>
            %add3A_260 = arith.addi %while3A_239, %squeeze3A : i32
            scf.yield %add3A_260 : i32
          }
          %while3A_225 = arith.constant 1 : i32
          %while3A_226 = scf.for %while3A_238 = %while3A_222 to %while3A_218 step %while3A_225 iter_args(%while3A_239 = %while3A_224) -> (i32)  : i32 {
            %mul3A_240 = arith.constant 16 : i32
            %mul3A_241 = arith.muli %while3A_238, %mul3A_240 : i32
            %add3A_242 = arith.addi %mul3A_183, %mul3A_241 : i32
            %multiple_of3A = tpu.assume_multiple %add3A_242, 16 : i32
            %add3A_243 = vector.broadcast %multiple_of3A : i32 to vector<16xi32>
            %add3A_244 = arith.addi %add3A_243, %iota3A : vector<16xi32>
            %get3A = arith.index_cast %multiple_of3A : i32 to index
            %get3A_245 = tpu.vector_load %arg7[%get3A] {strides = array<i32>} : memref<16416xi32, #tpu.memory_space<vmem>>, vector<16xi32>,
            %get3A_246 = arith.index_cast %multiple_of3A : i32 to index
            %get3A_247 = tpu.vector_load %arg8[%get3A_246] {strides = array<i32>} : memref<16416xi32, #tpu.memory_space<vmem>>, vector<16xi32>,
            %ge3A = vector.broadcast %add3A_139 : i32 to vector<16xi32>
            %ge3A_248 = arith.cmpi sge, %get3A_245, %ge3A : vector<16xi32>
            %add3A_249 = arith.constant 256 : i32
            %add3A_250 = arith.addi %add3A_139, %add3A_249 : i32
            %lt3A_251 = vector.broadcast %add3A_250 : i32 to vector<16xi32>
            %lt3A_252 = arith.cmpi slt, %get3A_245, %lt3A_251 : vector<16xi32>
            %and3A_253 = arith.andi %ge3A_248, %lt3A_252 : vector<16xi1>
            %lt3A_254 = vector.broadcast %scan3A_70 : i32 to vector<16xi32>
            %lt3A_255 = arith.cmpi slt, %add3A_244, %lt3A_254 : vector<16xi32>
            %and3A_256 = arith.andi %and3A_253, %lt3A_255 : vector<16xi1>
            %swap3A = arith.index_cast %while3A_239 : i32 to index
            %swap3A_257 = tpu.vector_load %arg9[%swap3A] masked %and3A_256 {strides = array<i32>} : memref<2064xi32, #tpu.memory_space<vmem>>, vector<16xi32>, vector<16xi1>
            tpu.vector_store %arg9[%swap3A], %get3A_245 masked %and3A_256 {strides = array<i32>} : memref<2064xi32, #tpu.memory_space<vmem>>, vector<16xi32>, vector<16xi1>
            %swap3A_258 = arith.index_cast %while3A_239 : i32 to index
            %swap3A_259 = tpu.vector_load %arg10[%swap3A_258] masked %and3A_256 {strides = array<i32>} : memref<2064xi32, #tpu.memory_space<vmem>>, vector<16xi32>, vector<16xi1>
            tpu.vector_store %arg10[%swap3A_258], %get3A_247 masked %and3A_256 {strides = array<i32>} : memref<2064xi32, #tpu.memory_space<vmem>>, vector<16xi32>, vector<16xi1>
            %all_reduce_population_count3A = tpu.all_reduce %and3A_256 {dim = 0 : i64, kind = #tpu.reduction_kind<sum>} : vector<16xi1> -> vector<16xi32>
            %slice3A = vector.extract_strided_slice %all_reduce_population_count3A {offsets = [0], sizes = [1], strides = [1]} : vector<16xi32> to vector<1xi32>
            %squeeze3A = vector.extract %slice3A[0] : i32 from vector<1xi32>
            %add3A_260 = arith.addi %while3A_239, %squeeze3A : i32
            scf.yield %add3A_260 : i32
          }
          %while3A_227 = arith.constant 0 : i32
          %while3A_228 = arith.subi %while3A_226, %while3A_227 : i32
          %while3A_229 = arith.addi %while3A_227, %while3A_228 : i32
          %while3A_230 = arith.constant 1 : i32
          %while3A_231 = arith.divsi %while3A_228, %while3A_230 : i32
          %while3A_232 = arith.muli %while3A_231, %while3A_230 : i32
          %while3A_233 = arith.addi %while3A_227, %while3A_232 : i32
          %while3A_234 = arith.constant 1 : i32
          %while3A_235 = scf.for %while3A_238 = %while3A_227 to %while3A_233 step %while3A_234 iter_args(%while3A_239 = %while3A_181) -> (i32)  : i32 {
            %shift_right_arithmetic3A = arith.constant 4 : i32
            %shift_right_arithmetic3A_240 = arith.shrsi %while3A_238, %shift_right_arithmetic3A : i32
            %mul3A_241 = arith.constant 16 : i32
            %mul3A_242 = arith.muli %shift_right_arithmetic3A_240, %mul3A_241 : i32
            %multiple_of3A = tpu.assume_multiple %mul3A_242, 16 : i32
            %and3A_243 = arith.constant 15 : i32
            %and3A_244 = arith.andi %while3A_238, %and3A_243 : i32
            %broadcast_in_dim3A = vector.broadcast %and3A_244 : i32 to vector<16xi32>
            %get3A = arith.index_cast %multiple_of3A : i32 to index
            %get3A_245 = tpu.vector_load %arg9[%get3A] {strides = array<i32>} : memref<2064xi32, #tpu.memory_space<vmem>>, vector<16xi32>,
            %lt3A_246 = arith.constant 0 : i32
            %lt3A_247 = vector.broadcast %lt3A_246 : i32 to vector<16xi32>
            %lt3A_248 = arith.cmpi slt, %broadcast_in_dim3A, %lt3A_247 : vector<16xi32>
            %add3A_249 = arith.constant 16 : i32
            %add3A_250 = vector.broadcast %add3A_249 : i32 to vector<16xi32>
            %add3A_251 = arith.addi %broadcast_in_dim3A, %add3A_250 : vector<16xi32>
            %select_n3A_252 = arith.select %lt3A_248, %add3A_251, %broadcast_in_dim3A : vector<16xi1>, vector<16xi32>
            %broadcast_in_dim3A_253 = vector.shape_cast %select_n3A_252 : vector<16xi32> to vector<16x1xi32>
            %gather3A = vector.shape_cast %broadcast_in_dim3A_253 : vector<16x1xi32> to vector<16xi32>
            %gather3A_254 = tpu.dynamic_gather %get3A_245[%gather3A] in [0] : vector<16xi32>, vector<16xi32> -> vector<16xi32>
            %get3A_255 = arith.index_cast %multiple_of3A : i32 to index
            %get3A_256 = tpu.vector_load %arg10[%get3A_255] {strides = array<i32>} : memref<2064xi32, #tpu.memory_space<vmem>>, vector<16xi32>,
            %lt3A_257 = arith.constant 0 : i32
            %lt3A_258 = vector.broadcast %lt3A_257 : i32 to vector<16xi32>
            %lt3A_259 = arith.cmpi slt, %broadcast_in_dim3A, %lt3A_258 : vector<16xi32>
            %add3A_260 = arith.constant 16 : i32
            %add3A_261 = vector.broadcast %add3A_260 : i32 to vector<16xi32>
            %add3A_262 = arith.addi %broadcast_in_dim3A, %add3A_261 : vector<16xi32>
            %select_n3A_263 = arith.select %lt3A_259, %add3A_262, %broadcast_in_dim3A : vector<16xi1>, vector<16xi32>
            %broadcast_in_dim3A_264 = vector.shape_cast %select_n3A_263 : vector<16xi32> to vector<16x1xi32>
            %gather3A_265 = vector.shape_cast %broadcast_in_dim3A_264 : vector<16x1xi32> to vector<16xi32>
            %gather3A_266 = tpu.dynamic_gather %get3A_256[%gather3A_265] in [0] : vector<16xi32>, vector<16xi32> -> vector<16xi32>
            %slice3A = vector.extract_strided_slice %gather3A_266 {offsets = [0], sizes = [1], strides = [1]} : vector<16xi32> to vector<1xi32>
            %squeeze3A = vector.extract %slice3A[0] : i32 from vector<1xi32>
            %rem3A_267 = arith.constant 32 : i32
            %rem3A_268 = arith.remsi %while3A_239, %rem3A_267 : i32
            %ge3A = arith.constant 32 : i32
            %ge3A_269 = arith.cmpi sge, %while3A_239, %ge3A : i32
            %convert_element_type3A_270 = arith.extui %ge3A_269 : i1 to i32
            %cond3A_271 = arith.constant 0 : i32
            %cond3A_272 = arith.cmpi ne, %convert_element_type3A_270, %cond3A_271 : i32
            scf.if %cond3A_272 {
              %dma_wait3A_350 = arith.constant 0 : i32
              %dma_wait3A_351 = tpu.memref_slice %arg13[%dma_wait3A_350] : memref<2048xf32, #tpu.memory_space<vmem>> -> memref<64xf32, #tpu.memory_space<vmem>>
              %dma_wait3A_352 = arith.constant 0 : i32
              %dma_wait3A_353 = tpu.memref_slice %arg5[%dma_wait3A_352] : memref<2097152xf32, #tpu.memory_space<hbm>> -> memref<64xf32, #tpu.memory_space<hbm>>
              %dma_wait3A_354 = arith.constant 0 : i32
              %dma_wait3A_355 = tpu.memref_slice %arg13[%dma_wait3A_354] : memref<2048xf32, #tpu.memory_space<vmem>> -> memref<64xf32, #tpu.memory_space<vmem>>
              %dma_wait3A_356 = arith.constant 0 : i32
              %dma_wait3A_357 = tpu.memref_slice %arg5[%dma_wait3A_356] : memref<2097152xf32, #tpu.memory_space<hbm>> -> memref<64xf32, #tpu.memory_space<hbm>>
              tpu.wait_dma2 semaphore(%arg18 : memref<!tpu.dma_semaphore, #tpu.memory_space<semaphore_mem>>) src(%dma_wait3A_357 : memref<64xf32, #tpu.memory_space<hbm>>) dst(%dma_wait3A_355 : memref<64xf32, #tpu.memory_space<vmem>>)
            } else {
            }
            %add3A_273 = arith.constant 0 : i32
            %add3A_274 = vector.broadcast %add3A_273 : i32 to vector<16xi32>
            %add3A_275 = arith.addi %iota3A, %add3A_274 : vector<16xi32>
            %sub3A_276 = vector.broadcast %add3A_139 : i32 to vector<16xi32>
            %sub3A_277 = arith.subi %gather3A_254, %sub3A_276 : vector<16xi32>
            %gather3A_278 = arith.constant 0 : i32
            %gather3A_279 = arith.constant 0 : i32
            %gather3A_280 = tpu.memref_slice %arg11[%while3A_162, %gather3A_278, %gather3A_279] : memref<4x64x256xf32, #tpu.memory_space<vmem>> -> memref<1x64x256xf32, #tpu.memory_space<vmem>>
            %gather3A_281 = tpu.memref_squeeze %gather3A_280 : memref<1x64x256xf32, #tpu.memory_space<vmem>> -> memref<64x256xf32, #tpu.memory_space<vmem>>
            %gather3A_282 = tpu.vector_load_idx %gather3A_281[%add3A_275, %sub3A_277] : memref<64x256xf32, #tpu.memory_space<vmem>>[vector<16xi32>, vector<16xi32>], vector<16xf32>,
            %mul3A_283 = arith.constant 64 : i32
            %mul3A_284 = arith.muli %rem3A_268, %mul3A_283 : i32
            %add3A_285 = arith.constant 0 : i32
            %add3A_286 = arith.addi %mul3A_284, %add3A_285 : i32
            %multiple_of3A_287 = tpu.assume_multiple %add3A_286, 16 : i32
            %swap3A = arith.index_cast %multiple_of3A_287 : i32 to index
            %swap3A_288 = tpu.vector_load %arg13[%swap3A] {strides = array<i32>} : memref<2048xf32, #tpu.memory_space<vmem>>, vector<16xf32>,
            tpu.vector_store %arg13[%swap3A], %gather3A_282 {strides = array<i32>} : memref<2048xf32, #tpu.memory_space<vmem>>, vector<16xf32>,
            %add3A_289 = arith.constant 16 : i32
            %add3A_290 = vector.broadcast %add3A_289 : i32 to vector<16xi32>
            %add3A_291 = arith.addi %iota3A, %add3A_290 : vector<16xi32>
            %sub3A_292 = vector.broadcast %add3A_139 : i32 to vector<16xi32>
            %sub3A_293 = arith.subi %gather3A_254, %sub3A_292 : vector<16xi32>
            %gather3A_294 = arith.constant 0 : i32
            %gather3A_295 = arith.constant 0 : i32
            %gather3A_296 = tpu.memref_slice %arg11[%while3A_162, %gather3A_294, %gather3A_295] : memref<4x64x256xf32, #tpu.memory_space<vmem>> -> memref<1x64x256xf32, #tpu.memory_space<vmem>>
            %gather3A_297 = tpu.memref_squeeze %gather3A_296 : memref<1x64x256xf32, #tpu.memory_space<vmem>> -> memref<64x256xf32, #tpu.memory_space<vmem>>
            %gather3A_298 = tpu.vector_load_idx %gather3A_297[%add3A_291, %sub3A_293] : memref<64x256xf32, #tpu.memory_space<vmem>>[vector<16xi32>, vector<16xi32>], vector<16xf32>,
            %mul3A_299 = arith.constant 64 : i32
            %mul3A_300 = arith.muli %rem3A_268, %mul3A_299 : i32
            %add3A_301 = arith.constant 16 : i32
            %add3A_302 = arith.addi %mul3A_300, %add3A_301 : i32
            %multiple_of3A_303 = tpu.assume_multiple %add3A_302, 16 : i32
            %swap3A_304 = arith.index_cast %multiple_of3A_303 : i32 to index
            %swap3A_305 = tpu.vector_load %arg13[%swap3A_304] {strides = array<i32>} : memref<2048xf32, #tpu.memory_space<vmem>>, vector<16xf32>,
            tpu.vector_store %arg13[%swap3A_304], %gather3A_298 {strides = array<i32>} : memref<2048xf32, #tpu.memory_space<vmem>>, vector<16xf32>,
            %add3A_306 = arith.constant 32 : i32
            %add3A_307 = vector.broadcast %add3A_306 : i32 to vector<16xi32>
            %add3A_308 = arith.addi %iota3A, %add3A_307 : vector<16xi32>
            %sub3A_309 = vector.broadcast %add3A_139 : i32 to vector<16xi32>
            %sub3A_310 = arith.subi %gather3A_254, %sub3A_309 : vector<16xi32>
            %gather3A_311 = arith.constant 0 : i32
            %gather3A_312 = arith.constant 0 : i32
            %gather3A_313 = tpu.memref_slice %arg11[%while3A_162, %gather3A_311, %gather3A_312] : memref<4x64x256xf32, #tpu.memory_space<vmem>> -> memref<1x64x256xf32, #tpu.memory_space<vmem>>
            %gather3A_314 = tpu.memref_squeeze %gather3A_313 : memref<1x64x256xf32, #tpu.memory_space<vmem>> -> memref<64x256xf32, #tpu.memory_space<vmem>>
            %gather3A_315 = tpu.vector_load_idx %gather3A_314[%add3A_308, %sub3A_310] : memref<64x256xf32, #tpu.memory_space<vmem>>[vector<16xi32>, vector<16xi32>], vector<16xf32>,
            %mul3A_316 = arith.constant 64 : i32
            %mul3A_317 = arith.muli %rem3A_268, %mul3A_316 : i32
            %add3A_318 = arith.constant 32 : i32
            %add3A_319 = arith.addi %mul3A_317, %add3A_318 : i32
            %multiple_of3A_320 = tpu.assume_multiple %add3A_319, 16 : i32
            %swap3A_321 = arith.index_cast %multiple_of3A_320 : i32 to index
            %swap3A_322 = tpu.vector_load %arg13[%swap3A_321] {strides = array<i32>} : memref<2048xf32, #tpu.memory_space<vmem>>, vector<16xf32>,
            tpu.vector_store %arg13[%swap3A_321], %gather3A_315 {strides = array<i32>} : memref<2048xf32, #tpu.memory_space<vmem>>, vector<16xf32>,
            %add3A_323 = arith.constant 48 : i32
            %add3A_324 = vector.broadcast %add3A_323 : i32 to vector<16xi32>
            %add3A_325 = arith.addi %iota3A, %add3A_324 : vector<16xi32>
            %sub3A_326 = vector.broadcast %add3A_139 : i32 to vector<16xi32>
            %sub3A_327 = arith.subi %gather3A_254, %sub3A_326 : vector<16xi32>
            %gather3A_328 = arith.constant 0 : i32
            %gather3A_329 = arith.constant 0 : i32
            %gather3A_330 = tpu.memref_slice %arg11[%while3A_162, %gather3A_328, %gather3A_329] : memref<4x64x256xf32, #tpu.memory_space<vmem>> -> memref<1x64x256xf32, #tpu.memory_space<vmem>>
            %gather3A_331 = tpu.memref_squeeze %gather3A_330 : memref<1x64x256xf32, #tpu.memory_space<vmem>> -> memref<64x256xf32, #tpu.memory_space<vmem>>
            %gather3A_332 = tpu.vector_load_idx %gather3A_331[%add3A_325, %sub3A_327] : memref<64x256xf32, #tpu.memory_space<vmem>>[vector<16xi32>, vector<16xi32>], vector<16xf32>,
            %mul3A_333 = arith.constant 64 : i32
            %mul3A_334 = arith.muli %rem3A_268, %mul3A_333 : i32
            %add3A_335 = arith.constant 48 : i32
            %add3A_336 = arith.addi %mul3A_334, %add3A_335 : i32
            %multiple_of3A_337 = tpu.assume_multiple %add3A_336, 16 : i32
            %swap3A_338 = arith.index_cast %multiple_of3A_337 : i32 to index
            %swap3A_339 = tpu.vector_load %arg13[%swap3A_338] {strides = array<i32>} : memref<2048xf32, #tpu.memory_space<vmem>>, vector<16xf32>,
            tpu.vector_store %arg13[%swap3A_338], %gather3A_332 {strides = array<i32>} : memref<2048xf32, #tpu.memory_space<vmem>>, vector<16xf32>,
            %mul3A_340 = arith.constant 64 : i32
            %mul3A_341 = arith.muli %rem3A_268, %mul3A_340 : i32
            %mul3A_342 = arith.constant 128 : i32
            %mul3A_343 = arith.muli %squeeze3A, %mul3A_342 : i32
            %dma_start3A_344 = tpu.memref_slice %arg13[%mul3A_341] : memref<2048xf32, #tpu.memory_space<vmem>> -> memref<64xf32, #tpu.memory_space<vmem>>
            %dma_start3A_345 = tpu.memref_slice %arg5[%mul3A_343] : memref<2097152xf32, #tpu.memory_space<hbm>> -> memref<64xf32, #tpu.memory_space<hbm>>
            %dma_start3A_346 = tpu.memref_slice %arg5[%mul3A_343] : memref<2097152xf32, #tpu.memory_space<hbm>> -> memref<64xf32, #tpu.memory_space<hbm>>
            %dma_start3A_347 = tpu.memref_slice %arg13[%mul3A_341] : memref<2048xf32, #tpu.memory_space<vmem>> -> memref<64xf32, #tpu.memory_space<vmem>>
            tpu.enqueue_dma source(%dma_start3A_347 : memref<64xf32, #tpu.memory_space<vmem>>) target(%dma_start3A_346 : memref<64xf32, #tpu.memory_space<hbm>>) target_semaphore(%arg18 : memref<!tpu.dma_semaphore, #tpu.memory_space<semaphore_mem>>)
            %add3A_348 = arith.constant 1 : i32
            %add3A_349 = arith.addi %while3A_239, %add3A_348 : i32
            scf.yield %add3A_349 : i32
          }
          %while3A_236 = arith.constant 1 : i32
          %while3A_237 = scf.for %while3A_238 = %while3A_233 to %while3A_229 step %while3A_236 iter_args(%while3A_239 = %while3A_235) -> (i32)  : i32 {
            %shift_right_arithmetic3A = arith.constant 4 : i32
            %shift_right_arithmetic3A_240 = arith.shrsi %while3A_238, %shift_right_arithmetic3A : i32
            %mul3A_241 = arith.constant 16 : i32
            %mul3A_242 = arith.muli %shift_right_arithmetic3A_240, %mul3A_241 : i32
            %multiple_of3A = tpu.assume_multiple %mul3A_242, 16 : i32
            %and3A_243 = arith.constant 15 : i32
            %and3A_244 = arith.andi %while3A_238, %and3A_243 : i32
            %broadcast_in_dim3A = vector.broadcast %and3A_244 : i32 to vector<16xi32>
            %get3A = arith.index_cast %multiple_of3A : i32 to index
            %get3A_245 = tpu.vector_load %arg9[%get3A] {strides = array<i32>} : memref<2064xi32, #tpu.memory_space<vmem>>, vector<16xi32>,
            %lt3A_246 = arith.constant 0 : i32
            %lt3A_247 = vector.broadcast %lt3A_246 : i32 to vector<16xi32>
            %lt3A_248 = arith.cmpi slt, %broadcast_in_dim3A, %lt3A_247 : vector<16xi32>
            %add3A_249 = arith.constant 16 : i32
            %add3A_250 = vector.broadcast %add3A_249 : i32 to vector<16xi32>
            %add3A_251 = arith.addi %broadcast_in_dim3A, %add3A_250 : vector<16xi32>
            %select_n3A_252 = arith.select %lt3A_248, %add3A_251, %broadcast_in_dim3A : vector<16xi1>, vector<16xi32>
            %broadcast_in_dim3A_253 = vector.shape_cast %select_n3A_252 : vector<16xi32> to vector<16x1xi32>
            %gather3A = vector.shape_cast %broadcast_in_dim3A_253 : vector<16x1xi32> to vector<16xi32>
            %gather3A_254 = tpu.dynamic_gather %get3A_245[%gather3A] in [0] : vector<16xi32>, vector<16xi32> -> vector<16xi32>
            %get3A_255 = arith.index_cast %multiple_of3A : i32 to index
            %get3A_256 = tpu.vector_load %arg10[%get3A_255] {strides = array<i32>} : memref<2064xi32, #tpu.memory_space<vmem>>, vector<16xi32>,
            %lt3A_257 = arith.constant 0 : i32
            %lt3A_258 = vector.broadcast %lt3A_257 : i32 to vector<16xi32>
            %lt3A_259 = arith.cmpi slt, %broadcast_in_dim3A, %lt3A_258 : vector<16xi32>
            %add3A_260 = arith.constant 16 : i32
            %add3A_261 = vector.broadcast %add3A_260 : i32 to vector<16xi32>
            %add3A_262 = arith.addi %broadcast_in_dim3A, %add3A_261 : vector<16xi32>
            %select_n3A_263 = arith.select %lt3A_259, %add3A_262, %broadcast_in_dim3A : vector<16xi1>, vector<16xi32>
            %broadcast_in_dim3A_264 = vector.shape_cast %select_n3A_263 : vector<16xi32> to vector<16x1xi32>
            %gather3A_265 = vector.shape_cast %broadcast_in_dim3A_264 : vector<16x1xi32> to vector<16xi32>
            %gather3A_266 = tpu.dynamic_gather %get3A_256[%gather3A_265] in [0] : vector<16xi32>, vector<16xi32> -> vector<16xi32>
            %slice3A = vector.extract_strided_slice %gather3A_266 {offsets = [0], sizes = [1], strides = [1]} : vector<16xi32> to vector<1xi32>
            %squeeze3A = vector.extract %slice3A[0] : i32 from vector<1xi32>
            %rem3A_267 = arith.constant 32 : i32
            %rem3A_268 = arith.remsi %while3A_239, %rem3A_267 : i32
            %ge3A = arith.constant 32 : i32
            %ge3A_269 = arith.cmpi sge, %while3A_239, %ge3A : i32
            %convert_element_type3A_270 = arith.extui %ge3A_269 : i1 to i32
            %cond3A_271 = arith.constant 0 : i32
            %cond3A_272 = arith.cmpi ne, %convert_element_type3A_270, %cond3A_271 : i32
            scf.if %cond3A_272 {
              %dma_wait3A_350 = arith.constant 0 : i32
              %dma_wait3A_351 = tpu.memref_slice %arg13[%dma_wait3A_350] : memref<2048xf32, #tpu.memory_space<vmem>> -> memref<64xf32, #tpu.memory_space<vmem>>
              %dma_wait3A_352 = arith.constant 0 : i32
              %dma_wait3A_353 = tpu.memref_slice %arg5[%dma_wait3A_352] : memref<2097152xf32, #tpu.memory_space<hbm>> -> memref<64xf32, #tpu.memory_space<hbm>>
              %dma_wait3A_354 = arith.constant 0 : i32
              %dma_wait3A_355 = tpu.memref_slice %arg13[%dma_wait3A_354] : memref<2048xf32, #tpu.memory_space<vmem>> -> memref<64xf32, #tpu.memory_space<vmem>>
              %dma_wait3A_356 = arith.constant 0 : i32
              %dma_wait3A_357 = tpu.memref_slice %arg5[%dma_wait3A_356] : memref<2097152xf32, #tpu.memory_space<hbm>> -> memref<64xf32, #tpu.memory_space<hbm>>
              tpu.wait_dma2 semaphore(%arg18 : memref<!tpu.dma_semaphore, #tpu.memory_space<semaphore_mem>>) src(%dma_wait3A_357 : memref<64xf32, #tpu.memory_space<hbm>>) dst(%dma_wait3A_355 : memref<64xf32, #tpu.memory_space<vmem>>)
            } else {
            }
            %add3A_273 = arith.constant 0 : i32
            %add3A_274 = vector.broadcast %add3A_273 : i32 to vector<16xi32>
            %add3A_275 = arith.addi %iota3A, %add3A_274 : vector<16xi32>
            %sub3A_276 = vector.broadcast %add3A_139 : i32 to vector<16xi32>
            %sub3A_277 = arith.subi %gather3A_254, %sub3A_276 : vector<16xi32>
            %gather3A_278 = arith.constant 0 : i32
            %gather3A_279 = arith.constant 0 : i32
            %gather3A_280 = tpu.memref_slice %arg11[%while3A_162, %gather3A_278, %gather3A_279] : memref<4x64x256xf32, #tpu.memory_space<vmem>> -> memref<1x64x256xf32, #tpu.memory_space<vmem>>
            %gather3A_281 = tpu.memref_squeeze %gather3A_280 : memref<1x64x256xf32, #tpu.memory_space<vmem>> -> memref<64x256xf32, #tpu.memory_space<vmem>>
            %gather3A_282 = tpu.vector_load_idx %gather3A_281[%add3A_275, %sub3A_277] : memref<64x256xf32, #tpu.memory_space<vmem>>[vector<16xi32>, vector<16xi32>], vector<16xf32>,
            %mul3A_283 = arith.constant 64 : i32
            %mul3A_284 = arith.muli %rem3A_268, %mul3A_283 : i32
            %add3A_285 = arith.constant 0 : i32
            %add3A_286 = arith.addi %mul3A_284, %add3A_285 : i32
            %multiple_of3A_287 = tpu.assume_multiple %add3A_286, 16 : i32
            %swap3A = arith.index_cast %multiple_of3A_287 : i32 to index
            %swap3A_288 = tpu.vector_load %arg13[%swap3A] {strides = array<i32>} : memref<2048xf32, #tpu.memory_space<vmem>>, vector<16xf32>,
            tpu.vector_store %arg13[%swap3A], %gather3A_282 {strides = array<i32>} : memref<2048xf32, #tpu.memory_space<vmem>>, vector<16xf32>,
            %add3A_289 = arith.constant 16 : i32
            %add3A_290 = vector.broadcast %add3A_289 : i32 to vector<16xi32>
            %add3A_291 = arith.addi %iota3A, %add3A_290 : vector<16xi32>
            %sub3A_292 = vector.broadcast %add3A_139 : i32 to vector<16xi32>
            %sub3A_293 = arith.subi %gather3A_254, %sub3A_292 : vector<16xi32>
            %gather3A_294 = arith.constant 0 : i32
            %gather3A_295 = arith.constant 0 : i32
            %gather3A_296 = tpu.memref_slice %arg11[%while3A_162, %gather3A_294, %gather3A_295] : memref<4x64x256xf32, #tpu.memory_space<vmem>> -> memref<1x64x256xf32, #tpu.memory_space<vmem>>
            %gather3A_297 = tpu.memref_squeeze %gather3A_296 : memref<1x64x256xf32, #tpu.memory_space<vmem>> -> memref<64x256xf32, #tpu.memory_space<vmem>>
            %gather3A_298 = tpu.vector_load_idx %gather3A_297[%add3A_291, %sub3A_293] : memref<64x256xf32, #tpu.memory_space<vmem>>[vector<16xi32>, vector<16xi32>], vector<16xf32>,
            %mul3A_299 = arith.constant 64 : i32
            %mul3A_300 = arith.muli %rem3A_268, %mul3A_299 : i32
            %add3A_301 = arith.constant 16 : i32
            %add3A_302 = arith.addi %mul3A_300, %add3A_301 : i32
            %multiple_of3A_303 = tpu.assume_multiple %add3A_302, 16 : i32
            %swap3A_304 = arith.index_cast %multiple_of3A_303 : i32 to index
            %swap3A_305 = tpu.vector_load %arg13[%swap3A_304] {strides = array<i32>} : memref<2048xf32, #tpu.memory_space<vmem>>, vector<16xf32>,
            tpu.vector_store %arg13[%swap3A_304], %gather3A_298 {strides = array<i32>} : memref<2048xf32, #tpu.memory_space<vmem>>, vector<16xf32>,
            %add3A_306 = arith.constant 32 : i32
            %add3A_307 = vector.broadcast %add3A_306 : i32 to vector<16xi32>
            %add3A_308 = arith.addi %iota3A, %add3A_307 : vector<16xi32>
            %sub3A_309 = vector.broadcast %add3A_139 : i32 to vector<16xi32>
            %sub3A_310 = arith.subi %gather3A_254, %sub3A_309 : vector<16xi32>
            %gather3A_311 = arith.constant 0 : i32
            %gather3A_312 = arith.constant 0 : i32
            %gather3A_313 = tpu.memref_slice %arg11[%while3A_162, %gather3A_311, %gather3A_312] : memref<4x64x256xf32, #tpu.memory_space<vmem>> -> memref<1x64x256xf32, #tpu.memory_space<vmem>>
            %gather3A_314 = tpu.memref_squeeze %gather3A_313 : memref<1x64x256xf32, #tpu.memory_space<vmem>> -> memref<64x256xf32, #tpu.memory_space<vmem>>
            %gather3A_315 = tpu.vector_load_idx %gather3A_314[%add3A_308, %sub3A_310] : memref<64x256xf32, #tpu.memory_space<vmem>>[vector<16xi32>, vector<16xi32>], vector<16xf32>,
            %mul3A_316 = arith.constant 64 : i32
            %mul3A_317 = arith.muli %rem3A_268, %mul3A_316 : i32
            %add3A_318 = arith.constant 32 : i32
            %add3A_319 = arith.addi %mul3A_317, %add3A_318 : i32
            %multiple_of3A_320 = tpu.assume_multiple %add3A_319, 16 : i32
            %swap3A_321 = arith.index_cast %multiple_of3A_320 : i32 to index
            %swap3A_322 = tpu.vector_load %arg13[%swap3A_321] {strides = array<i32>} : memref<2048xf32, #tpu.memory_space<vmem>>, vector<16xf32>,
            tpu.vector_store %arg13[%swap3A_321], %gather3A_315 {strides = array<i32>} : memref<2048xf32, #tpu.memory_space<vmem>>, vector<16xf32>,
            %add3A_323 = arith.constant 48 : i32
            %add3A_324 = vector.broadcast %add3A_323 : i32 to vector<16xi32>
            %add3A_325 = arith.addi %iota3A, %add3A_324 : vector<16xi32>
            %sub3A_326 = vector.broadcast %add3A_139 : i32 to vector<16xi32>
            %sub3A_327 = arith.subi %gather3A_254, %sub3A_326 : vector<16xi32>
            %gather3A_328 = arith.constant 0 : i32
            %gather3A_329 = arith.constant 0 : i32
            %gather3A_330 = tpu.memref_slice %arg11[%while3A_162, %gather3A_328, %gather3A_329] : memref<4x64x256xf32, #tpu.memory_space<vmem>> -> memref<1x64x256xf32, #tpu.memory_space<vmem>>
            %gather3A_331 = tpu.memref_squeeze %gather3A_330 : memref<1x64x256xf32, #tpu.memory_space<vmem>> -> memref<64x256xf32, #tpu.memory_space<vmem>>
            %gather3A_332 = tpu.vector_load_idx %gather3A_331[%add3A_325, %sub3A_327] : memref<64x256xf32, #tpu.memory_space<vmem>>[vector<16xi32>, vector<16xi32>], vector<16xf32>,
            %mul3A_333 = arith.constant 64 : i32
            %mul3A_334 = arith.muli %rem3A_268, %mul3A_333 : i32
            %add3A_335 = arith.constant 48 : i32
            %add3A_336 = arith.addi %mul3A_334, %add3A_335 : i32
            %multiple_of3A_337 = tpu.assume_multiple %add3A_336, 16 : i32
            %swap3A_338 = arith.index_cast %multiple_of3A_337 : i32 to index
            %swap3A_339 = tpu.vector_load %arg13[%swap3A_338] {strides = array<i32>} : memref<2048xf32, #tpu.memory_space<vmem>>, vector<16xf32>,
            tpu.vector_store %arg13[%swap3A_338], %gather3A_332 {strides = array<i32>} : memref<2048xf32, #tpu.memory_space<vmem>>, vector<16xf32>,
            %mul3A_340 = arith.constant 64 : i32
            %mul3A_341 = arith.muli %rem3A_268, %mul3A_340 : i32
            %mul3A_342 = arith.constant 128 : i32
            %mul3A_343 = arith.muli %squeeze3A, %mul3A_342 : i32
            %dma_start3A_344 = tpu.memref_slice %arg13[%mul3A_341] : memref<2048xf32, #tpu.memory_space<vmem>> -> memref<64xf32, #tpu.memory_space<vmem>>
            %dma_start3A_345 = tpu.memref_slice %arg5[%mul3A_343] : memref<2097152xf32, #tpu.memory_space<hbm>> -> memref<64xf32, #tpu.memory_space<hbm>>
            %dma_start3A_346 = tpu.memref_slice %arg5[%mul3A_343] : memref<2097152xf32, #tpu.memory_space<hbm>> -> memref<64xf32, #tpu.memory_space<hbm>>
            %dma_start3A_347 = tpu.memref_slice %arg13[%mul3A_341] : memref<2048xf32, #tpu.memory_space<vmem>> -> memref<64xf32, #tpu.memory_space<vmem>>
            tpu.enqueue_dma source(%dma_start3A_347 : memref<64xf32, #tpu.memory_space<vmem>>) target(%dma_start3A_346 : memref<64xf32, #tpu.memory_space<hbm>>) target_semaphore(%arg18 : memref<!tpu.dma_semaphore, #tpu.memory_space<semaphore_mem>>)
            %add3A_348 = arith.constant 1 : i32
            %add3A_349 = arith.addi %while3A_239, %add3A_348 : i32
            scf.yield %add3A_349 : i32
          }
          scf.yield %while3A_237 : i32
        }
        %while3A_172 = arith.constant 1 : i32
        %while3A_173 = scf.for %while3A_180 = %while3A_169 to %while3A_165 step %while3A_172 iter_args(%while3A_181 = %while3A_171) -> (i32)  : i32 {
          %mul3A_182 = arith.constant 2048 : i32
          %mul3A_183 = arith.muli %while3A_180, %mul3A_182 : i32
          %sub3A_184 = arith.subi %scan3A_70, %mul3A_183 : i32
          %min3A_185 = arith.constant 2048 : i32
          %min3A_186 = arith.minsi %sub3A_184, %min3A_185 : i32
          %add3A_187 = arith.constant 16 : i32
          %add3A_188 = arith.addi %min3A_186, %add3A_187 : i32
          %sub3A_189 = arith.constant 1 : i32
          %sub3A_190 = arith.subi %add3A_188, %sub3A_189 : i32
          %jit3A_191 = arith.constant 16 : i32
          %div3A_192 = arith.divsi %sub3A_190, %jit3A_191 : i32
          %sign3A_193 = arith.constant 0 : i32
          %sign3A_194 = arith.cmpi sgt, %sub3A_190, %sign3A_193 : i32
          %sign3A_195 = arith.extui %sign3A_194 : i1 to i32
          %sign3A_196 = arith.constant 0 : i32
          %sign3A_197 = arith.cmpi slt, %sub3A_190, %sign3A_196 : i32
          %sign3A_198 = arith.extui %sign3A_197 : i1 to i32
          %sign3A_199 = arith.subi %sign3A_195, %sign3A_198 : i32
          %sign3A_200 = arith.constant 0 : i32
          %sign3A_201 = arith.cmpi sgt, %jit3A_191, %sign3A_200 : i32
          %sign3A_202 = arith.extui %sign3A_201 : i1 to i32
          %sign3A_203 = arith.constant 0 : i32
          %sign3A_204 = arith.cmpi slt, %jit3A_191, %sign3A_203 : i32
          %sign3A_205 = arith.extui %sign3A_204 : i1 to i32
          %sign3A_206 = arith.subi %sign3A_202, %sign3A_205 : i32
          %ne3A_207 = arith.cmpi ne, %sign3A_199, %sign3A_206 : i32
          %rem3A_208 = arith.remsi %sub3A_190, %jit3A_191 : i32
          %ne3A_209 = arith.constant 0 : i32
          %ne3A_210 = arith.cmpi ne, %rem3A_208, %ne3A_209 : i32
          %and3A_211 = arith.andi %ne3A_207, %ne3A_210 : i1
          %sub3A_212 = arith.constant 1 : i32
          %sub3A_213 = arith.subi %div3A_192, %sub3A_212 : i32
          %select_n3A_214 = arith.select %and3A_211, %sub3A_213, %div3A_192 : i32
          %while3A_215 = arith.constant 0 : i32
          %while3A_216 = arith.constant 0 : i32
          %while3A_217 = arith.subi %select_n3A_214, %while3A_215 : i32
          %while3A_218 = arith.addi %while3A_215, %while3A_217 : i32
          %while3A_219 = arith.constant 1 : i32
          %while3A_220 = arith.divsi %while3A_217, %while3A_219 : i32
          %while3A_221 = arith.muli %while3A_220, %while3A_219 : i32
          %while3A_222 = arith.addi %while3A_215, %while3A_221 : i32
          %while3A_223 = arith.constant 1 : i32
          %while3A_224 = scf.for %while3A_238 = %while3A_215 to %while3A_222 step %while3A_223 iter_args(%while3A_239 = %while3A_216) -> (i32)  : i32 {
            %mul3A_240 = arith.constant 16 : i32
            %mul3A_241 = arith.muli %while3A_238, %mul3A_240 : i32
            %add3A_242 = arith.addi %mul3A_183, %mul3A_241 : i32
            %multiple_of3A = tpu.assume_multiple %add3A_242, 16 : i32
            %add3A_243 = vector.broadcast %multiple_of3A : i32 to vector<16xi32>
            %add3A_244 = arith.addi %add3A_243, %iota3A : vector<16xi32>
            %get3A = arith.index_cast %multiple_of3A : i32 to index
            %get3A_245 = tpu.vector_load %arg7[%get3A] {strides = array<i32>} : memref<16416xi32, #tpu.memory_space<vmem>>, vector<16xi32>,
            %get3A_246 = arith.index_cast %multiple_of3A : i32 to index
            %get3A_247 = tpu.vector_load %arg8[%get3A_246] {strides = array<i32>} : memref<16416xi32, #tpu.memory_space<vmem>>, vector<16xi32>,
            %ge3A = vector.broadcast %add3A_139 : i32 to vector<16xi32>
            %ge3A_248 = arith.cmpi sge, %get3A_245, %ge3A : vector<16xi32>
            %add3A_249 = arith.constant 256 : i32
            %add3A_250 = arith.addi %add3A_139, %add3A_249 : i32
            %lt3A_251 = vector.broadcast %add3A_250 : i32 to vector<16xi32>
            %lt3A_252 = arith.cmpi slt, %get3A_245, %lt3A_251 : vector<16xi32>
            %and3A_253 = arith.andi %ge3A_248, %lt3A_252 : vector<16xi1>
            %lt3A_254 = vector.broadcast %scan3A_70 : i32 to vector<16xi32>
            %lt3A_255 = arith.cmpi slt, %add3A_244, %lt3A_254 : vector<16xi32>
            %and3A_256 = arith.andi %and3A_253, %lt3A_255 : vector<16xi1>
            %swap3A = arith.index_cast %while3A_239 : i32 to index
            %swap3A_257 = tpu.vector_load %arg9[%swap3A] masked %and3A_256 {strides = array<i32>} : memref<2064xi32, #tpu.memory_space<vmem>>, vector<16xi32>, vector<16xi1>
            tpu.vector_store %arg9[%swap3A], %get3A_245 masked %and3A_256 {strides = array<i32>} : memref<2064xi32, #tpu.memory_space<vmem>>, vector<16xi32>, vector<16xi1>
            %swap3A_258 = arith.index_cast %while3A_239 : i32 to index
            %swap3A_259 = tpu.vector_load %arg10[%swap3A_258] masked %and3A_256 {strides = array<i32>} : memref<2064xi32, #tpu.memory_space<vmem>>, vector<16xi32>, vector<16xi1>
            tpu.vector_store %arg10[%swap3A_258], %get3A_247 masked %and3A_256 {strides = array<i32>} : memref<2064xi32, #tpu.memory_space<vmem>>, vector<16xi32>, vector<16xi1>
            %all_reduce_population_count3A = tpu.all_reduce %and3A_256 {dim = 0 : i64, kind = #tpu.reduction_kind<sum>} : vector<16xi1> -> vector<16xi32>
            %slice3A = vector.extract_strided_slice %all_reduce_population_count3A {offsets = [0], sizes = [1], strides = [1]} : vector<16xi32> to vector<1xi32>
            %squeeze3A = vector.extract %slice3A[0] : i32 from vector<1xi32>
            %add3A_260 = arith.addi %while3A_239, %squeeze3A : i32
            scf.yield %add3A_260 : i32
          }
          %while3A_225 = arith.constant 1 : i32
          %while3A_226 = scf.for %while3A_238 = %while3A_222 to %while3A_218 step %while3A_225 iter_args(%while3A_239 = %while3A_224) -> (i32)  : i32 {
            %mul3A_240 = arith.constant 16 : i32
            %mul3A_241 = arith.muli %while3A_238, %mul3A_240 : i32
            %add3A_242 = arith.addi %mul3A_183, %mul3A_241 : i32
            %multiple_of3A = tpu.assume_multiple %add3A_242, 16 : i32
            %add3A_243 = vector.broadcast %multiple_of3A : i32 to vector<16xi32>
            %add3A_244 = arith.addi %add3A_243, %iota3A : vector<16xi32>
            %get3A = arith.index_cast %multiple_of3A : i32 to index
            %get3A_245 = tpu.vector_load %arg7[%get3A] {strides = array<i32>} : memref<16416xi32, #tpu.memory_space<vmem>>, vector<16xi32>,
            %get3A_246 = arith.index_cast %multiple_of3A : i32 to index
            %get3A_247 = tpu.vector_load %arg8[%get3A_246] {strides = array<i32>} : memref<16416xi32, #tpu.memory_space<vmem>>, vector<16xi32>,
            %ge3A = vector.broadcast %add3A_139 : i32 to vector<16xi32>
            %ge3A_248 = arith.cmpi sge, %get3A_245, %ge3A : vector<16xi32>
            %add3A_249 = arith.constant 256 : i32
            %add3A_250 = arith.addi %add3A_139, %add3A_249 : i32
            %lt3A_251 = vector.broadcast %add3A_250 : i32 to vector<16xi32>
            %lt3A_252 = arith.cmpi slt, %get3A_245, %lt3A_251 : vector<16xi32>
            %and3A_253 = arith.andi %ge3A_248, %lt3A_252 : vector<16xi1>
            %lt3A_254 = vector.broadcast %scan3A_70 : i32 to vector<16xi32>
            %lt3A_255 = arith.cmpi slt, %add3A_244, %lt3A_254 : vector<16xi32>
            %and3A_256 = arith.andi %and3A_253, %lt3A_255 : vector<16xi1>
            %swap3A = arith.index_cast %while3A_239 : i32 to index
            %swap3A_257 = tpu.vector_load %arg9[%swap3A] masked %and3A_256 {strides = array<i32>} : memref<2064xi32, #tpu.memory_space<vmem>>, vector<16xi32>, vector<16xi1>
            tpu.vector_store %arg9[%swap3A], %get3A_245 masked %and3A_256 {strides = array<i32>} : memref<2064xi32, #tpu.memory_space<vmem>>, vector<16xi32>, vector<16xi1>
            %swap3A_258 = arith.index_cast %while3A_239 : i32 to index
            %swap3A_259 = tpu.vector_load %arg10[%swap3A_258] masked %and3A_256 {strides = array<i32>} : memref<2064xi32, #tpu.memory_space<vmem>>, vector<16xi32>, vector<16xi1>
            tpu.vector_store %arg10[%swap3A_258], %get3A_247 masked %and3A_256 {strides = array<i32>} : memref<2064xi32, #tpu.memory_space<vmem>>, vector<16xi32>, vector<16xi1>
            %all_reduce_population_count3A = tpu.all_reduce %and3A_256 {dim = 0 : i64, kind = #tpu.reduction_kind<sum>} : vector<16xi1> -> vector<16xi32>
            %slice3A = vector.extract_strided_slice %all_reduce_population_count3A {offsets = [0], sizes = [1], strides = [1]} : vector<16xi32> to vector<1xi32>
            %squeeze3A = vector.extract %slice3A[0] : i32 from vector<1xi32>
            %add3A_260 = arith.addi %while3A_239, %squeeze3A : i32
            scf.yield %add3A_260 : i32
          }
          %while3A_227 = arith.constant 0 : i32
          %while3A_228 = arith.subi %while3A_226, %while3A_227 : i32
          %while3A_229 = arith.addi %while3A_227, %while3A_228 : i32
          %while3A_230 = arith.constant 1 : i32
          %while3A_231 = arith.divsi %while3A_228, %while3A_230 : i32
          %while3A_232 = arith.muli %while3A_231, %while3A_230 : i32
          %while3A_233 = arith.addi %while3A_227, %while3A_232 : i32
          %while3A_234 = arith.constant 1 : i32
          %while3A_235 = scf.for %while3A_238 = %while3A_227 to %while3A_233 step %while3A_234 iter_args(%while3A_239 = %while3A_181) -> (i32)  : i32 {
            %shift_right_arithmetic3A = arith.constant 4 : i32
            %shift_right_arithmetic3A_240 = arith.shrsi %while3A_238, %shift_right_arithmetic3A : i32
            %mul3A_241 = arith.constant 16 : i32
            %mul3A_242 = arith.muli %shift_right_arithmetic3A_240, %mul3A_241 : i32
            %multiple_of3A = tpu.assume_multiple %mul3A_242, 16 : i32
            %and3A_243 = arith.constant 15 : i32
            %and3A_244 = arith.andi %while3A_238, %and3A_243 : i32
            %broadcast_in_dim3A = vector.broadcast %and3A_244 : i32 to vector<16xi32>
            %get3A = arith.index_cast %multiple_of3A : i32 to index
            %get3A_245 = tpu.vector_load %arg9[%get3A] {strides = array<i32>} : memref<2064xi32, #tpu.memory_space<vmem>>, vector<16xi32>,
            %lt3A_246 = arith.constant 0 : i32
            %lt3A_247 = vector.broadcast %lt3A_246 : i32 to vector<16xi32>
            %lt3A_248 = arith.cmpi slt, %broadcast_in_dim3A, %lt3A_247 : vector<16xi32>
            %add3A_249 = arith.constant 16 : i32
            %add3A_250 = vector.broadcast %add3A_249 : i32 to vector<16xi32>
            %add3A_251 = arith.addi %broadcast_in_dim3A, %add3A_250 : vector<16xi32>
            %select_n3A_252 = arith.select %lt3A_248, %add3A_251, %broadcast_in_dim3A : vector<16xi1>, vector<16xi32>
            %broadcast_in_dim3A_253 = vector.shape_cast %select_n3A_252 : vector<16xi32> to vector<16x1xi32>
            %gather3A = vector.shape_cast %broadcast_in_dim3A_253 : vector<16x1xi32> to vector<16xi32>
            %gather3A_254 = tpu.dynamic_gather %get3A_245[%gather3A] in [0] : vector<16xi32>, vector<16xi32> -> vector<16xi32>
            %get3A_255 = arith.index_cast %multiple_of3A : i32 to index
            %get3A_256 = tpu.vector_load %arg10[%get3A_255] {strides = array<i32>} : memref<2064xi32, #tpu.memory_space<vmem>>, vector<16xi32>,
            %lt3A_257 = arith.constant 0 : i32
            %lt3A_258 = vector.broadcast %lt3A_257 : i32 to vector<16xi32>
            %lt3A_259 = arith.cmpi slt, %broadcast_in_dim3A, %lt3A_258 : vector<16xi32>
            %add3A_260 = arith.constant 16 : i32
            %add3A_261 = vector.broadcast %add3A_260 : i32 to vector<16xi32>
            %add3A_262 = arith.addi %broadcast_in_dim3A, %add3A_261 : vector<16xi32>
            %select_n3A_263 = arith.select %lt3A_259, %add3A_262, %broadcast_in_dim3A : vector<16xi1>, vector<16xi32>
            %broadcast_in_dim3A_264 = vector.shape_cast %select_n3A_263 : vector<16xi32> to vector<16x1xi32>
            %gather3A_265 = vector.shape_cast %broadcast_in_dim3A_264 : vector<16x1xi32> to vector<16xi32>
            %gather3A_266 = tpu.dynamic_gather %get3A_256[%gather3A_265] in [0] : vector<16xi32>, vector<16xi32> -> vector<16xi32>
            %slice3A = vector.extract_strided_slice %gather3A_266 {offsets = [0], sizes = [1], strides = [1]} : vector<16xi32> to vector<1xi32>
            %squeeze3A = vector.extract %slice3A[0] : i32 from vector<1xi32>
            %rem3A_267 = arith.constant 32 : i32
            %rem3A_268 = arith.remsi %while3A_239, %rem3A_267 : i32
            %ge3A = arith.constant 32 : i32
            %ge3A_269 = arith.cmpi sge, %while3A_239, %ge3A : i32
            %convert_element_type3A_270 = arith.extui %ge3A_269 : i1 to i32
            %cond3A_271 = arith.constant 0 : i32
            %cond3A_272 = arith.cmpi ne, %convert_element_type3A_270, %cond3A_271 : i32
            scf.if %cond3A_272 {
              %dma_wait3A_350 = arith.constant 0 : i32
              %dma_wait3A_351 = tpu.memref_slice %arg13[%dma_wait3A_350] : memref<2048xf32, #tpu.memory_space<vmem>> -> memref<64xf32, #tpu.memory_space<vmem>>
              %dma_wait3A_352 = arith.constant 0 : i32
              %dma_wait3A_353 = tpu.memref_slice %arg5[%dma_wait3A_352] : memref<2097152xf32, #tpu.memory_space<hbm>> -> memref<64xf32, #tpu.memory_space<hbm>>
              %dma_wait3A_354 = arith.constant 0 : i32
              %dma_wait3A_355 = tpu.memref_slice %arg13[%dma_wait3A_354] : memref<2048xf32, #tpu.memory_space<vmem>> -> memref<64xf32, #tpu.memory_space<vmem>>
              %dma_wait3A_356 = arith.constant 0 : i32
              %dma_wait3A_357 = tpu.memref_slice %arg5[%dma_wait3A_356] : memref<2097152xf32, #tpu.memory_space<hbm>> -> memref<64xf32, #tpu.memory_space<hbm>>
              tpu.wait_dma2 semaphore(%arg18 : memref<!tpu.dma_semaphore, #tpu.memory_space<semaphore_mem>>) src(%dma_wait3A_357 : memref<64xf32, #tpu.memory_space<hbm>>) dst(%dma_wait3A_355 : memref<64xf32, #tpu.memory_space<vmem>>)
            } else {
            }
            %add3A_273 = arith.constant 0 : i32
            %add3A_274 = vector.broadcast %add3A_273 : i32 to vector<16xi32>
            %add3A_275 = arith.addi %iota3A, %add3A_274 : vector<16xi32>
            %sub3A_276 = vector.broadcast %add3A_139 : i32 to vector<16xi32>
            %sub3A_277 = arith.subi %gather3A_254, %sub3A_276 : vector<16xi32>
            %gather3A_278 = arith.constant 0 : i32
            %gather3A_279 = arith.constant 0 : i32
            %gather3A_280 = tpu.memref_slice %arg11[%while3A_162, %gather3A_278, %gather3A_279] : memref<4x64x256xf32, #tpu.memory_space<vmem>> -> memref<1x64x256xf32, #tpu.memory_space<vmem>>
            %gather3A_281 = tpu.memref_squeeze %gather3A_280 : memref<1x64x256xf32, #tpu.memory_space<vmem>> -> memref<64x256xf32, #tpu.memory_space<vmem>>
            %gather3A_282 = tpu.vector_load_idx %gather3A_281[%add3A_275, %sub3A_277] : memref<64x256xf32, #tpu.memory_space<vmem>>[vector<16xi32>, vector<16xi32>], vector<16xf32>,
            %mul3A_283 = arith.constant 64 : i32
            %mul3A_284 = arith.muli %rem3A_268, %mul3A_283 : i32
            %add3A_285 = arith.constant 0 : i32
            %add3A_286 = arith.addi %mul3A_284, %add3A_285 : i32
            %multiple_of3A_287 = tpu.assume_multiple %add3A_286, 16 : i32
            %swap3A = arith.index_cast %multiple_of3A_287 : i32 to index
            %swap3A_288 = tpu.vector_load %arg13[%swap3A] {strides = array<i32>} : memref<2048xf32, #tpu.memory_space<vmem>>, vector<16xf32>,
            tpu.vector_store %arg13[%swap3A], %gather3A_282 {strides = array<i32>} : memref<2048xf32, #tpu.memory_space<vmem>>, vector<16xf32>,
            %add3A_289 = arith.constant 16 : i32
            %add3A_290 = vector.broadcast %add3A_289 : i32 to vector<16xi32>
            %add3A_291 = arith.addi %iota3A, %add3A_290 : vector<16xi32>
            %sub3A_292 = vector.broadcast %add3A_139 : i32 to vector<16xi32>
            %sub3A_293 = arith.subi %gather3A_254, %sub3A_292 : vector<16xi32>
            %gather3A_294 = arith.constant 0 : i32
            %gather3A_295 = arith.constant 0 : i32
            %gather3A_296 = tpu.memref_slice %arg11[%while3A_162, %gather3A_294, %gather3A_295] : memref<4x64x256xf32, #tpu.memory_space<vmem>> -> memref<1x64x256xf32, #tpu.memory_space<vmem>>
            %gather3A_297 = tpu.memref_squeeze %gather3A_296 : memref<1x64x256xf32, #tpu.memory_space<vmem>> -> memref<64x256xf32, #tpu.memory_space<vmem>>
            %gather3A_298 = tpu.vector_load_idx %gather3A_297[%add3A_291, %sub3A_293] : memref<64x256xf32, #tpu.memory_space<vmem>>[vector<16xi32>, vector<16xi32>], vector<16xf32>,
            %mul3A_299 = arith.constant 64 : i32
            %mul3A_300 = arith.muli %rem3A_268, %mul3A_299 : i32
            %add3A_301 = arith.constant 16 : i32
            %add3A_302 = arith.addi %mul3A_300, %add3A_301 : i32
            %multiple_of3A_303 = tpu.assume_multiple %add3A_302, 16 : i32
            %swap3A_304 = arith.index_cast %multiple_of3A_303 : i32 to index
            %swap3A_305 = tpu.vector_load %arg13[%swap3A_304] {strides = array<i32>} : memref<2048xf32, #tpu.memory_space<vmem>>, vector<16xf32>,
            tpu.vector_store %arg13[%swap3A_304], %gather3A_298 {strides = array<i32>} : memref<2048xf32, #tpu.memory_space<vmem>>, vector<16xf32>,
            %add3A_306 = arith.constant 32 : i32
            %add3A_307 = vector.broadcast %add3A_306 : i32 to vector<16xi32>
            %add3A_308 = arith.addi %iota3A, %add3A_307 : vector<16xi32>
            %sub3A_309 = vector.broadcast %add3A_139 : i32 to vector<16xi32>
            %sub3A_310 = arith.subi %gather3A_254, %sub3A_309 : vector<16xi32>
            %gather3A_311 = arith.constant 0 : i32
            %gather3A_312 = arith.constant 0 : i32
            %gather3A_313 = tpu.memref_slice %arg11[%while3A_162, %gather3A_311, %gather3A_312] : memref<4x64x256xf32, #tpu.memory_space<vmem>> -> memref<1x64x256xf32, #tpu.memory_space<vmem>>
            %gather3A_314 = tpu.memref_squeeze %gather3A_313 : memref<1x64x256xf32, #tpu.memory_space<vmem>> -> memref<64x256xf32, #tpu.memory_space<vmem>>
            %gather3A_315 = tpu.vector_load_idx %gather3A_314[%add3A_308, %sub3A_310] : memref<64x256xf32, #tpu.memory_space<vmem>>[vector<16xi32>, vector<16xi32>], vector<16xf32>,
            %mul3A_316 = arith.constant 64 : i32
            %mul3A_317 = arith.muli %rem3A_268, %mul3A_316 : i32
            %add3A_318 = arith.constant 32 : i32
            %add3A_319 = arith.addi %mul3A_317, %add3A_318 : i32
            %multiple_of3A_320 = tpu.assume_multiple %add3A_319, 16 : i32
            %swap3A_321 = arith.index_cast %multiple_of3A_320 : i32 to index
            %swap3A_322 = tpu.vector_load %arg13[%swap3A_321] {strides = array<i32>} : memref<2048xf32, #tpu.memory_space<vmem>>, vector<16xf32>,
            tpu.vector_store %arg13[%swap3A_321], %gather3A_315 {strides = array<i32>} : memref<2048xf32, #tpu.memory_space<vmem>>, vector<16xf32>,
            %add3A_323 = arith.constant 48 : i32
            %add3A_324 = vector.broadcast %add3A_323 : i32 to vector<16xi32>
            %add3A_325 = arith.addi %iota3A, %add3A_324 : vector<16xi32>
            %sub3A_326 = vector.broadcast %add3A_139 : i32 to vector<16xi32>
            %sub3A_327 = arith.subi %gather3A_254, %sub3A_326 : vector<16xi32>
            %gather3A_328 = arith.constant 0 : i32
            %gather3A_329 = arith.constant 0 : i32
            %gather3A_330 = tpu.memref_slice %arg11[%while3A_162, %gather3A_328, %gather3A_329] : memref<4x64x256xf32, #tpu.memory_space<vmem>> -> memref<1x64x256xf32, #tpu.memory_space<vmem>>
            %gather3A_331 = tpu.memref_squeeze %gather3A_330 : memref<1x64x256xf32, #tpu.memory_space<vmem>> -> memref<64x256xf32, #tpu.memory_space<vmem>>
            %gather3A_332 = tpu.vector_load_idx %gather3A_331[%add3A_325, %sub3A_327] : memref<64x256xf32, #tpu.memory_space<vmem>>[vector<16xi32>, vector<16xi32>], vector<16xf32>,
            %mul3A_333 = arith.constant 64 : i32
            %mul3A_334 = arith.muli %rem3A_268, %mul3A_333 : i32
            %add3A_335 = arith.constant 48 : i32
            %add3A_336 = arith.addi %mul3A_334, %add3A_335 : i32
            %multiple_of3A_337 = tpu.assume_multiple %add3A_336, 16 : i32
            %swap3A_338 = arith.index_cast %multiple_of3A_337 : i32 to index
            %swap3A_339 = tpu.vector_load %arg13[%swap3A_338] {strides = array<i32>} : memref<2048xf32, #tpu.memory_space<vmem>>, vector<16xf32>,
            tpu.vector_store %arg13[%swap3A_338], %gather3A_332 {strides = array<i32>} : memref<2048xf32, #tpu.memory_space<vmem>>, vector<16xf32>,
            %mul3A_340 = arith.constant 64 : i32
            %mul3A_341 = arith.muli %rem3A_268, %mul3A_340 : i32
            %mul3A_342 = arith.constant 128 : i32
            %mul3A_343 = arith.muli %squeeze3A, %mul3A_342 : i32
            %dma_start3A_344 = tpu.memref_slice %arg13[%mul3A_341] : memref<2048xf32, #tpu.memory_space<vmem>> -> memref<64xf32, #tpu.memory_space<vmem>>
            %dma_start3A_345 = tpu.memref_slice %arg5[%mul3A_343] : memref<2097152xf32, #tpu.memory_space<hbm>> -> memref<64xf32, #tpu.memory_space<hbm>>
            %dma_start3A_346 = tpu.memref_slice %arg5[%mul3A_343] : memref<2097152xf32, #tpu.memory_space<hbm>> -> memref<64xf32, #tpu.memory_space<hbm>>
            %dma_start3A_347 = tpu.memref_slice %arg13[%mul3A_341] : memref<2048xf32, #tpu.memory_space<vmem>> -> memref<64xf32, #tpu.memory_space<vmem>>
            tpu.enqueue_dma source(%dma_start3A_347 : memref<64xf32, #tpu.memory_space<vmem>>) target(%dma_start3A_346 : memref<64xf32, #tpu.memory_space<hbm>>) target_semaphore(%arg18 : memref<!tpu.dma_semaphore, #tpu.memory_space<semaphore_mem>>)
            %add3A_348 = arith.constant 1 : i32
            %add3A_349 = arith.addi %while3A_239, %add3A_348 : i32
            scf.yield %add3A_349 : i32
          }
          %while3A_236 = arith.constant 1 : i32
          %while3A_237 = scf.for %while3A_238 = %while3A_233 to %while3A_229 step %while3A_236 iter_args(%while3A_239 = %while3A_235) -> (i32)  : i32 {
            %shift_right_arithmetic3A = arith.constant 4 : i32
            %shift_right_arithmetic3A_240 = arith.shrsi %while3A_238, %shift_right_arithmetic3A : i32
            %mul3A_241 = arith.constant 16 : i32
            %mul3A_242 = arith.muli %shift_right_arithmetic3A_240, %mul3A_241 : i32
            %multiple_of3A = tpu.assume_multiple %mul3A_242, 16 : i32
            %and3A_243 = arith.constant 15 : i32
            %and3A_244 = arith.andi %while3A_238, %and3A_243 : i32
            %broadcast_in_dim3A = vector.broadcast %and3A_244 : i32 to vector<16xi32>
            %get3A = arith.index_cast %multiple_of3A : i32 to index
            %get3A_245 = tpu.vector_load %arg9[%get3A] {strides = array<i32>} : memref<2064xi32, #tpu.memory_space<vmem>>, vector<16xi32>,
            %lt3A_246 = arith.constant 0 : i32
            %lt3A_247 = vector.broadcast %lt3A_246 : i32 to vector<16xi32>
            %lt3A_248 = arith.cmpi slt, %broadcast_in_dim3A, %lt3A_247 : vector<16xi32>
            %add3A_249 = arith.constant 16 : i32
            %add3A_250 = vector.broadcast %add3A_249 : i32 to vector<16xi32>
            %add3A_251 = arith.addi %broadcast_in_dim3A, %add3A_250 : vector<16xi32>
            %select_n3A_252 = arith.select %lt3A_248, %add3A_251, %broadcast_in_dim3A : vector<16xi1>, vector<16xi32>
            %broadcast_in_dim3A_253 = vector.shape_cast %select_n3A_252 : vector<16xi32> to vector<16x1xi32>
            %gather3A = vector.shape_cast %broadcast_in_dim3A_253 : vector<16x1xi32> to vector<16xi32>
            %gather3A_254 = tpu.dynamic_gather %get3A_245[%gather3A] in [0] : vector<16xi32>, vector<16xi32> -> vector<16xi32>
            %get3A_255 = arith.index_cast %multiple_of3A : i32 to index
            %get3A_256 = tpu.vector_load %arg10[%get3A_255] {strides = array<i32>} : memref<2064xi32, #tpu.memory_space<vmem>>, vector<16xi32>,
            %lt3A_257 = arith.constant 0 : i32
            %lt3A_258 = vector.broadcast %lt3A_257 : i32 to vector<16xi32>
            %lt3A_259 = arith.cmpi slt, %broadcast_in_dim3A, %lt3A_258 : vector<16xi32>
            %add3A_260 = arith.constant 16 : i32
            %add3A_261 = vector.broadcast %add3A_260 : i32 to vector<16xi32>
            %add3A_262 = arith.addi %broadcast_in_dim3A, %add3A_261 : vector<16xi32>
            %select_n3A_263 = arith.select %lt3A_259, %add3A_262, %broadcast_in_dim3A : vector<16xi1>, vector<16xi32>
            %broadcast_in_dim3A_264 = vector.shape_cast %select_n3A_263 : vector<16xi32> to vector<16x1xi32>
            %gather3A_265 = vector.shape_cast %broadcast_in_dim3A_264 : vector<16x1xi32> to vector<16xi32>
            %gather3A_266 = tpu.dynamic_gather %get3A_256[%gather3A_265] in [0] : vector<16xi32>, vector<16xi32> -> vector<16xi32>
            %slice3A = vector.extract_strided_slice %gather3A_266 {offsets = [0], sizes = [1], strides = [1]} : vector<16xi32> to vector<1xi32>
            %squeeze3A = vector.extract %slice3A[0] : i32 from vector<1xi32>
            %rem3A_267 = arith.constant 32 : i32
            %rem3A_268 = arith.remsi %while3A_239, %rem3A_267 : i32
            %ge3A = arith.constant 32 : i32
            %ge3A_269 = arith.cmpi sge, %while3A_239, %ge3A : i32
            %convert_element_type3A_270 = arith.extui %ge3A_269 : i1 to i32
            %cond3A_271 = arith.constant 0 : i32
            %cond3A_272 = arith.cmpi ne, %convert_element_type3A_270, %cond3A_271 : i32
            scf.if %cond3A_272 {
              %dma_wait3A_350 = arith.constant 0 : i32
              %dma_wait3A_351 = tpu.memref_slice %arg13[%dma_wait3A_350] : memref<2048xf32, #tpu.memory_space<vmem>> -> memref<64xf32, #tpu.memory_space<vmem>>
              %dma_wait3A_352 = arith.constant 0 : i32
              %dma_wait3A_353 = tpu.memref_slice %arg5[%dma_wait3A_352] : memref<2097152xf32, #tpu.memory_space<hbm>> -> memref<64xf32, #tpu.memory_space<hbm>>
              %dma_wait3A_354 = arith.constant 0 : i32
              %dma_wait3A_355 = tpu.memref_slice %arg13[%dma_wait3A_354] : memref<2048xf32, #tpu.memory_space<vmem>> -> memref<64xf32, #tpu.memory_space<vmem>>
              %dma_wait3A_356 = arith.constant 0 : i32
              %dma_wait3A_357 = tpu.memref_slice %arg5[%dma_wait3A_356] : memref<2097152xf32, #tpu.memory_space<hbm>> -> memref<64xf32, #tpu.memory_space<hbm>>
              tpu.wait_dma2 semaphore(%arg18 : memref<!tpu.dma_semaphore, #tpu.memory_space<semaphore_mem>>) src(%dma_wait3A_357 : memref<64xf32, #tpu.memory_space<hbm>>) dst(%dma_wait3A_355 : memref<64xf32, #tpu.memory_space<vmem>>)
            } else {
            }
            %add3A_273 = arith.constant 0 : i32
            %add3A_274 = vector.broadcast %add3A_273 : i32 to vector<16xi32>
            %add3A_275 = arith.addi %iota3A, %add3A_274 : vector<16xi32>
            %sub3A_276 = vector.broadcast %add3A_139 : i32 to vector<16xi32>
            %sub3A_277 = arith.subi %gather3A_254, %sub3A_276 : vector<16xi32>
            %gather3A_278 = arith.constant 0 : i32
            %gather3A_279 = arith.constant 0 : i32
            %gather3A_280 = tpu.memref_slice %arg11[%while3A_162, %gather3A_278, %gather3A_279] : memref<4x64x256xf32, #tpu.memory_space<vmem>> -> memref<1x64x256xf32, #tpu.memory_space<vmem>>
            %gather3A_281 = tpu.memref_squeeze %gather3A_280 : memref<1x64x256xf32, #tpu.memory_space<vmem>> -> memref<64x256xf32, #tpu.memory_space<vmem>>
            %gather3A_282 = tpu.vector_load_idx %gather3A_281[%add3A_275, %sub3A_277] : memref<64x256xf32, #tpu.memory_space<vmem>>[vector<16xi32>, vector<16xi32>], vector<16xf32>,
            %mul3A_283 = arith.constant 64 : i32
            %mul3A_284 = arith.muli %rem3A_268, %mul3A_283 : i32
            %add3A_285 = arith.constant 0 : i32
            %add3A_286 = arith.addi %mul3A_284, %add3A_285 : i32
            %multiple_of3A_287 = tpu.assume_multiple %add3A_286, 16 : i32
            %swap3A = arith.index_cast %multiple_of3A_287 : i32 to index
            %swap3A_288 = tpu.vector_load %arg13[%swap3A] {strides = array<i32>} : memref<2048xf32, #tpu.memory_space<vmem>>, vector<16xf32>,
            tpu.vector_store %arg13[%swap3A], %gather3A_282 {strides = array<i32>} : memref<2048xf32, #tpu.memory_space<vmem>>, vector<16xf32>,
            %add3A_289 = arith.constant 16 : i32
            %add3A_290 = vector.broadcast %add3A_289 : i32 to vector<16xi32>
            %add3A_291 = arith.addi %iota3A, %add3A_290 : vector<16xi32>
            %sub3A_292 = vector.broadcast %add3A_139 : i32 to vector<16xi32>
            %sub3A_293 = arith.subi %gather3A_254, %sub3A_292 : vector<16xi32>
            %gather3A_294 = arith.constant 0 : i32
            %gather3A_295 = arith.constant 0 : i32
            %gather3A_296 = tpu.memref_slice %arg11[%while3A_162, %gather3A_294, %gather3A_295] : memref<4x64x256xf32, #tpu.memory_space<vmem>> -> memref<1x64x256xf32, #tpu.memory_space<vmem>>
            %gather3A_297 = tpu.memref_squeeze %gather3A_296 : memref<1x64x256xf32, #tpu.memory_space<vmem>> -> memref<64x256xf32, #tpu.memory_space<vmem>>
            %gather3A_298 = tpu.vector_load_idx %gather3A_297[%add3A_291, %sub3A_293] : memref<64x256xf32, #tpu.memory_space<vmem>>[vector<16xi32>, vector<16xi32>], vector<16xf32>,
            %mul3A_299 = arith.constant 64 : i32
            %mul3A_300 = arith.muli %rem3A_268, %mul3A_299 : i32
            %add3A_301 = arith.constant 16 : i32
            %add3A_302 = arith.addi %mul3A_300, %add3A_301 : i32
            %multiple_of3A_303 = tpu.assume_multiple %add3A_302, 16 : i32
            %swap3A_304 = arith.index_cast %multiple_of3A_303 : i32 to index
            %swap3A_305 = tpu.vector_load %arg13[%swap3A_304] {strides = array<i32>} : memref<2048xf32, #tpu.memory_space<vmem>>, vector<16xf32>,
            tpu.vector_store %arg13[%swap3A_304], %gather3A_298 {strides = array<i32>} : memref<2048xf32, #tpu.memory_space<vmem>>, vector<16xf32>,
            %add3A_306 = arith.constant 32 : i32
            %add3A_307 = vector.broadcast %add3A_306 : i32 to vector<16xi32>
            %add3A_308 = arith.addi %iota3A, %add3A_307 : vector<16xi32>
            %sub3A_309 = vector.broadcast %add3A_139 : i32 to vector<16xi32>
            %sub3A_310 = arith.subi %gather3A_254, %sub3A_309 : vector<16xi32>
            %gather3A_311 = arith.constant 0 : i32
            %gather3A_312 = arith.constant 0 : i32
            %gather3A_313 = tpu.memref_slice %arg11[%while3A_162, %gather3A_311, %gather3A_312] : memref<4x64x256xf32, #tpu.memory_space<vmem>> -> memref<1x64x256xf32, #tpu.memory_space<vmem>>
            %gather3A_314 = tpu.memref_squeeze %gather3A_313 : memref<1x64x256xf32, #tpu.memory_space<vmem>> -> memref<64x256xf32, #tpu.memory_space<vmem>>
            %gather3A_315 = tpu.vector_load_idx %gather3A_314[%add3A_308, %sub3A_310] : memref<64x256xf32, #tpu.memory_space<vmem>>[vector<16xi32>, vector<16xi32>], vector<16xf32>,
            %mul3A_316 = arith.constant 64 : i32
            %mul3A_317 = arith.muli %rem3A_268, %mul3A_316 : i32
            %add3A_318 = arith.constant 32 : i32
            %add3A_319 = arith.addi %mul3A_317, %add3A_318 : i32
            %multiple_of3A_320 = tpu.assume_multiple %add3A_319, 16 : i32
            %swap3A_321 = arith.index_cast %multiple_of3A_320 : i32 to index
            %swap3A_322 = tpu.vector_load %arg13[%swap3A_321] {strides = array<i32>} : memref<2048xf32, #tpu.memory_space<vmem>>, vector<16xf32>,
            tpu.vector_store %arg13[%swap3A_321], %gather3A_315 {strides = array<i32>} : memref<2048xf32, #tpu.memory_space<vmem>>, vector<16xf32>,
            %add3A_323 = arith.constant 48 : i32
            %add3A_324 = vector.broadcast %add3A_323 : i32 to vector<16xi32>
            %add3A_325 = arith.addi %iota3A, %add3A_324 : vector<16xi32>
            %sub3A_326 = vector.broadcast %add3A_139 : i32 to vector<16xi32>
            %sub3A_327 = arith.subi %gather3A_254, %sub3A_326 : vector<16xi32>
            %gather3A_328 = arith.constant 0 : i32
            %gather3A_329 = arith.constant 0 : i32
            %gather3A_330 = tpu.memref_slice %arg11[%while3A_162, %gather3A_328, %gather3A_329] : memref<4x64x256xf32, #tpu.memory_space<vmem>> -> memref<1x64x256xf32, #tpu.memory_space<vmem>>
            %gather3A_331 = tpu.memref_squeeze %gather3A_330 : memref<1x64x256xf32, #tpu.memory_space<vmem>> -> memref<64x256xf32, #tpu.memory_space<vmem>>
            %gather3A_332 = tpu.vector_load_idx %gather3A_331[%add3A_325, %sub3A_327] : memref<64x256xf32, #tpu.memory_space<vmem>>[vector<16xi32>, vector<16xi32>], vector<16xf32>,
            %mul3A_333 = arith.constant 64 : i32
            %mul3A_334 = arith.muli %rem3A_268, %mul3A_333 : i32
            %add3A_335 = arith.constant 48 : i32
            %add3A_336 = arith.addi %mul3A_334, %add3A_335 : i32
            %multiple_of3A_337 = tpu.assume_multiple %add3A_336, 16 : i32
            %swap3A_338 = arith.index_cast %multiple_of3A_337 : i32 to index
            %swap3A_339 = tpu.vector_load %arg13[%swap3A_338] {strides = array<i32>} : memref<2048xf32, #tpu.memory_space<vmem>>, vector<16xf32>,
            tpu.vector_store %arg13[%swap3A_338], %gather3A_332 {strides = array<i32>} : memref<2048xf32, #tpu.memory_space<vmem>>, vector<16xf32>,
            %mul3A_340 = arith.constant 64 : i32
            %mul3A_341 = arith.muli %rem3A_268, %mul3A_340 : i32
            %mul3A_342 = arith.constant 128 : i32
            %mul3A_343 = arith.muli %squeeze3A, %mul3A_342 : i32
            %dma_start3A_344 = tpu.memref_slice %arg13[%mul3A_341] : memref<2048xf32, #tpu.memory_space<vmem>> -> memref<64xf32, #tpu.memory_space<vmem>>
            %dma_start3A_345 = tpu.memref_slice %arg5[%mul3A_343] : memref<2097152xf32, #tpu.memory_space<hbm>> -> memref<64xf32, #tpu.memory_space<hbm>>
            %dma_start3A_346 = tpu.memref_slice %arg5[%mul3A_343] : memref<2097152xf32, #tpu.memory_space<hbm>> -> memref<64xf32, #tpu.memory_space<hbm>>
            %dma_start3A_347 = tpu.memref_slice %arg13[%mul3A_341] : memref<2048xf32, #tpu.memory_space<vmem>> -> memref<64xf32, #tpu.memory_space<vmem>>
            tpu.enqueue_dma source(%dma_start3A_347 : memref<64xf32, #tpu.memory_space<vmem>>) target(%dma_start3A_346 : memref<64xf32, #tpu.memory_space<hbm>>) target_semaphore(%arg18 : memref<!tpu.dma_semaphore, #tpu.memory_space<semaphore_mem>>)
            %add3A_348 = arith.constant 1 : i32
            %add3A_349 = arith.addi %while3A_239, %add3A_348 : i32
            scf.yield %add3A_349 : i32
          }
          scf.yield %while3A_237 : i32
        }
        %add3A_174 = arith.constant 4 : i32
        %add3A_175 = arith.addi %add3A_117, %add3A_174 : i32
        %lt3A_176 = arith.cmpi slt, %add3A_175, %add3A_4 : i32
        %convert_element_type3A_177 = arith.extui %lt3A_176 : i1 to i32
        %cond3A_178 = arith.constant 0 : i32
        %cond3A_179 = arith.cmpi ne, %convert_element_type3A_177, %cond3A_178 : i32
        scf.if %cond3A_179 {
          %add3A_180 = arith.constant 4 : i32
          %add3A_181 = arith.addi %add3A_117, %add3A_180 : i32
          %mul3A_182 = arith.constant 256 : i32
          %mul3A_183 = arith.muli %add3A_181, %mul3A_182 : i32
          %add3A_184 = arith.addi %mul3A_6, %mul3A_183 : i32
          %dma_start3A_185 = arith.constant 3 : i32
          %dma_start3A_186 = arith.constant 0 : i32
          %dma_start3A_187 = arith.constant 0 : i32
          %dma_start3A_188 = tpu.memref_slice %arg11[%dma_start3A_185, %dma_start3A_186, %dma_start3A_187] : memref<4x64x256xf32, #tpu.memory_space<vmem>> -> memref<1x64x256xf32, #tpu.memory_space<vmem>>
          %dma_start3A_189 = tpu.memref_squeeze %dma_start3A_188 : memref<1x64x256xf32, #tpu.memory_space<vmem>> -> memref<64x256xf32, #tpu.memory_space<vmem>>
          %dma_start3A_190 = arith.constant 0 : i32
          %dma_start3A_191 = tpu.memref_slice %arg3[%dma_start3A_190, %add3A_184] : memref<64x1000000xf32, #tpu.memory_space<hbm>> -> memref<64x256xf32, #tpu.memory_space<hbm>>
          %dma_start3A_192 = arith.constant 0 : i32
          %dma_start3A_193 = arith.constant 0 : i32
          %dma_start3A_194 = tpu.memref_slice %arg11[%dma_start3A_185, %dma_start3A_192, %dma_start3A_193] : memref<4x64x256xf32, #tpu.memory_space<vmem>> -> memref<1x64x256xf32, #tpu.memory_space<vmem>>
          %dma_start3A_195 = tpu.memref_squeeze %dma_start3A_194 : memref<1x64x256xf32, #tpu.memory_space<vmem>> -> memref<64x256xf32, #tpu.memory_space<vmem>>
          %dma_start3A_196 = arith.constant 0 : i32
          %dma_start3A_197 = tpu.memref_slice %arg3[%dma_start3A_196, %add3A_184] : memref<64x1000000xf32, #tpu.memory_space<hbm>> -> memref<64x256xf32, #tpu.memory_space<hbm>>
          tpu.enqueue_dma source(%dma_start3A_197 : memref<64x256xf32, #tpu.memory_space<hbm>>) target(%dma_start3A_195 : memref<64x256xf32, #tpu.memory_space<vmem>>) target_semaphore(%arg17 : memref<!tpu.dma_semaphore, #tpu.memory_space<semaphore_mem>>)
        } else {
        }
        scf.yield %while3A_173 : i32
      } else {
        scf.yield %cond3A_115 : i32
      }
      scf.yield %cond3A_122 : i32
    }
    %scan3A_78 = arith.constant 31 : i32
    %eq3A_79 = arith.constant 31 : i32
    %eq3A_80 = arith.cmpi eq, %add3A, %eq3A_79 : i32
    %convert_element_type3A = arith.extui %eq3A_80 : i1 to i32
    %cond3A = arith.constant 0 : i32
    %cond3A_81 = arith.cmpi ne, %convert_element_type3A, %cond3A : i32
    %cond3A_82 = scf.if %cond3A_81 -> (i32) {
      %add3A_92 = arith.constant 2048 : i32
      %add3A_93 = arith.addi %scan3A_70, %add3A_92 : i32
      %sub3A = arith.constant 1 : i32
      %sub3A_94 = arith.subi %add3A_93, %sub3A : i32
      %jit3A_95 = arith.constant 2048 : i32
      %div3A = arith.divsi %sub3A_94, %jit3A_95 : i32
      %sign3A = arith.constant 0 : i32
      %sign3A_96 = arith.cmpi sgt, %sub3A_94, %sign3A : i32
      %sign3A_97 = arith.extui %sign3A_96 : i1 to i32
      %sign3A_98 = arith.constant 0 : i32
      %sign3A_99 = arith.cmpi slt, %sub3A_94, %sign3A_98 : i32
      %sign3A_100 = arith.extui %sign3A_99 : i1 to i32
      %sign3A_101 = arith.subi %sign3A_97, %sign3A_100 : i32
      %sign3A_102 = arith.constant 0 : i32
      %sign3A_103 = arith.cmpi sgt, %jit3A_95, %sign3A_102 : i32
      %sign3A_104 = arith.extui %sign3A_103 : i1 to i32
      %sign3A_105 = arith.constant 0 : i32
      %sign3A_106 = arith.cmpi slt, %jit3A_95, %sign3A_105 : i32
      %sign3A_107 = arith.extui %sign3A_106 : i1 to i32
      %sign3A_108 = arith.subi %sign3A_104, %sign3A_107 : i32
      %ne3A = arith.cmpi ne, %sign3A_101, %sign3A_108 : i32
      %rem3A = arith.remsi %sub3A_94, %jit3A_95 : i32
      %ne3A_109 = arith.constant 0 : i32
      %ne3A_110 = arith.cmpi ne, %rem3A, %ne3A_109 : i32
      %and3A = arith.andi %ne3A, %ne3A_110 : i1
      %sub3A_111 = arith.constant 1 : i32
      %sub3A_112 = arith.subi %div3A, %sub3A_111 : i32
      %select_n3A_113 = arith.select %and3A, %sub3A_112, %div3A : i32
      %while3A_114 = arith.constant 0 : i32
      %while3A_115 = arith.subi %select_n3A_113, %while3A_114 : i32
      %while3A_116 = arith.addi %while3A_114, %while3A_115 : i32
      %while3A_117 = arith.constant 1 : i32
      %while3A_118 = arith.divsi %while3A_115, %while3A_117 : i32
      %while3A_119 = arith.muli %while3A_118, %while3A_117 : i32
      %while3A_120 = arith.addi %while3A_114, %while3A_119 : i32
      %while3A_121 = arith.constant 1 : i32
      %while3A_122 = scf.for %while3A_125 = %while3A_114 to %while3A_120 step %while3A_121 iter_args(%while3A_126 = %scan3A_77) -> (i32)  : i32 {
        %mul3A_127 = arith.constant 2048 : i32
        %mul3A_128 = arith.muli %while3A_125, %mul3A_127 : i32
        %sub3A_129 = arith.subi %scan3A_70, %mul3A_128 : i32
        %min3A_130 = arith.constant 2048 : i32
        %min3A_131 = arith.minsi %sub3A_129, %min3A_130 : i32
        %add3A_132 = arith.constant 16 : i32
        %add3A_133 = arith.addi %min3A_131, %add3A_132 : i32
        %sub3A_134 = arith.constant 1 : i32
        %sub3A_135 = arith.subi %add3A_133, %sub3A_134 : i32
        %jit3A_136 = arith.constant 16 : i32
        %div3A_137 = arith.divsi %sub3A_135, %jit3A_136 : i32
        %sign3A_138 = arith.constant 0 : i32
        %sign3A_139 = arith.cmpi sgt, %sub3A_135, %sign3A_138 : i32
        %sign3A_140 = arith.extui %sign3A_139 : i1 to i32
        %sign3A_141 = arith.constant 0 : i32
        %sign3A_142 = arith.cmpi slt, %sub3A_135, %sign3A_141 : i32
        %sign3A_143 = arith.extui %sign3A_142 : i1 to i32
        %sign3A_144 = arith.subi %sign3A_140, %sign3A_143 : i32
        %sign3A_145 = arith.constant 0 : i32
        %sign3A_146 = arith.cmpi sgt, %jit3A_136, %sign3A_145 : i32
        %sign3A_147 = arith.extui %sign3A_146 : i1 to i32
        %sign3A_148 = arith.constant 0 : i32
        %sign3A_149 = arith.cmpi slt, %jit3A_136, %sign3A_148 : i32
        %sign3A_150 = arith.extui %sign3A_149 : i1 to i32
        %sign3A_151 = arith.subi %sign3A_147, %sign3A_150 : i32
        %ne3A_152 = arith.cmpi ne, %sign3A_144, %sign3A_151 : i32
        %rem3A_153 = arith.remsi %sub3A_135, %jit3A_136 : i32
        %ne3A_154 = arith.constant 0 : i32
        %ne3A_155 = arith.cmpi ne, %rem3A_153, %ne3A_154 : i32
        %and3A_156 = arith.andi %ne3A_152, %ne3A_155 : i1
        %sub3A_157 = arith.constant 1 : i32
        %sub3A_158 = arith.subi %div3A_137, %sub3A_157 : i32
        %select_n3A_159 = arith.select %and3A_156, %sub3A_158, %div3A_137 : i32
        %while3A_160 = arith.constant 0 : i32
        %while3A_161 = arith.constant 0 : i32
        %while3A_162 = arith.subi %select_n3A_159, %while3A_160 : i32
        %while3A_163 = arith.addi %while3A_160, %while3A_162 : i32
        %while3A_164 = arith.constant 1 : i32
        %while3A_165 = arith.divsi %while3A_162, %while3A_164 : i32
        %while3A_166 = arith.muli %while3A_165, %while3A_164 : i32
        %while3A_167 = arith.addi %while3A_160, %while3A_166 : i32
        %while3A_168 = arith.constant 1 : i32
        %while3A_169 = scf.for %while3A_183 = %while3A_160 to %while3A_167 step %while3A_168 iter_args(%while3A_184 = %while3A_161) -> (i32)  : i32 {
          %mul3A_185 = arith.constant 16 : i32
          %mul3A_186 = arith.muli %while3A_183, %mul3A_185 : i32
          %add3A_187 = arith.addi %mul3A_128, %mul3A_186 : i32
          %multiple_of3A = tpu.assume_multiple %add3A_187, 16 : i32
          %add3A_188 = vector.broadcast %multiple_of3A : i32 to vector<16xi32>
          %add3A_189 = arith.addi %add3A_188, %iota3A : vector<16xi32>
          %get3A = arith.index_cast %multiple_of3A : i32 to index
          %get3A_190 = tpu.vector_load %arg7[%get3A] {strides = array<i32>} : memref<16416xi32, #tpu.memory_space<vmem>>, vector<16xi32>,
          %get3A_191 = arith.index_cast %multiple_of3A : i32 to index
          %get3A_192 = tpu.vector_load %arg8[%get3A_191] {strides = array<i32>} : memref<16416xi32, #tpu.memory_space<vmem>>, vector<16xi32>,
          %ge3A = arith.constant 999936 : i32
          %ge3A_193 = vector.broadcast %ge3A : i32 to vector<16xi32>
          %ge3A_194 = arith.cmpi sge, %get3A_190, %ge3A_193 : vector<16xi32>
          %lt3A = arith.constant 1000000 : i32
          %lt3A_195 = vector.broadcast %lt3A : i32 to vector<16xi32>
          %lt3A_196 = arith.cmpi slt, %get3A_190, %lt3A_195 : vector<16xi32>
          %and3A_197 = arith.andi %ge3A_194, %lt3A_196 : vector<16xi1>
          %lt3A_198 = vector.broadcast %scan3A_70 : i32 to vector<16xi32>
          %lt3A_199 = arith.cmpi slt, %add3A_189, %lt3A_198 : vector<16xi32>
          %and3A_200 = arith.andi %and3A_197, %lt3A_199 : vector<16xi1>
          %swap3A = arith.index_cast %while3A_184 : i32 to index
          %swap3A_201 = tpu.vector_load %arg9[%swap3A] masked %and3A_200 {strides = array<i32>} : memref<2064xi32, #tpu.memory_space<vmem>>, vector<16xi32>, vector<16xi1>
          tpu.vector_store %arg9[%swap3A], %get3A_190 masked %and3A_200 {strides = array<i32>} : memref<2064xi32, #tpu.memory_space<vmem>>, vector<16xi32>, vector<16xi1>
          %swap3A_202 = arith.index_cast %while3A_184 : i32 to index
          %swap3A_203 = tpu.vector_load %arg10[%swap3A_202] masked %and3A_200 {strides = array<i32>} : memref<2064xi32, #tpu.memory_space<vmem>>, vector<16xi32>, vector<16xi1>
          tpu.vector_store %arg10[%swap3A_202], %get3A_192 masked %and3A_200 {strides = array<i32>} : memref<2064xi32, #tpu.memory_space<vmem>>, vector<16xi32>, vector<16xi1>
          %all_reduce_population_count3A = tpu.all_reduce %and3A_200 {dim = 0 : i64, kind = #tpu.reduction_kind<sum>} : vector<16xi1> -> vector<16xi32>
          %slice3A = vector.extract_strided_slice %all_reduce_population_count3A {offsets = [0], sizes = [1], strides = [1]} : vector<16xi32> to vector<1xi32>
          %squeeze3A = vector.extract %slice3A[0] : i32 from vector<1xi32>
          %add3A_204 = arith.addi %while3A_184, %squeeze3A : i32
          scf.yield %add3A_204 : i32
        }
        %while3A_170 = arith.constant 1 : i32
        %while3A_171 = scf.for %while3A_183 = %while3A_167 to %while3A_163 step %while3A_170 iter_args(%while3A_184 = %while3A_169) -> (i32)  : i32 {
          %mul3A_185 = arith.constant 16 : i32
          %mul3A_186 = arith.muli %while3A_183, %mul3A_185 : i32
          %add3A_187 = arith.addi %mul3A_128, %mul3A_186 : i32
          %multiple_of3A = tpu.assume_multiple %add3A_187, 16 : i32
          %add3A_188 = vector.broadcast %multiple_of3A : i32 to vector<16xi32>
          %add3A_189 = arith.addi %add3A_188, %iota3A : vector<16xi32>
          %get3A = arith.index_cast %multiple_of3A : i32 to index
          %get3A_190 = tpu.vector_load %arg7[%get3A] {strides = array<i32>} : memref<16416xi32, #tpu.memory_space<vmem>>, vector<16xi32>,
          %get3A_191 = arith.index_cast %multiple_of3A : i32 to index
          %get3A_192 = tpu.vector_load %arg8[%get3A_191] {strides = array<i32>} : memref<16416xi32, #tpu.memory_space<vmem>>, vector<16xi32>,
          %ge3A = arith.constant 999936 : i32
          %ge3A_193 = vector.broadcast %ge3A : i32 to vector<16xi32>
          %ge3A_194 = arith.cmpi sge, %get3A_190, %ge3A_193 : vector<16xi32>
          %lt3A = arith.constant 1000000 : i32
          %lt3A_195 = vector.broadcast %lt3A : i32 to vector<16xi32>
          %lt3A_196 = arith.cmpi slt, %get3A_190, %lt3A_195 : vector<16xi32>
          %and3A_197 = arith.andi %ge3A_194, %lt3A_196 : vector<16xi1>
          %lt3A_198 = vector.broadcast %scan3A_70 : i32 to vector<16xi32>
          %lt3A_199 = arith.cmpi slt, %add3A_189, %lt3A_198 : vector<16xi32>
          %and3A_200 = arith.andi %and3A_197, %lt3A_199 : vector<16xi1>
          %swap3A = arith.index_cast %while3A_184 : i32 to index
          %swap3A_201 = tpu.vector_load %arg9[%swap3A] masked %and3A_200 {strides = array<i32>} : memref<2064xi32, #tpu.memory_space<vmem>>, vector<16xi32>, vector<16xi1>
          tpu.vector_store %arg9[%swap3A], %get3A_190 masked %and3A_200 {strides = array<i32>} : memref<2064xi32, #tpu.memory_space<vmem>>, vector<16xi32>, vector<16xi1>
          %swap3A_202 = arith.index_cast %while3A_184 : i32 to index
          %swap3A_203 = tpu.vector_load %arg10[%swap3A_202] masked %and3A_200 {strides = array<i32>} : memref<2064xi32, #tpu.memory_space<vmem>>, vector<16xi32>, vector<16xi1>
          tpu.vector_store %arg10[%swap3A_202], %get3A_192 masked %and3A_200 {strides = array<i32>} : memref<2064xi32, #tpu.memory_space<vmem>>, vector<16xi32>, vector<16xi1>
          %all_reduce_population_count3A = tpu.all_reduce %and3A_200 {dim = 0 : i64, kind = #tpu.reduction_kind<sum>} : vector<16xi1> -> vector<16xi32>
          %slice3A = vector.extract_strided_slice %all_reduce_population_count3A {offsets = [0], sizes = [1], strides = [1]} : vector<16xi32> to vector<1xi32>
          %squeeze3A = vector.extract %slice3A[0] : i32 from vector<1xi32>
          %add3A_204 = arith.addi %while3A_184, %squeeze3A : i32
          scf.yield %add3A_204 : i32
        }
        %while3A_172 = arith.constant 0 : i32
        %while3A_173 = arith.subi %while3A_171, %while3A_172 : i32
        %while3A_174 = arith.addi %while3A_172, %while3A_173 : i32
        %while3A_175 = arith.constant 1 : i32
        %while3A_176 = arith.divsi %while3A_173, %while3A_175 : i32
        %while3A_177 = arith.muli %while3A_176, %while3A_175 : i32
        %while3A_178 = arith.addi %while3A_172, %while3A_177 : i32
        %while3A_179 = arith.constant 1 : i32
        %while3A_180 = scf.for %while3A_183 = %while3A_172 to %while3A_178 step %while3A_179 iter_args(%while3A_184 = %while3A_126) -> (i32)  : i32 {
          %shift_right_arithmetic3A = arith.constant 4 : i32
          %shift_right_arithmetic3A_185 = arith.shrsi %while3A_183, %shift_right_arithmetic3A : i32
          %mul3A_186 = arith.constant 16 : i32
          %mul3A_187 = arith.muli %shift_right_arithmetic3A_185, %mul3A_186 : i32
          %multiple_of3A = tpu.assume_multiple %mul3A_187, 16 : i32
          %and3A_188 = arith.constant 15 : i32
          %and3A_189 = arith.andi %while3A_183, %and3A_188 : i32
          %broadcast_in_dim3A = vector.broadcast %and3A_189 : i32 to vector<16xi32>
          %get3A = arith.index_cast %multiple_of3A : i32 to index
          %get3A_190 = tpu.vector_load %arg9[%get3A] {strides = array<i32>} : memref<2064xi32, #tpu.memory_space<vmem>>, vector<16xi32>,
          %lt3A = arith.constant 0 : i32
          %lt3A_191 = vector.broadcast %lt3A : i32 to vector<16xi32>
          %lt3A_192 = arith.cmpi slt, %broadcast_in_dim3A, %lt3A_191 : vector<16xi32>
          %add3A_193 = arith.constant 16 : i32
          %add3A_194 = vector.broadcast %add3A_193 : i32 to vector<16xi32>
          %add3A_195 = arith.addi %broadcast_in_dim3A, %add3A_194 : vector<16xi32>
          %select_n3A_196 = arith.select %lt3A_192, %add3A_195, %broadcast_in_dim3A : vector<16xi1>, vector<16xi32>
          %broadcast_in_dim3A_197 = vector.shape_cast %select_n3A_196 : vector<16xi32> to vector<16x1xi32>
          %gather3A = vector.shape_cast %broadcast_in_dim3A_197 : vector<16x1xi32> to vector<16xi32>
          %gather3A_198 = tpu.dynamic_gather %get3A_190[%gather3A] in [0] : vector<16xi32>, vector<16xi32> -> vector<16xi32>
          %get3A_199 = arith.index_cast %multiple_of3A : i32 to index
          %get3A_200 = tpu.vector_load %arg10[%get3A_199] {strides = array<i32>} : memref<2064xi32, #tpu.memory_space<vmem>>, vector<16xi32>,
          %lt3A_201 = arith.constant 0 : i32
          %lt3A_202 = vector.broadcast %lt3A_201 : i32 to vector<16xi32>
          %lt3A_203 = arith.cmpi slt, %broadcast_in_dim3A, %lt3A_202 : vector<16xi32>
          %add3A_204 = arith.constant 16 : i32
          %add3A_205 = vector.broadcast %add3A_204 : i32 to vector<16xi32>
          %add3A_206 = arith.addi %broadcast_in_dim3A, %add3A_205 : vector<16xi32>
          %select_n3A_207 = arith.select %lt3A_203, %add3A_206, %broadcast_in_dim3A : vector<16xi1>, vector<16xi32>
          %broadcast_in_dim3A_208 = vector.shape_cast %select_n3A_207 : vector<16xi32> to vector<16x1xi32>
          %gather3A_209 = vector.shape_cast %broadcast_in_dim3A_208 : vector<16x1xi32> to vector<16xi32>
          %gather3A_210 = tpu.dynamic_gather %get3A_200[%gather3A_209] in [0] : vector<16xi32>, vector<16xi32> -> vector<16xi32>
          %slice3A = vector.extract_strided_slice %gather3A_210 {offsets = [0], sizes = [1], strides = [1]} : vector<16xi32> to vector<1xi32>
          %squeeze3A = vector.extract %slice3A[0] : i32 from vector<1xi32>
          %rem3A_211 = arith.constant 32 : i32
          %rem3A_212 = arith.remsi %while3A_184, %rem3A_211 : i32
          %ge3A = arith.constant 32 : i32
          %ge3A_213 = arith.cmpi sge, %while3A_184, %ge3A : i32
          %convert_element_type3A_214 = arith.extui %ge3A_213 : i1 to i32
          %cond3A_215 = arith.constant 0 : i32
          %cond3A_216 = arith.cmpi ne, %convert_element_type3A_214, %cond3A_215 : i32
          scf.if %cond3A_216 {
            %dma_wait3A = arith.constant 0 : i32
            %dma_wait3A_282 = tpu.memref_slice %arg13[%dma_wait3A] : memref<2048xf32, #tpu.memory_space<vmem>> -> memref<64xf32, #tpu.memory_space<vmem>>
            %dma_wait3A_283 = arith.constant 0 : i32
            %dma_wait3A_284 = tpu.memref_slice %arg5[%dma_wait3A_283] : memref<2097152xf32, #tpu.memory_space<hbm>> -> memref<64xf32, #tpu.memory_space<hbm>>
            %dma_wait3A_285 = arith.constant 0 : i32
            %dma_wait3A_286 = tpu.memref_slice %arg13[%dma_wait3A_285] : memref<2048xf32, #tpu.memory_space<vmem>> -> memref<64xf32, #tpu.memory_space<vmem>>
            %dma_wait3A_287 = arith.constant 0 : i32
            %dma_wait3A_288 = tpu.memref_slice %arg5[%dma_wait3A_287] : memref<2097152xf32, #tpu.memory_space<hbm>> -> memref<64xf32, #tpu.memory_space<hbm>>
            tpu.wait_dma2 semaphore(%arg18 : memref<!tpu.dma_semaphore, #tpu.memory_space<semaphore_mem>>) src(%dma_wait3A_288 : memref<64xf32, #tpu.memory_space<hbm>>) dst(%dma_wait3A_286 : memref<64xf32, #tpu.memory_space<vmem>>)
          } else {
          }
          %sub3A_217 = arith.constant 999936 : i32
          %sub3A_218 = vector.broadcast %sub3A_217 : i32 to vector<16xi32>
          %sub3A_219 = arith.subi %gather3A_198, %sub3A_218 : vector<16xi32>
          %add3A_220 = arith.constant 0 : i32
          %add3A_221 = vector.broadcast %add3A_220 : i32 to vector<16xi32>
          %add3A_222 = arith.addi %iota3A, %add3A_221 : vector<16xi32>
          %gather3A_223 = tpu.vector_load_idx %arg12[%sub3A_219, %add3A_222] : memref<64x64xf32, #tpu.memory_space<vmem>>[vector<16xi32>, vector<16xi32>], vector<16xf32>,
          %mul3A_224 = arith.constant 64 : i32
          %mul3A_225 = arith.muli %rem3A_212, %mul3A_224 : i32
          %add3A_226 = arith.constant 0 : i32
          %add3A_227 = arith.addi %mul3A_225, %add3A_226 : i32
          %multiple_of3A_228 = tpu.assume_multiple %add3A_227, 16 : i32
          %swap3A = arith.index_cast %multiple_of3A_228 : i32 to index
          %swap3A_229 = tpu.vector_load %arg13[%swap3A] {strides = array<i32>} : memref<2048xf32, #tpu.memory_space<vmem>>, vector<16xf32>,
          tpu.vector_store %arg13[%swap3A], %gather3A_223 {strides = array<i32>} : memref<2048xf32, #tpu.memory_space<vmem>>, vector<16xf32>,
          %sub3A_230 = arith.constant 999936 : i32
          %sub3A_231 = vector.broadcast %sub3A_230 : i32 to vector<16xi32>
          %sub3A_232 = arith.subi %gather3A_198, %sub3A_231 : vector<16xi32>
          %add3A_233 = arith.constant 16 : i32
          %add3A_234 = vector.broadcast %add3A_233 : i32 to vector<16xi32>
          %add3A_235 = arith.addi %iota3A, %add3A_234 : vector<16xi32>
          %gather3A_236 = tpu.vector_load_idx %arg12[%sub3A_232, %add3A_235] : memref<64x64xf32, #tpu.memory_space<vmem>>[vector<16xi32>, vector<16xi32>], vector<16xf32>,
          %mul3A_237 = arith.constant 64 : i32
          %mul3A_238 = arith.muli %rem3A_212, %mul3A_237 : i32
          %add3A_239 = arith.constant 16 : i32
          %add3A_240 = arith.addi %mul3A_238, %add3A_239 : i32
          %multiple_of3A_241 = tpu.assume_multiple %add3A_240, 16 : i32
          %swap3A_242 = arith.index_cast %multiple_of3A_241 : i32 to index
          %swap3A_243 = tpu.vector_load %arg13[%swap3A_242] {strides = array<i32>} : memref<2048xf32, #tpu.memory_space<vmem>>, vector<16xf32>,
          tpu.vector_store %arg13[%swap3A_242], %gather3A_236 {strides = array<i32>} : memref<2048xf32, #tpu.memory_space<vmem>>, vector<16xf32>,
          %sub3A_244 = arith.constant 999936 : i32
          %sub3A_245 = vector.broadcast %sub3A_244 : i32 to vector<16xi32>
          %sub3A_246 = arith.subi %gather3A_198, %sub3A_245 : vector<16xi32>
          %add3A_247 = arith.constant 32 : i32
          %add3A_248 = vector.broadcast %add3A_247 : i32 to vector<16xi32>
          %add3A_249 = arith.addi %iota3A, %add3A_248 : vector<16xi32>
          %gather3A_250 = tpu.vector_load_idx %arg12[%sub3A_246, %add3A_249] : memref<64x64xf32, #tpu.memory_space<vmem>>[vector<16xi32>, vector<16xi32>], vector<16xf32>,
          %mul3A_251 = arith.constant 64 : i32
          %mul3A_252 = arith.muli %rem3A_212, %mul3A_251 : i32
          %add3A_253 = arith.constant 32 : i32
          %add3A_254 = arith.addi %mul3A_252, %add3A_253 : i32
          %multiple_of3A_255 = tpu.assume_multiple %add3A_254, 16 : i32
          %swap3A_256 = arith.index_cast %multiple_of3A_255 : i32 to index
          %swap3A_257 = tpu.vector_load %arg13[%swap3A_256] {strides = array<i32>} : memref<2048xf32, #tpu.memory_space<vmem>>, vector<16xf32>,
          tpu.vector_store %arg13[%swap3A_256], %gather3A_250 {strides = array<i32>} : memref<2048xf32, #tpu.memory_space<vmem>>, vector<16xf32>,
          %sub3A_258 = arith.constant 999936 : i32
          %sub3A_259 = vector.broadcast %sub3A_258 : i32 to vector<16xi32>
          %sub3A_260 = arith.subi %gather3A_198, %sub3A_259 : vector<16xi32>
          %add3A_261 = arith.constant 48 : i32
          %add3A_262 = vector.broadcast %add3A_261 : i32 to vector<16xi32>
          %add3A_263 = arith.addi %iota3A, %add3A_262 : vector<16xi32>
          %gather3A_264 = tpu.vector_load_idx %arg12[%sub3A_260, %add3A_263] : memref<64x64xf32, #tpu.memory_space<vmem>>[vector<16xi32>, vector<16xi32>], vector<16xf32>,
          %mul3A_265 = arith.constant 64 : i32
          %mul3A_266 = arith.muli %rem3A_212, %mul3A_265 : i32
          %add3A_267 = arith.constant 48 : i32
          %add3A_268 = arith.addi %mul3A_266, %add3A_267 : i32
          %multiple_of3A_269 = tpu.assume_multiple %add3A_268, 16 : i32
          %swap3A_270 = arith.index_cast %multiple_of3A_269 : i32 to index
          %swap3A_271 = tpu.vector_load %arg13[%swap3A_270] {strides = array<i32>} : memref<2048xf32, #tpu.memory_space<vmem>>, vector<16xf32>,
          tpu.vector_store %arg13[%swap3A_270], %gather3A_264 {strides = array<i32>} : memref<2048xf32, #tpu.memory_space<vmem>>, vector<16xf32>,
          %mul3A_272 = arith.constant 64 : i32
          %mul3A_273 = arith.muli %rem3A_212, %mul3A_272 : i32
          %mul3A_274 = arith.constant 128 : i32
          %mul3A_275 = arith.muli %squeeze3A, %mul3A_274 : i32
          %dma_start3A_276 = tpu.memref_slice %arg13[%mul3A_273] : memref<2048xf32, #tpu.memory_space<vmem>> -> memref<64xf32, #tpu.memory_space<vmem>>
          %dma_start3A_277 = tpu.memref_slice %arg5[%mul3A_275] : memref<2097152xf32, #tpu.memory_space<hbm>> -> memref<64xf32, #tpu.memory_space<hbm>>
          %dma_start3A_278 = tpu.memref_slice %arg5[%mul3A_275] : memref<2097152xf32, #tpu.memory_space<hbm>> -> memref<64xf32, #tpu.memory_space<hbm>>
          %dma_start3A_279 = tpu.memref_slice %arg13[%mul3A_273] : memref<2048xf32, #tpu.memory_space<vmem>> -> memref<64xf32, #tpu.memory_space<vmem>>
          tpu.enqueue_dma source(%dma_start3A_279 : memref<64xf32, #tpu.memory_space<vmem>>) target(%dma_start3A_278 : memref<64xf32, #tpu.memory_space<hbm>>) target_semaphore(%arg18 : memref<!tpu.dma_semaphore, #tpu.memory_space<semaphore_mem>>)
          %add3A_280 = arith.constant 1 : i32
          %add3A_281 = arith.addi %while3A_184, %add3A_280 : i32
          scf.yield %add3A_281 : i32
        }
        %while3A_181 = arith.constant 1 : i32
        %while3A_182 = scf.for %while3A_183 = %while3A_178 to %while3A_174 step %while3A_181 iter_args(%while3A_184 = %while3A_180) -> (i32)  : i32 {
          %shift_right_arithmetic3A = arith.constant 4 : i32
          %shift_right_arithmetic3A_185 = arith.shrsi %while3A_183, %shift_right_arithmetic3A : i32
          %mul3A_186 = arith.constant 16 : i32
          %mul3A_187 = arith.muli %shift_right_arithmetic3A_185, %mul3A_186 : i32
          %multiple_of3A = tpu.assume_multiple %mul3A_187, 16 : i32
          %and3A_188 = arith.constant 15 : i32
          %and3A_189 = arith.andi %while3A_183, %and3A_188 : i32
          %broadcast_in_dim3A = vector.broadcast %and3A_189 : i32 to vector<16xi32>
          %get3A = arith.index_cast %multiple_of3A : i32 to index
          %get3A_190 = tpu.vector_load %arg9[%get3A] {strides = array<i32>} : memref<2064xi32, #tpu.memory_space<vmem>>, vector<16xi32>,
          %lt3A = arith.constant 0 : i32
          %lt3A_191 = vector.broadcast %lt3A : i32 to vector<16xi32>
          %lt3A_192 = arith.cmpi slt, %broadcast_in_dim3A, %lt3A_191 : vector<16xi32>
          %add3A_193 = arith.constant 16 : i32
          %add3A_194 = vector.broadcast %add3A_193 : i32 to vector<16xi32>
          %add3A_195 = arith.addi %broadcast_in_dim3A, %add3A_194 : vector<16xi32>
          %select_n3A_196 = arith.select %lt3A_192, %add3A_195, %broadcast_in_dim3A : vector<16xi1>, vector<16xi32>
          %broadcast_in_dim3A_197 = vector.shape_cast %select_n3A_196 : vector<16xi32> to vector<16x1xi32>
          %gather3A = vector.shape_cast %broadcast_in_dim3A_197 : vector<16x1xi32> to vector<16xi32>
          %gather3A_198 = tpu.dynamic_gather %get3A_190[%gather3A] in [0] : vector<16xi32>, vector<16xi32> -> vector<16xi32>
          %get3A_199 = arith.index_cast %multiple_of3A : i32 to index
          %get3A_200 = tpu.vector_load %arg10[%get3A_199] {strides = array<i32>} : memref<2064xi32, #tpu.memory_space<vmem>>, vector<16xi32>,
          %lt3A_201 = arith.constant 0 : i32
          %lt3A_202 = vector.broadcast %lt3A_201 : i32 to vector<16xi32>
          %lt3A_203 = arith.cmpi slt, %broadcast_in_dim3A, %lt3A_202 : vector<16xi32>
          %add3A_204 = arith.constant 16 : i32
          %add3A_205 = vector.broadcast %add3A_204 : i32 to vector<16xi32>
          %add3A_206 = arith.addi %broadcast_in_dim3A, %add3A_205 : vector<16xi32>
          %select_n3A_207 = arith.select %lt3A_203, %add3A_206, %broadcast_in_dim3A : vector<16xi1>, vector<16xi32>
          %broadcast_in_dim3A_208 = vector.shape_cast %select_n3A_207 : vector<16xi32> to vector<16x1xi32>
          %gather3A_209 = vector.shape_cast %broadcast_in_dim3A_208 : vector<16x1xi32> to vector<16xi32>
          %gather3A_210 = tpu.dynamic_gather %get3A_200[%gather3A_209] in [0] : vector<16xi32>, vector<16xi32> -> vector<16xi32>
          %slice3A = vector.extract_strided_slice %gather3A_210 {offsets = [0], sizes = [1], strides = [1]} : vector<16xi32> to vector<1xi32>
          %squeeze3A = vector.extract %slice3A[0] : i32 from vector<1xi32>
          %rem3A_211 = arith.constant 32 : i32
          %rem3A_212 = arith.remsi %while3A_184, %rem3A_211 : i32
          %ge3A = arith.constant 32 : i32
          %ge3A_213 = arith.cmpi sge, %while3A_184, %ge3A : i32
          %convert_element_type3A_214 = arith.extui %ge3A_213 : i1 to i32
          %cond3A_215 = arith.constant 0 : i32
          %cond3A_216 = arith.cmpi ne, %convert_element_type3A_214, %cond3A_215 : i32
          scf.if %cond3A_216 {
            %dma_wait3A = arith.constant 0 : i32
            %dma_wait3A_282 = tpu.memref_slice %arg13[%dma_wait3A] : memref<2048xf32, #tpu.memory_space<vmem>> -> memref<64xf32, #tpu.memory_space<vmem>>
            %dma_wait3A_283 = arith.constant 0 : i32
            %dma_wait3A_284 = tpu.memref_slice %arg5[%dma_wait3A_283] : memref<2097152xf32, #tpu.memory_space<hbm>> -> memref<64xf32, #tpu.memory_space<hbm>>
            %dma_wait3A_285 = arith.constant 0 : i32
            %dma_wait3A_286 = tpu.memref_slice %arg13[%dma_wait3A_285] : memref<2048xf32, #tpu.memory_space<vmem>> -> memref<64xf32, #tpu.memory_space<vmem>>
            %dma_wait3A_287 = arith.constant 0 : i32
            %dma_wait3A_288 = tpu.memref_slice %arg5[%dma_wait3A_287] : memref<2097152xf32, #tpu.memory_space<hbm>> -> memref<64xf32, #tpu.memory_space<hbm>>
            tpu.wait_dma2 semaphore(%arg18 : memref<!tpu.dma_semaphore, #tpu.memory_space<semaphore_mem>>) src(%dma_wait3A_288 : memref<64xf32, #tpu.memory_space<hbm>>) dst(%dma_wait3A_286 : memref<64xf32, #tpu.memory_space<vmem>>)
          } else {
          }
          %sub3A_217 = arith.constant 999936 : i32
          %sub3A_218 = vector.broadcast %sub3A_217 : i32 to vector<16xi32>
          %sub3A_219 = arith.subi %gather3A_198, %sub3A_218 : vector<16xi32>
          %add3A_220 = arith.constant 0 : i32
          %add3A_221 = vector.broadcast %add3A_220 : i32 to vector<16xi32>
          %add3A_222 = arith.addi %iota3A, %add3A_221 : vector<16xi32>
          %gather3A_223 = tpu.vector_load_idx %arg12[%sub3A_219, %add3A_222] : memref<64x64xf32, #tpu.memory_space<vmem>>[vector<16xi32>, vector<16xi32>], vector<16xf32>,
          %mul3A_224 = arith.constant 64 : i32
          %mul3A_225 = arith.muli %rem3A_212, %mul3A_224 : i32
          %add3A_226 = arith.constant 0 : i32
          %add3A_227 = arith.addi %mul3A_225, %add3A_226 : i32
          %multiple_of3A_228 = tpu.assume_multiple %add3A_227, 16 : i32
          %swap3A = arith.index_cast %multiple_of3A_228 : i32 to index
          %swap3A_229 = tpu.vector_load %arg13[%swap3A] {strides = array<i32>} : memref<2048xf32, #tpu.memory_space<vmem>>, vector<16xf32>,
          tpu.vector_store %arg13[%swap3A], %gather3A_223 {strides = array<i32>} : memref<2048xf32, #tpu.memory_space<vmem>>, vector<16xf32>,
          %sub3A_230 = arith.constant 999936 : i32
          %sub3A_231 = vector.broadcast %sub3A_230 : i32 to vector<16xi32>
          %sub3A_232 = arith.subi %gather3A_198, %sub3A_231 : vector<16xi32>
          %add3A_233 = arith.constant 16 : i32
          %add3A_234 = vector.broadcast %add3A_233 : i32 to vector<16xi32>
          %add3A_235 = arith.addi %iota3A, %add3A_234 : vector<16xi32>
          %gather3A_236 = tpu.vector_load_idx %arg12[%sub3A_232, %add3A_235] : memref<64x64xf32, #tpu.memory_space<vmem>>[vector<16xi32>, vector<16xi32>], vector<16xf32>,
          %mul3A_237 = arith.constant 64 : i32
          %mul3A_238 = arith.muli %rem3A_212, %mul3A_237 : i32
          %add3A_239 = arith.constant 16 : i32
          %add3A_240 = arith.addi %mul3A_238, %add3A_239 : i32
          %multiple_of3A_241 = tpu.assume_multiple %add3A_240, 16 : i32
          %swap3A_242 = arith.index_cast %multiple_of3A_241 : i32 to index
          %swap3A_243 = tpu.vector_load %arg13[%swap3A_242] {strides = array<i32>} : memref<2048xf32, #tpu.memory_space<vmem>>, vector<16xf32>,
          tpu.vector_store %arg13[%swap3A_242], %gather3A_236 {strides = array<i32>} : memref<2048xf32, #tpu.memory_space<vmem>>, vector<16xf32>,
          %sub3A_244 = arith.constant 999936 : i32
          %sub3A_245 = vector.broadcast %sub3A_244 : i32 to vector<16xi32>
          %sub3A_246 = arith.subi %gather3A_198, %sub3A_245 : vector<16xi32>
          %add3A_247 = arith.constant 32 : i32
          %add3A_248 = vector.broadcast %add3A_247 : i32 to vector<16xi32>
          %add3A_249 = arith.addi %iota3A, %add3A_248 : vector<16xi32>
          %gather3A_250 = tpu.vector_load_idx %arg12[%sub3A_246, %add3A_249] : memref<64x64xf32, #tpu.memory_space<vmem>>[vector<16xi32>, vector<16xi32>], vector<16xf32>,
          %mul3A_251 = arith.constant 64 : i32
          %mul3A_252 = arith.muli %rem3A_212, %mul3A_251 : i32
          %add3A_253 = arith.constant 32 : i32
          %add3A_254 = arith.addi %mul3A_252, %add3A_253 : i32
          %multiple_of3A_255 = tpu.assume_multiple %add3A_254, 16 : i32
          %swap3A_256 = arith.index_cast %multiple_of3A_255 : i32 to index
          %swap3A_257 = tpu.vector_load %arg13[%swap3A_256] {strides = array<i32>} : memref<2048xf32, #tpu.memory_space<vmem>>, vector<16xf32>,
          tpu.vector_store %arg13[%swap3A_256], %gather3A_250 {strides = array<i32>} : memref<2048xf32, #tpu.memory_space<vmem>>, vector<16xf32>,
          %sub3A_258 = arith.constant 999936 : i32
          %sub3A_259 = vector.broadcast %sub3A_258 : i32 to vector<16xi32>
          %sub3A_260 = arith.subi %gather3A_198, %sub3A_259 : vector<16xi32>
          %add3A_261 = arith.constant 48 : i32
          %add3A_262 = vector.broadcast %add3A_261 : i32 to vector<16xi32>
          %add3A_263 = arith.addi %iota3A, %add3A_262 : vector<16xi32>
          %gather3A_264 = tpu.vector_load_idx %arg12[%sub3A_260, %add3A_263] : memref<64x64xf32, #tpu.memory_space<vmem>>[vector<16xi32>, vector<16xi32>], vector<16xf32>,
          %mul3A_265 = arith.constant 64 : i32
          %mul3A_266 = arith.muli %rem3A_212, %mul3A_265 : i32
          %add3A_267 = arith.constant 48 : i32
          %add3A_268 = arith.addi %mul3A_266, %add3A_267 : i32
          %multiple_of3A_269 = tpu.assume_multiple %add3A_268, 16 : i32
          %swap3A_270 = arith.index_cast %multiple_of3A_269 : i32 to index
          %swap3A_271 = tpu.vector_load %arg13[%swap3A_270] {strides = array<i32>} : memref<2048xf32, #tpu.memory_space<vmem>>, vector<16xf32>,
          tpu.vector_store %arg13[%swap3A_270], %gather3A_264 {strides = array<i32>} : memref<2048xf32, #tpu.memory_space<vmem>>, vector<16xf32>,
          %mul3A_272 = arith.constant 64 : i32
          %mul3A_273 = arith.muli %rem3A_212, %mul3A_272 : i32
          %mul3A_274 = arith.constant 128 : i32
          %mul3A_275 = arith.muli %squeeze3A, %mul3A_274 : i32
          %dma_start3A_276 = tpu.memref_slice %arg13[%mul3A_273] : memref<2048xf32, #tpu.memory_space<vmem>> -> memref<64xf32, #tpu.memory_space<vmem>>
          %dma_start3A_277 = tpu.memref_slice %arg5[%mul3A_275] : memref<2097152xf32, #tpu.memory_space<hbm>> -> memref<64xf32, #tpu.memory_space<hbm>>
          %dma_start3A_278 = tpu.memref_slice %arg5[%mul3A_275] : memref<2097152xf32, #tpu.memory_space<hbm>> -> memref<64xf32, #tpu.memory_space<hbm>>
          %dma_start3A_279 = tpu.memref_slice %arg13[%mul3A_273] : memref<2048xf32, #tpu.memory_space<vmem>> -> memref<64xf32, #tpu.memory_space<vmem>>
          tpu.enqueue_dma source(%dma_start3A_279 : memref<64xf32, #tpu.memory_space<vmem>>) target(%dma_start3A_278 : memref<64xf32, #tpu.memory_space<hbm>>) target_semaphore(%arg18 : memref<!tpu.dma_semaphore, #tpu.memory_space<semaphore_mem>>)
          %add3A_280 = arith.constant 1 : i32
          %add3A_281 = arith.addi %while3A_184, %add3A_280 : i32
          scf.yield %add3A_281 : i32
        }
        scf.yield %while3A_182 : i32
      }
      %while3A_123 = arith.constant 1 : i32
      %while3A_124 = scf.for %while3A_125 = %while3A_120 to %while3A_116 step %while3A_123 iter_args(%while3A_126 = %while3A_122) -> (i32)  : i32 {
        %mul3A_127 = arith.constant 2048 : i32
        %mul3A_128 = arith.muli %while3A_125, %mul3A_127 : i32
        %sub3A_129 = arith.subi %scan3A_70, %mul3A_128 : i32
        %min3A_130 = arith.constant 2048 : i32
        %min3A_131 = arith.minsi %sub3A_129, %min3A_130 : i32
        %add3A_132 = arith.constant 16 : i32
        %add3A_133 = arith.addi %min3A_131, %add3A_132 : i32
        %sub3A_134 = arith.constant 1 : i32
        %sub3A_135 = arith.subi %add3A_133, %sub3A_134 : i32
        %jit3A_136 = arith.constant 16 : i32
        %div3A_137 = arith.divsi %sub3A_135, %jit3A_136 : i32
        %sign3A_138 = arith.constant 0 : i32
        %sign3A_139 = arith.cmpi sgt, %sub3A_135, %sign3A_138 : i32
        %sign3A_140 = arith.extui %sign3A_139 : i1 to i32
        %sign3A_141 = arith.constant 0 : i32
        %sign3A_142 = arith.cmpi slt, %sub3A_135, %sign3A_141 : i32
        %sign3A_143 = arith.extui %sign3A_142 : i1 to i32
        %sign3A_144 = arith.subi %sign3A_140, %sign3A_143 : i32
        %sign3A_145 = arith.constant 0 : i32
        %sign3A_146 = arith.cmpi sgt, %jit3A_136, %sign3A_145 : i32
        %sign3A_147 = arith.extui %sign3A_146 : i1 to i32
        %sign3A_148 = arith.constant 0 : i32
        %sign3A_149 = arith.cmpi slt, %jit3A_136, %sign3A_148 : i32
        %sign3A_150 = arith.extui %sign3A_149 : i1 to i32
        %sign3A_151 = arith.subi %sign3A_147, %sign3A_150 : i32
        %ne3A_152 = arith.cmpi ne, %sign3A_144, %sign3A_151 : i32
        %rem3A_153 = arith.remsi %sub3A_135, %jit3A_136 : i32
        %ne3A_154 = arith.constant 0 : i32
        %ne3A_155 = arith.cmpi ne, %rem3A_153, %ne3A_154 : i32
        %and3A_156 = arith.andi %ne3A_152, %ne3A_155 : i1
        %sub3A_157 = arith.constant 1 : i32
        %sub3A_158 = arith.subi %div3A_137, %sub3A_157 : i32
        %select_n3A_159 = arith.select %and3A_156, %sub3A_158, %div3A_137 : i32
        %while3A_160 = arith.constant 0 : i32
        %while3A_161 = arith.constant 0 : i32
        %while3A_162 = arith.subi %select_n3A_159, %while3A_160 : i32
        %while3A_163 = arith.addi %while3A_160, %while3A_162 : i32
        %while3A_164 = arith.constant 1 : i32
        %while3A_165 = arith.divsi %while3A_162, %while3A_164 : i32
        %while3A_166 = arith.muli %while3A_165, %while3A_164 : i32
        %while3A_167 = arith.addi %while3A_160, %while3A_166 : i32
        %while3A_168 = arith.constant 1 : i32
        %while3A_169 = scf.for %while3A_183 = %while3A_160 to %while3A_167 step %while3A_168 iter_args(%while3A_184 = %while3A_161) -> (i32)  : i32 {
          %mul3A_185 = arith.constant 16 : i32
          %mul3A_186 = arith.muli %while3A_183, %mul3A_185 : i32
          %add3A_187 = arith.addi %mul3A_128, %mul3A_186 : i32
          %multiple_of3A = tpu.assume_multiple %add3A_187, 16 : i32
          %add3A_188 = vector.broadcast %multiple_of3A : i32 to vector<16xi32>
          %add3A_189 = arith.addi %add3A_188, %iota3A : vector<16xi32>
          %get3A = arith.index_cast %multiple_of3A : i32 to index
          %get3A_190 = tpu.vector_load %arg7[%get3A] {strides = array<i32>} : memref<16416xi32, #tpu.memory_space<vmem>>, vector<16xi32>,
          %get3A_191 = arith.index_cast %multiple_of3A : i32 to index
          %get3A_192 = tpu.vector_load %arg8[%get3A_191] {strides = array<i32>} : memref<16416xi32, #tpu.memory_space<vmem>>, vector<16xi32>,
          %ge3A = arith.constant 999936 : i32
          %ge3A_193 = vector.broadcast %ge3A : i32 to vector<16xi32>
          %ge3A_194 = arith.cmpi sge, %get3A_190, %ge3A_193 : vector<16xi32>
          %lt3A = arith.constant 1000000 : i32
          %lt3A_195 = vector.broadcast %lt3A : i32 to vector<16xi32>
          %lt3A_196 = arith.cmpi slt, %get3A_190, %lt3A_195 : vector<16xi32>
          %and3A_197 = arith.andi %ge3A_194, %lt3A_196 : vector<16xi1>
          %lt3A_198 = vector.broadcast %scan3A_70 : i32 to vector<16xi32>
          %lt3A_199 = arith.cmpi slt, %add3A_189, %lt3A_198 : vector<16xi32>
          %and3A_200 = arith.andi %and3A_197, %lt3A_199 : vector<16xi1>
          %swap3A = arith.index_cast %while3A_184 : i32 to index
          %swap3A_201 = tpu.vector_load %arg9[%swap3A] masked %and3A_200 {strides = array<i32>} : memref<2064xi32, #tpu.memory_space<vmem>>, vector<16xi32>, vector<16xi1>
          tpu.vector_store %arg9[%swap3A], %get3A_190 masked %and3A_200 {strides = array<i32>} : memref<2064xi32, #tpu.memory_space<vmem>>, vector<16xi32>, vector<16xi1>
          %swap3A_202 = arith.index_cast %while3A_184 : i32 to index
          %swap3A_203 = tpu.vector_load %arg10[%swap3A_202] masked %and3A_200 {strides = array<i32>} : memref<2064xi32, #tpu.memory_space<vmem>>, vector<16xi32>, vector<16xi1>
          tpu.vector_store %arg10[%swap3A_202], %get3A_192 masked %and3A_200 {strides = array<i32>} : memref<2064xi32, #tpu.memory_space<vmem>>, vector<16xi32>, vector<16xi1>
          %all_reduce_population_count3A = tpu.all_reduce %and3A_200 {dim = 0 : i64, kind = #tpu.reduction_kind<sum>} : vector<16xi1> -> vector<16xi32>
          %slice3A = vector.extract_strided_slice %all_reduce_population_count3A {offsets = [0], sizes = [1], strides = [1]} : vector<16xi32> to vector<1xi32>
          %squeeze3A = vector.extract %slice3A[0] : i32 from vector<1xi32>
          %add3A_204 = arith.addi %while3A_184, %squeeze3A : i32
          scf.yield %add3A_204 : i32
        }
        %while3A_170 = arith.constant 1 : i32
        %while3A_171 = scf.for %while3A_183 = %while3A_167 to %while3A_163 step %while3A_170 iter_args(%while3A_184 = %while3A_169) -> (i32)  : i32 {
          %mul3A_185 = arith.constant 16 : i32
          %mul3A_186 = arith.muli %while3A_183, %mul3A_185 : i32
          %add3A_187 = arith.addi %mul3A_128, %mul3A_186 : i32
          %multiple_of3A = tpu.assume_multiple %add3A_187, 16 : i32
          %add3A_188 = vector.broadcast %multiple_of3A : i32 to vector<16xi32>
          %add3A_189 = arith.addi %add3A_188, %iota3A : vector<16xi32>
          %get3A = arith.index_cast %multiple_of3A : i32 to index
          %get3A_190 = tpu.vector_load %arg7[%get3A] {strides = array<i32>} : memref<16416xi32, #tpu.memory_space<vmem>>, vector<16xi32>,
          %get3A_191 = arith.index_cast %multiple_of3A : i32 to index
          %get3A_192 = tpu.vector_load %arg8[%get3A_191] {strides = array<i32>} : memref<16416xi32, #tpu.memory_space<vmem>>, vector<16xi32>,
          %ge3A = arith.constant 999936 : i32
          %ge3A_193 = vector.broadcast %ge3A : i32 to vector<16xi32>
          %ge3A_194 = arith.cmpi sge, %get3A_190, %ge3A_193 : vector<16xi32>
          %lt3A = arith.constant 1000000 : i32
          %lt3A_195 = vector.broadcast %lt3A : i32 to vector<16xi32>
          %lt3A_196 = arith.cmpi slt, %get3A_190, %lt3A_195 : vector<16xi32>
          %and3A_197 = arith.andi %ge3A_194, %lt3A_196 : vector<16xi1>
          %lt3A_198 = vector.broadcast %scan3A_70 : i32 to vector<16xi32>
          %lt3A_199 = arith.cmpi slt, %add3A_189, %lt3A_198 : vector<16xi32>
          %and3A_200 = arith.andi %and3A_197, %lt3A_199 : vector<16xi1>
          %swap3A = arith.index_cast %while3A_184 : i32 to index
          %swap3A_201 = tpu.vector_load %arg9[%swap3A] masked %and3A_200 {strides = array<i32>} : memref<2064xi32, #tpu.memory_space<vmem>>, vector<16xi32>, vector<16xi1>
          tpu.vector_store %arg9[%swap3A], %get3A_190 masked %and3A_200 {strides = array<i32>} : memref<2064xi32, #tpu.memory_space<vmem>>, vector<16xi32>, vector<16xi1>
          %swap3A_202 = arith.index_cast %while3A_184 : i32 to index
          %swap3A_203 = tpu.vector_load %arg10[%swap3A_202] masked %and3A_200 {strides = array<i32>} : memref<2064xi32, #tpu.memory_space<vmem>>, vector<16xi32>, vector<16xi1>
          tpu.vector_store %arg10[%swap3A_202], %get3A_192 masked %and3A_200 {strides = array<i32>} : memref<2064xi32, #tpu.memory_space<vmem>>, vector<16xi32>, vector<16xi1>
          %all_reduce_population_count3A = tpu.all_reduce %and3A_200 {dim = 0 : i64, kind = #tpu.reduction_kind<sum>} : vector<16xi1> -> vector<16xi32>
          %slice3A = vector.extract_strided_slice %all_reduce_population_count3A {offsets = [0], sizes = [1], strides = [1]} : vector<16xi32> to vector<1xi32>
          %squeeze3A = vector.extract %slice3A[0] : i32 from vector<1xi32>
          %add3A_204 = arith.addi %while3A_184, %squeeze3A : i32
          scf.yield %add3A_204 : i32
        }
        %while3A_172 = arith.constant 0 : i32
        %while3A_173 = arith.subi %while3A_171, %while3A_172 : i32
        %while3A_174 = arith.addi %while3A_172, %while3A_173 : i32
        %while3A_175 = arith.constant 1 : i32
        %while3A_176 = arith.divsi %while3A_173, %while3A_175 : i32
        %while3A_177 = arith.muli %while3A_176, %while3A_175 : i32
        %while3A_178 = arith.addi %while3A_172, %while3A_177 : i32
        %while3A_179 = arith.constant 1 : i32
        %while3A_180 = scf.for %while3A_183 = %while3A_172 to %while3A_178 step %while3A_179 iter_args(%while3A_184 = %while3A_126) -> (i32)  : i32 {
          %shift_right_arithmetic3A = arith.constant 4 : i32
          %shift_right_arithmetic3A_185 = arith.shrsi %while3A_183, %shift_right_arithmetic3A : i32
          %mul3A_186 = arith.constant 16 : i32
          %mul3A_187 = arith.muli %shift_right_arithmetic3A_185, %mul3A_186 : i32
          %multiple_of3A = tpu.assume_multiple %mul3A_187, 16 : i32
          %and3A_188 = arith.constant 15 : i32
          %and3A_189 = arith.andi %while3A_183, %and3A_188 : i32
          %broadcast_in_dim3A = vector.broadcast %and3A_189 : i32 to vector<16xi32>
          %get3A = arith.index_cast %multiple_of3A : i32 to index
          %get3A_190 = tpu.vector_load %arg9[%get3A] {strides = array<i32>} : memref<2064xi32, #tpu.memory_space<vmem>>, vector<16xi32>,
          %lt3A = arith.constant 0 : i32
          %lt3A_191 = vector.broadcast %lt3A : i32 to vector<16xi32>
          %lt3A_192 = arith.cmpi slt, %broadcast_in_dim3A, %lt3A_191 : vector<16xi32>
          %add3A_193 = arith.constant 16 : i32
          %add3A_194 = vector.broadcast %add3A_193 : i32 to vector<16xi32>
          %add3A_195 = arith.addi %broadcast_in_dim3A, %add3A_194 : vector<16xi32>
          %select_n3A_196 = arith.select %lt3A_192, %add3A_195, %broadcast_in_dim3A : vector<16xi1>, vector<16xi32>
          %broadcast_in_dim3A_197 = vector.shape_cast %select_n3A_196 : vector<16xi32> to vector<16x1xi32>
          %gather3A = vector.shape_cast %broadcast_in_dim3A_197 : vector<16x1xi32> to vector<16xi32>
          %gather3A_198 = tpu.dynamic_gather %get3A_190[%gather3A] in [0] : vector<16xi32>, vector<16xi32> -> vector<16xi32>
          %get3A_199 = arith.index_cast %multiple_of3A : i32 to index
          %get3A_200 = tpu.vector_load %arg10[%get3A_199] {strides = array<i32>} : memref<2064xi32, #tpu.memory_space<vmem>>, vector<16xi32>,
          %lt3A_201 = arith.constant 0 : i32
          %lt3A_202 = vector.broadcast %lt3A_201 : i32 to vector<16xi32>
          %lt3A_203 = arith.cmpi slt, %broadcast_in_dim3A, %lt3A_202 : vector<16xi32>
          %add3A_204 = arith.constant 16 : i32
          %add3A_205 = vector.broadcast %add3A_204 : i32 to vector<16xi32>
          %add3A_206 = arith.addi %broadcast_in_dim3A, %add3A_205 : vector<16xi32>
          %select_n3A_207 = arith.select %lt3A_203, %add3A_206, %broadcast_in_dim3A : vector<16xi1>, vector<16xi32>
          %broadcast_in_dim3A_208 = vector.shape_cast %select_n3A_207 : vector<16xi32> to vector<16x1xi32>
          %gather3A_209 = vector.shape_cast %broadcast_in_dim3A_208 : vector<16x1xi32> to vector<16xi32>
          %gather3A_210 = tpu.dynamic_gather %get3A_200[%gather3A_209] in [0] : vector<16xi32>, vector<16xi32> -> vector<16xi32>
          %slice3A = vector.extract_strided_slice %gather3A_210 {offsets = [0], sizes = [1], strides = [1]} : vector<16xi32> to vector<1xi32>
          %squeeze3A = vector.extract %slice3A[0] : i32 from vector<1xi32>
          %rem3A_211 = arith.constant 32 : i32
          %rem3A_212 = arith.remsi %while3A_184, %rem3A_211 : i32
          %ge3A = arith.constant 32 : i32
          %ge3A_213 = arith.cmpi sge, %while3A_184, %ge3A : i32
          %convert_element_type3A_214 = arith.extui %ge3A_213 : i1 to i32
          %cond3A_215 = arith.constant 0 : i32
          %cond3A_216 = arith.cmpi ne, %convert_element_type3A_214, %cond3A_215 : i32
          scf.if %cond3A_216 {
            %dma_wait3A = arith.constant 0 : i32
            %dma_wait3A_282 = tpu.memref_slice %arg13[%dma_wait3A] : memref<2048xf32, #tpu.memory_space<vmem>> -> memref<64xf32, #tpu.memory_space<vmem>>
            %dma_wait3A_283 = arith.constant 0 : i32
            %dma_wait3A_284 = tpu.memref_slice %arg5[%dma_wait3A_283] : memref<2097152xf32, #tpu.memory_space<hbm>> -> memref<64xf32, #tpu.memory_space<hbm>>
            %dma_wait3A_285 = arith.constant 0 : i32
            %dma_wait3A_286 = tpu.memref_slice %arg13[%dma_wait3A_285] : memref<2048xf32, #tpu.memory_space<vmem>> -> memref<64xf32, #tpu.memory_space<vmem>>
            %dma_wait3A_287 = arith.constant 0 : i32
            %dma_wait3A_288 = tpu.memref_slice %arg5[%dma_wait3A_287] : memref<2097152xf32, #tpu.memory_space<hbm>> -> memref<64xf32, #tpu.memory_space<hbm>>
            tpu.wait_dma2 semaphore(%arg18 : memref<!tpu.dma_semaphore, #tpu.memory_space<semaphore_mem>>) src(%dma_wait3A_288 : memref<64xf32, #tpu.memory_space<hbm>>) dst(%dma_wait3A_286 : memref<64xf32, #tpu.memory_space<vmem>>)
          } else {
          }
          %sub3A_217 = arith.constant 999936 : i32
          %sub3A_218 = vector.broadcast %sub3A_217 : i32 to vector<16xi32>
          %sub3A_219 = arith.subi %gather3A_198, %sub3A_218 : vector<16xi32>
          %add3A_220 = arith.constant 0 : i32
          %add3A_221 = vector.broadcast %add3A_220 : i32 to vector<16xi32>
          %add3A_222 = arith.addi %iota3A, %add3A_221 : vector<16xi32>
          %gather3A_223 = tpu.vector_load_idx %arg12[%sub3A_219, %add3A_222] : memref<64x64xf32, #tpu.memory_space<vmem>>[vector<16xi32>, vector<16xi32>], vector<16xf32>,
          %mul3A_224 = arith.constant 64 : i32
          %mul3A_225 = arith.muli %rem3A_212, %mul3A_224 : i32
          %add3A_226 = arith.constant 0 : i32
          %add3A_227 = arith.addi %mul3A_225, %add3A_226 : i32
          %multiple_of3A_228 = tpu.assume_multiple %add3A_227, 16 : i32
          %swap3A = arith.index_cast %multiple_of3A_228 : i32 to index
          %swap3A_229 = tpu.vector_load %arg13[%swap3A] {strides = array<i32>} : memref<2048xf32, #tpu.memory_space<vmem>>, vector<16xf32>,
          tpu.vector_store %arg13[%swap3A], %gather3A_223 {strides = array<i32>} : memref<2048xf32, #tpu.memory_space<vmem>>, vector<16xf32>,
          %sub3A_230 = arith.constant 999936 : i32
          %sub3A_231 = vector.broadcast %sub3A_230 : i32 to vector<16xi32>
          %sub3A_232 = arith.subi %gather3A_198, %sub3A_231 : vector<16xi32>
          %add3A_233 = arith.constant 16 : i32
          %add3A_234 = vector.broadcast %add3A_233 : i32 to vector<16xi32>
          %add3A_235 = arith.addi %iota3A, %add3A_234 : vector<16xi32>
          %gather3A_236 = tpu.vector_load_idx %arg12[%sub3A_232, %add3A_235] : memref<64x64xf32, #tpu.memory_space<vmem>>[vector<16xi32>, vector<16xi32>], vector<16xf32>,
          %mul3A_237 = arith.constant 64 : i32
          %mul3A_238 = arith.muli %rem3A_212, %mul3A_237 : i32
          %add3A_239 = arith.constant 16 : i32
          %add3A_240 = arith.addi %mul3A_238, %add3A_239 : i32
          %multiple_of3A_241 = tpu.assume_multiple %add3A_240, 16 : i32
          %swap3A_242 = arith.index_cast %multiple_of3A_241 : i32 to index
          %swap3A_243 = tpu.vector_load %arg13[%swap3A_242] {strides = array<i32>} : memref<2048xf32, #tpu.memory_space<vmem>>, vector<16xf32>,
          tpu.vector_store %arg13[%swap3A_242], %gather3A_236 {strides = array<i32>} : memref<2048xf32, #tpu.memory_space<vmem>>, vector<16xf32>,
          %sub3A_244 = arith.constant 999936 : i32
          %sub3A_245 = vector.broadcast %sub3A_244 : i32 to vector<16xi32>
          %sub3A_246 = arith.subi %gather3A_198, %sub3A_245 : vector<16xi32>
          %add3A_247 = arith.constant 32 : i32
          %add3A_248 = vector.broadcast %add3A_247 : i32 to vector<16xi32>
          %add3A_249 = arith.addi %iota3A, %add3A_248 : vector<16xi32>
          %gather3A_250 = tpu.vector_load_idx %arg12[%sub3A_246, %add3A_249] : memref<64x64xf32, #tpu.memory_space<vmem>>[vector<16xi32>, vector<16xi32>], vector<16xf32>,
          %mul3A_251 = arith.constant 64 : i32
          %mul3A_252 = arith.muli %rem3A_212, %mul3A_251 : i32
          %add3A_253 = arith.constant 32 : i32
          %add3A_254 = arith.addi %mul3A_252, %add3A_253 : i32
          %multiple_of3A_255 = tpu.assume_multiple %add3A_254, 16 : i32
          %swap3A_256 = arith.index_cast %multiple_of3A_255 : i32 to index
          %swap3A_257 = tpu.vector_load %arg13[%swap3A_256] {strides = array<i32>} : memref<2048xf32, #tpu.memory_space<vmem>>, vector<16xf32>,
          tpu.vector_store %arg13[%swap3A_256], %gather3A_250 {strides = array<i32>} : memref<2048xf32, #tpu.memory_space<vmem>>, vector<16xf32>,
          %sub3A_258 = arith.constant 999936 : i32
          %sub3A_259 = vector.broadcast %sub3A_258 : i32 to vector<16xi32>
          %sub3A_260 = arith.subi %gather3A_198, %sub3A_259 : vector<16xi32>
          %add3A_261 = arith.constant 48 : i32
          %add3A_262 = vector.broadcast %add3A_261 : i32 to vector<16xi32>
          %add3A_263 = arith.addi %iota3A, %add3A_262 : vector<16xi32>
          %gather3A_264 = tpu.vector_load_idx %arg12[%sub3A_260, %add3A_263] : memref<64x64xf32, #tpu.memory_space<vmem>>[vector<16xi32>, vector<16xi32>], vector<16xf32>,
          %mul3A_265 = arith.constant 64 : i32
          %mul3A_266 = arith.muli %rem3A_212, %mul3A_265 : i32
          %add3A_267 = arith.constant 48 : i32
          %add3A_268 = arith.addi %mul3A_266, %add3A_267 : i32
          %multiple_of3A_269 = tpu.assume_multiple %add3A_268, 16 : i32
          %swap3A_270 = arith.index_cast %multiple_of3A_269 : i32 to index
          %swap3A_271 = tpu.vector_load %arg13[%swap3A_270] {strides = array<i32>} : memref<2048xf32, #tpu.memory_space<vmem>>, vector<16xf32>,
          tpu.vector_store %arg13[%swap3A_270], %gather3A_264 {strides = array<i32>} : memref<2048xf32, #tpu.memory_space<vmem>>, vector<16xf32>,
          %mul3A_272 = arith.constant 64 : i32
          %mul3A_273 = arith.muli %rem3A_212, %mul3A_272 : i32
          %mul3A_274 = arith.constant 128 : i32
          %mul3A_275 = arith.muli %squeeze3A, %mul3A_274 : i32
          %dma_start3A_276 = tpu.memref_slice %arg13[%mul3A_273] : memref<2048xf32, #tpu.memory_space<vmem>> -> memref<64xf32, #tpu.memory_space<vmem>>
          %dma_start3A_277 = tpu.memref_slice %arg5[%mul3A_275] : memref<2097152xf32, #tpu.memory_space<hbm>> -> memref<64xf32, #tpu.memory_space<hbm>>
          %dma_start3A_278 = tpu.memref_slice %arg5[%mul3A_275] : memref<2097152xf32, #tpu.memory_space<hbm>> -> memref<64xf32, #tpu.memory_space<hbm>>
          %dma_start3A_279 = tpu.memref_slice %arg13[%mul3A_273] : memref<2048xf32, #tpu.memory_space<vmem>> -> memref<64xf32, #tpu.memory_space<vmem>>
          tpu.enqueue_dma source(%dma_start3A_279 : memref<64xf32, #tpu.memory_space<vmem>>) target(%dma_start3A_278 : memref<64xf32, #tpu.memory_space<hbm>>) target_semaphore(%arg18 : memref<!tpu.dma_semaphore, #tpu.memory_space<semaphore_mem>>)
          %add3A_280 = arith.constant 1 : i32
          %add3A_281 = arith.addi %while3A_184, %add3A_280 : i32
          scf.yield %add3A_281 : i32
        }
        %while3A_181 = arith.constant 1 : i32
        %while3A_182 = scf.for %while3A_183 = %while3A_178 to %while3A_174 step %while3A_181 iter_args(%while3A_184 = %while3A_180) -> (i32)  : i32 {
          %shift_right_arithmetic3A = arith.constant 4 : i32
          %shift_right_arithmetic3A_185 = arith.shrsi %while3A_183, %shift_right_arithmetic3A : i32
          %mul3A_186 = arith.constant 16 : i32
          %mul3A_187 = arith.muli %shift_right_arithmetic3A_185, %mul3A_186 : i32
          %multiple_of3A = tpu.assume_multiple %mul3A_187, 16 : i32
          %and3A_188 = arith.constant 15 : i32
          %and3A_189 = arith.andi %while3A_183, %and3A_188 : i32
          %broadcast_in_dim3A = vector.broadcast %and3A_189 : i32 to vector<16xi32>
          %get3A = arith.index_cast %multiple_of3A : i32 to index
          %get3A_190 = tpu.vector_load %arg9[%get3A] {strides = array<i32>} : memref<2064xi32, #tpu.memory_space<vmem>>, vector<16xi32>,
          %lt3A = arith.constant 0 : i32
          %lt3A_191 = vector.broadcast %lt3A : i32 to vector<16xi32>
          %lt3A_192 = arith.cmpi slt, %broadcast_in_dim3A, %lt3A_191 : vector<16xi32>
          %add3A_193 = arith.constant 16 : i32
          %add3A_194 = vector.broadcast %add3A_193 : i32 to vector<16xi32>
          %add3A_195 = arith.addi %broadcast_in_dim3A, %add3A_194 : vector<16xi32>
          %select_n3A_196 = arith.select %lt3A_192, %add3A_195, %broadcast_in_dim3A : vector<16xi1>, vector<16xi32>
          %broadcast_in_dim3A_197 = vector.shape_cast %select_n3A_196 : vector<16xi32> to vector<16x1xi32>
          %gather3A = vector.shape_cast %broadcast_in_dim3A_197 : vector<16x1xi32> to vector<16xi32>
          %gather3A_198 = tpu.dynamic_gather %get3A_190[%gather3A] in [0] : vector<16xi32>, vector<16xi32> -> vector<16xi32>
          %get3A_199 = arith.index_cast %multiple_of3A : i32 to index
          %get3A_200 = tpu.vector_load %arg10[%get3A_199] {strides = array<i32>} : memref<2064xi32, #tpu.memory_space<vmem>>, vector<16xi32>,
          %lt3A_201 = arith.constant 0 : i32
          %lt3A_202 = vector.broadcast %lt3A_201 : i32 to vector<16xi32>
          %lt3A_203 = arith.cmpi slt, %broadcast_in_dim3A, %lt3A_202 : vector<16xi32>
          %add3A_204 = arith.constant 16 : i32
          %add3A_205 = vector.broadcast %add3A_204 : i32 to vector<16xi32>
          %add3A_206 = arith.addi %broadcast_in_dim3A, %add3A_205 : vector<16xi32>
          %select_n3A_207 = arith.select %lt3A_203, %add3A_206, %broadcast_in_dim3A : vector<16xi1>, vector<16xi32>
          %broadcast_in_dim3A_208 = vector.shape_cast %select_n3A_207 : vector<16xi32> to vector<16x1xi32>
          %gather3A_209 = vector.shape_cast %broadcast_in_dim3A_208 : vector<16x1xi32> to vector<16xi32>
          %gather3A_210 = tpu.dynamic_gather %get3A_200[%gather3A_209] in [0] : vector<16xi32>, vector<16xi32> -> vector<16xi32>
          %slice3A = vector.extract_strided_slice %gather3A_210 {offsets = [0], sizes = [1], strides = [1]} : vector<16xi32> to vector<1xi32>
          %squeeze3A = vector.extract %slice3A[0] : i32 from vector<1xi32>
          %rem3A_211 = arith.constant 32 : i32
          %rem3A_212 = arith.remsi %while3A_184, %rem3A_211 : i32
          %ge3A = arith.constant 32 : i32
          %ge3A_213 = arith.cmpi sge, %while3A_184, %ge3A : i32
          %convert_element_type3A_214 = arith.extui %ge3A_213 : i1 to i32
          %cond3A_215 = arith.constant 0 : i32
          %cond3A_216 = arith.cmpi ne, %convert_element_type3A_214, %cond3A_215 : i32
          scf.if %cond3A_216 {
            %dma_wait3A = arith.constant 0 : i32
            %dma_wait3A_282 = tpu.memref_slice %arg13[%dma_wait3A] : memref<2048xf32, #tpu.memory_space<vmem>> -> memref<64xf32, #tpu.memory_space<vmem>>
            %dma_wait3A_283 = arith.constant 0 : i32
            %dma_wait3A_284 = tpu.memref_slice %arg5[%dma_wait3A_283] : memref<2097152xf32, #tpu.memory_space<hbm>> -> memref<64xf32, #tpu.memory_space<hbm>>
            %dma_wait3A_285 = arith.constant 0 : i32
            %dma_wait3A_286 = tpu.memref_slice %arg13[%dma_wait3A_285] : memref<2048xf32, #tpu.memory_space<vmem>> -> memref<64xf32, #tpu.memory_space<vmem>>
            %dma_wait3A_287 = arith.constant 0 : i32
            %dma_wait3A_288 = tpu.memref_slice %arg5[%dma_wait3A_287] : memref<2097152xf32, #tpu.memory_space<hbm>> -> memref<64xf32, #tpu.memory_space<hbm>>
            tpu.wait_dma2 semaphore(%arg18 : memref<!tpu.dma_semaphore, #tpu.memory_space<semaphore_mem>>) src(%dma_wait3A_288 : memref<64xf32, #tpu.memory_space<hbm>>) dst(%dma_wait3A_286 : memref<64xf32, #tpu.memory_space<vmem>>)
          } else {
          }
          %sub3A_217 = arith.constant 999936 : i32
          %sub3A_218 = vector.broadcast %sub3A_217 : i32 to vector<16xi32>
          %sub3A_219 = arith.subi %gather3A_198, %sub3A_218 : vector<16xi32>
          %add3A_220 = arith.constant 0 : i32
          %add3A_221 = vector.broadcast %add3A_220 : i32 to vector<16xi32>
          %add3A_222 = arith.addi %iota3A, %add3A_221 : vector<16xi32>
          %gather3A_223 = tpu.vector_load_idx %arg12[%sub3A_219, %add3A_222] : memref<64x64xf32, #tpu.memory_space<vmem>>[vector<16xi32>, vector<16xi32>], vector<16xf32>,
          %mul3A_224 = arith.constant 64 : i32
          %mul3A_225 = arith.muli %rem3A_212, %mul3A_224 : i32
          %add3A_226 = arith.constant 0 : i32
          %add3A_227 = arith.addi %mul3A_225, %add3A_226 : i32
          %multiple_of3A_228 = tpu.assume_multiple %add3A_227, 16 : i32
          %swap3A = arith.index_cast %multiple_of3A_228 : i32 to index
          %swap3A_229 = tpu.vector_load %arg13[%swap3A] {strides = array<i32>} : memref<2048xf32, #tpu.memory_space<vmem>>, vector<16xf32>,
          tpu.vector_store %arg13[%swap3A], %gather3A_223 {strides = array<i32>} : memref<2048xf32, #tpu.memory_space<vmem>>, vector<16xf32>,
          %sub3A_230 = arith.constant 999936 : i32
          %sub3A_231 = vector.broadcast %sub3A_230 : i32 to vector<16xi32>
          %sub3A_232 = arith.subi %gather3A_198, %sub3A_231 : vector<16xi32>
          %add3A_233 = arith.constant 16 : i32
          %add3A_234 = vector.broadcast %add3A_233 : i32 to vector<16xi32>
          %add3A_235 = arith.addi %iota3A, %add3A_234 : vector<16xi32>
          %gather3A_236 = tpu.vector_load_idx %arg12[%sub3A_232, %add3A_235] : memref<64x64xf32, #tpu.memory_space<vmem>>[vector<16xi32>, vector<16xi32>], vector<16xf32>,
          %mul3A_237 = arith.constant 64 : i32
          %mul3A_238 = arith.muli %rem3A_212, %mul3A_237 : i32
          %add3A_239 = arith.constant 16 : i32
          %add3A_240 = arith.addi %mul3A_238, %add3A_239 : i32
          %multiple_of3A_241 = tpu.assume_multiple %add3A_240, 16 : i32
          %swap3A_242 = arith.index_cast %multiple_of3A_241 : i32 to index
          %swap3A_243 = tpu.vector_load %arg13[%swap3A_242] {strides = array<i32>} : memref<2048xf32, #tpu.memory_space<vmem>>, vector<16xf32>,
          tpu.vector_store %arg13[%swap3A_242], %gather3A_236 {strides = array<i32>} : memref<2048xf32, #tpu.memory_space<vmem>>, vector<16xf32>,
          %sub3A_244 = arith.constant 999936 : i32
          %sub3A_245 = vector.broadcast %sub3A_244 : i32 to vector<16xi32>
          %sub3A_246 = arith.subi %gather3A_198, %sub3A_245 : vector<16xi32>
          %add3A_247 = arith.constant 32 : i32
          %add3A_248 = vector.broadcast %add3A_247 : i32 to vector<16xi32>
          %add3A_249 = arith.addi %iota3A, %add3A_248 : vector<16xi32>
          %gather3A_250 = tpu.vector_load_idx %arg12[%sub3A_246, %add3A_249] : memref<64x64xf32, #tpu.memory_space<vmem>>[vector<16xi32>, vector<16xi32>], vector<16xf32>,
          %mul3A_251 = arith.constant 64 : i32
          %mul3A_252 = arith.muli %rem3A_212, %mul3A_251 : i32
          %add3A_253 = arith.constant 32 : i32
          %add3A_254 = arith.addi %mul3A_252, %add3A_253 : i32
          %multiple_of3A_255 = tpu.assume_multiple %add3A_254, 16 : i32
          %swap3A_256 = arith.index_cast %multiple_of3A_255 : i32 to index
          %swap3A_257 = tpu.vector_load %arg13[%swap3A_256] {strides = array<i32>} : memref<2048xf32, #tpu.memory_space<vmem>>, vector<16xf32>,
          tpu.vector_store %arg13[%swap3A_256], %gather3A_250 {strides = array<i32>} : memref<2048xf32, #tpu.memory_space<vmem>>, vector<16xf32>,
          %sub3A_258 = arith.constant 999936 : i32
          %sub3A_259 = vector.broadcast %sub3A_258 : i32 to vector<16xi32>
          %sub3A_260 = arith.subi %gather3A_198, %sub3A_259 : vector<16xi32>
          %add3A_261 = arith.constant 48 : i32
          %add3A_262 = vector.broadcast %add3A_261 : i32 to vector<16xi32>
          %add3A_263 = arith.addi %iota3A, %add3A_262 : vector<16xi32>
          %gather3A_264 = tpu.vector_load_idx %arg12[%sub3A_260, %add3A_263] : memref<64x64xf32, #tpu.memory_space<vmem>>[vector<16xi32>, vector<16xi32>], vector<16xf32>,
          %mul3A_265 = arith.constant 64 : i32
          %mul3A_266 = arith.muli %rem3A_212, %mul3A_265 : i32
          %add3A_267 = arith.constant 48 : i32
          %add3A_268 = arith.addi %mul3A_266, %add3A_267 : i32
          %multiple_of3A_269 = tpu.assume_multiple %add3A_268, 16 : i32
          %swap3A_270 = arith.index_cast %multiple_of3A_269 : i32 to index
          %swap3A_271 = tpu.vector_load %arg13[%swap3A_270] {strides = array<i32>} : memref<2048xf32, #tpu.memory_space<vmem>>, vector<16xf32>,
          tpu.vector_store %arg13[%swap3A_270], %gather3A_264 {strides = array<i32>} : memref<2048xf32, #tpu.memory_space<vmem>>, vector<16xf32>,
          %mul3A_272 = arith.constant 64 : i32
          %mul3A_273 = arith.muli %rem3A_212, %mul3A_272 : i32
          %mul3A_274 = arith.constant 128 : i32
          %mul3A_275 = arith.muli %squeeze3A, %mul3A_274 : i32
          %dma_start3A_276 = tpu.memref_slice %arg13[%mul3A_273] : memref<2048xf32, #tpu.memory_space<vmem>> -> memref<64xf32, #tpu.memory_space<vmem>>
          %dma_start3A_277 = tpu.memref_slice %arg5[%mul3A_275] : memref<2097152xf32, #tpu.memory_space<hbm>> -> memref<64xf32, #tpu.memory_space<hbm>>
          %dma_start3A_278 = tpu.memref_slice %arg5[%mul3A_275] : memref<2097152xf32, #tpu.memory_space<hbm>> -> memref<64xf32, #tpu.memory_space<hbm>>
          %dma_start3A_279 = tpu.memref_slice %arg13[%mul3A_273] : memref<2048xf32, #tpu.memory_space<vmem>> -> memref<64xf32, #tpu.memory_space<vmem>>
          tpu.enqueue_dma source(%dma_start3A_279 : memref<64xf32, #tpu.memory_space<vmem>>) target(%dma_start3A_278 : memref<64xf32, #tpu.memory_space<hbm>>) target_semaphore(%arg18 : memref<!tpu.dma_semaphore, #tpu.memory_space<semaphore_mem>>)
          %add3A_280 = arith.constant 1 : i32
          %add3A_281 = arith.addi %while3A_184, %add3A_280 : i32
          scf.yield %add3A_281 : i32
        }
        scf.yield %while3A_182 : i32
      }
      scf.yield %while3A_124 : i32
    } else {
      scf.yield %scan3A_77 : i32
    }
    %min3A = arith.constant 32 : i32
    %min3A_83 = arith.minsi %cond3A_82, %min3A : i32
    %while3A = arith.constant 0 : i32
    %while3A_84 = arith.subi %min3A_83, %while3A : i32
    %while3A_85 = arith.addi %while3A, %while3A_84 : i32
    %while3A_86 = arith.constant 1 : i32
    %while3A_87 = arith.divsi %while3A_84, %while3A_86 : i32
    %while3A_88 = arith.muli %while3A_87, %while3A_86 : i32
    %while3A_89 = arith.addi %while3A, %while3A_88 : i32
    %while3A_90 = arith.constant 1 : i32
    scf.for %while3A_92 = %while3A to %while3A_89 step %while3A_90  : i32 {
      %dma_wait3A = arith.constant 0 : i32
      %dma_wait3A_93 = tpu.memref_slice %arg13[%dma_wait3A] : memref<2048xf32, #tpu.memory_space<vmem>> -> memref<64xf32, #tpu.memory_space<vmem>>
      %dma_wait3A_94 = arith.constant 0 : i32
      %dma_wait3A_95 = tpu.memref_slice %arg5[%dma_wait3A_94] : memref<2097152xf32, #tpu.memory_space<hbm>> -> memref<64xf32, #tpu.memory_space<hbm>>
      %dma_wait3A_96 = arith.constant 0 : i32
      %dma_wait3A_97 = tpu.memref_slice %arg13[%dma_wait3A_96] : memref<2048xf32, #tpu.memory_space<vmem>> -> memref<64xf32, #tpu.memory_space<vmem>>
      %dma_wait3A_98 = arith.constant 0 : i32
      %dma_wait3A_99 = tpu.memref_slice %arg5[%dma_wait3A_98] : memref<2097152xf32, #tpu.memory_space<hbm>> -> memref<64xf32, #tpu.memory_space<hbm>>
      tpu.wait_dma2 semaphore(%arg18 : memref<!tpu.dma_semaphore, #tpu.memory_space<semaphore_mem>>) src(%dma_wait3A_99 : memref<64xf32, #tpu.memory_space<hbm>>) dst(%dma_wait3A_97 : memref<64xf32, #tpu.memory_space<vmem>>)
    }
    %while3A_91 = arith.constant 1 : i32
    scf.for %while3A_92 = %while3A_89 to %while3A_85 step %while3A_91  : i32 {
      %dma_wait3A = arith.constant 0 : i32
      %dma_wait3A_93 = tpu.memref_slice %arg13[%dma_wait3A] : memref<2048xf32, #tpu.memory_space<vmem>> -> memref<64xf32, #tpu.memory_space<vmem>>
      %dma_wait3A_94 = arith.constant 0 : i32
      %dma_wait3A_95 = tpu.memref_slice %arg5[%dma_wait3A_94] : memref<2097152xf32, #tpu.memory_space<hbm>> -> memref<64xf32, #tpu.memory_space<hbm>>
      %dma_wait3A_96 = arith.constant 0 : i32
      %dma_wait3A_97 = tpu.memref_slice %arg13[%dma_wait3A_96] : memref<2048xf32, #tpu.memory_space<vmem>> -> memref<64xf32, #tpu.memory_space<vmem>>
      %dma_wait3A_98 = arith.constant 0 : i32
      %dma_wait3A_99 = tpu.memref_slice %arg5[%dma_wait3A_98] : memref<2097152xf32, #tpu.memory_space<hbm>> -> memref<64xf32, #tpu.memory_space<hbm>>
      tpu.wait_dma2 semaphore(%arg18 : memref<!tpu.dma_semaphore, #tpu.memory_space<semaphore_mem>>) src(%dma_wait3A_99 : memref<64xf32, #tpu.memory_space<hbm>>) dst(%dma_wait3A_97 : memref<64xf32, #tpu.memory_space<vmem>>)
    }
    return
  }
}

</mosaic_0001>

<sc_bundles>
// kernel: kernel.3.cloned.1.call-start
scs
__scs_entry_jumppad:
0x0: {  	(pc) =	sbr.rel $0x88, $3  }
0x1: {  	(tag) =	ssettag $0x0;
	lr =	simm.s32 $0x1  }
0x2: {  	[smem:$0x3F9F] =	sst lr;
	_ =	strace $0xD0000000  }
0x3: {  	_ = 	snop  }
0x4: {  	_ = 	snop  }
0x5: {  	_ = 	snop  }
0x6: {  	_ = 	snop  }
0x7: {  	_ = 	snop  }
__scs_overlays_trampoline_lowered:
0x8: {  	[smem:$0x3FAE] =	sst s0  }
0x9: {  	[smem:$0x3FAF] =	sst s1  }
0xa: {  	[smem:$0x3FB0] =	sst s2  }
0xb: {  	[smem:$0x3FB1] =	sst s3  }
0xc: {  	[smem:$0x3FB2] =	sst s4  }
0xd: {  	[smem:$0x3FB3] =	sst s5  }
0xe: {  	[smem:$0x3FB4] =	sst s6  }
0xf: {  	[smem:$0x3FB5] =	sst s7  }
0x10: {  	[smem:$0x3FB6] =	sst s8  }
0x11: {  	[smem:$0x3FB7] =	sst s9;
	s0 =	simm.s32 @!p0 $0x0  }
0x12: {  	s1 =	sld [smem:$0x3F9D];
	s0 =	simm.s32 @p0 $0x1  }
0x13: {  	[smem:$0x3FB8] =	sst s0;
	s0 =	simm.s32 @!p1 $0x0  }
0x14: {  	s2 =	sld [smem:$0x3F9C];
	s0 =	simm.s32 @p1 $0x1  }
0x15: {  	[smem:$0x3FB9] =	sst s0;
	s0 =	simm.s32 @!p2 $0x0  }
0x16: {  	s3 =	sld [smem:$0x3FDB];
	s0 =	simm.s32 @p2 $0x1  }
0x17: {  	s4 =	simm.s32 $0x1BF5;
	[smem:$0x3FBB] =	sst s0  }
0x18: {  	s0 =	sld [smem:$0x3F9E];
	_ =	swait.ge [sflag:s4], $0x0  }
0x19: {  	s7 =	sld [smem:$0x3F9F]  }
0x1a: {  	s8 =	sadd.s32 $0xFFFFE003, lr  }
0x1b: {  	s9 =	sadd.s32 $0xFFFFFEF7, lr;
	s5 =	simm.s32 $0xFFFFFFFF;
	p2 =	slt.u32 s8, $0xFFFFF086  }
0x1c: {  	p1 =	slt.u32 s9, $0xF7A;
	s5 =	simm.s32 @!p2 $0x0  }
0x1d: {  	s5 =	simm.s32 @p1 $0x1;
	p0 =	seq.s32 s7, s2  }
0x1e: {  	s7 =	smul.u32 @!p0 $0xF7A, s2;
	p2 =	seq.s32 @!p0 s5, $0x0  }
0x1f: {  	s9 =	smul.u32 $0xF7A, s1;
	s8 =	simm.s32 @!p0 $0x1BF5;
	p2 =	por !p2, p0  }
0x20: {  	[sflag:s8] =	ssyncset.s32 @!p0 $0xFFFFF086;
	s6 =	sadd.s32 @!p0 s3, s7;
	s7 =	simm.s32 @!p0 $0x108  }
0x21: {  	s3 =	sadd.s32 s3, s9;
	s6 =	sadd.s32 @!p0 $0x88, s6;
	s7 =	simm.s32 @p2 $0x1082  }
0x22: {  	[simem:s7], [sflag:s8] =	dma.local @!p0 [hbm:s6], $0xF7A  }
0x23: {  	s9 =	sor.u32 $0xD0000000, s2;
	s6 =	simm.s32 $0x108;
	_ =	swait.ge @!p0 [sflag:s8], $0x0  }
0x24: {  	s3 =	sadd.s32 $0x88, s3;
	s6 =	simm.s32 @!p1 $0x1082;
	[sflag:s4] =	ssyncset.s32 $0xFFFFF086  }
0x25: {  	[simem:s6], [sflag:s4] =	dma.local [hbm:s3], $0xF7A  }
0x26: {  	[smem:$0x3F9F] =	sst s1;
	(tag) =	ssettag s2;
	_ =	strace s9  }
0x27: {  	s1 =	sld [smem:$0x3FAF]  }
0x28: {  	s2 =	sld [smem:$0x3FB0]  }
0x29: {  	s4 =	sld [smem:$0x3FB2]  }
0x2a: {  	p0 =	seq.s32 s5, $0x0;
	s5 =	sld [smem:$0x3FB3]  }
0x2b: {  	s6 =	sld [smem:$0x3FB4]  }
0x2c: {  	s7 =	sld [smem:$0x3FB5]  }
0x2d: {  	s3 =	simm.s32 $0x108;
	s8 =	sld [smem:$0x3FB6]  }
0x2e: {  	s3 =	simm.s32 @!p0 $0x1082;
	s9 =	sld [smem:$0x3FB7]  }
0x2f: {  	lr =	sadd.s32 s0, s3;
	s0 =	sld [smem:$0x3FAE]  }
0x30: {  	s3 =	sld [smem:$0x3FB1]  }
0x31: {  	[smem:$0x3FBA] =	sst s10  }
0x32: {  	s10 =	sld [smem:$0x3FB8];
	_ =	sdelay $0x3  }
0x33: {  	p0 =	seq.s32 s10, $0x1;
	s10 =	sld [smem:$0x3FBA];
	_ =	sdelay $0x3  }
0x34: {  	[smem:$0x3FBA] =	sst s10  }
0x35: {  	s10 =	sld [smem:$0x3FB9];
	_ =	sdelay $0x3  }
0x36: {  	p1 =	seq.s32 s10, $0x1;
	s10 =	sld [smem:$0x3FBA];
	_ =	sdelay $0x3  }
0x37: {  	[smem:$0x3FBA] =	sst s10  }
0x38: {  	s10 =	sld [smem:$0x3FBB]  }
0x39: {  	_ = 	snop;
	(pc) =	sbr.ind lr, $3  }
0x3a: {  	_ = 	snop  }
0x3b: {  	_ = 	snop  }
0x3c: {  	p2 =	seq.s32 s10, $0x1;
	s10 =	sld [smem:$0x3FBA]  }
0x3d: {  	_ =	shalt  }
0x3e: {  	_ =	shalt  }
0x3f: {  	_ =	shalt  }
0x40: {  	_ =	shalt  }
0x41: {  	_ =	shalt  }
0x42: {  	_ =	shalt  }
0x43: {  	_ =	shalt  }
0x44: {  	_ =	shalt  }
0x45: {  	_ =	shalt  }
0x46: {  	_ =	shalt  }
0x47: {  	_ =	shalt  }
0x48: {  	_ =	shalt  }
0x49: {  	_ =	shalt  }
0x4a: {  	_ =	shalt  }
0x4b: {  	_ =	shalt  }
0x4c: {  	_ =	shalt  }
0x4d: {  	_ =	shalt  }
0x4e: {  	_ =	shalt  }
0x4f: {  	_ =	shalt  }
0x50: {  	_ =	shalt  }
0x51: {  	_ =	shalt  }
0x52: {  	_ =	shalt  }
0x53: {  	_ =	shalt  }
0x54: {  	_ =	shalt  }
0x55: {  	_ =	shalt  }
0x56: {  	_ =	shalt  }
0x57: {  	_ =	shalt  }
0x58: {  	_ =	shalt  }
0x59: {  	_ =	shalt  }
0x5a: {  	_ =	shalt  }
0x5b: {  	_ =	shalt  }
0x5c: {  	_ =	shalt  }
0x5d: {  	_ =	shalt  }
0x5e: {  	_ =	shalt  }
0x5f: {  	_ =	shalt  }
0x60: {  	_ =	shalt  }
0x61: {  	_ =	shalt  }
0x62: {  	_ =	shalt  }
0x63: {  	_ =	shalt  }
0x64: {  	_ =	shalt  }
0x65: {  	_ =	shalt  }
0x66: {  	_ =	shalt  }
0x67: {  	_ =	shalt  }
0x68: {  	_ =	shalt  }
0x69: {  	_ =	shalt  }
0x6a: {  	_ =	shalt  }
0x6b: {  	_ =	shalt  }
0x6c: {  	_ =	shalt  }
0x6d: {  	_ =	shalt  }
0x6e: {  	_ =	shalt  }
0x6f: {  	_ =	shalt  }
0x70: {  	_ =	shalt  }
0x71: {  	_ =	shalt  }
0x72: {  	_ =	shalt  }
0x73: {  	_ =	shalt  }
0x74: {  	_ =	shalt  }
0x75: {  	_ =	shalt  }
0x76: {  	_ =	shalt  }
0x77: {  	_ =	shalt  }
0x78: {  	_ =	shalt  }
0x79: {  	_ =	shalt  }
0x7a: {  	_ =	shalt  }
0x7b: {  	_ =	shalt  }
0x7c: {  	_ =	shalt  }
0x7d: {  	_ =	shalt  }
0x7e: {  	_ =	shalt  }
0x7f: {  	_ =	shalt  }
0x80: {  	_ =	shalt  }
0x81: {  	_ =	shalt  }
0x82: {  	_ =	shalt  }
0x83: {  	_ =	shalt  }
0x84: {  	_ =	shalt  }
0x85: {  	_ =	shalt  }
0x86: {  	_ =	shalt  }
0x87: {  	_ =	shalt  }
.Lfunc_end0:
.L_simem_size_0:
called_computation_lowered:
.L_overlay_start_0:
0x88: {  	s2 =	sld [smem:$0x3FD9]  }
0x89: {  	s3 =	sld [smem:$0x3FFE];
	_ =	sdelay $0x1  }
0x8a: {  	s1 =	srdreg.scid  }
0x8b: {  	s0 =	sand.u32 $0x1, s1  }
0x8c: {  	s17 =	sshll.u32 s0, $0xA;
	s2 =	sadd.s32 s3, s2  }
0x8d: {  	s2 =	sadd.s32 s2, s17  }
0x8e: {  	[smem:$0x3FC6] =	sst s2  }
0x8f: {  	_ = 	snop  }
0x90: {  	s2 =	sld [smem:$0x3FC9]  }
0x91: {  	s18 =	sld [smem:$0x3FC8]  }
0x92: {  	s4 =	sld [smem:$0x3FD0];
	(tm) =	ssettm $0x1  }
0x93: {  	s5 =	sld [smem:$0x3FFB];
	_ =	sdelay $0x3  }
0x94: {  	_ =	strace s5  }
0x95: {  	s5 =	sld [smem:$0x3FFC];
	_ =	sdelay $0x3  }
0x96: {  	_ =	strace s5  }
0x97: {  	s5 =	sld [smem:$0x3FFD];
	_ =	sdelay $0x3  }
0x98: {  	_ =	strace s5  }
0x99: {  	_ =	strace $0x8FFFFFFF  }
0x9a: {  	s19 =	sld [smem:$0x3FDB];
	_ =	sdelay $0x1  }
0x9b: {  	s6 =	simm.s32 $_scs_section_size  }
0x9c: {  	s7 =	simm.s32 $_size__tile_overlayer_lowered;
	s8 =	simm.s32 $_tile_overlayer_lowered  }
0x9d: {  	s22 =	simm.s32 $0x1BFF;
	s21 =	sshll.u32 s8, $0x1;
	s5 =	sadd.s32 s6, s19  }
0x9e: {  	s9 =	simm.s32 $0x0;
	s20 =	sshll.u32 s7, $0x1;
	s7 =	sadd.s32 s21, s5  }
0x9f: {  	[timem:s9], [sflag:s22] =	dma.local [hbm:s7], s20  }
0xa0: {  	_ =	swait.ge [sflag:s22], s20  }
0xa1: {  	s6 =	ssub.s32 $0x0, s20;
	[sflag:s22] =	ssyncset.done $0x0  }
0xa2: {  	[sflag:s22] =	ssyncadd.s32 s6;
	_ =	sdelay $0x1  }
0xa3: {  	s23 =	simm.s32 $0x1B8B  }
0xa4: {  	_ =	swait.ge [sflag:s23], $0x1  }
0xa5: {  	[sflag:s23] =	ssyncset.done $0x0  }
0xa6: {  	s25 =	simm.s32 $0x1B8E;
	s24 =	sld [smem:$0x3FFE];
	[sflag:s23] =	ssyncadd.s32 $0xFFFFFFFF  }
0xa7: {  	s26 =	simm.s32 $execute0_lowered;
	[smem:$0x3FD2] =	sst s25  }
0xa8: {  	s7 =	sshll.u32 s26, $0x1;
	_ =	strace $0x80000046;
	[dreg:$0x1] =	wrdreg $0xFFFFFFFF  }
0xa9: {  	s28 =	simm.s32 $_size_execute0_lowered;
	s5 =	sadd.s32 s5, s7;
	[dreg:$0x0] =	wrdreg $0x0  }
0xaa: {  	s7 =	sshll.u32 s28, $0x1;
	[dreg:$0x2] =	wrdreg s5  }
0xab: {  	[dreg:$0x3] =	wrdreg s7  }
0xac: {  	[dreg:$0x4] =	wrdreg $0xC0  }
0xad: {  	_ =	task [dreg:s9], $0x5FFFF  }
0xae: {  	[dreg:$0x1] =	wrdreg $0xFFFFFFFF  }
0xaf: {  	[dreg:$0x0] =	wrdreg $0x60  }
0xb0: {  	[dreg:$0x2] =	wrdreg s2  }
0xb1: {  	[dreg:$0x3] =	wrdreg s18  }
0xb2: {  	[dreg:$0x4] =	wrdreg s4  }
0xb3: {  	[dreg:$0x5] =	wrdreg s24  }
0xb4: {  	[dreg:$0x6] =	wrdreg $0x9  }
0xb5: {  	_ =	task.clear_ibuf [dreg:s9], $0x7FFFF;
	_ =	strace $0x90000046  }
0xb6: {  	s29 =	simm.s32 $0x9;
	_ =	strace $0x80000048  }
0xb7: {  	_ =	swait.ge [sflag:s29], $0x1  }
0xb8: {  	[sflag:s29] =	ssyncadd.s32 $0xFFFFFFFF  }
0xb9: {  	_ =	strace $0x90000048  }
0xba: {  	_ =	sfence  }
0xbb: {  	s30 =	sld [smem:$0x0];
	_ =	sdelay $0x2  }
0xbc: {  	s31 =	sshll.u32 s1, $0xD;
	s1 =	sshrl.u32 s1, $0x2  }
0xbd: {  	s3 =	sand.u32 $0x4000, s31;
	s1 =	sadd.s32 s1, s30  }
0xbe: {  	s0 =	sor.u32 s3, s0;
	s1 =	sshll.u32 s1, $0x11  }
0xbf: {  	s0 =	sor.u32 s1, s0  }
0xc0: {  	s0 =	sadd.s32 $0x8F2B, s0  }
0xc1: {  	[sflag:s0] =	ssyncadd.remote.s32 $0x1  }
0xc2: {  	_ =	sfence.sel $0xFFFF  }
0xc3: {  	[dreg:$0x0] =	wrdreg $0xFFFFFFFF;
	(pc) =	sbr.abs _section_cstart, $3  }
0xc4: {  	[dreg:$0x1] =	wrdreg $0xFFFFFFFF  }
0xc5: {  	_ =	task.clear_ibuf [dreg:s9], $0x2FFFF;
	_ =	strace $0x9FFFFFFF  }
0xc6: {  	(tm) =	ssettm $0x7FFFFFFF  }
0xc7: {  	_ =	shalt  }
tec
execute0_lowered:
.L_overlay_start_1:
0x0: {  	(tag) =	ssettag $0x1  }
0x1: {  	v0 =	vimm.s32 $0xB80  }
0x2: {  	vm14 =	vcmask $0x300;
	vm13 =	vcmask $0x704;
	vm12 =	vcmask $0xB08  }
0x3: {  	vm11 =	vcmask $0xF0C;
	vm10 =	vcmask $0x1310;
	vm9 =	vcmask $0x1714  }
0x4: {  	vm8 =	vcmask $0x1B18;
	vm7 =	vcmask $0x1F1C;
	vm6 =	vcmask $0x2320  }
0x5: {  	vm5 =	vcmask $0x2724;
	vm4 =	vcmask $0x2B28;
	vm3 =	vcmask $0x2F2C  }
0x6: {  	vm2 =	vcmask $0x3330;
	vm0 =	vcmask $0x3734;
	vm1 =	vcmask $0x3B38  }
0x7: {  	v3 =	vimm.s32 $0x1B80;
	v4 =	vimm.s32 $0x2B80;
	v5 =	vimm.s32 $0x3B80  }
0x8: {  	v0 =	vsel vm14, $0x0, v0;
	v3 =	vsel vm14, $0x1000, v3;
	v4 =	vsel vm14, $0x2000, v4  }
0x9: {  	v5 =	vsel vm14, $0x3000, v5;
	v0 =	vsel vm13, $0x80, v0;
	v3 =	vsel vm13, $0x1080, v3  }
0xa: {  	v4 =	vsel vm13, $0x2080, v4;
	v5 =	vsel vm13, $0x3080, v5;
	v0 =	vsel vm12, $0x100, v0  }
0xb: {  	v3 =	vsel vm12, $0x1100, v3;
	v4 =	vsel vm12, $0x2100, v4;
	v5 =	vsel vm12, $0x3100, v5  }
0xc: {  	v0 =	vsel vm11, $0x180, v0;
	v3 =	vsel vm11, $0x1180, v3;
	v4 =	vsel vm11, $0x2180, v4  }
0xd: {  	v5 =	vsel vm11, $0x3180, v5;
	v0 =	vsel vm10, $0x200, v0;
	v3 =	vsel vm10, $0x1200, v3  }
0xe: {  	v4 =	vsel vm10, $0x2200, v4;
	v5 =	vsel vm10, $0x3200, v5;
	v0 =	vsel vm9, $0x280, v0  }
0xf: {  	s0 =	srdreg.scid;
	s2 =	rddreg [dreg:$0x1];
	v3 =	vsel vm9, $0x1280, v3;
	v4 =	vsel vm9, $0x2280, v4;
	v5 =	vsel vm9, $0x3280, v5  }
0x10: {  	s1 =	stileid.u32;
	s3 =	rddreg [dreg:$0x3];
	v0 =	vsel vm8, $0x300, v0;
	v3 =	vsel vm8, $0x1300, v3;
	v4 =	vsel vm8, $0x2300, v4  }
0x11: {  	s5 =	simm.s32 $0x0;
	s9 =	simm.s32 $0x7A;
	s17 =	simm.s32 $0xD200;
	v5 =	vsel vm8, $0x3300, v5;
	v0 =	vsel vm7, $0x380, v0;
	v3 =	vsel vm7, $0x1380, v3  }
0x12: {  	s18 =	simm.s32 $0x11200;
	s19 =	simm.s32 $0x15200;
	s20 =	simm.s32 $0x19200;
	v4 =	vsel vm7, $0x2380, v4;
	v5 =	vsel vm7, $0x3380, v5;
	v0 =	vsel vm6, $0x800, v0  }
0x13: {  	s22 =	simm.s32 $0x1D200;
	s0 =	sand.u32 $0x1, s0;
	s1 =	sshll.u32 s1, $0x1;
	v3 =	vsel vm6, $0x1800, v3;
	v4 =	vsel vm6, $0x2800, v4;
	v5 =	vsel vm6, $0x3800, v5  }
0x14: {  	s23 =	simm.s32 $0x1;
	s24 =	simm.s32 $0x2;
	s1 =	sor.u32 s0, s1;
	v0 =	vsel vm5, $0x880, v0;
	v3 =	vsel vm5, $0x1880, v3;
	v4 =	vsel vm5, $0x2880, v4  }
0x15: {  	s25 =	simm.s32 $0x3;
	[smem:$0x7FF] =	sst s5;
	s6 =	smul.u32 $0x3D000, s1;
	v5 =	vsel vm5, $0x3880, v5;
	v0 =	vsel vm4, $0x900, v0;
	v3 =	vsel vm4, $0x1900, v3  }
0x16: {  	s7 =	sadd.s32 $0x400, s3;
	s0 =	ssub.s32 $0x2, s0;
	s8 =	smul.u32 $0x7A00, s1;
	v4 =	vsel vm4, $0x2900, v4;
	v5 =	vsel vm4, $0x3900, v5;
	v0 =	vsel vm3, $0x980, v0  }
0x17: {  	_ =	strace $0x80000047;
	s4 =	sshrl.u32 s0, $0x1;
	p0 =	sne.s32 s1, $0x1F;
	v3 =	vsel vm3, $0x1980, v3;
	v4 =	vsel vm3, $0x2980, v4;
	v5 =	vsel vm3, $0x3980, v5  }
0x18: {  	s0 =	ssub.s32 s0, s4;
	s29 =	sshrl.u32 s6, $0x3;
	s30 =	sadd.s32 s2, s8;
	v1 =	vsel vm2, $0xA00, v0;
	v0 =	vmov s1;
	v3 =	vsel vm2, $0x1A00, v3  }
.Ltmp0:
0x19: {  	s0 =	smax.u32 s0, $0x1;
	[dreg:$0x5] =	wrdreg s30;
	v4 =	vsel vm2, $0x2A00, v4;
	v5 =	vsel vm2, $0x3A00, v5;
	v2 =	vsel vm0, $0xA80, v1;
	(pc) =	sbr.rel .LBB2_1-.Ltmp0, $4  }
0x1a: {  	s3 =	sadd.s32 $0x100, s30;
	[dreg:$0x9] =	wrdreg s0;
	s1 =	sadd.s32 s2, s29;
	v1 =	vlaneseq.u32;
	v3 =	vsel vm0, $0x1A80, v3;
	v4 =	vsel vm0, $0x2A80, v4  }
0x1b: {  	s26 =	simm.s32 $0x4;
	[dreg:$0x6] =	wrdreg s3;
	s31 =	sadd.s32 $0x200, s1;
	v5 =	vsel vm0, $0x3A80, v5;
	v2 =	vsel vm1, $0xB00, v2;
	v3 =	vsel vm1, $0x1B00, v3  }
0x1c: {  	s9 =	simm.s32 @!p0 $0x7C;
	s1 =	sadd.s32 $0x300, s1;
	[dreg:$0x7] =	wrdreg s31;
	v4 =	vsel vm1, $0x2B00, v4;
	v5 =	vsel vm1, $0x3B00, v5;
	v6 =	vor.u32 $0xF85F0000, v1  }
0x1d: {  	s28 =	simm.s32 $0x5;
	[dreg:$0x8] =	wrdreg s1;
	v7 =	vor.u32 $0xF85F0010, v1;
	v8 =	vor.u32 $0xF85F0020, v1;
	v9 =	vor.u32 $0xF85F0030, v1;
	s1 =	simm.s32 $0x0  }
.LBB2_106:
0x1e: {  	[sflag:s28] =	ssyncadd.s32 $0xFFFFFFC0  }
.LBB2_107:
0x1f: {  	s1 =	sadd.s32 $0x1, s1;
	s0 =	rddreg [dreg:$0x9]  }
0x20: {  	p1 =	sne.s32 s1, s0  }
.Ltmp1:
0x21: {  	_ = 	snop;
	(pc) =	sbr.rel @!p1 .LBB2_108-.Ltmp1, $1  }
0x22: {  	_ =	sdelay $0x3  }
.LBB2_1:
0x23: {  	[dreg:$0xa] =	wrdreg s1  }
0x24: {  	s0 =	rddreg [dreg:$0x5];
	s14 =	simm.s32 $0x800;
	s3 =	simm.s32 $0x7A1400  }
0x25: {  	[tilespmem:s17], [sflag:$0x1] =	stream.strided.gather [hbm4b:s0+s14], $0x4000, s3, s14, $0x38;
	[tilespmem:$0x1FA00] =	vst v63  }
0x26: {  	s15 =	rddreg [dreg:$0x6]  }
0x27: {  	[tilespmem:s18], [sflag:$0x2] =	stream.strided.gather [hbm4b:s15+s14], $0x4000, s3, s14, $0x38;
	[tilespmem:$0x1FA00] =	vst v63  }
0x28: {  	s16 =	rddreg [dreg:$0x7]  }
0x29: {  	[tilespmem:s19], [sflag:$0x3] =	stream.strided.gather [hbm4b:s16+s14], $0x4000, s3, s14, $0x38;
	[tilespmem:$0x1FA00] =	vst v63  }
0x2a: {  	s21 =	rddreg [dreg:$0x8]  }
0x2b: {  	[tilespmem:s20], [sflag:$0x4] =	stream.strided.gather [hbm4b:s21+s14], $0x4000, s3, s14, $0x38;
	[tilespmem:$0x1FA00] =	vst v63  }
0x2c: {  	s29 =	rddreg [dreg:$0x0];
	s30 =	simm.s32 $0x6  }
0x2d: {  	[tilespmem:s5], [sflag:$0x6] =	stream.linear.gather [hbm4b:s29+s5], $0x4000, $0x38;
	[tilespmem:$0x1FA00] =	vst v63  }
0x2e: {  	_ =	swait.ge [sflag:s30], $0x4000  }
0x2f: {  	[sflag:s30] =	ssyncset.done $0x0  }
0x30: {  	[sflag:s30] =	ssyncadd.s32 $0xFFFFC000  }
0x31: {  	s31 =	rddreg [dreg:$0x2]  }
0x32: {  	[tilespmem:s22], [sflag:$0x6] =	stream.linear.gather [hbm4b:s31+s5], $0x2000, $0x38;
	[tilespmem:$0x1FA00] =	vst v63  }
0x33: {  	_ =	swait.ge [sflag:s30], $0x2000  }
0x34: {  	[sflag:s30] =	ssyncset.done $0x0  }
0x35: {  	[sflag:s30] =	ssyncadd.s32 $0xFFFFE000  }
0x36: {  	v10 =	vld [tilespmem:s5+$0x0];
	_ =	sdelay $0x4  }
0x37: {  	v11 =	vshra.s32 v10, $0x9  }
0x38: {  	v11 =	vmul.u32 $0x10C98, v11;
	_ =	sdelay $0x1  }
0x39: {  	v11 =	vshra.s32 v11, $0x16  }
0x3a: {  	vm0 =	vlt.s32 v11, $0x1F  }
0x3b: {  	v11 =	vnsel vm0, $0x1F, v11  }
0x3c: {  	vm0 =	veq.s32 v11, v0  }
0x3d: {  	v11 =	vmpcnt.ones.xlane vm0;
	_ =	sdelay $0x1  }
0x3e: {  	(v2sf) =	vpush v11, $0x0  }
0x3f: {  	[tilespmem:s5+$0x4000] =	vst.msk vm0, v10;
	v10 =	vor.u32 s5, v1  }
0x40: {  	s0 =	simm.s32 $0x10;
	[tilespmem:s5+$0x8080] =	vst.msk vm0, v10  }
0x41: {  	s1 =	simm.s32 $0x0;
	s4 =	simm.s32 $0x10;
	s3 =	simm.s32 $0x20;
	v10 =	vld [tilespmem:s0+$0x0]  }
.LBB2_2:
0x42: {  	p1 =	seq.s32 s3, $0x3FF0;
	_ =	sdelay $0x3  }
0x43: {  	v11 =	vshra.s32 v10, $0x9  }
0x44: {  	v11 =	vmul.u32 $0x10C98, v11;
	_ =	sdelay $0x1  }
0x45: {  	v11 =	vshra.s32 v11, $0x16  }
0x46: {  	vm0 =	vlt.s32 v11, $0x1F  }
0x47: {  	v11 =	vnsel vm0, $0x1F, v11  }
0x48: {  	vm0 =	veq.s32 v11, v0  }
0x49: {  	v11 =	vmpcnt.ones.xlane vm0;
	s10 =	spop (v2sf)  }
.Ltmp2:
0x4a: {  	s1 =	sadd.s32 s1, s10;
	(pc) =	sbr.rel @!p1 .LBB2_2-.Ltmp2, $4  }
0x4b: {  	[tilespmem:s1+$0x4000] =	vst.msk vm0, v10;
	v10 =	vor.u32 s0, v1;
	(v2sf) =	vpush v11, $0x0;
	s0 =	smov.u32 s3  }
0x4c: {  	[tilespmem:s1+$0x8080] =	vst.msk vm0, v10  }
0x4d: {  	s4 =	sadd.s32 $0x10, s4  }
0x4e: {  	s3 =	sadd.s32 $0x10, s3;
	v10 =	vld [tilespmem:s4+$0x0]  }
0x4f: {  	_ =	sdelay $0x3  }
0x50: {  	v11 =	vshra.s32 v10, $0x9  }
0x51: {  	v11 =	vmul.u32 $0x10C98, v11;
	_ =	sdelay $0x1  }
0x52: {  	v11 =	vshra.s32 v11, $0x16  }
0x53: {  	vm0 =	vlt.s32 v11, $0x1F  }
0x54: {  	v11 =	vnsel vm0, $0x1F, v11  }
0x55: {  	vm0 =	veq.s32 v11, v0  }
0x56: {  	v11 =	vmpcnt.ones.xlane vm0;
	_ =	sdelay $0x1  }
0x57: {  	(v2sf) =	vpush v11, $0x0;
	_ =	sdelay $0xd  }
0x58: {  	s3 =	spop (v2sf)  }
0x59: {  	s1 =	sadd.s32 s1, s3;
	s15 =	spop (v2sf)  }
0x5a: {  	s30 =	sadd.s32 s1, s15  }
0x5b: {  	[tilespmem:s1+$0x4000] =	vst.msk vm0, v10;
	v10 =	vor.u32 s0, v1;
	s0 =	sadd.s32 $0x7FF, s30  }
0x5c: {  	s16 =	sand.u32 $0x7FF, s0  }
0x5d: {  	s21 =	sshra.s32 s0, $0x1F;
	p1 =	slt.s32 s0, $0x1;
	p2 =	sne.s32 s16, $0x0  }
.Ltmp3:
0x5e: {  	s29 =	sshrl.u32 s21, $0x15;
	p1 =	por !p1, !p2;
	(pc) =	sbr.rel .LBB2_4-.Ltmp3, $4  }
0x5f: {  	[tilespmem:s1+$0x8080] =	vst.msk vm0, v10;
	s1 =	simm.s32 $0x1;
	s0 =	sadd.s32 s29, s0;
	p1 =	por !p1, !p1  }
0x60: {  	s0 =	sshra.s32 s0, $0xB;
	s1 =	simm.s32 @!p1 $0x0  }
0x61: {  	s4 =	ssub.s32 s0, s1  }
0x62: {  	s31 =	simm.s32 $0x0;
	v10 =	vmov s30;
	s0 =	simm.s32 $0x0;
	p1 =	slt.s32 s4, $0x1  }
.LBB2_83:
0x63: {  	s1 =	sadd.s32 $0x7, s1  }
0x64: {  	p2 =	sge.u32 s1, s9  }
0x65: {  	s1 =	sshll.u32 @!p2 s1, $0xB  }
0x66: {  	s1 =	sadd.s32 @!p2 s6, s1  }
0x67: {  	s3 =	simm.s32 @!p2 $0x800;
	s1 =	sshrl.u32 @!p2 s1, $0x3  }
0x68: {  	s10 =	simm.s32 @!p2 $0x7A1400;
	s11 =	simm.s32 @!p2 $0x19200;
	s1 =	sadd.s32 @!p2 s2, s1  }
0x69: {  	[tilespmem:s11], [sflag:$0x4] =	stream.strided.gather @!p2 [hbm4b:s1+s3], $0x4000, s10, s3, $0x38;
	[tilespmem:$0x1FA00] =	vst v63  }
.LBB2_84:
0x6a: {  	s0 =	sadd.s32 $0x1, s0  }
0x6b: {  	p2 =	sne.s32 s0, $0x1F  }
.Ltmp4:
0x6c: {  	_ = 	snop;
	(pc) =	sbr.rel @!p2 .LBB2_85-.Ltmp4, $1  }
0x6d: {  	_ =	sdelay $0x3  }
.LBB2_4:
0x6e: {  	s1 =	sshll.u32 s0, $0x2  }
0x6f: {  	p2 =	sge.u32 s1, s9  }
.Ltmp5:
0x70: {  	_ = 	snop;
	(pc) =	sbr.rel @p2 .LBB2_24-.Ltmp5, $1  }
0x71: {  	_ =	sdelay $0x3  }
.Ltmp6:
0x72: {  	(pc) =	sbr.rel @p1 .LBB2_23-.Ltmp6, $4  }
0x73: {  	_ = 	snop  }
0x74: {  	_ =	swait.ge [sflag:s23], $0x4000  }
0x75: {  	[sflag:s23] =	ssyncset.done $0x0  }
0x76: {  	[sflag:s23] =	ssyncadd.s32 $0xFFFFC000  }
.Ltmp7:
0x77: {  	(pc) =	sbr.rel .LBB2_7-.Ltmp7, $4  }
0x78: {  	s3 =	sshll.u32 s0, $0xA  }
0x79: {  	s3 =	sadd.s32 s8, s3  }
0x7a: {  	s10 =	sor.u32 $0x100, s3  }
0x7b: {  	s11 =	simm.s32 $0x0;
	s12 =	simm.s32 $0x0;
	v11 =	vmov s3;
	s3 =	simm.s32 $0x0;
	v12 =	vmov s10  }
.LBB2_12:
0x7c: {  	s14 =	simm.s32 $0x1  }
.LBB2_21:
0x7d: {  	[hbm4b:s29+s5] =	stream.linear.scatter @p2 [tilespmem:s21], [sflag:$0x5], $0x40, $0x38;
	[tilespmem:$0x1FA00] =	vst v63  }
0x7e: {  	v13 =	vld [tilespmem:s15+$0xC100];
	_ =	sdelay $0x2  }
0x7f: {  	s10 =	sand.u32 $0xF, s16  }
0x80: {  	v14 =	vmov s10  }
0x81: {  	v15 =	vld [tilespmem:s15+$0xC980];
	v13 =	vperm.xlane v13, v14;
	_ =	sdelay $0x1  }
0x82: {  	v16 =	vsub.s32 v13, v11  }
0x83: {  	v16 =	vshll.u32 v16, $0x3  }
0x84: {  	v13 =	vand.u32 $0x7F, v13;
	v16 =	vand.u32 $0xFFFFFC00, v16  }
0x85: {  	s21 =	sadd.s32 s16, s31;
	v14 =	vperm.xlane v15, v14;
	v13 =	vor.u32 v13, v16  }
0x86: {  	p2 =	slt.s32 s21, $0x20;
	v15 =	vadd.s32 v2, v13  }
0x87: {  	s13 =	simm.s32 @!p2 $0x5;
	(v2sf) =	vpush v14, $0x0  }
0x88: {  	_ =	swait.ge @!p2 [sflag:s13], $0x40  }
0x89: {  	s29 =	sshra.s32 s21, $0x1F;
	[sflag:s13] =	ssyncset.done @!p2 $0x0  }
0x8a: {  	s15 =	sshrl.u32 s29, $0x1B;
	[sflag:s13] =	ssyncadd.s32 @!p2 $0xFFFFFFC0  }
0x8b: {  	s15 =	sadd.s32 s15, s21;
	v14 =	vld.idx.msk [tilespmem:v15+s17+$0x0], $0xffff  }
0x8c: {  	s13 =	sand.u32 $0xFFFFFFE0, s15;
	v15 =	vadd.s32 v3, v13  }
0x8d: {  	s10 =	ssub.s32 s21, s13  }
0x8e: {  	s10 =	sshll.u32 s10, $0x8  }
0x8f: {  	s10 =	sshra.s32 s10, $0x2  }
0x90: {  	[tilespmem:s10+$0x1F200] =	vst v14  }
0x91: {  	v14 =	vld.idx.msk [tilespmem:v15+s17+$0x0], $0xffff  }
0x92: {  	v15 =	vadd.s32 v4, v13;
	_ =	sdelay $0x3  }
0x93: {  	[tilespmem:s10+$0x1F210] =	vst v14  }
0x94: {  	v14 =	vld.idx.msk [tilespmem:v15+s17+$0x0], $0xffff  }
0x95: {  	v13 =	vadd.s32 v5, v13;
	_ =	sdelay $0x3  }
0x96: {  	[tilespmem:s10+$0x1F220] =	vst v14  }
0x97: {  	v13 =	vld.idx.msk [tilespmem:v13+s17+$0x0], $0xffff;
	_ =	sdelay $0x1  }
0x98: {  	s16 =	spop (v2sf)  }
0x99: {  	s13 =	sshll.u32 s16, $0x4  }
0x9a: {  	s13 =	sand.u32 $0x1FFFFFF0, s13  }
0x9b: {  	s31 =	sadd.s32 s14, s31;
	s21 =	sadd.s32 $0x1F200, s10;
	s29 =	sadd.s32 s7, s13;
	[tilespmem:s10+$0x1F230] =	vst v13  }
0x9c: {  	[hbm4b:s29+s5] =	stream.linear.scatter [tilespmem:s21], [sflag:$0x5], $0x40, $0x38;
	[tilespmem:$0x1FA00] =	vst v63  }
.LBB2_22:
0x9d: {  	s12 =	sadd.s32 $0x1, s12  }
0x9e: {  	p2 =	sne.s32 s12, s4  }
.Ltmp8:
0x9f: {  	_ = 	snop;
	(pc) =	sbr.rel @!p2 .LBB2_23-.Ltmp8, $2  }
0xa0: {  	_ =	sdelay $0x2  }
0xa1: {  	s11 =	sadd.s32 $0x800, s11  }
.LBB2_7:
0xa2: {  	s10 =	sshll.u32 s12, $0xB  }
0xa3: {  	s10 =	ssub.s32 s30, s10  }
0xa4: {  	p2 =	slt.s32 s10, $0x800  }
0xa5: {  	p3 =	slt.s32 s10, $0xFFFFFFF2;
	s10 =	simm.s32 @!p2 $0x800  }
0xa6: {  	s10 =	sadd.s32 $0xF, s10  }
0xa7: {  	s13 =	sand.u32 $0xF, s10  }
0xa8: {  	s29 =	sshra.s32 s10, $0x1F;
	p6 =	sne.s32 s13, $0x0  }
0xa9: {  	s13 =	sshrl.u32 s29, $0x1C;
	p2 =	por !p3, !p6  }
0xaa: {  	s10 =	sadd.s32 s13, s10;
	s13 =	simm.s32 $0x1;
	p2 =	por !p2, !p2  }
0xab: {  	s10 =	sshra.s32 s10, $0x4;
	s13 =	simm.s32 @!p2 $0x0  }
0xac: {  	s10 =	ssub.s32 s10, s13  }
0xad: {  	p2 =	sgt.s32 s10, $0x0  }
.Ltmp9:
0xae: {  	_ = 	snop;
	(pc) =	sbr.rel @!p2 .LBB2_22-.Ltmp9, $1  }
0xaf: {  	_ =	sdelay $0x3  }
0xb0: {  	p3 =	seq.s32 s10, $0x1  }
.Ltmp10:
0xb1: {  	_ = 	snop;
	(pc) =	sbr.rel @p3 .LBB2_9-.Ltmp10, $2  }
0xb2: {  	_ =	sdelay $0x2  }
0xb3: {  	s14 =	sadd.s32 s3, s11;
	s10 =	sadd.s32 $0xFFFFFFFF, s10;
	p2 =	por $0x0, $0x0  }
0xb4: {  	s13 =	sand.u32 $0xFFFFFF80, s14;
	s15 =	sand.u32 $0x70, s3  }
0xb5: {  	s13 =	sor.u32 s15, s13  }
0xb6: {  	v13 =	vld [tilespmem:s13+$0x4000];
	_ =	sdelay $0x3  }
0xb7: {  	v14 =	vor.u32 s14, v1  }
0xb8: {  	vm1 =	vlt.s32 v14, v10;
	vm0 =	vlt.s32 v13, v12  }
0xb9: {  	vm15 =	vge.s32 v13, v11;
	vm0 =	vmand vm0, vm1  }
0xba: {  	vm0 =	vmand vm0, vm15  }
0xbb: {  	p3 =	seq.s32 s10, $0x1;
	v14 =	vld [tilespmem:s13+$0x8080];
	v15 =	vmpcnt.ones.xlane vm0  }
.Ltmp11:
0xbc: {  	_ = 	snop;
	(pc) =	sbr.rel @p3 .LBB2_14-.Ltmp11, $3  }
0xbd: {  	(v2sf) =	vpush v15, $0x0;
	_ =	sdelay $0x1  }
0xbe: {  	p2 =	por $0x1, $0x1;
	s13 =	sadd.s32 $0x10, s3;
	[tilespmem:s3+$0xC100] =	vst.msk vm0, v13  }
0xbf: {  	s15 =	sadd.s32 $0xFFFFFFFF, s10;
	s10 =	simm.s32 $0x0;
	s14 =	sadd.s32 s13, s11;
	[tilespmem:s3+$0xC980] =	vst.msk vm0, v14  }
.LBB2_15:
0xc0: {  	p3 =	seq.s32 s15, $0x1;
	s16 =	sand.u32 $0xFFFFFF80, s14;
	s21 =	sand.u32 $0x70, s13  }
0xc1: {  	s16 =	sor.u32 s21, s16  }
0xc2: {  	v13 =	vld [tilespmem:s16+$0x4000];
	_ =	sdelay $0x3  }
0xc3: {  	v14 =	vor.u32 s14, v1  }
0xc4: {  	vm1 =	vlt.s32 v14, v10;
	vm0 =	vlt.s32 v13, v12  }
0xc5: {  	vm2 =	vge.s32 v13, v11;
	vm0 =	vmand vm0, vm1  }
0xc6: {  	v14 =	vld [tilespmem:s16+$0x8080];
	vm0 =	vmand vm0, vm2  }
0xc7: {  	v15 =	vmpcnt.ones.xlane vm0  }
.Ltmp12:
0xc8: {  	s14 =	spop (v2sf);
	(pc) =	sbr.rel @!p3 .LBB2_15-.Ltmp12, $4  }
0xc9: {  	(v2sf) =	vpush v15, $0x0;
	s10 =	sadd.s32 s10, s14  }
0xca: {  	[tilespmem:s10+$0xC100] =	vst.msk vm0, v13  }
0xcb: {  	s13 =	sadd.s32 $0x10, s13;
	[tilespmem:s10+$0xC980] =	vst.msk vm0, v14  }
0xcc: {  	s15 =	sadd.s32 $0xFFFFFFFF, s15;
	s14 =	sadd.s32 s13, s11  }
.LBB2_16:
0xcd: {  	s15 =	sand.u32 $0xFFFFFF80, s14;
	s13 =	sand.u32 $0x70, s13  }
0xce: {  	s13 =	sor.u32 s13, s15  }
0xcf: {  	v13 =	vld [tilespmem:s13+$0x4000];
	_ =	sdelay $0x3  }
0xd0: {  	v14 =	vor.u32 s14, v1  }
0xd1: {  	vm1 =	vlt.s32 v14, v10;
	vm0 =	vlt.s32 v13, v12  }
0xd2: {  	vm2 =	vge.s32 v13, v11;
	vm0 =	vmand vm0, vm1  }
0xd3: {  	vm0 =	vmand vm0, vm2  }
0xd4: {  	v14 =	vmpcnt.ones.xlane vm0;
	_ =	sdelay $0x1  }
0xd5: {  	(v2sf) =	vpush v14, $0x0;
	_ =	sdelay $0xa  }
0xd6: {  	v14 =	vld [tilespmem:s13+$0x8080]  }
0xd7: {  	s13 =	spop @p2 (v2sf)  }
0xd8: {  	s10 =	sadd.s32 @p2 s10, s13;
	s13 =	simm.s32 $0x0  }
0xd9: {  	s13 =	smov.u32 @p2 s10  }
0xda: {  	[tilespmem:s13+$0xC100] =	vst.msk vm0, v13;
	s29 =	spop (v2sf)  }
0xdb: {  	[tilespmem:s13+$0xC980] =	vst.msk vm0, v14;
	s13 =	sadd.s32 s13, s29  }
0xdc: {  	p2 =	slt.s32 s13, $0x1  }
.Ltmp13:
0xdd: {  	_ = 	snop;
	(pc) =	sbr.rel @p2 .LBB2_22-.Ltmp13, $1  }
0xde: {  	_ =	sdelay $0x3  }
0xdf: {  	p3 =	sne.s32 s13, $0x1  }
.Ltmp14:
0xe0: {  	_ = 	snop;
	(pc) =	sbr.rel @!p3 .LBB2_12-.Ltmp14, $3  }
0xe1: {  	_ =	sdelay $0x1  }
0xe2: {  	s16 =	simm.s32 $0x0  }
0xe3: {  	s10 =	simm.s32 $0x1;
	p2 =	por $0x0, $0x0;
	s15 =	sand.u32 $0x7FFFFFF0, s16  }
0xe4: {  	v13 =	vld [tilespmem:s15+$0xC100];
	_ =	sdelay $0x2  }
0xe5: {  	s14 =	sand.u32 $0xF, s16  }
0xe6: {  	v14 =	vmov s14  }
0xe7: {  	v15 =	vld [tilespmem:s15+$0xC980];
	v13 =	vperm.xlane v13, v14;
	_ =	sdelay $0x1  }
0xe8: {  	v16 =	vsub.s32 v13, v11  }
0xe9: {  	v16 =	vshll.u32 v16, $0x3  }
0xea: {  	v13 =	vand.u32 $0x7F, v13;
	v16 =	vand.u32 $0xFFFFFC00, v16  }
0xeb: {  	s14 =	sadd.s32 $0x0, s31;
	v14 =	vperm.xlane v15, v14;
	v13 =	vor.u32 v13, v16  }
0xec: {  	p2 =	slt.s32 s14, $0x20;
	v15 =	vadd.s32 v2, v13  }
0xed: {  	s15 =	simm.s32 @!p2 $0x5;
	(v2sf) =	vpush v14, $0x0  }
0xee: {  	_ =	swait.ge @!p2 [sflag:s15], $0x40  }
0xef: {  	s21 =	sshra.s32 s14, $0x1F;
	[sflag:s15] =	ssyncset.done @!p2 $0x0  }
0xf0: {  	s16 =	sshrl.u32 s21, $0x1B;
	[sflag:s15] =	ssyncadd.s32 @!p2 $0xFFFFFFC0  }
0xf1: {  	s16 =	sadd.s32 s16, s14;
	v14 =	vld.idx.msk [tilespmem:v15+s17+$0x0], $0xffff  }
0xf2: {  	s15 =	sand.u32 $0xFFFFFFE0, s16;
	v15 =	vadd.s32 v3, v13  }
0xf3: {  	s14 =	ssub.s32 s14, s15  }
0xf4: {  	s14 =	sshll.u32 s14, $0x8  }
0xf5: {  	s16 =	sshra.s32 s14, $0x2  }
0xf6: {  	[tilespmem:s16+$0x1F200] =	vst v14  }
0xf7: {  	v14 =	vld.idx.msk [tilespmem:v15+s17+$0x0], $0xffff  }
0xf8: {  	v15 =	vadd.s32 v4, v13;
	_ =	sdelay $0x3  }
0xf9: {  	[tilespmem:s16+$0x1F210] =	vst v14  }
0xfa: {  	v14 =	vld.idx.msk [tilespmem:v15+s17+$0x0], $0xffff  }
0xfb: {  	v13 =	vadd.s32 v5, v13;
	_ =	sdelay $0x3  }
0xfc: {  	[tilespmem:s16+$0x1F220] =	vst v14  }
0xfd: {  	p3 =	sne.s32 s13, $0x2;
	v13 =	vld.idx.msk [tilespmem:v13+s17+$0x0], $0xffff  }
.Ltmp15:
0xfe: {  	_ = 	snop;
	(pc) =	sbr.rel @!p3 .LBB2_18-.Ltmp15, $4  }
0xff: {  	s21 =	spop (v2sf)  }
0x100: {  	s21 =	sshll.u32 s21, $0x4  }
0x101: {  	p2 =	por $0x1, $0x1;
	s15 =	sand.u32 $0x7FFFFFF0, s10;
	s29 =	sand.u32 $0x1FFFFFF0, s21  }
0x102: {  	s14 =	simm.s32 $0x2;
	s21 =	sadd.s32 $0x1F200, s16;
	s29 =	sadd.s32 s7, s29;
	[tilespmem:s16+$0x1F230] =	vst v13  }
.LBB2_19:
0x103: {  	[hbm4b:s29+s5] =	stream.linear.scatter [tilespmem:s21], [sflag:$0x5], $0x40, $0x38;
	[tilespmem:$0x1FA00] =	vst v63  }
0x104: {  	s16 =	sand.u32 $0x7FFFFFF0, s14;
	s21 =	smov.u32 s14;
	s14 =	sadd.s32 $0x1, s14;
	v13 =	vld [tilespmem:s15+$0xC100]  }
0x105: {  	p3 =	sne.s32 s13, s14;
	v14 =	vld [tilespmem:s15+$0xC980];
	s15 =	smov.u32 s16;
	_ =	sdelay $0x1  }
0x106: {  	s16 =	sand.u32 $0xF, s10  }
0x107: {  	v15 =	vmov s16  }
0x108: {  	v13 =	vperm.xlane v13, v15  }
0x109: {  	v14 =	vperm.xlane v14, v15  }
0x10a: {  	v15 =	vsub.s32 v13, v11  }
0x10b: {  	v15 =	vshll.u32 v15, $0x3;
	(v2sf) =	vpush v14, $0x0  }
0x10c: {  	v13 =	vand.u32 $0x7F, v13;
	v14 =	vand.u32 $0xFFFFFC00, v15  }
0x10d: {  	s16 =	sadd.s32 s10, s31;
	s10 =	smov.u32 s21;
	v13 =	vor.u32 v13, v14  }
0x10e: {  	s21 =	sshra.s32 s16, $0x1F;
	p4 =	slt.s32 s16, $0x20;
	v14 =	vadd.s32 v2, v13  }
0x10f: {  	s21 =	sshrl.u32 s21, $0x1B;
	s29 =	simm.s32 @!p4 $0x5  }
0x110: {  	s21 =	sadd.s32 s21, s16;
	_ =	swait.ge @!p4 [sflag:s29], $0x40  }
0x111: {  	s21 =	sand.u32 $0xFFFFFFE0, s21;
	[sflag:s29] =	ssyncset.done @!p4 $0x0  }
0x112: {  	s16 =	ssub.s32 s16, s21;
	[sflag:s29] =	ssyncadd.s32 @!p4 $0xFFFFFFC0  }
0x113: {  	s16 =	sshll.u32 s16, $0x8;
	v14 =	vld.idx.msk [tilespmem:v14+s17+$0x0], $0xffff;
	_ =	sdelay $0x1  }
0x114: {  	v15 =	vadd.s32 v3, v13;
	_ =	sdelay $0x2  }
0x115: {  	s16 =	sshra.s32 s16, $0x2  }
0x116: {  	[tilespmem:s16+$0x1F200] =	vst v14  }
0x117: {  	v14 =	vld.idx.msk [tilespmem:v15+s17+$0x0], $0xffff;
	s21 =	spop (v2sf)  }
0x118: {  	s21 =	sshll.u32 s21, $0x4  }
0x119: {  	v15 =	vadd.s32 v4, v13;
	s29 =	sand.u32 $0x1FFFFFF0, s21;
	_ =	sdelay $0x3  }
0x11a: {  	[tilespmem:s16+$0x1F210] =	vst v14  }
0x11b: {  	v14 =	vld.idx.msk [tilespmem:v15+s17+$0x0], $0xffff;
	_ =	sdelay $0x1  }
0x11c: {  	v13 =	vadd.s32 v5, v13;
	_ =	sdelay $0x3  }
0x11d: {  	[tilespmem:s16+$0x1F220] =	vst v14  }
0x11e: {  	v13 =	vld.idx.msk [tilespmem:v13+s17+$0x0], $0xffff;
	_ =	sdelay $0x1  }
.Ltmp16:
0x11f: {  	(pc) =	sbr.rel @p3 .LBB2_19-.Ltmp16, $2  }
0x120: {  	_ =	sdelay $0x2  }
0x121: {  	s21 =	sadd.s32 $0x1F200, s16;
	s29 =	sadd.s32 s7, s29;
	[tilespmem:s16+$0x1F230] =	vst v13  }
.Ltmp17:
0x122: {  	(pc) =	sbr.rel .LBB2_21-.Ltmp17, $2  }
0x123: {  	_ =	sdelay $0x2  }
0x124: {  	s16 =	smov.u32 s10  }
.LBB2_9:
.Ltmp18:
0x125: {  	(pc) =	sbr.rel .LBB2_16-.Ltmp18, $2  }
0x126: {  	_ =	sdelay $0x2  }
0x127: {  	s13 =	simm.s32 $0x0;
	s10 =	simm.s32 $0x0  }
.LBB2_14:
.Ltmp19:
0x128: {  	(pc) =	sbr.rel .LBB2_16-.Ltmp19, $2  }
0x129: {  	_ =	sdelay $0x2  }
0x12a: {  	s10 =	simm.s32 $0x0  }
.LBB2_18:
.Ltmp20:
0x12b: {  	(pc) =	sbr.rel .LBB2_21-.Ltmp20, $2  }
0x12c: {  	_ =	sdelay $0x2  }
0x12d: {  	s16 =	simm.s32 $0x1  }
.LBB2_23:
0x12e: {  	s3 =	sadd.s32 $0x4, s1  }
0x12f: {  	p2 =	sge.u32 s3, s9  }
0x130: {  	s3 =	sshll.u32 @!p2 s3, $0xB  }
0x131: {  	s3 =	sadd.s32 @!p2 s6, s3  }
0x132: {  	s10 =	simm.s32 @!p2 $0x800;
	s3 =	sshrl.u32 @!p2 s3, $0x3  }
0x133: {  	s11 =	simm.s32 @!p2 $0x7A1400;
	s12 =	simm.s32 @!p2 $0xD200;
	s3 =	sadd.s32 @!p2 s2, s3  }
0x134: {  	[tilespmem:s12], [sflag:$0x1] =	stream.strided.gather @!p2 [hbm4b:s3+s10], $0x4000, s11, s10, $0x38;
	[tilespmem:$0x1FA00] =	vst v63  }
.LBB2_24:
0x135: {  	s3 =	sor.u32 $0x1, s1  }
0x136: {  	p2 =	sge.u32 s3, s9  }
.Ltmp21:
0x137: {  	_ = 	snop;
	(pc) =	sbr.rel @p2 .LBB2_44-.Ltmp21, $1  }
0x138: {  	_ =	sdelay $0x3  }
.Ltmp22:
0x139: {  	(pc) =	sbr.rel @p1 .LBB2_43-.Ltmp22, $4  }
0x13a: {  	_ = 	snop  }
0x13b: {  	_ =	swait.ge [sflag:s24], $0x4000  }
0x13c: {  	[sflag:s24] =	ssyncset.done $0x0  }
0x13d: {  	[sflag:s24] =	ssyncadd.s32 $0xFFFFC000  }
.Ltmp23:
0x13e: {  	(pc) =	sbr.rel .LBB2_27-.Ltmp23, $4  }
0x13f: {  	s3 =	sshll.u32 s3, $0x8  }
0x140: {  	s3 =	sadd.s32 s8, s3  }
0x141: {  	s10 =	sadd.s32 $0x100, s3  }
0x142: {  	s11 =	simm.s32 $0x0;
	s12 =	simm.s32 $0x0;
	v11 =	vmov s3;
	s3 =	simm.s32 $0x0;
	v12 =	vmov s10  }
.LBB2_32:
0x143: {  	s14 =	simm.s32 $0x1  }
.LBB2_41:
0x144: {  	[hbm4b:s29+s5] =	stream.linear.scatter @p2 [tilespmem:s21], [sflag:$0x5], $0x40, $0x38;
	[tilespmem:$0x1FA00] =	vst v63  }
0x145: {  	v13 =	vld [tilespmem:s16+$0xC100];
	_ =	sdelay $0x2  }
0x146: {  	s10 =	sand.u32 $0xF, s15  }
0x147: {  	v14 =	vmov s10  }
0x148: {  	v15 =	vld [tilespmem:s16+$0xC980];
	v13 =	vperm.xlane v13, v14;
	_ =	sdelay $0x1  }
0x149: {  	v16 =	vsub.s32 v13, v11  }
0x14a: {  	v16 =	vshll.u32 v16, $0x3  }
0x14b: {  	v13 =	vand.u32 $0x7F, v13;
	v16 =	vand.u32 $0xFFFFFC00, v16  }
0x14c: {  	s29 =	sadd.s32 s15, s31;
	v14 =	vperm.xlane v15, v14;
	v13 =	vor.u32 v13, v16  }
0x14d: {  	p2 =	slt.s32 s29, $0x20;
	v15 =	vadd.s32 v2, v13  }
0x14e: {  	s13 =	simm.s32 @!p2 $0x5;
	(v2sf) =	vpush v14, $0x0  }
0x14f: {  	_ =	swait.ge @!p2 [sflag:s13], $0x40  }
0x150: {  	s15 =	sshra.s32 s29, $0x1F;
	[sflag:s13] =	ssyncset.done @!p2 $0x0  }
0x151: {  	s15 =	sshrl.u32 s15, $0x1B;
	[sflag:s13] =	ssyncadd.s32 @!p2 $0xFFFFFFC0  }
0x152: {  	s15 =	sadd.s32 s15, s29;
	v14 =	vld.idx.msk [tilespmem:v15+s18+$0x0], $0xffff  }
0x153: {  	s13 =	sand.u32 $0xFFFFFFE0, s15;
	v15 =	vadd.s32 v3, v13  }
0x154: {  	s10 =	ssub.s32 s29, s13  }
0x155: {  	s10 =	sshll.u32 s10, $0x8  }
0x156: {  	s10 =	sshra.s32 s10, $0x2  }
0x157: {  	[tilespmem:s10+$0x1F200] =	vst v14  }
0x158: {  	v14 =	vld.idx.msk [tilespmem:v15+s18+$0x0], $0xffff  }
0x159: {  	v15 =	vadd.s32 v4, v13;
	_ =	sdelay $0x3  }
0x15a: {  	[tilespmem:s10+$0x1F210] =	vst v14  }
0x15b: {  	v14 =	vld.idx.msk [tilespmem:v15+s18+$0x0], $0xffff  }
0x15c: {  	v13 =	vadd.s32 v5, v13;
	_ =	sdelay $0x3  }
0x15d: {  	[tilespmem:s10+$0x1F220] =	vst v14  }
0x15e: {  	v13 =	vld.idx.msk [tilespmem:v13+s18+$0x0], $0xffff;
	_ =	sdelay $0x1  }
0x15f: {  	s16 =	spop (v2sf)  }
0x160: {  	s13 =	sshll.u32 s16, $0x4  }
0x161: {  	s13 =	sand.u32 $0x1FFFFFF0, s13  }
0x162: {  	s31 =	sadd.s32 s14, s31;
	s21 =	sadd.s32 $0x1F200, s10;
	s29 =	sadd.s32 s7, s13;
	[tilespmem:s10+$0x1F230] =	vst v13  }
0x163: {  	[hbm4b:s29+s5] =	stream.linear.scatter [tilespmem:s21], [sflag:$0x5], $0x40, $0x38;
	[tilespmem:$0x1FA00] =	vst v63  }
.LBB2_42:
0x164: {  	s12 =	sadd.s32 $0x1, s12  }
0x165: {  	p2 =	sne.s32 s12, s4  }
.Ltmp24:
0x166: {  	_ = 	snop;
	(pc) =	sbr.rel @!p2 .LBB2_43-.Ltmp24, $2  }
0x167: {  	_ =	sdelay $0x2  }
0x168: {  	s11 =	sadd.s32 $0x800, s11  }
.LBB2_27:
0x169: {  	s10 =	sshll.u32 s12, $0xB  }
0x16a: {  	s10 =	ssub.s32 s30, s10  }
0x16b: {  	p2 =	slt.s32 s10, $0x800  }
0x16c: {  	p3 =	slt.s32 s10, $0xFFFFFFF2;
	s10 =	simm.s32 @!p2 $0x800  }
0x16d: {  	s10 =	sadd.s32 $0xF, s10  }
0x16e: {  	s13 =	sand.u32 $0xF, s10  }
0x16f: {  	s29 =	sshra.s32 s10, $0x1F;
	p6 =	sne.s32 s13, $0x0  }
0x170: {  	s13 =	sshrl.u32 s29, $0x1C;
	p2 =	por !p3, !p6  }
0x171: {  	s10 =	sadd.s32 s13, s10;
	s13 =	simm.s32 $0x1;
	p2 =	por !p2, !p2  }
0x172: {  	s10 =	sshra.s32 s10, $0x4;
	s13 =	simm.s32 @!p2 $0x0  }
0x173: {  	s10 =	ssub.s32 s10, s13  }
0x174: {  	p2 =	sgt.s32 s10, $0x0  }
.Ltmp25:
0x175: {  	_ = 	snop;
	(pc) =	sbr.rel @!p2 .LBB2_42-.Ltmp25, $1  }
0x176: {  	_ =	sdelay $0x3  }
0x177: {  	p3 =	seq.s32 s10, $0x1  }
.Ltmp26:
0x178: {  	_ = 	snop;
	(pc) =	sbr.rel @p3 .LBB2_29-.Ltmp26, $2  }
0x179: {  	_ =	sdelay $0x2  }
0x17a: {  	s14 =	sadd.s32 s3, s11;
	s10 =	sadd.s32 $0xFFFFFFFF, s10;
	p2 =	por $0x0, $0x0  }
0x17b: {  	s13 =	sand.u32 $0xFFFFFF80, s14;
	s15 =	sand.u32 $0x70, s3  }
0x17c: {  	s13 =	sor.u32 s15, s13  }
0x17d: {  	v13 =	vld [tilespmem:s13+$0x4000];
	_ =	sdelay $0x3  }
0x17e: {  	v14 =	vor.u32 s14, v1  }
0x17f: {  	vm1 =	vlt.s32 v14, v10;
	vm0 =	vlt.s32 v13, v12  }
0x180: {  	vm15 =	vge.s32 v13, v11;
	vm0 =	vmand vm0, vm1  }
0x181: {  	vm0 =	vmand vm0, vm15  }
0x182: {  	p3 =	seq.s32 s10, $0x1;
	v14 =	vld [tilespmem:s13+$0x8080];
	v15 =	vmpcnt.ones.xlane vm0  }
.Ltmp27:
0x183: {  	_ = 	snop;
	(pc) =	sbr.rel @p3 .LBB2_34-.Ltmp27, $3  }
0x184: {  	(v2sf) =	vpush v15, $0x0;
	_ =	sdelay $0x1  }
0x185: {  	p2 =	por $0x1, $0x1;
	s13 =	sadd.s32 $0x10, s3;
	[tilespmem:s3+$0xC100] =	vst.msk vm0, v13  }
0x186: {  	s15 =	sadd.s32 $0xFFFFFFFF, s10;
	s10 =	simm.s32 $0x0;
	s14 =	sadd.s32 s13, s11;
	[tilespmem:s3+$0xC980] =	vst.msk vm0, v14  }
.LBB2_35:
0x187: {  	p3 =	seq.s32 s15, $0x1;
	s16 =	sand.u32 $0xFFFFFF80, s14;
	s21 =	sand.u32 $0x70, s13  }
0x188: {  	s16 =	sor.u32 s21, s16  }
0x189: {  	v13 =	vld [tilespmem:s16+$0x4000];
	_ =	sdelay $0x3  }
0x18a: {  	v14 =	vor.u32 s14, v1  }
0x18b: {  	vm1 =	vlt.s32 v14, v10;
	vm0 =	vlt.s32 v13, v12  }
0x18c: {  	vm2 =	vge.s32 v13, v11;
	vm0 =	vmand vm0, vm1  }
0x18d: {  	v14 =	vld [tilespmem:s16+$0x8080];
	vm0 =	vmand vm0, vm2  }
0x18e: {  	v15 =	vmpcnt.ones.xlane vm0  }
.Ltmp28:
0x18f: {  	s14 =	spop (v2sf);
	(pc) =	sbr.rel @!p3 .LBB2_35-.Ltmp28, $4  }
0x190: {  	(v2sf) =	vpush v15, $0x0;
	s10 =	sadd.s32 s10, s14  }
0x191: {  	[tilespmem:s10+$0xC100] =	vst.msk vm0, v13  }
0x192: {  	s13 =	sadd.s32 $0x10, s13;
	[tilespmem:s10+$0xC980] =	vst.msk vm0, v14  }
0x193: {  	s15 =	sadd.s32 $0xFFFFFFFF, s15;
	s14 =	sadd.s32 s13, s11  }
.LBB2_36:
0x194: {  	s15 =	sand.u32 $0xFFFFFF80, s14;
	s13 =	sand.u32 $0x70, s13  }
0x195: {  	s13 =	sor.u32 s13, s15  }
0x196: {  	v13 =	vld [tilespmem:s13+$0x4000];
	_ =	sdelay $0x3  }
0x197: {  	v14 =	vor.u32 s14, v1  }
0x198: {  	vm1 =	vlt.s32 v14, v10;
	vm0 =	vlt.s32 v13, v12  }
0x199: {  	vm2 =	vge.s32 v13, v11;
	vm0 =	vmand vm0, vm1  }
0x19a: {  	vm0 =	vmand vm0, vm2  }
0x19b: {  	v14 =	vmpcnt.ones.xlane vm0;
	_ =	sdelay $0x1  }
0x19c: {  	(v2sf) =	vpush v14, $0x0;
	_ =	sdelay $0xa  }
0x19d: {  	v14 =	vld [tilespmem:s13+$0x8080]  }
0x19e: {  	s13 =	spop @p2 (v2sf)  }
0x19f: {  	s10 =	sadd.s32 @p2 s10, s13;
	s13 =	simm.s32 $0x0  }
0x1a0: {  	s13 =	smov.u32 @p2 s10  }
0x1a1: {  	[tilespmem:s13+$0xC100] =	vst.msk vm0, v13;
	s29 =	spop (v2sf)  }
0x1a2: {  	[tilespmem:s13+$0xC980] =	vst.msk vm0, v14;
	s13 =	sadd.s32 s13, s29  }
0x1a3: {  	p2 =	slt.s32 s13, $0x1  }
.Ltmp29:
0x1a4: {  	_ = 	snop;
	(pc) =	sbr.rel @p2 .LBB2_42-.Ltmp29, $1  }
0x1a5: {  	_ =	sdelay $0x3  }
0x1a6: {  	p3 =	sne.s32 s13, $0x1  }
.Ltmp30:
0x1a7: {  	_ = 	snop;
	(pc) =	sbr.rel @!p3 .LBB2_32-.Ltmp30, $3  }
0x1a8: {  	_ =	sdelay $0x1  }
0x1a9: {  	s15 =	simm.s32 $0x0  }
0x1aa: {  	s10 =	simm.s32 $0x1;
	p2 =	por $0x0, $0x0;
	s16 =	sand.u32 $0x7FFFFFF0, s15  }
0x1ab: {  	v13 =	vld [tilespmem:s16+$0xC100];
	_ =	sdelay $0x2  }
0x1ac: {  	s14 =	sand.u32 $0xF, s15  }
0x1ad: {  	v14 =	vmov s14  }
0x1ae: {  	v15 =	vld [tilespmem:s16+$0xC980];
	v13 =	vperm.xlane v13, v14;
	_ =	sdelay $0x1  }
0x1af: {  	v16 =	vsub.s32 v13, v11  }
0x1b0: {  	v16 =	vshll.u32 v16, $0x3  }
0x1b1: {  	v13 =	vand.u32 $0x7F, v13;
	v16 =	vand.u32 $0xFFFFFC00, v16  }
0x1b2: {  	s14 =	sadd.s32 $0x0, s31;
	v14 =	vperm.xlane v15, v14;
	v13 =	vor.u32 v13, v16  }
0x1b3: {  	p2 =	slt.s32 s14, $0x20;
	v15 =	vadd.s32 v2, v13  }
0x1b4: {  	s15 =	simm.s32 @!p2 $0x5;
	(v2sf) =	vpush v14, $0x0  }
0x1b5: {  	_ =	swait.ge @!p2 [sflag:s15], $0x40  }
0x1b6: {  	s21 =	sshra.s32 s14, $0x1F;
	[sflag:s15] =	ssyncset.done @!p2 $0x0  }
0x1b7: {  	s16 =	sshrl.u32 s21, $0x1B;
	[sflag:s15] =	ssyncadd.s32 @!p2 $0xFFFFFFC0  }
0x1b8: {  	s16 =	sadd.s32 s16, s14;
	v14 =	vld.idx.msk [tilespmem:v15+s18+$0x0], $0xffff  }
0x1b9: {  	s15 =	sand.u32 $0xFFFFFFE0, s16;
	v15 =	vadd.s32 v3, v13  }
0x1ba: {  	s14 =	ssub.s32 s14, s15  }
0x1bb: {  	s14 =	sshll.u32 s14, $0x8  }
0x1bc: {  	s16 =	sshra.s32 s14, $0x2  }
0x1bd: {  	[tilespmem:s16+$0x1F200] =	vst v14  }
0x1be: {  	v14 =	vld.idx.msk [tilespmem:v15+s18+$0x0], $0xffff  }
0x1bf: {  	v15 =	vadd.s32 v4, v13;
	_ =	sdelay $0x3  }
0x1c0: {  	[tilespmem:s16+$0x1F210] =	vst v14  }
0x1c1: {  	v14 =	vld.idx.msk [tilespmem:v15+s18+$0x0], $0xffff  }
0x1c2: {  	v13 =	vadd.s32 v5, v13;
	_ =	sdelay $0x3  }
0x1c3: {  	[tilespmem:s16+$0x1F220] =	vst v14  }
0x1c4: {  	p3 =	sne.s32 s13, $0x2;
	v13 =	vld.idx.msk [tilespmem:v13+s18+$0x0], $0xffff  }
.Ltmp31:
0x1c5: {  	_ = 	snop;
	(pc) =	sbr.rel @!p3 .LBB2_38-.Ltmp31, $4  }
0x1c6: {  	s21 =	spop (v2sf)  }
0x1c7: {  	s21 =	sshll.u32 s21, $0x4  }
0x1c8: {  	p2 =	por $0x1, $0x1;
	s15 =	sand.u32 $0x7FFFFFF0, s10;
	s29 =	sand.u32 $0x1FFFFFF0, s21  }
0x1c9: {  	s14 =	simm.s32 $0x2;
	s21 =	sadd.s32 $0x1F200, s16;
	s29 =	sadd.s32 s7, s29;
	[tilespmem:s16+$0x1F230] =	vst v13  }
.LBB2_39:
0x1ca: {  	[hbm4b:s29+s5] =	stream.linear.scatter [tilespmem:s21], [sflag:$0x5], $0x40, $0x38;
	[tilespmem:$0x1FA00] =	vst v63  }
0x1cb: {  	s16 =	sand.u32 $0x7FFFFFF0, s14;
	s21 =	smov.u32 s14;
	s14 =	sadd.s32 $0x1, s14;
	v13 =	vld [tilespmem:s15+$0xC100]  }
0x1cc: {  	p3 =	sne.s32 s13, s14;
	v14 =	vld [tilespmem:s15+$0xC980];
	s15 =	smov.u32 s16;
	_ =	sdelay $0x1  }
0x1cd: {  	s16 =	sand.u32 $0xF, s10  }
0x1ce: {  	v15 =	vmov s16  }
0x1cf: {  	v13 =	vperm.xlane v13, v15  }
0x1d0: {  	v14 =	vperm.xlane v14, v15  }
0x1d1: {  	v15 =	vsub.s32 v13, v11  }
0x1d2: {  	v15 =	vshll.u32 v15, $0x3;
	(v2sf) =	vpush v14, $0x0  }
0x1d3: {  	v13 =	vand.u32 $0x7F, v13;
	v14 =	vand.u32 $0xFFFFFC00, v15  }
0x1d4: {  	s16 =	sadd.s32 s10, s31;
	s10 =	smov.u32 s21;
	v13 =	vor.u32 v13, v14  }
0x1d5: {  	s21 =	sshra.s32 s16, $0x1F;
	p4 =	slt.s32 s16, $0x20;
	v14 =	vadd.s32 v2, v13  }
0x1d6: {  	s21 =	sshrl.u32 s21, $0x1B;
	s29 =	simm.s32 @!p4 $0x5  }
0x1d7: {  	s21 =	sadd.s32 s21, s16;
	_ =	swait.ge @!p4 [sflag:s29], $0x40  }
0x1d8: {  	s21 =	sand.u32 $0xFFFFFFE0, s21;
	[sflag:s29] =	ssyncset.done @!p4 $0x0  }
0x1d9: {  	s16 =	ssub.s32 s16, s21;
	[sflag:s29] =	ssyncadd.s32 @!p4 $0xFFFFFFC0  }
0x1da: {  	s16 =	sshll.u32 s16, $0x8;
	v14 =	vld.idx.msk [tilespmem:v14+s18+$0x0], $0xffff;
	_ =	sdelay $0x1  }
0x1db: {  	v15 =	vadd.s32 v3, v13;
	_ =	sdelay $0x2  }
0x1dc: {  	s16 =	sshra.s32 s16, $0x2  }
0x1dd: {  	[tilespmem:s16+$0x1F200] =	vst v14  }
0x1de: {  	v14 =	vld.idx.msk [tilespmem:v15+s18+$0x0], $0xffff;
	s21 =	spop (v2sf)  }
0x1df: {  	s21 =	sshll.u32 s21, $0x4  }
0x1e0: {  	v15 =	vadd.s32 v4, v13;
	s29 =	sand.u32 $0x1FFFFFF0, s21;
	_ =	sdelay $0x3  }
0x1e1: {  	[tilespmem:s16+$0x1F210] =	vst v14  }
0x1e2: {  	v14 =	vld.idx.msk [tilespmem:v15+s18+$0x0], $0xffff;
	_ =	sdelay $0x1  }
0x1e3: {  	v13 =	vadd.s32 v5, v13;
	_ =	sdelay $0x3  }
0x1e4: {  	[tilespmem:s16+$0x1F220] =	vst v14  }
0x1e5: {  	v13 =	vld.idx.msk [tilespmem:v13+s18+$0x0], $0xffff;
	_ =	sdelay $0x1  }
.Ltmp32:
0x1e6: {  	(pc) =	sbr.rel @p3 .LBB2_39-.Ltmp32, $2  }
0x1e7: {  	_ =	sdelay $0x2  }
0x1e8: {  	s21 =	sadd.s32 $0x1F200, s16;
	s29 =	sadd.s32 s7, s29;
	[tilespmem:s16+$0x1F230] =	vst v13  }
.Ltmp33:
0x1e9: {  	(pc) =	sbr.rel .LBB2_41-.Ltmp33, $2  }
0x1ea: {  	_ =	sdelay $0x2  }
0x1eb: {  	s16 =	smov.u32 s15;
	s15 =	smov.u32 s10  }
.LBB2_29:
.Ltmp34:
0x1ec: {  	(pc) =	sbr.rel .LBB2_36-.Ltmp34, $2  }
0x1ed: {  	_ =	sdelay $0x2  }
0x1ee: {  	s13 =	simm.s32 $0x0;
	s10 =	simm.s32 $0x0  }
.LBB2_34:
.Ltmp35:
0x1ef: {  	(pc) =	sbr.rel .LBB2_36-.Ltmp35, $2  }
0x1f0: {  	_ =	sdelay $0x2  }
0x1f1: {  	s10 =	simm.s32 $0x0  }
.LBB2_38:
.Ltmp36:
0x1f2: {  	(pc) =	sbr.rel .LBB2_41-.Ltmp36, $2  }
0x1f3: {  	_ =	sdelay $0x2  }
0x1f4: {  	s16 =	smov.u32 s15;
	s15 =	simm.s32 $0x1  }
.LBB2_43:
0x1f5: {  	s3 =	sadd.s32 $0x5, s1  }
0x1f6: {  	p2 =	sge.u32 s3, s9  }
0x1f7: {  	s3 =	sshll.u32 @!p2 s3, $0xB  }
0x1f8: {  	s3 =	sadd.s32 @!p2 s6, s3  }
0x1f9: {  	s10 =	simm.s32 @!p2 $0x800;
	s3 =	sshrl.u32 @!p2 s3, $0x3  }
0x1fa: {  	s11 =	simm.s32 @!p2 $0x7A1400;
	s12 =	simm.s32 @!p2 $0x11200;
	s3 =	sadd.s32 @!p2 s2, s3  }
0x1fb: {  	[tilespmem:s12], [sflag:$0x2] =	stream.strided.gather @!p2 [hbm4b:s3+s10], $0x4000, s11, s10, $0x38;
	[tilespmem:$0x1FA00] =	vst v63  }
.LBB2_44:
0x1fc: {  	s3 =	sor.u32 $0x2, s1  }
0x1fd: {  	p2 =	sge.u32 s3, s9  }
.Ltmp37:
0x1fe: {  	_ = 	snop;
	(pc) =	sbr.rel @p2 .LBB2_64-.Ltmp37, $1  }
0x1ff: {  	_ =	sdelay $0x3  }
.Ltmp38:
0x200: {  	(pc) =	sbr.rel @p1 .LBB2_63-.Ltmp38, $4  }
0x201: {  	_ = 	snop  }
0x202: {  	_ =	swait.ge [sflag:s25], $0x4000  }
0x203: {  	[sflag:s25] =	ssyncset.done $0x0  }
0x204: {  	[sflag:s25] =	ssyncadd.s32 $0xFFFFC000  }
.Ltmp39:
0x205: {  	(pc) =	sbr.rel .LBB2_47-.Ltmp39, $4  }
0x206: {  	s3 =	sshll.u32 s3, $0x8  }
0x207: {  	s3 =	sadd.s32 s8, s3  }
0x208: {  	s10 =	sor.u32 $0x100, s3  }
0x209: {  	s11 =	simm.s32 $0x0;
	s12 =	simm.s32 $0x0;
	v11 =	vmov s3;
	s3 =	simm.s32 $0x0;
	v12 =	vmov s10  }
.LBB2_52:
0x20a: {  	s14 =	simm.s32 $0x1  }
.LBB2_61:
0x20b: {  	[hbm4b:s29+s5] =	stream.linear.scatter @p2 [tilespmem:s21], [sflag:$0x5], $0x40, $0x38;
	[tilespmem:$0x1FA00] =	vst v63  }
0x20c: {  	v13 =	vld [tilespmem:s16+$0xC100];
	_ =	sdelay $0x2  }
0x20d: {  	s10 =	sand.u32 $0xF, s15  }
0x20e: {  	v14 =	vmov s10  }
0x20f: {  	v15 =	vld [tilespmem:s16+$0xC980];
	v13 =	vperm.xlane v13, v14;
	_ =	sdelay $0x1  }
0x210: {  	v16 =	vsub.s32 v13, v11  }
0x211: {  	v16 =	vshll.u32 v16, $0x3  }
0x212: {  	v13 =	vand.u32 $0x7F, v13;
	v16 =	vand.u32 $0xFFFFFC00, v16  }
0x213: {  	s29 =	sadd.s32 s15, s31;
	v14 =	vperm.xlane v15, v14;
	v13 =	vor.u32 v13, v16  }
0x214: {  	p2 =	slt.s32 s29, $0x20;
	v15 =	vadd.s32 v2, v13  }
0x215: {  	s13 =	simm.s32 @!p2 $0x5;
	(v2sf) =	vpush v14, $0x0  }
0x216: {  	_ =	swait.ge @!p2 [sflag:s13], $0x40  }
0x217: {  	s15 =	sshra.s32 s29, $0x1F;
	[sflag:s13] =	ssyncset.done @!p2 $0x0  }
0x218: {  	s15 =	sshrl.u32 s15, $0x1B;
	[sflag:s13] =	ssyncadd.s32 @!p2 $0xFFFFFFC0  }
0x219: {  	s15 =	sadd.s32 s15, s29;
	v14 =	vld.idx.msk [tilespmem:v15+s19+$0x0], $0xffff  }
0x21a: {  	s13 =	sand.u32 $0xFFFFFFE0, s15;
	v15 =	vadd.s32 v3, v13  }
0x21b: {  	s10 =	ssub.s32 s29, s13  }
0x21c: {  	s10 =	sshll.u32 s10, $0x8  }
0x21d: {  	s10 =	sshra.s32 s10, $0x2  }
0x21e: {  	[tilespmem:s10+$0x1F200] =	vst v14  }
0x21f: {  	v14 =	vld.idx.msk [tilespmem:v15+s19+$0x0], $0xffff  }
0x220: {  	v15 =	vadd.s32 v4, v13;
	_ =	sdelay $0x3  }
0x221: {  	[tilespmem:s10+$0x1F210] =	vst v14  }
0x222: {  	v14 =	vld.idx.msk [tilespmem:v15+s19+$0x0], $0xffff  }
0x223: {  	v13 =	vadd.s32 v5, v13;
	_ =	sdelay $0x3  }
0x224: {  	[tilespmem:s10+$0x1F220] =	vst v14  }
0x225: {  	v13 =	vld.idx.msk [tilespmem:v13+s19+$0x0], $0xffff;
	_ =	sdelay $0x1  }
0x226: {  	s16 =	spop (v2sf)  }
0x227: {  	s13 =	sshll.u32 s16, $0x4  }
0x228: {  	s13 =	sand.u32 $0x1FFFFFF0, s13  }
0x229: {  	s31 =	sadd.s32 s14, s31;
	s21 =	sadd.s32 $0x1F200, s10;
	s29 =	sadd.s32 s7, s13;
	[tilespmem:s10+$0x1F230] =	vst v13  }
0x22a: {  	[hbm4b:s29+s5] =	stream.linear.scatter [tilespmem:s21], [sflag:$0x5], $0x40, $0x38;
	[tilespmem:$0x1FA00] =	vst v63  }
.LBB2_62:
0x22b: {  	s12 =	sadd.s32 $0x1, s12  }
0x22c: {  	p2 =	sne.s32 s12, s4  }
.Ltmp40:
0x22d: {  	_ = 	snop;
	(pc) =	sbr.rel @!p2 .LBB2_63-.Ltmp40, $2  }
0x22e: {  	_ =	sdelay $0x2  }
0x22f: {  	s11 =	sadd.s32 $0x800, s11  }
.LBB2_47:
0x230: {  	s10 =	sshll.u32 s12, $0xB  }
0x231: {  	s10 =	ssub.s32 s30, s10  }
0x232: {  	p2 =	slt.s32 s10, $0x800  }
0x233: {  	p3 =	slt.s32 s10, $0xFFFFFFF2;
	s10 =	simm.s32 @!p2 $0x800  }
0x234: {  	s10 =	sadd.s32 $0xF, s10  }
0x235: {  	s13 =	sand.u32 $0xF, s10  }
0x236: {  	s29 =	sshra.s32 s10, $0x1F;
	p6 =	sne.s32 s13, $0x0  }
0x237: {  	s13 =	sshrl.u32 s29, $0x1C;
	p2 =	por !p3, !p6  }
0x238: {  	s10 =	sadd.s32 s13, s10;
	s13 =	simm.s32 $0x1;
	p2 =	por !p2, !p2  }
0x239: {  	s10 =	sshra.s32 s10, $0x4;
	s13 =	simm.s32 @!p2 $0x0  }
0x23a: {  	s10 =	ssub.s32 s10, s13  }
0x23b: {  	p2 =	sgt.s32 s10, $0x0  }
.Ltmp41:
0x23c: {  	_ = 	snop;
	(pc) =	sbr.rel @!p2 .LBB2_62-.Ltmp41, $1  }
0x23d: {  	_ =	sdelay $0x3  }
0x23e: {  	p3 =	seq.s32 s10, $0x1  }
.Ltmp42:
0x23f: {  	_ = 	snop;
	(pc) =	sbr.rel @p3 .LBB2_49-.Ltmp42, $2  }
0x240: {  	_ =	sdelay $0x2  }
0x241: {  	s14 =	sadd.s32 s3, s11;
	s10 =	sadd.s32 $0xFFFFFFFF, s10;
	p2 =	por $0x0, $0x0  }
0x242: {  	s13 =	sand.u32 $0xFFFFFF80, s14;
	s15 =	sand.u32 $0x70, s3  }
0x243: {  	s13 =	sor.u32 s15, s13  }
0x244: {  	v13 =	vld [tilespmem:s13+$0x4000];
	_ =	sdelay $0x3  }
0x245: {  	v14 =	vor.u32 s14, v1  }
0x246: {  	vm1 =	vlt.s32 v14, v10;
	vm0 =	vlt.s32 v13, v12  }
0x247: {  	vm15 =	vge.s32 v13, v11;
	vm0 =	vmand vm0, vm1  }
0x248: {  	vm0 =	vmand vm0, vm15  }
0x249: {  	p3 =	seq.s32 s10, $0x1;
	v14 =	vld [tilespmem:s13+$0x8080];
	v15 =	vmpcnt.ones.xlane vm0  }
.Ltmp43:
0x24a: {  	_ = 	snop;
	(pc) =	sbr.rel @p3 .LBB2_54-.Ltmp43, $3  }
0x24b: {  	(v2sf) =	vpush v15, $0x0;
	_ =	sdelay $0x1  }
0x24c: {  	p2 =	por $0x1, $0x1;
	s13 =	sadd.s32 $0x10, s3;
	[tilespmem:s3+$0xC100] =	vst.msk vm0, v13  }
0x24d: {  	s15 =	sadd.s32 $0xFFFFFFFF, s10;
	s10 =	simm.s32 $0x0;
	s14 =	sadd.s32 s13, s11;
	[tilespmem:s3+$0xC980] =	vst.msk vm0, v14  }
.LBB2_55:
0x24e: {  	p3 =	seq.s32 s15, $0x1;
	s16 =	sand.u32 $0xFFFFFF80, s14;
	s21 =	sand.u32 $0x70, s13  }
0x24f: {  	s16 =	sor.u32 s21, s16  }
0x250: {  	v13 =	vld [tilespmem:s16+$0x4000];
	_ =	sdelay $0x3  }
0x251: {  	v14 =	vor.u32 s14, v1  }
0x252: {  	vm1 =	vlt.s32 v14, v10;
	vm0 =	vlt.s32 v13, v12  }
0x253: {  	vm2 =	vge.s32 v13, v11;
	vm0 =	vmand vm0, vm1  }
0x254: {  	v14 =	vld [tilespmem:s16+$0x8080];
	vm0 =	vmand vm0, vm2  }
0x255: {  	v15 =	vmpcnt.ones.xlane vm0  }
.Ltmp44:
0x256: {  	s14 =	spop (v2sf);
	(pc) =	sbr.rel @!p3 .LBB2_55-.Ltmp44, $4  }
0x257: {  	(v2sf) =	vpush v15, $0x0;
	s10 =	sadd.s32 s10, s14  }
0x258: {  	[tilespmem:s10+$0xC100] =	vst.msk vm0, v13  }
0x259: {  	s13 =	sadd.s32 $0x10, s13;
	[tilespmem:s10+$0xC980] =	vst.msk vm0, v14  }
0x25a: {  	s15 =	sadd.s32 $0xFFFFFFFF, s15;
	s14 =	sadd.s32 s13, s11  }
.LBB2_56:
0x25b: {  	s15 =	sand.u32 $0xFFFFFF80, s14;
	s13 =	sand.u32 $0x70, s13  }
0x25c: {  	s13 =	sor.u32 s13, s15  }
0x25d: {  	v13 =	vld [tilespmem:s13+$0x4000];
	_ =	sdelay $0x3  }
0x25e: {  	v14 =	vor.u32 s14, v1  }
0x25f: {  	vm1 =	vlt.s32 v14, v10;
	vm0 =	vlt.s32 v13, v12  }
0x260: {  	vm2 =	vge.s32 v13, v11;
	vm0 =	vmand vm0, vm1  }
0x261: {  	vm0 =	vmand vm0, vm2  }
0x262: {  	v14 =	vmpcnt.ones.xlane vm0;
	_ =	sdelay $0x1  }
0x263: {  	(v2sf) =	vpush v14, $0x0;
	_ =	sdelay $0xa  }
0x264: {  	v14 =	vld [tilespmem:s13+$0x8080]  }
0x265: {  	s13 =	spop @p2 (v2sf)  }
0x266: {  	s10 =	sadd.s32 @p2 s10, s13;
	s13 =	simm.s32 $0x0  }
0x267: {  	s13 =	smov.u32 @p2 s10  }
0x268: {  	[tilespmem:s13+$0xC100] =	vst.msk vm0, v13;
	s29 =	spop (v2sf)  }
0x269: {  	[tilespmem:s13+$0xC980] =	vst.msk vm0, v14;
	s13 =	sadd.s32 s13, s29  }
0x26a: {  	p2 =	slt.s32 s13, $0x1  }
.Ltmp45:
0x26b: {  	_ = 	snop;
	(pc) =	sbr.rel @p2 .LBB2_62-.Ltmp45, $1  }
0x26c: {  	_ =	sdelay $0x3  }
0x26d: {  	p3 =	sne.s32 s13, $0x1  }
.Ltmp46:
0x26e: {  	_ = 	snop;
	(pc) =	sbr.rel @!p3 .LBB2_52-.Ltmp46, $3  }
0x26f: {  	_ =	sdelay $0x1  }
0x270: {  	s15 =	simm.s32 $0x0  }
0x271: {  	s10 =	simm.s32 $0x1;
	p2 =	por $0x0, $0x0;
	s16 =	sand.u32 $0x7FFFFFF0, s15  }
0x272: {  	v13 =	vld [tilespmem:s16+$0xC100];
	_ =	sdelay $0x2  }
0x273: {  	s14 =	sand.u32 $0xF, s15  }
0x274: {  	v14 =	vmov s14  }
0x275: {  	v15 =	vld [tilespmem:s16+$0xC980];
	v13 =	vperm.xlane v13, v14;
	_ =	sdelay $0x1  }
0x276: {  	v16 =	vsub.s32 v13, v11  }
0x277: {  	v16 =	vshll.u32 v16, $0x3  }
0x278: {  	v13 =	vand.u32 $0x7F, v13;
	v16 =	vand.u32 $0xFFFFFC00, v16  }
0x279: {  	s14 =	sadd.s32 $0x0, s31;
	v14 =	vperm.xlane v15, v14;
	v13 =	vor.u32 v13, v16  }
0x27a: {  	p2 =	slt.s32 s14, $0x20;
	v15 =	vadd.s32 v2, v13  }
0x27b: {  	s15 =	simm.s32 @!p2 $0x5;
	(v2sf) =	vpush v14, $0x0  }
0x27c: {  	_ =	swait.ge @!p2 [sflag:s15], $0x40  }
0x27d: {  	s21 =	sshra.s32 s14, $0x1F;
	[sflag:s15] =	ssyncset.done @!p2 $0x0  }
0x27e: {  	s16 =	sshrl.u32 s21, $0x1B;
	[sflag:s15] =	ssyncadd.s32 @!p2 $0xFFFFFFC0  }
0x27f: {  	s16 =	sadd.s32 s16, s14;
	v14 =	vld.idx.msk [tilespmem:v15+s19+$0x0], $0xffff  }
0x280: {  	s15 =	sand.u32 $0xFFFFFFE0, s16;
	v15 =	vadd.s32 v3, v13  }
0x281: {  	s14 =	ssub.s32 s14, s15  }
0x282: {  	s14 =	sshll.u32 s14, $0x8  }
0x283: {  	s16 =	sshra.s32 s14, $0x2  }
0x284: {  	[tilespmem:s16+$0x1F200] =	vst v14  }
0x285: {  	v14 =	vld.idx.msk [tilespmem:v15+s19+$0x0], $0xffff  }
0x286: {  	v15 =	vadd.s32 v4, v13;
	_ =	sdelay $0x3  }
0x287: {  	[tilespmem:s16+$0x1F210] =	vst v14  }
0x288: {  	v14 =	vld.idx.msk [tilespmem:v15+s19+$0x0], $0xffff  }
0x289: {  	v13 =	vadd.s32 v5, v13;
	_ =	sdelay $0x3  }
0x28a: {  	[tilespmem:s16+$0x1F220] =	vst v14  }
0x28b: {  	p3 =	sne.s32 s13, $0x2;
	v13 =	vld.idx.msk [tilespmem:v13+s19+$0x0], $0xffff  }
.Ltmp47:
0x28c: {  	_ = 	snop;
	(pc) =	sbr.rel @!p3 .LBB2_58-.Ltmp47, $4  }
0x28d: {  	s21 =	spop (v2sf)  }
0x28e: {  	s21 =	sshll.u32 s21, $0x4  }
0x28f: {  	p2 =	por $0x1, $0x1;
	s15 =	sand.u32 $0x7FFFFFF0, s10;
	s29 =	sand.u32 $0x1FFFFFF0, s21  }
0x290: {  	s14 =	simm.s32 $0x2;
	s21 =	sadd.s32 $0x1F200, s16;
	s29 =	sadd.s32 s7, s29;
	[tilespmem:s16+$0x1F230] =	vst v13  }
.LBB2_59:
0x291: {  	[hbm4b:s29+s5] =	stream.linear.scatter [tilespmem:s21], [sflag:$0x5], $0x40, $0x38;
	[tilespmem:$0x1FA00] =	vst v63  }
0x292: {  	s16 =	sand.u32 $0x7FFFFFF0, s14;
	s21 =	smov.u32 s14;
	s14 =	sadd.s32 $0x1, s14;
	v13 =	vld [tilespmem:s15+$0xC100]  }
0x293: {  	p3 =	sne.s32 s13, s14;
	v14 =	vld [tilespmem:s15+$0xC980];
	s15 =	smov.u32 s16;
	_ =	sdelay $0x1  }
0x294: {  	s16 =	sand.u32 $0xF, s10  }
0x295: {  	v15 =	vmov s16  }
0x296: {  	v13 =	vperm.xlane v13, v15  }
0x297: {  	v14 =	vperm.xlane v14, v15  }
0x298: {  	v15 =	vsub.s32 v13, v11  }
0x299: {  	v15 =	vshll.u32 v15, $0x3;
	(v2sf) =	vpush v14, $0x0  }
0x29a: {  	v13 =	vand.u32 $0x7F, v13;
	v14 =	vand.u32 $0xFFFFFC00, v15  }
0x29b: {  	s16 =	sadd.s32 s10, s31;
	s10 =	smov.u32 s21;
	v13 =	vor.u32 v13, v14  }
0x29c: {  	s21 =	sshra.s32 s16, $0x1F;
	p4 =	slt.s32 s16, $0x20;
	v14 =	vadd.s32 v2, v13  }
0x29d: {  	s21 =	sshrl.u32 s21, $0x1B;
	s29 =	simm.s32 @!p4 $0x5  }
0x29e: {  	s21 =	sadd.s32 s21, s16;
	_ =	swait.ge @!p4 [sflag:s29], $0x40  }
0x29f: {  	s21 =	sand.u32 $0xFFFFFFE0, s21;
	[sflag:s29] =	ssyncset.done @!p4 $0x0  }
0x2a0: {  	s16 =	ssub.s32 s16, s21;
	[sflag:s29] =	ssyncadd.s32 @!p4 $0xFFFFFFC0  }
0x2a1: {  	s16 =	sshll.u32 s16, $0x8;
	v14 =	vld.idx.msk [tilespmem:v14+s19+$0x0], $0xffff;
	_ =	sdelay $0x1  }
0x2a2: {  	v15 =	vadd.s32 v3, v13;
	_ =	sdelay $0x2  }
0x2a3: {  	s16 =	sshra.s32 s16, $0x2  }
0x2a4: {  	[tilespmem:s16+$0x1F200] =	vst v14  }
0x2a5: {  	v14 =	vld.idx.msk [tilespmem:v15+s19+$0x0], $0xffff;
	s21 =	spop (v2sf)  }
0x2a6: {  	s21 =	sshll.u32 s21, $0x4  }
0x2a7: {  	v15 =	vadd.s32 v4, v13;
	s29 =	sand.u32 $0x1FFFFFF0, s21;
	_ =	sdelay $0x3  }
0x2a8: {  	[tilespmem:s16+$0x1F210] =	vst v14  }
0x2a9: {  	v14 =	vld.idx.msk [tilespmem:v15+s19+$0x0], $0xffff;
	_ =	sdelay $0x1  }
0x2aa: {  	v13 =	vadd.s32 v5, v13;
	_ =	sdelay $0x3  }
0x2ab: {  	[tilespmem:s16+$0x1F220] =	vst v14  }
0x2ac: {  	v13 =	vld.idx.msk [tilespmem:v13+s19+$0x0], $0xffff;
	_ =	sdelay $0x1  }
.Ltmp48:
0x2ad: {  	(pc) =	sbr.rel @p3 .LBB2_59-.Ltmp48, $2  }
0x2ae: {  	_ =	sdelay $0x2  }
0x2af: {  	s21 =	sadd.s32 $0x1F200, s16;
	s29 =	sadd.s32 s7, s29;
	[tilespmem:s16+$0x1F230] =	vst v13  }
.Ltmp49:
0x2b0: {  	(pc) =	sbr.rel .LBB2_61-.Ltmp49, $2  }
0x2b1: {  	_ =	sdelay $0x2  }
0x2b2: {  	s16 =	smov.u32 s15;
	s15 =	smov.u32 s10  }
.LBB2_49:
.Ltmp50:
0x2b3: {  	(pc) =	sbr.rel .LBB2_56-.Ltmp50, $2  }
0x2b4: {  	_ =	sdelay $0x2  }
0x2b5: {  	s13 =	simm.s32 $0x0;
	s10 =	simm.s32 $0x0  }
.LBB2_54:
.Ltmp51:
0x2b6: {  	(pc) =	sbr.rel .LBB2_56-.Ltmp51, $2  }
0x2b7: {  	_ =	sdelay $0x2  }
0x2b8: {  	s10 =	simm.s32 $0x0  }
.LBB2_58:
.Ltmp52:
0x2b9: {  	(pc) =	sbr.rel .LBB2_61-.Ltmp52, $2  }
0x2ba: {  	_ =	sdelay $0x2  }
0x2bb: {  	s16 =	smov.u32 s15;
	s15 =	simm.s32 $0x1  }
.LBB2_63:
0x2bc: {  	s3 =	sadd.s32 $0x6, s1  }
0x2bd: {  	p2 =	sge.u32 s3, s9  }
0x2be: {  	s3 =	sshll.u32 @!p2 s3, $0xB  }
0x2bf: {  	s3 =	sadd.s32 @!p2 s6, s3  }
0x2c0: {  	s10 =	simm.s32 @!p2 $0x800;
	s3 =	sshrl.u32 @!p2 s3, $0x3  }
0x2c1: {  	s11 =	simm.s32 @!p2 $0x7A1400;
	s12 =	simm.s32 @!p2 $0x15200;
	s3 =	sadd.s32 @!p2 s2, s3  }
0x2c2: {  	[tilespmem:s12], [sflag:$0x3] =	stream.strided.gather @!p2 [hbm4b:s3+s10], $0x4000, s11, s10, $0x38;
	[tilespmem:$0x1FA00] =	vst v63  }
.LBB2_64:
0x2c3: {  	s3 =	sor.u32 $0x3, s1  }
0x2c4: {  	p2 =	sge.u32 s3, s9  }
.Ltmp53:
0x2c5: {  	_ = 	snop;
	(pc) =	sbr.rel @p2 .LBB2_84-.Ltmp53, $1  }
0x2c6: {  	_ =	sdelay $0x3  }
.Ltmp54:
0x2c7: {  	(pc) =	sbr.rel @p1 .LBB2_83-.Ltmp54, $4  }
0x2c8: {  	_ = 	snop  }
0x2c9: {  	_ =	swait.ge [sflag:s26], $0x4000  }
0x2ca: {  	[sflag:s26] =	ssyncset.done $0x0  }
0x2cb: {  	[sflag:s26] =	ssyncadd.s32 $0xFFFFC000  }
.Ltmp55:
0x2cc: {  	(pc) =	sbr.rel .LBB2_67-.Ltmp55, $4  }
0x2cd: {  	s3 =	sshll.u32 s3, $0x8  }
0x2ce: {  	s3 =	sadd.s32 s8, s3  }
0x2cf: {  	s10 =	sadd.s32 $0x100, s3  }
0x2d0: {  	s11 =	simm.s32 $0x0;
	s12 =	simm.s32 $0x0;
	v11 =	vmov s3;
	s3 =	simm.s32 $0x0;
	v12 =	vmov s10  }
.LBB2_72:
0x2d1: {  	s14 =	simm.s32 $0x1  }
.LBB2_81:
0x2d2: {  	[hbm4b:s29+s5] =	stream.linear.scatter @p2 [tilespmem:s21], [sflag:$0x5], $0x40, $0x38;
	[tilespmem:$0x1FA00] =	vst v63  }
0x2d3: {  	v13 =	vld [tilespmem:s16+$0xC100];
	_ =	sdelay $0x2  }
0x2d4: {  	s10 =	sand.u32 $0xF, s15  }
0x2d5: {  	v14 =	vmov s10  }
0x2d6: {  	v15 =	vld [tilespmem:s16+$0xC980];
	v13 =	vperm.xlane v13, v14;
	_ =	sdelay $0x1  }
0x2d7: {  	v16 =	vsub.s32 v13, v11  }
0x2d8: {  	v16 =	vshll.u32 v16, $0x3  }
0x2d9: {  	v13 =	vand.u32 $0x7F, v13;
	v16 =	vand.u32 $0xFFFFFC00, v16  }
0x2da: {  	s29 =	sadd.s32 s15, s31;
	v14 =	vperm.xlane v15, v14;
	v13 =	vor.u32 v13, v16  }
0x2db: {  	p2 =	slt.s32 s29, $0x20;
	v15 =	vadd.s32 v2, v13  }
0x2dc: {  	s13 =	simm.s32 @!p2 $0x5;
	(v2sf) =	vpush v14, $0x0  }
0x2dd: {  	_ =	swait.ge @!p2 [sflag:s13], $0x40  }
0x2de: {  	s15 =	sshra.s32 s29, $0x1F;
	[sflag:s13] =	ssyncset.done @!p2 $0x0  }
0x2df: {  	s15 =	sshrl.u32 s15, $0x1B;
	[sflag:s13] =	ssyncadd.s32 @!p2 $0xFFFFFFC0  }
0x2e0: {  	s15 =	sadd.s32 s15, s29;
	v14 =	vld.idx.msk [tilespmem:v15+s20+$0x0], $0xffff  }
0x2e1: {  	s13 =	sand.u32 $0xFFFFFFE0, s15;
	v15 =	vadd.s32 v3, v13  }
0x2e2: {  	s10 =	ssub.s32 s29, s13  }
0x2e3: {  	s10 =	sshll.u32 s10, $0x8  }
0x2e4: {  	s10 =	sshra.s32 s10, $0x2  }
0x2e5: {  	[tilespmem:s10+$0x1F200] =	vst v14  }
0x2e6: {  	v14 =	vld.idx.msk [tilespmem:v15+s20+$0x0], $0xffff  }
0x2e7: {  	v15 =	vadd.s32 v4, v13;
	_ =	sdelay $0x3  }
0x2e8: {  	[tilespmem:s10+$0x1F210] =	vst v14  }
0x2e9: {  	v14 =	vld.idx.msk [tilespmem:v15+s20+$0x0], $0xffff  }
0x2ea: {  	v13 =	vadd.s32 v5, v13;
	_ =	sdelay $0x3  }
0x2eb: {  	[tilespmem:s10+$0x1F220] =	vst v14  }
0x2ec: {  	v13 =	vld.idx.msk [tilespmem:v13+s20+$0x0], $0xffff;
	_ =	sdelay $0x1  }
0x2ed: {  	s16 =	spop (v2sf)  }
0x2ee: {  	s13 =	sshll.u32 s16, $0x4  }
0x2ef: {  	s13 =	sand.u32 $0x1FFFFFF0, s13  }
0x2f0: {  	s31 =	sadd.s32 s14, s31;
	s21 =	sadd.s32 $0x1F200, s10;
	s29 =	sadd.s32 s7, s13;
	[tilespmem:s10+$0x1F230] =	vst v13  }
0x2f1: {  	[hbm4b:s29+s5] =	stream.linear.scatter [tilespmem:s21], [sflag:$0x5], $0x40, $0x38;
	[tilespmem:$0x1FA00] =	vst v63  }
.LBB2_82:
0x2f2: {  	s12 =	sadd.s32 $0x1, s12  }
0x2f3: {  	p2 =	sne.s32 s12, s4  }
.Ltmp56:
0x2f4: {  	_ = 	snop;
	(pc) =	sbr.rel @!p2 .LBB2_83-.Ltmp56, $2  }
0x2f5: {  	_ =	sdelay $0x2  }
0x2f6: {  	s11 =	sadd.s32 $0x800, s11  }
.LBB2_67:
0x2f7: {  	s10 =	sshll.u32 s12, $0xB  }
0x2f8: {  	s10 =	ssub.s32 s30, s10  }
0x2f9: {  	p2 =	slt.s32 s10, $0x800  }
0x2fa: {  	p3 =	slt.s32 s10, $0xFFFFFFF2;
	s10 =	simm.s32 @!p2 $0x800  }
0x2fb: {  	s10 =	sadd.s32 $0xF, s10  }
0x2fc: {  	s13 =	sand.u32 $0xF, s10  }
0x2fd: {  	s29 =	sshra.s32 s10, $0x1F;
	p6 =	sne.s32 s13, $0x0  }
0x2fe: {  	s13 =	sshrl.u32 s29, $0x1C;
	p2 =	por !p3, !p6  }
0x2ff: {  	s10 =	sadd.s32 s13, s10;
	s13 =	simm.s32 $0x1;
	p2 =	por !p2, !p2  }
0x300: {  	s10 =	sshra.s32 s10, $0x4;
	s13 =	simm.s32 @!p2 $0x0  }
0x301: {  	s10 =	ssub.s32 s10, s13  }
0x302: {  	p2 =	sgt.s32 s10, $0x0  }
.Ltmp57:
0x303: {  	_ = 	snop;
	(pc) =	sbr.rel @!p2 .LBB2_82-.Ltmp57, $1  }
0x304: {  	_ =	sdelay $0x3  }
0x305: {  	p3 =	seq.s32 s10, $0x1  }
.Ltmp58:
0x306: {  	_ = 	snop;
	(pc) =	sbr.rel @p3 .LBB2_69-.Ltmp58, $2  }
0x307: {  	_ =	sdelay $0x2  }
0x308: {  	s14 =	sadd.s32 s3, s11;
	s10 =	sadd.s32 $0xFFFFFFFF, s10;
	p2 =	por $0x0, $0x0  }
0x309: {  	s13 =	sand.u32 $0xFFFFFF80, s14;
	s15 =	sand.u32 $0x70, s3  }
0x30a: {  	s13 =	sor.u32 s15, s13  }
0x30b: {  	v13 =	vld [tilespmem:s13+$0x4000];
	_ =	sdelay $0x3  }
0x30c: {  	v14 =	vor.u32 s14, v1  }
0x30d: {  	vm1 =	vlt.s32 v14, v10;
	vm0 =	vlt.s32 v13, v12  }
0x30e: {  	vm15 =	vge.s32 v13, v11;
	vm0 =	vmand vm0, vm1  }
0x30f: {  	vm0 =	vmand vm0, vm15  }
0x310: {  	p3 =	seq.s32 s10, $0x1;
	v14 =	vld [tilespmem:s13+$0x8080];
	v15 =	vmpcnt.ones.xlane vm0  }
.Ltmp59:
0x311: {  	_ = 	snop;
	(pc) =	sbr.rel @p3 .LBB2_74-.Ltmp59, $3  }
0x312: {  	(v2sf) =	vpush v15, $0x0;
	_ =	sdelay $0x1  }
0x313: {  	p2 =	por $0x1, $0x1;
	s13 =	sadd.s32 $0x10, s3;
	[tilespmem:s3+$0xC100] =	vst.msk vm0, v13  }
0x314: {  	s15 =	sadd.s32 $0xFFFFFFFF, s10;
	s10 =	simm.s32 $0x0;
	s14 =	sadd.s32 s13, s11;
	[tilespmem:s3+$0xC980] =	vst.msk vm0, v14  }
.LBB2_75:
0x315: {  	p3 =	seq.s32 s15, $0x1;
	s16 =	sand.u32 $0xFFFFFF80, s14;
	s21 =	sand.u32 $0x70, s13  }
0x316: {  	s16 =	sor.u32 s21, s16  }
0x317: {  	v13 =	vld [tilespmem:s16+$0x4000];
	_ =	sdelay $0x3  }
0x318: {  	v14 =	vor.u32 s14, v1  }
0x319: {  	vm1 =	vlt.s32 v14, v10;
	vm0 =	vlt.s32 v13, v12  }
0x31a: {  	vm2 =	vge.s32 v13, v11;
	vm0 =	vmand vm0, vm1  }
0x31b: {  	v14 =	vld [tilespmem:s16+$0x8080];
	vm0 =	vmand vm0, vm2  }
0x31c: {  	v15 =	vmpcnt.ones.xlane vm0  }
.Ltmp60:
0x31d: {  	s14 =	spop (v2sf);
	(pc) =	sbr.rel @!p3 .LBB2_75-.Ltmp60, $4  }
0x31e: {  	(v2sf) =	vpush v15, $0x0;
	s10 =	sadd.s32 s10, s14  }
0x31f: {  	[tilespmem:s10+$0xC100] =	vst.msk vm0, v13  }
0x320: {  	s13 =	sadd.s32 $0x10, s13;
	[tilespmem:s10+$0xC980] =	vst.msk vm0, v14  }
0x321: {  	s15 =	sadd.s32 $0xFFFFFFFF, s15;
	s14 =	sadd.s32 s13, s11  }
.LBB2_76:
0x322: {  	s15 =	sand.u32 $0xFFFFFF80, s14;
	s13 =	sand.u32 $0x70, s13  }
0x323: {  	s13 =	sor.u32 s13, s15  }
0x324: {  	v13 =	vld [tilespmem:s13+$0x4000];
	_ =	sdelay $0x3  }
0x325: {  	v14 =	vor.u32 s14, v1  }
0x326: {  	vm1 =	vlt.s32 v14, v10;
	vm0 =	vlt.s32 v13, v12  }
0x327: {  	vm2 =	vge.s32 v13, v11;
	vm0 =	vmand vm0, vm1  }
0x328: {  	vm0 =	vmand vm0, vm2  }
0x329: {  	v14 =	vmpcnt.ones.xlane vm0;
	_ =	sdelay $0x1  }
0x32a: {  	(v2sf) =	vpush v14, $0x0;
	_ =	sdelay $0xa  }
0x32b: {  	v14 =	vld [tilespmem:s13+$0x8080]  }
0x32c: {  	s13 =	spop @p2 (v2sf)  }
0x32d: {  	s10 =	sadd.s32 @p2 s10, s13;
	s13 =	simm.s32 $0x0  }
0x32e: {  	s13 =	smov.u32 @p2 s10  }
0x32f: {  	[tilespmem:s13+$0xC100] =	vst.msk vm0, v13;
	s29 =	spop (v2sf)  }
0x330: {  	[tilespmem:s13+$0xC980] =	vst.msk vm0, v14;
	s13 =	sadd.s32 s13, s29  }
0x331: {  	p2 =	slt.s32 s13, $0x1  }
.Ltmp61:
0x332: {  	_ = 	snop;
	(pc) =	sbr.rel @p2 .LBB2_82-.Ltmp61, $1  }
0x333: {  	_ =	sdelay $0x3  }
0x334: {  	p3 =	sne.s32 s13, $0x1  }
.Ltmp62:
0x335: {  	_ = 	snop;
	(pc) =	sbr.rel @!p3 .LBB2_72-.Ltmp62, $3  }
0x336: {  	_ =	sdelay $0x1  }
0x337: {  	s15 =	simm.s32 $0x0  }
0x338: {  	s10 =	simm.s32 $0x1;
	p2 =	por $0x0, $0x0;
	s16 =	sand.u32 $0x7FFFFFF0, s15  }
0x339: {  	v13 =	vld [tilespmem:s16+$0xC100];
	_ =	sdelay $0x2  }
0x33a: {  	s14 =	sand.u32 $0xF, s15  }
0x33b: {  	v14 =	vmov s14  }
0x33c: {  	v15 =	vld [tilespmem:s16+$0xC980];
	v13 =	vperm.xlane v13, v14;
	_ =	sdelay $0x1  }
0x33d: {  	v16 =	vsub.s32 v13, v11  }
0x33e: {  	v16 =	vshll.u32 v16, $0x3  }
0x33f: {  	v13 =	vand.u32 $0x7F, v13;
	v16 =	vand.u32 $0xFFFFFC00, v16  }
0x340: {  	s14 =	sadd.s32 $0x0, s31;
	v14 =	vperm.xlane v15, v14;
	v13 =	vor.u32 v13, v16  }
0x341: {  	p2 =	slt.s32 s14, $0x20;
	v15 =	vadd.s32 v2, v13  }
0x342: {  	s15 =	simm.s32 @!p2 $0x5;
	(v2sf) =	vpush v14, $0x0  }
0x343: {  	_ =	swait.ge @!p2 [sflag:s15], $0x40  }
0x344: {  	s21 =	sshra.s32 s14, $0x1F;
	[sflag:s15] =	ssyncset.done @!p2 $0x0  }
0x345: {  	s16 =	sshrl.u32 s21, $0x1B;
	[sflag:s15] =	ssyncadd.s32 @!p2 $0xFFFFFFC0  }
0x346: {  	s16 =	sadd.s32 s16, s14;
	v14 =	vld.idx.msk [tilespmem:v15+s20+$0x0], $0xffff  }
0x347: {  	s15 =	sand.u32 $0xFFFFFFE0, s16;
	v15 =	vadd.s32 v3, v13  }
0x348: {  	s14 =	ssub.s32 s14, s15  }
0x349: {  	s14 =	sshll.u32 s14, $0x8  }
0x34a: {  	s16 =	sshra.s32 s14, $0x2  }
0x34b: {  	[tilespmem:s16+$0x1F200] =	vst v14  }
0x34c: {  	v14 =	vld.idx.msk [tilespmem:v15+s20+$0x0], $0xffff  }
0x34d: {  	v15 =	vadd.s32 v4, v13;
	_ =	sdelay $0x3  }
0x34e: {  	[tilespmem:s16+$0x1F210] =	vst v14  }
0x34f: {  	v14 =	vld.idx.msk [tilespmem:v15+s20+$0x0], $0xffff  }
0x350: {  	v13 =	vadd.s32 v5, v13;
	_ =	sdelay $0x3  }
0x351: {  	[tilespmem:s16+$0x1F220] =	vst v14  }
0x352: {  	p3 =	sne.s32 s13, $0x2;
	v13 =	vld.idx.msk [tilespmem:v13+s20+$0x0], $0xffff  }
.Ltmp63:
0x353: {  	_ = 	snop;
	(pc) =	sbr.rel @!p3 .LBB2_78-.Ltmp63, $4  }
0x354: {  	s21 =	spop (v2sf)  }
0x355: {  	s21 =	sshll.u32 s21, $0x4  }
0x356: {  	p2 =	por $0x1, $0x1;
	s15 =	sand.u32 $0x7FFFFFF0, s10;
	s29 =	sand.u32 $0x1FFFFFF0, s21  }
0x357: {  	s14 =	simm.s32 $0x2;
	s21 =	sadd.s32 $0x1F200, s16;
	s29 =	sadd.s32 s7, s29;
	[tilespmem:s16+$0x1F230] =	vst v13  }
.LBB2_79:
0x358: {  	[hbm4b:s29+s5] =	stream.linear.scatter [tilespmem:s21], [sflag:$0x5], $0x40, $0x38;
	[tilespmem:$0x1FA00] =	vst v63  }
0x359: {  	s16 =	sand.u32 $0x7FFFFFF0, s14;
	s21 =	smov.u32 s14;
	s14 =	sadd.s32 $0x1, s14;
	v13 =	vld [tilespmem:s15+$0xC100]  }
0x35a: {  	p3 =	sne.s32 s13, s14;
	v14 =	vld [tilespmem:s15+$0xC980];
	s15 =	smov.u32 s16;
	_ =	sdelay $0x1  }
0x35b: {  	s16 =	sand.u32 $0xF, s10  }
0x35c: {  	v15 =	vmov s16  }
0x35d: {  	v13 =	vperm.xlane v13, v15  }
0x35e: {  	v14 =	vperm.xlane v14, v15  }
0x35f: {  	v15 =	vsub.s32 v13, v11  }
0x360: {  	v15 =	vshll.u32 v15, $0x3;
	(v2sf) =	vpush v14, $0x0  }
0x361: {  	v13 =	vand.u32 $0x7F, v13;
	v14 =	vand.u32 $0xFFFFFC00, v15  }
0x362: {  	s16 =	sadd.s32 s10, s31;
	s10 =	smov.u32 s21;
	v13 =	vor.u32 v13, v14  }
0x363: {  	s21 =	sshra.s32 s16, $0x1F;
	p4 =	slt.s32 s16, $0x20;
	v14 =	vadd.s32 v2, v13  }
0x364: {  	s21 =	sshrl.u32 s21, $0x1B;
	s29 =	simm.s32 @!p4 $0x5  }
0x365: {  	s21 =	sadd.s32 s21, s16;
	_ =	swait.ge @!p4 [sflag:s29], $0x40  }
0x366: {  	s21 =	sand.u32 $0xFFFFFFE0, s21;
	[sflag:s29] =	ssyncset.done @!p4 $0x0  }
0x367: {  	s16 =	ssub.s32 s16, s21;
	[sflag:s29] =	ssyncadd.s32 @!p4 $0xFFFFFFC0  }
0x368: {  	s16 =	sshll.u32 s16, $0x8;
	v14 =	vld.idx.msk [tilespmem:v14+s20+$0x0], $0xffff;
	_ =	sdelay $0x1  }
0x369: {  	v15 =	vadd.s32 v3, v13;
	_ =	sdelay $0x2  }
0x36a: {  	s16 =	sshra.s32 s16, $0x2  }
0x36b: {  	[tilespmem:s16+$0x1F200] =	vst v14  }
0x36c: {  	v14 =	vld.idx.msk [tilespmem:v15+s20+$0x0], $0xffff;
	s21 =	spop (v2sf)  }
0x36d: {  	s21 =	sshll.u32 s21, $0x4  }
0x36e: {  	v15 =	vadd.s32 v4, v13;
	s29 =	sand.u32 $0x1FFFFFF0, s21;
	_ =	sdelay $0x3  }
0x36f: {  	[tilespmem:s16+$0x1F210] =	vst v14  }
0x370: {  	v14 =	vld.idx.msk [tilespmem:v15+s20+$0x0], $0xffff;
	_ =	sdelay $0x1  }
0x371: {  	v13 =	vadd.s32 v5, v13;
	_ =	sdelay $0x3  }
0x372: {  	[tilespmem:s16+$0x1F220] =	vst v14  }
0x373: {  	v13 =	vld.idx.msk [tilespmem:v13+s20+$0x0], $0xffff;
	_ =	sdelay $0x1  }
.Ltmp64:
0x374: {  	(pc) =	sbr.rel @p3 .LBB2_79-.Ltmp64, $2  }
0x375: {  	_ =	sdelay $0x2  }
0x376: {  	s21 =	sadd.s32 $0x1F200, s16;
	s29 =	sadd.s32 s7, s29;
	[tilespmem:s16+$0x1F230] =	vst v13  }
.Ltmp65:
0x377: {  	(pc) =	sbr.rel .LBB2_81-.Ltmp65, $2  }
0x378: {  	_ =	sdelay $0x2  }
0x379: {  	s16 =	smov.u32 s15;
	s15 =	smov.u32 s10  }
.LBB2_69:
.Ltmp66:
0x37a: {  	(pc) =	sbr.rel .LBB2_76-.Ltmp66, $2  }
0x37b: {  	_ =	sdelay $0x2  }
0x37c: {  	s13 =	simm.s32 $0x0;
	s10 =	simm.s32 $0x0  }
.LBB2_74:
.Ltmp67:
0x37d: {  	(pc) =	sbr.rel .LBB2_76-.Ltmp67, $2  }
0x37e: {  	_ =	sdelay $0x2  }
0x37f: {  	s10 =	simm.s32 $0x0  }
.LBB2_78:
.Ltmp68:
0x380: {  	(pc) =	sbr.rel .LBB2_81-.Ltmp68, $2  }
0x381: {  	_ =	sdelay $0x2  }
0x382: {  	s16 =	smov.u32 s15;
	s15 =	simm.s32 $0x1  }
.LBB2_85:
0x383: {  	p1 =	slt.s32 @!p0 s4, $0x1  }
0x384: {  	p1 =	por p0, p1  }
.Ltmp69:
0x385: {  	_ = 	snop;
	(pc) =	sbr.rel @p1 .LBB2_109-.Ltmp69, $2  }
0x386: {  	_ =	sdelay $0x2  }
0x387: {  	s0 =	simm.s32 $0x0  }
.Ltmp70:
0x388: {  	(pc) =	sbr.rel .LBB2_87-.Ltmp70, $2  }
0x389: {  	_ =	sdelay $0x2  }
0x38a: {  	s1 =	simm.s32 $0x0;
	s3 =	simm.s32 $0x0  }
.LBB2_109:
0x38b: {  	s31 =	smov.u32 @p0 s31  }
.LBB2_103:
0x38c: {  	p1 =	slt.s32 s31, $0x1  }
.Ltmp71:
0x38d: {  	_ = 	snop;
	(pc) =	sbr.rel @p1 .LBB2_107-.Ltmp71, $2  }
0x38e: {  	_ =	sdelay $0x2  }
0x38f: {  	s1 =	rddreg [dreg:$0xa]  }
0x390: {  	p1 =	slt.s32 s31, $0x20  }
0x391: {  	s31 =	simm.s32 @!p1 $0x20  }
0x392: {  	p1 =	sne.s32 s31, $0x1  }
.Ltmp72:
0x393: {  	_ = 	snop;
	(pc) =	sbr.rel @!p1 .LBB2_106-.Ltmp72, $3  }
0x394: {  	_ =	sdelay $0x1  }
0x395: {  	_ =	swait.ge [sflag:s28], $0x40  }
0x396: {  	[sflag:s28] =	ssyncset.done $0x0;
	s0 =	sadd.s32 $0xFFFFFFFF, s31  }
.LBB2_105:
0x397: {  	p1 =	sne.s32 s0, $0x1;
	s0 =	sadd.s32 $0xFFFFFFFF, s0;
	[sflag:s28] =	ssyncadd.s32 $0xFFFFFFC0  }
.Ltmp73:
0x398: {  	(pc) =	sbr.rel @p1 .LBB2_105-.Ltmp73, $3  }
0x399: {  	_ =	sdelay $0x1  }
0x39a: {  	_ =	swait.ge [sflag:s28], $0x40  }
0x39b: {  	[sflag:s28] =	ssyncset.done $0x0  }
.Ltmp74:
0x39c: {  	_ = 	snop;
	(pc) =	sbr.rel .LBB2_106-.Ltmp74, $1  }
0x39d: {  	_ =	sdelay $0x3  }
.LBB2_92:
0x39e: {  	s11 =	simm.s32 $0x1  }
.LBB2_101:
0x39f: {  	[hbm4b:s15+s5] =	stream.linear.scatter @p1 [tilespmem:s14], [sflag:$0x5], $0x40, $0x38;
	[tilespmem:$0x1FA00] =	vst v63  }
0x3a0: {  	v11 =	vld [tilespmem:s16+$0xC100];
	_ =	sdelay $0x1  }
0x3a1: {  	v12 =	vld [tilespmem:s16+$0xC980]  }
0x3a2: {  	s10 =	sand.u32 $0xF, s13  }
0x3a3: {  	v13 =	vmov s10  }
0x3a4: {  	v11 =	vperm.xlane v11, v13;
	_ =	sdelay $0x1  }
0x3a5: {  	s14 =	sadd.s32 s13, s31;
	v12 =	vperm.xlane v12, v13;
	v11 =	vshll.u32 v11, $0x7  }
0x3a6: {  	p1 =	slt.s32 s14, $0x20;
	v60 =	vadd.s32 v6, v11  }
0x3a7: {  	s12 =	simm.s32 @!p1 $0x5;
	(v2sf) =	vpush v12, $0x0  }
0x3a8: {  	_ =	swait.ge @!p1 [sflag:s12], $0x40  }
0x3a9: {  	s13 =	sshra.s32 s14, $0x1F;
	[sflag:s12] =	ssyncset.done @!p1 $0x0  }
0x3aa: {  	s13 =	sshrl.u32 s13, $0x1B;
	[sflag:s12] =	ssyncadd.s32 @!p1 $0xFFFFFFC0  }
0x3ab: {  	s15 =	sadd.s32 s13, s14;
	v61 =	vld.idx.msk [tilespmem:v60+s22+$0x0], $0xffff  }
0x3ac: {  	v62 =	vadd.s32 v7, v11;
	s12 =	sand.u32 $0xFFFFFFE0, s15  }
0x3ad: {  	s10 =	ssub.s32 s14, s12  }
0x3ae: {  	s10 =	sshll.u32 s10, $0x8  }
0x3af: {  	s10 =	sshra.s32 s10, $0x2  }
0x3b0: {  	[tilespmem:s10+$0x1F200] =	vst v61  }
0x3b1: {  	v12 =	vld.idx.msk [tilespmem:v62+s22+$0x0], $0xffff  }
0x3b2: {  	v63 =	vadd.s32 v8, v11;
	_ =	sdelay $0x3  }
0x3b3: {  	[tilespmem:s10+$0x1F210] =	vst v12  }
0x3b4: {  	v12 =	vld.idx.msk [tilespmem:v63+s22+$0x0], $0xffff  }
0x3b5: {  	v11 =	vadd.s32 v9, v11;
	_ =	sdelay $0x3  }
0x3b6: {  	[tilespmem:s10+$0x1F220] =	vst v12  }
0x3b7: {  	v11 =	vld.idx.msk [tilespmem:v11+s22+$0x0], $0xffff;
	_ =	sdelay $0x1  }
0x3b8: {  	s16 =	spop (v2sf)  }
0x3b9: {  	s12 =	sshll.u32 s16, $0x4  }
0x3ba: {  	s12 =	sand.u32 $0x1FFFFFF0, s12  }
0x3bb: {  	s31 =	sadd.s32 s11, s31;
	s21 =	sadd.s32 $0x1F200, s10;
	s29 =	sadd.s32 s7, s12;
	[tilespmem:s10+$0x1F230] =	vst v11  }
0x3bc: {  	[hbm4b:s29+s5] =	stream.linear.scatter [tilespmem:s21], [sflag:$0x5], $0x40, $0x38;
	[tilespmem:$0x1FA00] =	vst v63  }
.LBB2_102:
0x3bd: {  	s3 =	sadd.s32 $0x1, s3  }
0x3be: {  	p1 =	sne.s32 s3, s4  }
.Ltmp75:
0x3bf: {  	_ = 	snop;
	(pc) =	sbr.rel @!p1 .LBB2_103-.Ltmp75, $2  }
0x3c0: {  	_ =	sdelay $0x2  }
0x3c1: {  	s1 =	sadd.s32 $0x800, s1  }
.LBB2_87:
0x3c2: {  	s10 =	sshll.u32 s3, $0xB  }
0x3c3: {  	s10 =	ssub.s32 s30, s10  }
0x3c4: {  	p1 =	slt.s32 s10, $0x800  }
0x3c5: {  	p2 =	slt.s32 s10, $0xFFFFFFF2;
	s10 =	simm.s32 @!p1 $0x800  }
0x3c6: {  	s10 =	sadd.s32 $0xF, s10  }
0x3c7: {  	s11 =	sand.u32 $0xF, s10  }
0x3c8: {  	s29 =	sshra.s32 s10, $0x1F;
	p6 =	sne.s32 s11, $0x0  }
0x3c9: {  	s11 =	sshrl.u32 s29, $0x1C;
	p1 =	por !p2, !p6  }
0x3ca: {  	s10 =	sadd.s32 s11, s10;
	s11 =	simm.s32 $0x1;
	p1 =	por !p1, !p1  }
0x3cb: {  	s10 =	sshra.s32 s10, $0x4;
	s11 =	simm.s32 @!p1 $0x0  }
0x3cc: {  	s10 =	ssub.s32 s10, s11  }
0x3cd: {  	p1 =	sgt.s32 s10, $0x0  }
.Ltmp76:
0x3ce: {  	_ = 	snop;
	(pc) =	sbr.rel @!p1 .LBB2_102-.Ltmp76, $1  }
0x3cf: {  	_ =	sdelay $0x3  }
0x3d0: {  	p2 =	seq.s32 s10, $0x1  }
.Ltmp77:
0x3d1: {  	_ = 	snop;
	(pc) =	sbr.rel @p2 .LBB2_89-.Ltmp77, $2  }
0x3d2: {  	_ =	sdelay $0x2  }
0x3d3: {  	s12 =	sadd.s32 s0, s1;
	s10 =	sadd.s32 $0xFFFFFFFF, s10;
	p1 =	por $0x0, $0x0  }
0x3d4: {  	s11 =	sand.u32 $0xFFFFFF80, s12;
	s13 =	sand.u32 $0x70, s0  }
0x3d5: {  	s11 =	sor.u32 s13, s11  }
0x3d6: {  	v11 =	vld [tilespmem:s11+$0x4000];
	_ =	sdelay $0x4  }
0x3d7: {  	v12 =	vor.u32 s12, v1;
	v13 =	vand.u32 $0xFFFFFFC0, v11  }
0x3d8: {  	vm1 =	vlt.s32 v12, v10;
	vm0 =	veq.s32 v13, $0xF4200  }
0x3d9: {  	vm0 =	vmand vm1, vm0  }
0x3da: {  	p2 =	seq.s32 s10, $0x1;
	v14 =	vld [tilespmem:s11+$0x8080];
	v63 =	vmpcnt.ones.xlane vm0  }
.Ltmp78:
0x3db: {  	_ = 	snop;
	(pc) =	sbr.rel @p2 .LBB2_94-.Ltmp78, $3  }
0x3dc: {  	(v2sf) =	vpush v63, $0x0;
	_ =	sdelay $0x1  }
0x3dd: {  	p1 =	por $0x1, $0x1;
	s11 =	sadd.s32 $0x10, s0;
	[tilespmem:s0+$0xC100] =	vst.msk vm0, v11  }
0x3de: {  	s13 =	sadd.s32 $0xFFFFFFFF, s10;
	s10 =	simm.s32 $0x0;
	s12 =	sadd.s32 s11, s1;
	[tilespmem:s0+$0xC980] =	vst.msk vm0, v14  }
.LBB2_95:
0x3df: {  	p2 =	seq.s32 s13, $0x1;
	s14 =	sand.u32 $0xFFFFFF80, s12;
	s15 =	sand.u32 $0x70, s11  }
0x3e0: {  	s14 =	sor.u32 s15, s14  }
0x3e1: {  	v11 =	vld [tilespmem:s14+$0x4000];
	_ =	sdelay $0x4  }
0x3e2: {  	v12 =	vor.u32 s12, v1;
	v13 =	vand.u32 $0xFFFFFFC0, v11  }
0x3e3: {  	vm1 =	vlt.s32 v12, v10;
	vm0 =	veq.s32 v13, $0xF4200  }
0x3e4: {  	v12 =	vld [tilespmem:s14+$0x8080];
	vm0 =	vmand vm1, vm0  }
0x3e5: {  	v13 =	vmpcnt.ones.xlane vm0  }
.Ltmp79:
0x3e6: {  	s12 =	spop (v2sf);
	(pc) =	sbr.rel @!p2 .LBB2_95-.Ltmp79, $4  }
0x3e7: {  	(v2sf) =	vpush v13, $0x0;
	s10 =	sadd.s32 s10, s12  }
0x3e8: {  	[tilespmem:s10+$0xC100] =	vst.msk vm0, v11  }
0x3e9: {  	s11 =	sadd.s32 $0x10, s11;
	[tilespmem:s10+$0xC980] =	vst.msk vm0, v12  }
0x3ea: {  	s13 =	sadd.s32 $0xFFFFFFFF, s13;
	s12 =	sadd.s32 s11, s1  }
.LBB2_96:
0x3eb: {  	s13 =	sand.u32 $0xFFFFFF80, s12;
	s11 =	sand.u32 $0x70, s11  }
0x3ec: {  	s11 =	sor.u32 s11, s13  }
0x3ed: {  	v11 =	vld [tilespmem:s11+$0x4000];
	_ =	sdelay $0x4  }
0x3ee: {  	v12 =	vor.u32 s12, v1;
	v13 =	vand.u32 $0xFFFFFFC0, v11  }
0x3ef: {  	vm1 =	vlt.s32 v12, v10;
	vm0 =	veq.s32 v13, $0xF4200  }
0x3f0: {  	vm0 =	vmand vm1, vm0  }
0x3f1: {  	v62 =	vmpcnt.ones.xlane vm0;
	_ =	sdelay $0x1  }
0x3f2: {  	(v2sf) =	vpush v62, $0x0;
	_ =	sdelay $0xa  }
0x3f3: {  	v63 =	vld [tilespmem:s11+$0x8080]  }
0x3f4: {  	s11 =	spop @p1 (v2sf)  }
0x3f5: {  	s10 =	sadd.s32 @p1 s10, s11;
	s11 =	simm.s32 $0x0  }
0x3f6: {  	s11 =	smov.u32 @p1 s10  }
0x3f7: {  	[tilespmem:s11+$0xC100] =	vst.msk vm0, v11;
	s29 =	spop (v2sf)  }
0x3f8: {  	[tilespmem:s11+$0xC980] =	vst.msk vm0, v63;
	s10 =	sadd.s32 s11, s29  }
0x3f9: {  	p1 =	slt.s32 s10, $0x1  }
.Ltmp80:
0x3fa: {  	_ = 	snop;
	(pc) =	sbr.rel @p1 .LBB2_102-.Ltmp80, $1  }
0x3fb: {  	_ =	sdelay $0x3  }
0x3fc: {  	p2 =	sne.s32 s10, $0x1  }
.Ltmp81:
0x3fd: {  	_ = 	snop;
	(pc) =	sbr.rel @!p2 .LBB2_92-.Ltmp81, $3  }
0x3fe: {  	_ =	sdelay $0x1  }
0x3ff: {  	s13 =	simm.s32 $0x0  }
0x400: {  	s12 =	simm.s32 $0x1;
	p1 =	por $0x0, $0x0;
	s16 =	sand.u32 $0x7FFFFFF0, s13  }
0x401: {  	v11 =	vld [tilespmem:s16+$0xC100];
	_ =	sdelay $0x1  }
0x402: {  	v12 =	vld [tilespmem:s16+$0xC980]  }
0x403: {  	s11 =	sand.u32 $0xF, s13  }
0x404: {  	v13 =	vmov s11  }
0x405: {  	v11 =	vperm.xlane v11, v13;
	_ =	sdelay $0x1  }
0x406: {  	s29 =	sadd.s32 $0x0, s31;
	v12 =	vperm.xlane v12, v13;
	v11 =	vshll.u32 v11, $0x7  }
0x407: {  	p1 =	slt.s32 s29, $0x20;
	v60 =	vadd.s32 v6, v11  }
0x408: {  	s13 =	simm.s32 @!p1 $0x5;
	(v2sf) =	vpush v12, $0x0  }
0x409: {  	_ =	swait.ge @!p1 [sflag:s13], $0x40  }
0x40a: {  	s14 =	sshra.s32 s29, $0x1F;
	[sflag:s13] =	ssyncset.done @!p1 $0x0  }
0x40b: {  	s14 =	sshrl.u32 s14, $0x1B;
	[sflag:s13] =	ssyncadd.s32 @!p1 $0xFFFFFFC0  }
0x40c: {  	s15 =	sadd.s32 s14, s29;
	v61 =	vld.idx.msk [tilespmem:v60+s22+$0x0], $0xffff  }
0x40d: {  	v62 =	vadd.s32 v7, v11;
	s13 =	sand.u32 $0xFFFFFFE0, s15  }
0x40e: {  	s11 =	ssub.s32 s29, s13  }
0x40f: {  	s11 =	sshll.u32 s11, $0x8  }
0x410: {  	s15 =	sshra.s32 s11, $0x2  }
0x411: {  	[tilespmem:s15+$0x1F200] =	vst v61  }
0x412: {  	v12 =	vld.idx.msk [tilespmem:v62+s22+$0x0], $0xffff  }
0x413: {  	v63 =	vadd.s32 v8, v11;
	_ =	sdelay $0x3  }
0x414: {  	[tilespmem:s15+$0x1F210] =	vst v12  }
0x415: {  	v12 =	vld.idx.msk [tilespmem:v63+s22+$0x0], $0xffff  }
0x416: {  	v11 =	vadd.s32 v9, v11;
	_ =	sdelay $0x3  }
0x417: {  	[tilespmem:s15+$0x1F220] =	vst v12  }
0x418: {  	p2 =	sne.s32 s10, $0x2;
	v11 =	vld.idx.msk [tilespmem:v11+s22+$0x0], $0xffff  }
.Ltmp82:
0x419: {  	_ = 	snop;
	(pc) =	sbr.rel @!p2 .LBB2_98-.Ltmp82, $4  }
0x41a: {  	s16 =	spop (v2sf)  }
0x41b: {  	s21 =	sshll.u32 s16, $0x4  }
0x41c: {  	p1 =	por $0x1, $0x1;
	s13 =	sand.u32 $0x7FFFFFF0, s12;
	s29 =	sand.u32 $0x1FFFFFF0, s21  }
0x41d: {  	s11 =	simm.s32 $0x2;
	s14 =	sadd.s32 $0x1F200, s15;
	[tilespmem:s15+$0x1F230] =	vst v11;
	s15 =	sadd.s32 s7, s29  }
.LBB2_99:
0x41e: {  	[hbm4b:s15+s5] =	stream.linear.scatter [tilespmem:s14], [sflag:$0x5], $0x40, $0x38;
	[tilespmem:$0x1FA00] =	vst v63  }
0x41f: {  	s14 =	sand.u32 $0x7FFFFFF0, s11;
	s15 =	smov.u32 s11;
	s11 =	sadd.s32 $0x1, s11;
	v11 =	vld [tilespmem:s13+$0xC100]  }
0x420: {  	p2 =	sne.s32 s10, s11;
	v12 =	vld [tilespmem:s13+$0xC980];
	s13 =	smov.u32 s14;
	_ =	sdelay $0x1  }
0x421: {  	s14 =	sand.u32 $0xF, s12  }
0x422: {  	v13 =	vmov s14  }
0x423: {  	v11 =	vperm.xlane v11, v13  }
0x424: {  	v12 =	vperm.xlane v12, v13  }
0x425: {  	s14 =	sadd.s32 s12, s31;
	s12 =	smov.u32 s15;
	v11 =	vshll.u32 v11, $0x7  }
0x426: {  	s15 =	sshra.s32 s14, $0x1F;
	p3 =	slt.s32 s14, $0x20;
	v13 =	vadd.s32 v6, v11;
	(v2sf) =	vpush v12, $0x0  }
0x427: {  	s15 =	sshrl.u32 s15, $0x1B;
	s16 =	simm.s32 @!p3 $0x5  }
0x428: {  	s15 =	sadd.s32 s15, s14;
	_ =	swait.ge @!p3 [sflag:s16], $0x40  }
0x429: {  	s15 =	sand.u32 $0xFFFFFFE0, s15;
	[sflag:s16] =	ssyncset.done @!p3 $0x0  }
0x42a: {  	s14 =	ssub.s32 s14, s15;
	[sflag:s16] =	ssyncadd.s32 @!p3 $0xFFFFFFC0  }
0x42b: {  	s14 =	sshll.u32 s14, $0x8;
	v12 =	vld.idx.msk [tilespmem:v13+s22+$0x0], $0xffff;
	_ =	sdelay $0x1  }
0x42c: {  	v13 =	vadd.s32 v7, v11;
	_ =	sdelay $0x2  }
0x42d: {  	s15 =	sshra.s32 s14, $0x2  }
0x42e: {  	[tilespmem:s15+$0x1F200] =	vst v12  }
0x42f: {  	v12 =	vld.idx.msk [tilespmem:v13+s22+$0x0], $0xffff;
	_ =	sdelay $0x1  }
0x430: {  	v13 =	vadd.s32 v8, v11  }
0x431: {  	s14 =	spop (v2sf)  }
0x432: {  	s14 =	sshll.u32 s14, $0x4  }
0x433: {  	s16 =	sand.u32 $0x1FFFFFF0, s14  }
0x434: {  	[tilespmem:s15+$0x1F210] =	vst v12  }
0x435: {  	v12 =	vld.idx.msk [tilespmem:v13+s22+$0x0], $0xffff;
	_ =	sdelay $0x1  }
0x436: {  	v11 =	vadd.s32 v9, v11;
	_ =	sdelay $0x3  }
0x437: {  	[tilespmem:s15+$0x1F220] =	vst v12  }
0x438: {  	v11 =	vld.idx.msk [tilespmem:v11+s22+$0x0], $0xffff;
	_ =	sdelay $0x1  }
.Ltmp83:
0x439: {  	(pc) =	sbr.rel @p2 .LBB2_99-.Ltmp83, $2  }
0x43a: {  	_ =	sdelay $0x2  }
0x43b: {  	s14 =	sadd.s32 $0x1F200, s15;
	[tilespmem:s15+$0x1F230] =	vst v11;
	s15 =	sadd.s32 s7, s16  }
.Ltmp84:
0x43c: {  	(pc) =	sbr.rel .LBB2_101-.Ltmp84, $2  }
0x43d: {  	_ =	sdelay $0x2  }
0x43e: {  	s16 =	smov.u32 s13;
	s13 =	smov.u32 s12  }
.LBB2_89:
.Ltmp85:
0x43f: {  	(pc) =	sbr.rel .LBB2_96-.Ltmp85, $2  }
0x440: {  	_ =	sdelay $0x2  }
0x441: {  	s11 =	simm.s32 $0x0;
	s10 =	simm.s32 $0x0  }
.LBB2_94:
.Ltmp86:
0x442: {  	(pc) =	sbr.rel .LBB2_96-.Ltmp86, $2  }
0x443: {  	_ =	sdelay $0x2  }
0x444: {  	s10 =	simm.s32 $0x0  }
.LBB2_98:
.Ltmp87:
0x445: {  	(pc) =	sbr.rel .LBB2_101-.Ltmp87, $2  }
0x446: {  	_ =	sdelay $0x2  }
0x447: {  	s16 =	smov.u32 s13;
	s13 =	simm.s32 $0x1  }
.LBB2_108:
0x448: {  	_ =	sfence.sel $0x180000  }
0x449: {  	[bflag:$0x0] =	sbarrier.arrive $0xFFFF  }
0x44a: {  	_ =	strace $0x90000047  }
0x44b: {  	s0 =	stileid.u32;
	[bflag:$0x2] =	sbarrier.arrive $0xFFFF  }
0x44c: {  	p0 =	sne.s32 s0, $0x0;
	s0 =	rddreg [dreg:$0x4]  }
0x44d: {  	s0 =	sadd.s32 @!p0 $0x100000, s0  }
0x44e: {  	[sflag:s0] =	ssyncadd.tile.s32 @!p0 $0x1;
	_ =	shalt  }
.Lfunc_end2:
_tile_overlayer_lowered:
.L_overlay_start_2:
0x44f: {  	(tag) =	ssettag $0x2  }
0x450: {  	s0 =	rddreg [dreg:$0x0];
	s2 =	stileid.u32  }
0x451: {  	s1 =	rddreg [dreg:$0x1];
	p0 =	sne.s32 s2, $0x0  }
0x452: {  	s3 =	rddreg [dreg:$0x2];
	[bflag:$0x3] =	sbarrier.arrive $0xFFFF;
	s2 =	simm.s32 @!p0 $0x1C06  }
0x453: {  	[timem:s3], [sflag:s2] =	dma.local @!p0 [hbm:s0], s1  }
0x454: {  	s0 =	simm.s32 @!p0 $0x6  }
0x455: {  	_ =	swait.ge @!p0 [sflag:s0], s1  }
0x456: {  	s1 =	ssub.s32 @!p0 $0x0, s1;
	[sflag:s0] =	ssyncset.done @!p0 $0x0  }
0x457: {  	[sflag:s0] =	ssyncadd.s32 @!p0 s1  }
0x458: {  	[bflag:$0x3] =	sbarrier.arrive $0xFFFF  }
0x459: {  	_ =	shalt  }

</sc_bundles>
